<compile_context>
chip_gen: v7x
topology: tpu7x:2x2x1
jax: 0.10.2.dev20260603
libtpu: 0.0.44.dev20260713+nightly
codegen_flags: <defaults>
</compile_context>

<pallas_src>
import functools

import jax
import jax.numpy as jnp
import numpy as np
from jax import lax
from jax.experimental import pallas as pl
from jax.experimental.pallas import tpu as pltpu
from jax.experimental.pallas import tpu_sc as plsc

_N = 10000
_K = 16
_D = 128
_LAYERS = 3
_TILE = 400
_GRID = _N // _TILE

_NC, _NS = 2, 16
_NW = _NC * _NS
_EDGES = _N * _K
_EPW = _EDGES // _NW
_CH = 128
_NFULL = _EPW // _CH
_TAIL = _EPW - _NFULL * _CH

_LN_EPS = 1e-5


def _ln_rows(x):
    mu = jnp.mean(x, axis=-1, keepdims=True)
    xc = x - mu
    var = jnp.mean(xc * xc, axis=-1, keepdims=True)
    return xc * lax.rsqrt(var + _LN_EPS)


def _ada_rows(x, mod):
    sv = mod[:, :_D]
    sh = mod[:, _D:]
    return _ln_rows(x) * (1.0 + sv) + sh


_GC = 3
_GCH = _GC * _CH
_NGRP = _NFULL // _GC


def _sc_gather_call(table, idx):
    mesh = plsc.VectorSubcoreMesh(core_axis_name="c", subcore_axis_name="s")

    @functools.partial(
        pl.kernel,
        mesh=mesh,
        out_type=jax.ShapeDtypeStruct((_EDGES, _D), _f32),
        scratch_types=[
            pltpu.VMEM((_EPW,), jnp.int32),
            pltpu.VMEM((_GCH, _D), _f32),
            pltpu.VMEM((_GCH, _D), _f32),
            pltpu.SemaphoreType.DMA,
            pltpu.SemaphoreType.DMA,
            pltpu.SemaphoreType.DMA,
            pltpu.SemaphoreType.DMA,
        ],
    )
    def k(table_hbm, idx_hbm, out_hbm, idx_v, bufa, bufb, gsa, gsb, osa, osb):
        wid = lax.axis_index("s") * _NC + lax.axis_index("c")
        base = pl.multiple_of(wid * _EPW, 8)
        pltpu.sync_copy(idx_hbm.at[pl.ds(base, _EPW)], idx_v)

        def issue(g, buf, sem):
            off = pl.multiple_of(g * _GCH, 8)
            for j in range(_GC):
                pltpu.async_copy(
                    table_hbm.at[idx_v.at[pl.ds(off + j * _CH, _CH)]],
                    buf.at[pl.ds(j * _CH, _CH)], sem)

        def wait_gather(buf, sem):
            pltpu.make_async_copy(
                out_hbm.at[pl.ds(base, _GCH)], buf, sem).wait()

        def copyout(g, buf, sem):
            off = pl.multiple_of(g * _GCH, 8)
            pltpu.async_copy(buf, out_hbm.at[pl.ds(base + off, _GCH)], sem)

        def wait_out(buf, sem):
            pltpu.make_async_copy(
                buf, out_hbm.at[pl.ds(base, _GCH)], sem).wait()

        issue(0, bufa, gsa)

        def body(i, carry):
            g0 = 2 * i
            wait_gather(bufa, gsa)

            @pl.when(i > 0)
            def _():
                wait_out(bufb, osb)

            issue(g0 + 1, bufb, gsb)
            copyout(g0, bufa, osa)
            wait_gather(bufb, gsb)
            wait_out(bufa, osa)
            issue(g0 + 2, bufa, gsa)
            copyout(g0 + 1, bufb, osb)
            return carry

        lax.fori_loop(0, (_NGRP - 1) // 2, body, 0)

        wait_gather(bufa, gsa)
        wait_out(bufb, osb)
        copyout(_NGRP - 1, bufa, osa)
        toff = pl.multiple_of(_NGRP * _GCH, 8)
        tbuf = bufb.at[pl.ds(0, _TAIL)]
        pltpu.async_copy(
            table_hbm.at[idx_v.at[pl.ds(toff, _TAIL)]], tbuf, gsb).wait()
        pltpu.sync_copy(tbuf, out_hbm.at[pl.ds(base + toff, _TAIL)])
        wait_out(bufa, osa)

    return k(table, idx)


def _dot(a, b):
    return jnp.dot(a, b, preferred_element_type=jnp.float32)


def _mod_body(phase_ref, wmod_ref, bmod_ref, out_ref):
    s = jnp.sin(phase_ref[...])
    c = jnp.cos(phase_ref[...])
    tf = jnp.concatenate([s, c], axis=-1)
    out_ref[...] = _dot(tf, wmod_ref[...]) + bmod_ref[...]


def _pre_body(vb, zb, w1a, w1b, b1, w2, b2, modsm, wna, wnb, bn,
              v1o, a0o, b0o):
    v = vb[...]
    z = zb[...]
    h = _dot(v, w1a[...]) + _dot(z, w1b[...]) + b1[...]
    h = jax.nn.gelu(h)
    h = _dot(h, w2[...]) + b2[...]
    v1 = _ada_rows(v + h, modsm[...])
    v1o[...] = v1
    a0o[...] = _dot(v1, wna[...]) + bn[...]
    b0o[...] = _dot(v1, wnb[...]).astype(b0o.dtype)


def _layer_body(vb, ab, gb, eb, mb, wc, wm2, bm2, modv, mode,
                wna, wnb, bn, vo, ao, bo, eo):
    e2 = eb[...]
    h = _dot(e2, wc[...]) + gb[...].astype(jnp.float32)
    h3 = h.reshape(_TILE, _K, _D) + ab[...][:, None, :]
    g3 = jax.nn.gelu(h3).astype(jnp.bfloat16)
    m2 = _dot(g3.reshape(_TILE * _K, _D), wm2[...]) + bm2[...]
    m3 = m2.reshape(_TILE, _K, _D) * mb[...][:, :, None]
    agg = m3.sum(axis=1)
    vn = _ada_rows(vb[...] + agg, modv[...])
    vo[...] = vn
    ao[...] = _dot(vn, wna[...]) + bn[...]
    bo[...] = _dot(vn, wnb[...]).astype(bo.dtype)
    eres = e2.astype(jnp.float32) + m3.reshape(_TILE * _K, _D)
    eo[...] = _ada_rows(eres, mode[...]).astype(eo.dtype)


def _last_body(vb, ab, gb, eb, mb, wc, wm2, bm2, modv, wp, vo):
    e2 = eb[...]
    h = _dot(e2, wc[...]) + gb[...].astype(jnp.float32)
    h3 = h.reshape(_TILE, _K, _D) + ab[...][:, None, :]
    g3 = jax.nn.gelu(h3).astype(jnp.bfloat16)
    m2 = _dot(g3.reshape(_TILE * _K, _D), wm2[...]) + bm2[...]
    m3 = m2.reshape(_TILE, _K, _D) * mb[...][:, :, None]
    agg = m3.sum(axis=1)
    vn = _ada_rows(vb[...] + agg, modv[...])
    vo[...] = _dot(vn, wp[...])


def _whole(shape):
    return pl.BlockSpec(shape, lambda i: tuple(0 for _ in shape))


def _rows(tile, d):
    return pl.BlockSpec((tile, d), lambda i: (i, 0))


_f32 = jnp.float32


def _mod_call(phase, wmod, bmod):
    return pl.pallas_call(
        _mod_body,
        grid=(1,),
        in_specs=[_whole(phase.shape), _whole(wmod.shape), _whole(bmod.shape)],
        out_specs=_whole((1, 7 * 2 * _D)),
        out_shape=jax.ShapeDtypeStruct((1, 7 * 2 * _D), _f32),
        interpret=False,
    )(phase, wmod, bmod)


def _pre_call(v, z, w1a, w1b, b1, w2, b2, modsm, wna, wnb, bn):
    nd = jax.ShapeDtypeStruct((_N, _D), _f32)
    return pl.pallas_call(
        _pre_body,
        grid=(_GRID,),
        in_specs=[
            _rows(_TILE, _D), _rows(_TILE, _D),
            _whole((_D, _D)), _whole((_D, _D)), _whole((1, _D)),
            _whole((_D, _D)), _whole((1, _D)), _whole((1, 2 * _D)),
            _whole((_D, _D)), _whole((_D, _D)), _whole((1, _D)),
        ],
        out_specs=[_rows(_TILE, _D)] * 3,
        out_shape=[nd, nd, nd],
        interpret=False,
    )(v, z, w1a, w1b, b1, w2, b2, modsm, wna, wnb, bn)


def _layer_call(v, a, g, e, mask, wc, wm2, bm2, modv, mode, wna, wnb, bn):
    nd = jax.ShapeDtypeStruct((_N, _D), _f32)
    ed = jax.ShapeDtypeStruct((_EDGES, _D), jnp.bfloat16)
    return pl.pallas_call(
        _layer_body,
        grid=(_GRID,),
        in_specs=[
            _rows(_TILE, _D), _rows(_TILE, _D),
            _rows(_TILE * _K, _D), _rows(_TILE * _K, _D),
            _rows(_TILE, _K),
            _whole((_D, _D)), _whole((_D, _D)), _whole((1, _D)),
            _whole((1, 2 * _D)), _whole((1, 2 * _D)),
            _whole((_D, _D)), _whole((_D, _D)), _whole((1, _D)),
        ],
        out_specs=[_rows(_TILE, _D), _rows(_TILE, _D), _rows(_TILE, _D),
                   _rows(_TILE * _K, _D)],
        out_shape=[nd, nd, nd, ed],
        interpret=False,
    )(v, a, g, e, mask, wc, wm2, bm2, modv, mode, wna, wnb, bn)


def _last_call(v, a, g, e, mask, wc, wm2, bm2, modv, wp):
    nd = jax.ShapeDtypeStruct((_N, _D), _f32)
    return pl.pallas_call(
        _last_body,
        grid=(_GRID,),
        in_specs=[
            _rows(_TILE, _D), _rows(_TILE, _D),
            _rows(_TILE * _K, _D), _rows(_TILE * _K, _D),
            _rows(_TILE, _K),
            _whole((_D, _D)), _whole((_D, _D)), _whole((1, _D)),
            _whole((1, 2 * _D)), _whole((_D, _D)),
        ],
        out_specs=_rows(_TILE, _D),
        out_shape=nd,
        interpret=False,
    )(v, a, g, e, mask, wc, wm2, bm2, modv, wp)


def kernel(V, E, K, Z, t, edge_mask, Wsm1, bsm1, Wsm2, bsm2, AsmW, Asmb,
           Wm1, bm1, Wm2, bm2, AvW, Avb, AeW, Aeb, Wp):
    v = V[0]
    z = Z[0]
    e = E.reshape(_EDGES, _D)
    idx = K.reshape(_EDGES)
    mask = edge_mask.reshape(_N, _K)

    wn = (10000.0 ** (-jnp.arange(0, _D, 2, dtype=_f32) / _D))
    phase = wn[None, :] * t.astype(_f32)[:, None]
    perm = np.concatenate([np.arange(0, _D, 2), np.arange(1, _D, 2)])
    wmod = jnp.concatenate(
        [AsmW[perm]]
        + [AvW[l][perm] for l in range(_LAYERS)]
        + [AeW[l][perm] for l in range(_LAYERS)], axis=1)
    bmod = jnp.concatenate(
        [Asmb] + [Avb[l] for l in range(_LAYERS)]
        + [Aeb[l] for l in range(_LAYERS)])[None, :]

    mod = _mod_call(phase, wmod, bmod)
    modsm = mod[:, 0:2 * _D]
    modv = [mod[:, (1 + l) * 2 * _D:(2 + l) * 2 * _D] for l in range(_LAYERS)]
    mode = [mod[:, (4 + l) * 2 * _D:(5 + l) * 2 * _D] for l in range(_LAYERS)]

    w1a = Wm1[:, 0:_D, :]
    w1b = Wm1[:, _D:2 * _D, :]
    wc = Wm1[:, 2 * _D:3 * _D, :]
    bn = bm1[:, None, :]

    v1, a, bv = _pre_call(
        v, z, Wsm1[:_D], Wsm1[_D:], bsm1[None, :], Wsm2, bsm2[None, :],
        modsm, w1a[0], w1b[0], bn[0])

    for l in range(_LAYERS):
        g = _sc_gather_call(bv, idx)
        if l + 1 < _LAYERS:
            v1, a, bv, e = _layer_call(
                v1, a, g, e, mask, wc[l], Wm2[l], bm2[l][None, :],
                modv[l], mode[l], w1a[l + 1], w1b[l + 1], bn[l + 1])
        else:
            out = _last_call(
                v1, a, g, e, mask, wc[l], Wm2[l], bm2[l][None, :],
                modv[l], Wp)

    return out[None, :, :]

# --- scband reference (transcript-rebuilt; emitter-appended) ---
"""Pipeline reference for scband-sequence-denoiser-11355893531231 (READ-ONLY COPY).

The authoritative reference and input builder live on the scoring server;
editing this copy changes nothing except your own understanding.
"""

import jax, jax.numpy as jnp
import numpy as np

B, N, KNB, D, TMAX, LAYERS = 1, 10000, 16, 128, 1000, 3

def _ln(x):
    mu = x.mean(axis=-1, keepdims=True)
    var = x.var(axis=-1, keepdims=True)
    return (x - mu) / jnp.sqrt(var + 1e-5)

def _ada(x, tf, W, b):
    h = tf @ W + b
    scale, shift = jnp.split(h, 2, axis=-1)
    if x.ndim == 4:
        scale = scale[:, :, None, :]
        shift = shift[:, :, None, :]
    return _ln(x) * (1.0 + scale) + shift

def _featurize_t(t):
    wn = 10000.0 ** (-jnp.arange(0, D, 2, dtype=jnp.float32) / D)
    tfl = t.astype(jnp.float32)
    phase = wn[None, None, :] * tfl[:, None, None]
    s = jnp.sin(phase)
    c = jnp.cos(phase)
    return jnp.stack([s, c], axis=3).reshape(tfl.shape[0], 1, D)

def _forward(V, E, Z, edge_mask, params, K, t):
    (Wsm1, bsm1, Wsm2, bsm2, AsmW, Asmb, Wm1, bm1, Wm2, bm2, AvW, Avb, AeW, Aeb, Wp) = params
    tf = _featurize_t(t)
    VZ = jnp.concatenate([V, Z], axis=2)
    h = jax.nn.gelu(VZ @ Wsm1 + bsm1) @ Wsm2 + bsm2
    V = _ada(V + h, tf, AsmW, Asmb)
    for l in range(LAYERS):
        Vj = jax.vmap(lambda v, k: v[k])(V, K)
        Vi = jnp.broadcast_to(V[:, :, None, :], E.shape)
        m_in = jnp.concatenate([Vi, Vj, E], axis=-1)
        m = jax.nn.gelu(m_in @ Wm1[l] + bm1[l]) @ Wm2[l] + bm2[l]
        m = m * edge_mask[..., None]
        agg = m.sum(axis=2)
        V = _ada(V + agg, tf, AvW[l], Avb[l])
        E = _ada(E + m, tf, AeW[l], Aeb[l])
    return V @ Wp

def setup_inputs(seed: int = 0):
    key = jax.random.key(seed)
    ks = jax.random.split(key, 24)
    inp = {}
    inp["V"] = jax.random.normal(ks[0], (B, N, D), dtype=jnp.float32)
    inp["E"] = jax.random.normal(ks[1], (B, N, KNB, D), dtype=jnp.float32)
    inp["K"] = jax.random.randint(ks[2], (B, N, KNB), 0, N, dtype=jnp.int32)
    inp["Z"] = jax.random.normal(ks[3], (B, N, D), dtype=jnp.float32)
    inp["t"] = jax.random.randint(ks[4], (B,), 1, TMAX + 1, dtype=jnp.int32)
    inp["edge_mask"] = jnp.ones((B, N, KNB), dtype=jnp.float32)
    s = 0.05
    inp["Wsm1"] = jax.random.normal(ks[5], (2 * D, D), dtype=jnp.float32) * s
    inp["bsm1"] = jnp.zeros((D,), dtype=jnp.float32)
    inp["Wsm2"] = jax.random.normal(ks[6], (D, D), dtype=jnp.float32) * s
    inp["bsm2"] = jnp.zeros((D,), dtype=jnp.float32)
    inp["AsmW"] = jax.random.normal(ks[7], (D, 2 * D), dtype=jnp.float32) * s
    inp["Asmb"] = jnp.zeros((2 * D,), dtype=jnp.float32)
    inp["Wm1"] = jax.random.normal(ks[8], (LAYERS, 3 * D, D), dtype=jnp.float32) * s
    inp["bm1"] = jnp.zeros((LAYERS, D), dtype=jnp.float32)
    inp["Wm2"] = jax.random.normal(ks[9], (LAYERS, D, D), dtype=jnp.float32) * s
    inp["bm2"] = jnp.zeros((LAYERS, D), dtype=jnp.float32)
    inp["AvW"] = jax.random.normal(ks[10], (LAYERS, D, 2 * D), dtype=jnp.float32) * s
    inp["Avb"] = jnp.zeros((LAYERS, 2 * D), dtype=jnp.float32)
    inp["AeW"] = jax.random.normal(ks[11], (LAYERS, D, 2 * D), dtype=jnp.float32) * s
    inp["Aeb"] = jnp.zeros((LAYERS, 2 * D), dtype=jnp.float32)
    inp["Wp"] = jax.random.normal(ks[12], (D, D), dtype=jnp.float32) * s
    return inp

def reference(V, E, K, Z, t, edge_mask, Wsm1, bsm1, Wsm2, bsm2, AsmW, Asmb, Wm1, bm1, Wm2, bm2, AvW, Avb, AeW, Aeb, Wp):
    params = (Wsm1, bsm1, Wsm2, bsm2, AsmW, Asmb, Wm1, bm1, Wm2, bm2, AvW, Avb, AeW, Aeb, Wp)
    return _forward(V, E, Z, edge_mask, params, K, t)

if __name__ == "__main__":
    import jax
    _d = setup_inputs()
    print(jax.jit(kernel)(*tuple(_d.values())))

</pallas_src>

<mosaic_0001>
#map = affine_map<(d0, d1) -> (0, 0)>
#map1 = affine_map<(d0, d1) -> (0)>
module attributes {stable_mosaic.version = 14 : i64} {
  func.func @k(%arg0: i32, %arg1: i32, %arg2: memref<10000x128xf32, #tpu.memory_space<hbm>>, %arg3: memref<160000xi32, #tpu.memory_space<hbm>>, %arg4: memref<160000x128xf32, #tpu.memory_space<hbm>>, %arg5: memref<5000xi32, #tpu.memory_space<vmem>>, %arg6: memref<384x128xf32, #tpu.memory_space<vmem>>, %arg7: memref<384x128xf32, #tpu.memory_space<vmem>>, %arg8: memref<!tpu.dma_semaphore, #tpu.memory_space<semaphore_mem>>, %arg9: memref<!tpu.dma_semaphore, #tpu.memory_space<semaphore_mem>>, %arg10: memref<!tpu.dma_semaphore, #tpu.memory_space<semaphore_mem>>, %arg11: memref<!tpu.dma_semaphore, #tpu.memory_space<semaphore_mem>>) attributes {dimension_semantics = [#tpu.dimension_semantics<core_parallel>, #tpu.dimension_semantics<subcore_parallel>], iteration_bounds = array<i64: 2, 16>, scalar_prefetch = 0 : i64, scratch_operands = 7 : i64, tpu.core_type = #tpu.core_type<sc_vector_subcore>, window_params = [{transform_indices = #map}, {transform_indices = #map1}, {transform_indices = #map}]} {
    %mul3A = arith.constant 2 : i32
    %mul3A_0 = arith.muli %arg1, %mul3A : i32
    %add3A = arith.addi %mul3A_0, %arg0 : i32
    %mul3A_1 = arith.constant 5000 : i32
    %mul3A_2 = arith.muli %add3A, %mul3A_1 : i32
    %multiple_of3A = tpu.assume_multiple %mul3A_2, 8 : i32
    "tpu.region"() ({
      %run_scoped3A = tpu.sem_alloc : memref<!tpu.dma_semaphore, #tpu.memory_space<semaphore_mem>>
      %dma_start3A_71 = tpu.memref_slice %arg3[%multiple_of3A] : memref<160000xi32, #tpu.memory_space<hbm>> -> memref<5000xi32, #tpu.memory_space<hbm>>
      %dma_start3A_72 = tpu.memref_slice %arg3[%multiple_of3A] : memref<160000xi32, #tpu.memory_space<hbm>> -> memref<5000xi32, #tpu.memory_space<hbm>>
      tpu.enqueue_dma source(%dma_start3A_72 : memref<5000xi32, #tpu.memory_space<hbm>>) target(%arg5 : memref<5000xi32, #tpu.memory_space<vmem>>) target_semaphore(%run_scoped3A : memref<!tpu.dma_semaphore, #tpu.memory_space<semaphore_mem>>)
      %dma_wait3A_73 = tpu.memref_slice %arg3[%multiple_of3A] : memref<160000xi32, #tpu.memory_space<hbm>> -> memref<5000xi32, #tpu.memory_space<hbm>>
      %dma_wait3A_74 = tpu.memref_slice %arg3[%multiple_of3A] : memref<160000xi32, #tpu.memory_space<hbm>> -> memref<5000xi32, #tpu.memory_space<hbm>>
      tpu.wait_dma2 semaphore(%run_scoped3A : memref<!tpu.dma_semaphore, #tpu.memory_space<semaphore_mem>>) src(%dma_wait3A_74 : memref<5000xi32, #tpu.memory_space<hbm>>) dst(%arg5 : memref<5000xi32, #tpu.memory_space<vmem>>)
      tpu.yield
    }) : () -> ()
    %multiple_of3A_3 = arith.constant 0 : i32
    %multiple_of3A_4 = tpu.assume_multiple %multiple_of3A_3, 8 : i32
    %add3A_5 = arith.constant 0 : i32
    %add3A_6 = arith.addi %multiple_of3A_4, %add3A_5 : i32
    %dma_start3A = arith.constant 0 : i32
    %dma_start3A_7 = arith.constant 0 : i32
    %dma_start3A_8 = tpu.memref_slice %arg6[%dma_start3A, %dma_start3A_7] : memref<384x128xf32, #tpu.memory_space<vmem>> -> memref<128x128xf32, #tpu.memory_space<vmem>>
    %dma_start3A_9 = tpu.memref_slice %arg5[%add3A_6] : memref<5000xi32, #tpu.memory_space<vmem>> -> memref<128xi32, #tpu.memory_space<vmem>>
    %dma_start3A_10 = arith.constant 0 : i32
    %dma_start3A_11 = arith.constant 0 : i32
    %dma_start3A_12 = tpu.memref_slice %arg2[%dma_start3A_10, %dma_start3A_11] : memref<10000x128xf32, #tpu.memory_space<hbm>> -> memref<10000x128xf32, #tpu.memory_space<hbm>>
    tpu.enqueue_indirect_dma source(%dma_start3A_12 : memref<10000x128xf32, #tpu.memory_space<hbm>>) target(%dma_start3A_8 : memref<128x128xf32, #tpu.memory_space<vmem>>) offsets(%dma_start3A_9 : memref<128xi32, #tpu.memory_space<vmem>>) semaphore(%arg8 : memref<!tpu.dma_semaphore, #tpu.memory_space<semaphore_mem>>)
    %add3A_13 = arith.constant 128 : i32
    %add3A_14 = arith.addi %multiple_of3A_4, %add3A_13 : i32
    %dma_start3A_15 = arith.constant 128 : i32
    %dma_start3A_16 = arith.constant 0 : i32
    %dma_start3A_17 = tpu.memref_slice %arg6[%dma_start3A_15, %dma_start3A_16] : memref<384x128xf32, #tpu.memory_space<vmem>> -> memref<128x128xf32, #tpu.memory_space<vmem>>
    %dma_start3A_18 = tpu.memref_slice %arg5[%add3A_14] : memref<5000xi32, #tpu.memory_space<vmem>> -> memref<128xi32, #tpu.memory_space<vmem>>
    %dma_start3A_19 = arith.constant 0 : i32
    %dma_start3A_20 = arith.constant 0 : i32
    %dma_start3A_21 = tpu.memref_slice %arg2[%dma_start3A_19, %dma_start3A_20] : memref<10000x128xf32, #tpu.memory_space<hbm>> -> memref<10000x128xf32, #tpu.memory_space<hbm>>
    tpu.enqueue_indirect_dma source(%dma_start3A_21 : memref<10000x128xf32, #tpu.memory_space<hbm>>) target(%dma_start3A_17 : memref<128x128xf32, #tpu.memory_space<vmem>>) offsets(%dma_start3A_18 : memref<128xi32, #tpu.memory_space<vmem>>) semaphore(%arg8 : memref<!tpu.dma_semaphore, #tpu.memory_space<semaphore_mem>>)
    %add3A_22 = arith.constant 256 : i32
    %add3A_23 = arith.addi %multiple_of3A_4, %add3A_22 : i32
    %dma_start3A_24 = arith.constant 256 : i32
    %dma_start3A_25 = arith.constant 0 : i32
    %dma_start3A_26 = tpu.memref_slice %arg6[%dma_start3A_24, %dma_start3A_25] : memref<384x128xf32, #tpu.memory_space<vmem>> -> memref<128x128xf32, #tpu.memory_space<vmem>>
    %dma_start3A_27 = tpu.memref_slice %arg5[%add3A_23] : memref<5000xi32, #tpu.memory_space<vmem>> -> memref<128xi32, #tpu.memory_space<vmem>>
    %dma_start3A_28 = arith.constant 0 : i32
    %dma_start3A_29 = arith.constant 0 : i32
    %dma_start3A_30 = tpu.memref_slice %arg2[%dma_start3A_28, %dma_start3A_29] : memref<10000x128xf32, #tpu.memory_space<hbm>> -> memref<10000x128xf32, #tpu.memory_space<hbm>>
    tpu.enqueue_indirect_dma source(%dma_start3A_30 : memref<10000x128xf32, #tpu.memory_space<hbm>>) target(%dma_start3A_26 : memref<128x128xf32, #tpu.memory_space<vmem>>) offsets(%dma_start3A_27 : memref<128xi32, #tpu.memory_space<vmem>>) semaphore(%arg8 : memref<!tpu.dma_semaphore, #tpu.memory_space<semaphore_mem>>)
    %scan3A = arith.constant 0 : i32
    %scan3A_31 = arith.constant 0 : i32
    %scan3A_32 = arith.constant 6 : i32
    %scan3A_33 = arith.addi %scan3A_31, %scan3A_32 : i32
    %scan3A_34 = arith.constant 1 : i32
    scf.for %scan3A_71 = %scan3A_31 to %scan3A_33 step %scan3A_34  : i32 {
      %mul3A_72 = arith.constant 2 : i32
      %mul3A_73 = arith.muli %mul3A_72, %scan3A_71 : i32
      %dma_wait3A_74 = arith.constant 0 : i32
      %dma_wait3A_75 = tpu.memref_slice %arg4[%multiple_of3A, %dma_wait3A_74] : memref<160000x128xf32, #tpu.memory_space<hbm>> -> memref<384x128xf32, #tpu.memory_space<hbm>>
      %dma_wait3A_76 = arith.constant 0 : i32
      %dma_wait3A_77 = tpu.memref_slice %arg4[%multiple_of3A, %dma_wait3A_76] : memref<160000x128xf32, #tpu.memory_space<hbm>> -> memref<384x128xf32, #tpu.memory_space<hbm>>
      tpu.wait_dma2 semaphore(%arg8 : memref<!tpu.dma_semaphore, #tpu.memory_space<semaphore_mem>>) src(%dma_wait3A_77 : memref<384x128xf32, #tpu.memory_space<hbm>>) dst(%arg6 : memref<384x128xf32, #tpu.memory_space<vmem>>)
      %gt3A = arith.constant 0 : i32
      %gt3A_78 = arith.cmpi sgt, %scan3A_71, %gt3A : i32
      %convert_element_type3A = arith.extui %gt3A_78 : i1 to i32
      %cond3A = arith.constant 0 : i32
      %cond3A_79 = arith.cmpi ne, %convert_element_type3A, %cond3A : i32
      scf.if %cond3A_79 {
        %dma_wait3A_170 = arith.constant 0 : i32
        %dma_wait3A_171 = tpu.memref_slice %arg4[%multiple_of3A, %dma_wait3A_170] : memref<160000x128xf32, #tpu.memory_space<hbm>> -> memref<384x128xf32, #tpu.memory_space<hbm>>
        %dma_wait3A_172 = arith.constant 0 : i32
        %dma_wait3A_173 = tpu.memref_slice %arg4[%multiple_of3A, %dma_wait3A_172] : memref<160000x128xf32, #tpu.memory_space<hbm>> -> memref<384x128xf32, #tpu.memory_space<hbm>>
        tpu.wait_dma2 semaphore(%arg11 : memref<!tpu.dma_semaphore, #tpu.memory_space<semaphore_mem>>) src(%arg7 : memref<384x128xf32, #tpu.memory_space<vmem>>) dst(%dma_wait3A_173 : memref<384x128xf32, #tpu.memory_space<hbm>>)
      } else {
      }
      %add3A_80 = arith.constant 1 : i32
      %add3A_81 = arith.addi %mul3A_73, %add3A_80 : i32
      %mul3A_82 = arith.constant 384 : i32
      %mul3A_83 = arith.muli %add3A_81, %mul3A_82 : i32
      %multiple_of3A_84 = tpu.assume_multiple %mul3A_83, 8 : i32
      %add3A_85 = arith.constant 0 : i32
      %add3A_86 = arith.addi %multiple_of3A_84, %add3A_85 : i32
      %dma_start3A_87 = arith.constant 0 : i32
      %dma_start3A_88 = arith.constant 0 : i32
      %dma_start3A_89 = tpu.memref_slice %arg7[%dma_start3A_87, %dma_start3A_88] : memref<384x128xf32, #tpu.memory_space<vmem>> -> memref<128x128xf32, #tpu.memory_space<vmem>>
      %dma_start3A_90 = tpu.memref_slice %arg5[%add3A_86] : memref<5000xi32, #tpu.memory_space<vmem>> -> memref<128xi32, #tpu.memory_space<vmem>>
      %dma_start3A_91 = arith.constant 0 : i32
      %dma_start3A_92 = arith.constant 0 : i32
      %dma_start3A_93 = tpu.memref_slice %arg2[%dma_start3A_91, %dma_start3A_92] : memref<10000x128xf32, #tpu.memory_space<hbm>> -> memref<10000x128xf32, #tpu.memory_space<hbm>>
      tpu.enqueue_indirect_dma source(%dma_start3A_93 : memref<10000x128xf32, #tpu.memory_space<hbm>>) target(%dma_start3A_89 : memref<128x128xf32, #tpu.memory_space<vmem>>) offsets(%dma_start3A_90 : memref<128xi32, #tpu.memory_space<vmem>>) semaphore(%arg9 : memref<!tpu.dma_semaphore, #tpu.memory_space<semaphore_mem>>)
      %add3A_94 = arith.constant 128 : i32
      %add3A_95 = arith.addi %multiple_of3A_84, %add3A_94 : i32
      %dma_start3A_96 = arith.constant 128 : i32
      %dma_start3A_97 = arith.constant 0 : i32
      %dma_start3A_98 = tpu.memref_slice %arg7[%dma_start3A_96, %dma_start3A_97] : memref<384x128xf32, #tpu.memory_space<vmem>> -> memref<128x128xf32, #tpu.memory_space<vmem>>
      %dma_start3A_99 = tpu.memref_slice %arg5[%add3A_95] : memref<5000xi32, #tpu.memory_space<vmem>> -> memref<128xi32, #tpu.memory_space<vmem>>
      %dma_start3A_100 = arith.constant 0 : i32
      %dma_start3A_101 = arith.constant 0 : i32
      %dma_start3A_102 = tpu.memref_slice %arg2[%dma_start3A_100, %dma_start3A_101] : memref<10000x128xf32, #tpu.memory_space<hbm>> -> memref<10000x128xf32, #tpu.memory_space<hbm>>
      tpu.enqueue_indirect_dma source(%dma_start3A_102 : memref<10000x128xf32, #tpu.memory_space<hbm>>) target(%dma_start3A_98 : memref<128x128xf32, #tpu.memory_space<vmem>>) offsets(%dma_start3A_99 : memref<128xi32, #tpu.memory_space<vmem>>) semaphore(%arg9 : memref<!tpu.dma_semaphore, #tpu.memory_space<semaphore_mem>>)
      %add3A_103 = arith.constant 256 : i32
      %add3A_104 = arith.addi %multiple_of3A_84, %add3A_103 : i32
      %dma_start3A_105 = arith.constant 256 : i32
      %dma_start3A_106 = arith.constant 0 : i32
      %dma_start3A_107 = tpu.memref_slice %arg7[%dma_start3A_105, %dma_start3A_106] : memref<384x128xf32, #tpu.memory_space<vmem>> -> memref<128x128xf32, #tpu.memory_space<vmem>>
      %dma_start3A_108 = tpu.memref_slice %arg5[%add3A_104] : memref<5000xi32, #tpu.memory_space<vmem>> -> memref<128xi32, #tpu.memory_space<vmem>>
      %dma_start3A_109 = arith.constant 0 : i32
      %dma_start3A_110 = arith.constant 0 : i32
      %dma_start3A_111 = tpu.memref_slice %arg2[%dma_start3A_109, %dma_start3A_110] : memref<10000x128xf32, #tpu.memory_space<hbm>> -> memref<10000x128xf32, #tpu.memory_space<hbm>>
      tpu.enqueue_indirect_dma source(%dma_start3A_111 : memref<10000x128xf32, #tpu.memory_space<hbm>>) target(%dma_start3A_107 : memref<128x128xf32, #tpu.memory_space<vmem>>) offsets(%dma_start3A_108 : memref<128xi32, #tpu.memory_space<vmem>>) semaphore(%arg9 : memref<!tpu.dma_semaphore, #tpu.memory_space<semaphore_mem>>)
      %mul3A_112 = arith.constant 384 : i32
      %mul3A_113 = arith.muli %mul3A_73, %mul3A_112 : i32
      %multiple_of3A_114 = tpu.assume_multiple %mul3A_113, 8 : i32
      %add3A_115 = arith.addi %multiple_of3A, %multiple_of3A_114 : i32
      %dma_start3A_116 = arith.constant 0 : i32
      %dma_start3A_117 = tpu.memref_slice %arg4[%add3A_115, %dma_start3A_116] : memref<160000x128xf32, #tpu.memory_space<hbm>> -> memref<384x128xf32, #tpu.memory_space<hbm>>
      %dma_start3A_118 = arith.constant 0 : i32
      %dma_start3A_119 = tpu.memref_slice %arg4[%add3A_115, %dma_start3A_118] : memref<160000x128xf32, #tpu.memory_space<hbm>> -> memref<384x128xf32, #tpu.memory_space<hbm>>
      tpu.enqueue_dma source(%arg6 : memref<384x128xf32, #tpu.memory_space<vmem>>) target(%dma_start3A_119 : memref<384x128xf32, #tpu.memory_space<hbm>>) target_semaphore(%arg10 : memref<!tpu.dma_semaphore, #tpu.memory_space<semaphore_mem>>)
      %dma_wait3A_120 = arith.constant 0 : i32
      %dma_wait3A_121 = tpu.memref_slice %arg4[%multiple_of3A, %dma_wait3A_120] : memref<160000x128xf32, #tpu.memory_space<hbm>> -> memref<384x128xf32, #tpu.memory_space<hbm>>
      %dma_wait3A_122 = arith.constant 0 : i32
      %dma_wait3A_123 = tpu.memref_slice %arg4[%multiple_of3A, %dma_wait3A_122] : memref<160000x128xf32, #tpu.memory_space<hbm>> -> memref<384x128xf32, #tpu.memory_space<hbm>>
      tpu.wait_dma2 semaphore(%arg9 : memref<!tpu.dma_semaphore, #tpu.memory_space<semaphore_mem>>) src(%dma_wait3A_123 : memref<384x128xf32, #tpu.memory_space<hbm>>) dst(%arg7 : memref<384x128xf32, #tpu.memory_space<vmem>>)
      %dma_wait3A_124 = arith.constant 0 : i32
      %dma_wait3A_125 = tpu.memref_slice %arg4[%multiple_of3A, %dma_wait3A_124] : memref<160000x128xf32, #tpu.memory_space<hbm>> -> memref<384x128xf32, #tpu.memory_space<hbm>>
      %dma_wait3A_126 = arith.constant 0 : i32
      %dma_wait3A_127 = tpu.memref_slice %arg4[%multiple_of3A, %dma_wait3A_126] : memref<160000x128xf32, #tpu.memory_space<hbm>> -> memref<384x128xf32, #tpu.memory_space<hbm>>
      tpu.wait_dma2 semaphore(%arg10 : memref<!tpu.dma_semaphore, #tpu.memory_space<semaphore_mem>>) src(%arg6 : memref<384x128xf32, #tpu.memory_space<vmem>>) dst(%dma_wait3A_127 : memref<384x128xf32, #tpu.memory_space<hbm>>)
      %add3A_128 = arith.constant 2 : i32
      %add3A_129 = arith.addi %mul3A_73, %add3A_128 : i32
      %mul3A_130 = arith.constant 384 : i32
      %mul3A_131 = arith.muli %add3A_129, %mul3A_130 : i32
      %multiple_of3A_132 = tpu.assume_multiple %mul3A_131, 8 : i32
      %add3A_133 = arith.constant 0 : i32
      %add3A_134 = arith.addi %multiple_of3A_132, %add3A_133 : i32
      %dma_start3A_135 = arith.constant 0 : i32
      %dma_start3A_136 = arith.constant 0 : i32
      %dma_start3A_137 = tpu.memref_slice %arg6[%dma_start3A_135, %dma_start3A_136] : memref<384x128xf32, #tpu.memory_space<vmem>> -> memref<128x128xf32, #tpu.memory_space<vmem>>
      %dma_start3A_138 = tpu.memref_slice %arg5[%add3A_134] : memref<5000xi32, #tpu.memory_space<vmem>> -> memref<128xi32, #tpu.memory_space<vmem>>
      %dma_start3A_139 = arith.constant 0 : i32
      %dma_start3A_140 = arith.constant 0 : i32
      %dma_start3A_141 = tpu.memref_slice %arg2[%dma_start3A_139, %dma_start3A_140] : memref<10000x128xf32, #tpu.memory_space<hbm>> -> memref<10000x128xf32, #tpu.memory_space<hbm>>
      tpu.enqueue_indirect_dma source(%dma_start3A_141 : memref<10000x128xf32, #tpu.memory_space<hbm>>) target(%dma_start3A_137 : memref<128x128xf32, #tpu.memory_space<vmem>>) offsets(%dma_start3A_138 : memref<128xi32, #tpu.memory_space<vmem>>) semaphore(%arg8 : memref<!tpu.dma_semaphore, #tpu.memory_space<semaphore_mem>>)
      %add3A_142 = arith.constant 128 : i32
      %add3A_143 = arith.addi %multiple_of3A_132, %add3A_142 : i32
      %dma_start3A_144 = arith.constant 128 : i32
      %dma_start3A_145 = arith.constant 0 : i32
      %dma_start3A_146 = tpu.memref_slice %arg6[%dma_start3A_144, %dma_start3A_145] : memref<384x128xf32, #tpu.memory_space<vmem>> -> memref<128x128xf32, #tpu.memory_space<vmem>>
      %dma_start3A_147 = tpu.memref_slice %arg5[%add3A_143] : memref<5000xi32, #tpu.memory_space<vmem>> -> memref<128xi32, #tpu.memory_space<vmem>>
      %dma_start3A_148 = arith.constant 0 : i32
      %dma_start3A_149 = arith.constant 0 : i32
      %dma_start3A_150 = tpu.memref_slice %arg2[%dma_start3A_148, %dma_start3A_149] : memref<10000x128xf32, #tpu.memory_space<hbm>> -> memref<10000x128xf32, #tpu.memory_space<hbm>>
      tpu.enqueue_indirect_dma source(%dma_start3A_150 : memref<10000x128xf32, #tpu.memory_space<hbm>>) target(%dma_start3A_146 : memref<128x128xf32, #tpu.memory_space<vmem>>) offsets(%dma_start3A_147 : memref<128xi32, #tpu.memory_space<vmem>>) semaphore(%arg8 : memref<!tpu.dma_semaphore, #tpu.memory_space<semaphore_mem>>)
      %add3A_151 = arith.constant 256 : i32
      %add3A_152 = arith.addi %multiple_of3A_132, %add3A_151 : i32
      %dma_start3A_153 = arith.constant 256 : i32
      %dma_start3A_154 = arith.constant 0 : i32
      %dma_start3A_155 = tpu.memref_slice %arg6[%dma_start3A_153, %dma_start3A_154] : memref<384x128xf32, #tpu.memory_space<vmem>> -> memref<128x128xf32, #tpu.memory_space<vmem>>
      %dma_start3A_156 = tpu.memref_slice %arg5[%add3A_152] : memref<5000xi32, #tpu.memory_space<vmem>> -> memref<128xi32, #tpu.memory_space<vmem>>
      %dma_start3A_157 = arith.constant 0 : i32
      %dma_start3A_158 = arith.constant 0 : i32
      %dma_start3A_159 = tpu.memref_slice %arg2[%dma_start3A_157, %dma_start3A_158] : memref<10000x128xf32, #tpu.memory_space<hbm>> -> memref<10000x128xf32, #tpu.memory_space<hbm>>
      tpu.enqueue_indirect_dma source(%dma_start3A_159 : memref<10000x128xf32, #tpu.memory_space<hbm>>) target(%dma_start3A_155 : memref<128x128xf32, #tpu.memory_space<vmem>>) offsets(%dma_start3A_156 : memref<128xi32, #tpu.memory_space<vmem>>) semaphore(%arg8 : memref<!tpu.dma_semaphore, #tpu.memory_space<semaphore_mem>>)
      %add3A_160 = arith.constant 1 : i32
      %add3A_161 = arith.addi %mul3A_73, %add3A_160 : i32
      %mul3A_162 = arith.constant 384 : i32
      %mul3A_163 = arith.muli %add3A_161, %mul3A_162 : i32
      %multiple_of3A_164 = tpu.assume_multiple %mul3A_163, 8 : i32
      %add3A_165 = arith.addi %multiple_of3A, %multiple_of3A_164 : i32
      %dma_start3A_166 = arith.constant 0 : i32
      %dma_start3A_167 = tpu.memref_slice %arg4[%add3A_165, %dma_start3A_166] : memref<160000x128xf32, #tpu.memory_space<hbm>> -> memref<384x128xf32, #tpu.memory_space<hbm>>
      %dma_start3A_168 = arith.constant 0 : i32
      %dma_start3A_169 = tpu.memref_slice %arg4[%add3A_165, %dma_start3A_168] : memref<160000x128xf32, #tpu.memory_space<hbm>> -> memref<384x128xf32, #tpu.memory_space<hbm>>
      tpu.enqueue_dma source(%arg7 : memref<384x128xf32, #tpu.memory_space<vmem>>) target(%dma_start3A_169 : memref<384x128xf32, #tpu.memory_space<hbm>>) target_semaphore(%arg11 : memref<!tpu.dma_semaphore, #tpu.memory_space<semaphore_mem>>)
    }
    %scan3A_35 = arith.constant 6 : i32
    %dma_wait3A = arith.constant 0 : i32
    %dma_wait3A_36 = tpu.memref_slice %arg4[%multiple_of3A, %dma_wait3A] : memref<160000x128xf32, #tpu.memory_space<hbm>> -> memref<384x128xf32, #tpu.memory_space<hbm>>
    %dma_wait3A_37 = arith.constant 0 : i32
    %dma_wait3A_38 = tpu.memref_slice %arg4[%multiple_of3A, %dma_wait3A_37] : memref<160000x128xf32, #tpu.memory_space<hbm>> -> memref<384x128xf32, #tpu.memory_space<hbm>>
    tpu.wait_dma2 semaphore(%arg8 : memref<!tpu.dma_semaphore, #tpu.memory_space<semaphore_mem>>) src(%dma_wait3A_38 : memref<384x128xf32, #tpu.memory_space<hbm>>) dst(%arg6 : memref<384x128xf32, #tpu.memory_space<vmem>>)
    %dma_wait3A_39 = arith.constant 0 : i32
    %dma_wait3A_40 = tpu.memref_slice %arg4[%multiple_of3A, %dma_wait3A_39] : memref<160000x128xf32, #tpu.memory_space<hbm>> -> memref<384x128xf32, #tpu.memory_space<hbm>>
    %dma_wait3A_41 = arith.constant 0 : i32
    %dma_wait3A_42 = tpu.memref_slice %arg4[%multiple_of3A, %dma_wait3A_41] : memref<160000x128xf32, #tpu.memory_space<hbm>> -> memref<384x128xf32, #tpu.memory_space<hbm>>
    tpu.wait_dma2 semaphore(%arg11 : memref<!tpu.dma_semaphore, #tpu.memory_space<semaphore_mem>>) src(%arg7 : memref<384x128xf32, #tpu.memory_space<vmem>>) dst(%dma_wait3A_42 : memref<384x128xf32, #tpu.memory_space<hbm>>)
    %multiple_of3A_43 = arith.constant 4608 : i32
    %multiple_of3A_44 = tpu.assume_multiple %multiple_of3A_43, 8 : i32
    %add3A_45 = arith.addi %multiple_of3A, %multiple_of3A_44 : i32
    %dma_start3A_46 = arith.constant 0 : i32
    %dma_start3A_47 = tpu.memref_slice %arg4[%add3A_45, %dma_start3A_46] : memref<160000x128xf32, #tpu.memory_space<hbm>> -> memref<384x128xf32, #tpu.memory_space<hbm>>
    %dma_start3A_48 = arith.constant 0 : i32
    %dma_start3A_49 = tpu.memref_slice %arg4[%add3A_45, %dma_start3A_48] : memref<160000x128xf32, #tpu.memory_space<hbm>> -> memref<384x128xf32, #tpu.memory_space<hbm>>
    tpu.enqueue_dma source(%arg6 : memref<384x128xf32, #tpu.memory_space<vmem>>) target(%dma_start3A_49 : memref<384x128xf32, #tpu.memory_space<hbm>>) target_semaphore(%arg10 : memref<!tpu.dma_semaphore, #tpu.memory_space<semaphore_mem>>)
    %multiple_of3A_50 = arith.constant 4992 : i32
    %multiple_of3A_51 = tpu.assume_multiple %multiple_of3A_50, 8 : i32
    %dma_start3A_52 = arith.constant 0 : i32
    %dma_start3A_53 = arith.constant 0 : i32
    %dma_start3A_54 = tpu.memref_slice %arg7[%dma_start3A_52, %dma_start3A_53] : memref<384x128xf32, #tpu.memory_space<vmem>> -> memref<8x128xf32, #tpu.memory_space<vmem>>
    %dma_start3A_55 = tpu.memref_slice %arg5[%multiple_of3A_51] : memref<5000xi32, #tpu.memory_space<vmem>> -> memref<8xi32, #tpu.memory_space<vmem>>
    %dma_start3A_56 = arith.constant 0 : i32
    %dma_start3A_57 = arith.constant 0 : i32
    %dma_start3A_58 = tpu.memref_slice %arg2[%dma_start3A_56, %dma_start3A_57] : memref<10000x128xf32, #tpu.memory_space<hbm>> -> memref<10000x128xf32, #tpu.memory_space<hbm>>
    tpu.enqueue_indirect_dma source(%dma_start3A_58 : memref<10000x128xf32, #tpu.memory_space<hbm>>) target(%dma_start3A_54 : memref<8x128xf32, #tpu.memory_space<vmem>>) offsets(%dma_start3A_55 : memref<8xi32, #tpu.memory_space<vmem>>) semaphore(%arg9 : memref<!tpu.dma_semaphore, #tpu.memory_space<semaphore_mem>>)
    %dma_wait3A_59 = arith.constant 0 : i32
    %dma_wait3A_60 = arith.constant 0 : i32
    %dma_wait3A_61 = tpu.memref_slice %arg7[%dma_wait3A_59, %dma_wait3A_60] : memref<384x128xf32, #tpu.memory_space<vmem>> -> memref<8x128xf32, #tpu.memory_space<vmem>>
    %dma_wait3A_62 = tpu.memref_slice %arg5[%multiple_of3A_51] : memref<5000xi32, #tpu.memory_space<vmem>> -> memref<8xi32, #tpu.memory_space<vmem>>
    %dma_wait3A_63 = arith.constant 0 : i32
    %dma_wait3A_64 = arith.constant 0 : i32
    %dma_wait3A_65 = tpu.memref_slice %arg2[%dma_wait3A_63, %dma_wait3A_64] : memref<10000x128xf32, #tpu.memory_space<hbm>> -> memref<10000x128xf32, #tpu.memory_space<hbm>>
    tpu.wait_indirect_dma semaphore(%arg9 : memref<!tpu.dma_semaphore, #tpu.memory_space<semaphore_mem>>) src(%dma_wait3A_65 : memref<10000x128xf32, #tpu.memory_space<hbm>>) dst(%dma_wait3A_61 : memref<8x128xf32, #tpu.memory_space<vmem>>)
    %add3A_66 = arith.addi %multiple_of3A, %multiple_of3A_51 : i32
    "tpu.region"() ({
      %run_scoped3A = tpu.sem_alloc : memref<!tpu.dma_semaphore, #tpu.memory_space<semaphore_mem>>
      %dma_start3A_71 = arith.constant 0 : i32
      %dma_start3A_72 = arith.constant 0 : i32
      %dma_start3A_73 = tpu.memref_slice %arg7[%dma_start3A_71, %dma_start3A_72] : memref<384x128xf32, #tpu.memory_space<vmem>> -> memref<8x128xf32, #tpu.memory_space<vmem>>
      %dma_start3A_74 = arith.constant 0 : i32
      %dma_start3A_75 = tpu.memref_slice %arg4[%add3A_66, %dma_start3A_74] : memref<160000x128xf32, #tpu.memory_space<hbm>> -> memref<8x128xf32, #tpu.memory_space<hbm>>
      %dma_start3A_76 = arith.constant 0 : i32
      %dma_start3A_77 = tpu.memref_slice %arg4[%add3A_66, %dma_start3A_76] : memref<160000x128xf32, #tpu.memory_space<hbm>> -> memref<8x128xf32, #tpu.memory_space<hbm>>
      %dma_start3A_78 = arith.constant 0 : i32
      %dma_start3A_79 = arith.constant 0 : i32
      %dma_start3A_80 = tpu.memref_slice %arg7[%dma_start3A_78, %dma_start3A_79] : memref<384x128xf32, #tpu.memory_space<vmem>> -> memref<8x128xf32, #tpu.memory_space<vmem>>
      tpu.enqueue_dma source(%dma_start3A_80 : memref<8x128xf32, #tpu.memory_space<vmem>>) target(%dma_start3A_77 : memref<8x128xf32, #tpu.memory_space<hbm>>) target_semaphore(%run_scoped3A : memref<!tpu.dma_semaphore, #tpu.memory_space<semaphore_mem>>)
      %dma_wait3A_81 = arith.constant 0 : i32
      %dma_wait3A_82 = arith.constant 0 : i32
      %dma_wait3A_83 = tpu.memref_slice %arg7[%dma_wait3A_81, %dma_wait3A_82] : memref<384x128xf32, #tpu.memory_space<vmem>> -> memref<8x128xf32, #tpu.memory_space<vmem>>
      %dma_wait3A_84 = arith.constant 0 : i32
      %dma_wait3A_85 = tpu.memref_slice %arg4[%add3A_66, %dma_wait3A_84] : memref<160000x128xf32, #tpu.memory_space<hbm>> -> memref<8x128xf32, #tpu.memory_space<hbm>>
      %dma_wait3A_86 = arith.constant 0 : i32
      %dma_wait3A_87 = tpu.memref_slice %arg4[%add3A_66, %dma_wait3A_86] : memref<160000x128xf32, #tpu.memory_space<hbm>> -> memref<8x128xf32, #tpu.memory_space<hbm>>
      %dma_wait3A_88 = arith.constant 0 : i32
      %dma_wait3A_89 = arith.constant 0 : i32
      %dma_wait3A_90 = tpu.memref_slice %arg7[%dma_wait3A_88, %dma_wait3A_89] : memref<384x128xf32, #tpu.memory_space<vmem>> -> memref<8x128xf32, #tpu.memory_space<vmem>>
      tpu.wait_dma2 semaphore(%run_scoped3A : memref<!tpu.dma_semaphore, #tpu.memory_space<semaphore_mem>>) src(%dma_wait3A_90 : memref<8x128xf32, #tpu.memory_space<vmem>>) dst(%dma_wait3A_87 : memref<8x128xf32, #tpu.memory_space<hbm>>)
      tpu.yield
    }) : () -> ()
    %dma_wait3A_67 = arith.constant 0 : i32
    %dma_wait3A_68 = tpu.memref_slice %arg4[%multiple_of3A, %dma_wait3A_67] : memref<160000x128xf32, #tpu.memory_space<hbm>> -> memref<384x128xf32, #tpu.memory_space<hbm>>
    %dma_wait3A_69 = arith.constant 0 : i32
    %dma_wait3A_70 = tpu.memref_slice %arg4[%multiple_of3A, %dma_wait3A_69] : memref<160000x128xf32, #tpu.memory_space<hbm>> -> memref<384x128xf32, #tpu.memory_space<hbm>>
    tpu.wait_dma2 semaphore(%arg10 : memref<!tpu.dma_semaphore, #tpu.memory_space<semaphore_mem>>) src(%arg6 : memref<384x128xf32, #tpu.memory_space<vmem>>) dst(%dma_wait3A_70 : memref<384x128xf32, #tpu.memory_space<hbm>>)
    return
  }
}

#map = affine_map<(d0, d1) -> (0, 0)>
#map1 = affine_map<(d0, d1) -> (0)>
module attributes {stable_mosaic.version = 14 : i64} {
  func.func @k(%arg0: i32, %arg1: i32, %arg2: memref<10000x128xf32, #tpu.memory_space<hbm>>, %arg3: memref<160000xi32, #tpu.memory_space<hbm>>, %arg4: memref<160000x128xf32, #tpu.memory_space<hbm>>, %arg5: memref<5000xi32, #tpu.memory_space<vmem>>, %arg6: memref<384x128xf32, #tpu.memory_space<vmem>>, %arg7: memref<384x128xf32, #tpu.memory_space<vmem>>, %arg8: memref<!tpu.dma_semaphore, #tpu.memory_space<semaphore_mem>>, %arg9: memref<!tpu.dma_semaphore, #tpu.memory_space<semaphore_mem>>, %arg10: memref<!tpu.dma_semaphore, #tpu.memory_space<semaphore_mem>>, %arg11: memref<!tpu.dma_semaphore, #tpu.memory_space<semaphore_mem>>) attributes {dimension_semantics = [#tpu.dimension_semantics<core_parallel>, #tpu.dimension_semantics<subcore_parallel>], iteration_bounds = array<i64: 2, 16>, scalar_prefetch = 0 : i64, scratch_operands = 7 : i64, tpu.core_type = #tpu.core_type<sc_vector_subcore>, window_params = [{transform_indices = #map}, {transform_indices = #map1}, {transform_indices = #map}]} {
    %mul3A = arith.constant 2 : i32
    %mul3A_0 = arith.muli %arg1, %mul3A : i32
    %add3A = arith.addi %mul3A_0, %arg0 : i32
    %mul3A_1 = arith.constant 5000 : i32
    %mul3A_2 = arith.muli %add3A, %mul3A_1 : i32
    %multiple_of3A = tpu.assume_multiple %mul3A_2, 8 : i32
    "tpu.region"() ({
      %run_scoped3A = tpu.sem_alloc : memref<!tpu.dma_semaphore, #tpu.memory_space<semaphore_mem>>
      %dma_start3A_71 = tpu.memref_slice %arg3[%multiple_of3A] : memref<160000xi32, #tpu.memory_space<hbm>> -> memref<5000xi32, #tpu.memory_space<hbm>>
      %dma_start3A_72 = tpu.memref_slice %arg3[%multiple_of3A] : memref<160000xi32, #tpu.memory_space<hbm>> -> memref<5000xi32, #tpu.memory_space<hbm>>
      tpu.enqueue_dma source(%dma_start3A_72 : memref<5000xi32, #tpu.memory_space<hbm>>) target(%arg5 : memref<5000xi32, #tpu.memory_space<vmem>>) target_semaphore(%run_scoped3A : memref<!tpu.dma_semaphore, #tpu.memory_space<semaphore_mem>>)
      %dma_wait3A_73 = tpu.memref_slice %arg3[%multiple_of3A] : memref<160000xi32, #tpu.memory_space<hbm>> -> memref<5000xi32, #tpu.memory_space<hbm>>
      %dma_wait3A_74 = tpu.memref_slice %arg3[%multiple_of3A] : memref<160000xi32, #tpu.memory_space<hbm>> -> memref<5000xi32, #tpu.memory_space<hbm>>
      tpu.wait_dma2 semaphore(%run_scoped3A : memref<!tpu.dma_semaphore, #tpu.memory_space<semaphore_mem>>) src(%dma_wait3A_74 : memref<5000xi32, #tpu.memory_space<hbm>>) dst(%arg5 : memref<5000xi32, #tpu.memory_space<vmem>>)
      tpu.yield
    }) : () -> ()
    %multiple_of3A_3 = arith.constant 0 : i32
    %multiple_of3A_4 = tpu.assume_multiple %multiple_of3A_3, 8 : i32
    %add3A_5 = arith.constant 0 : i32
    %add3A_6 = arith.addi %multiple_of3A_4, %add3A_5 : i32
    %dma_start3A = arith.constant 0 : i32
    %dma_start3A_7 = arith.constant 0 : i32
    %dma_start3A_8 = tpu.memref_slice %arg6[%dma_start3A, %dma_start3A_7] : memref<384x128xf32, #tpu.memory_space<vmem>> -> memref<128x128xf32, #tpu.memory_space<vmem>>
    %dma_start3A_9 = tpu.memref_slice %arg5[%add3A_6] : memref<5000xi32, #tpu.memory_space<vmem>> -> memref<128xi32, #tpu.memory_space<vmem>>
    %dma_start3A_10 = arith.constant 0 : i32
    %dma_start3A_11 = arith.constant 0 : i32
    %dma_start3A_12 = tpu.memref_slice %arg2[%dma_start3A_10, %dma_start3A_11] : memref<10000x128xf32, #tpu.memory_space<hbm>> -> memref<10000x128xf32, #tpu.memory_space<hbm>>
    tpu.enqueue_indirect_dma source(%dma_start3A_12 : memref<10000x128xf32, #tpu.memory_space<hbm>>) target(%dma_start3A_8 : memref<128x128xf32, #tpu.memory_space<vmem>>) offsets(%dma_start3A_9 : memref<128xi32, #tpu.memory_space<vmem>>) semaphore(%arg8 : memref<!tpu.dma_semaphore, #tpu.memory_space<semaphore_mem>>)
    %add3A_13 = arith.constant 128 : i32
    %add3A_14 = arith.addi %multiple_of3A_4, %add3A_13 : i32
    %dma_start3A_15 = arith.constant 128 : i32
    %dma_start3A_16 = arith.constant 0 : i32
    %dma_start3A_17 = tpu.memref_slice %arg6[%dma_start3A_15, %dma_start3A_16] : memref<384x128xf32, #tpu.memory_space<vmem>> -> memref<128x128xf32, #tpu.memory_space<vmem>>
    %dma_start3A_18 = tpu.memref_slice %arg5[%add3A_14] : memref<5000xi32, #tpu.memory_space<vmem>> -> memref<128xi32, #tpu.memory_space<vmem>>
    %dma_start3A_19 = arith.constant 0 : i32
    %dma_start3A_20 = arith.constant 0 : i32
    %dma_start3A_21 = tpu.memref_slice %arg2[%dma_start3A_19, %dma_start3A_20] : memref<10000x128xf32, #tpu.memory_space<hbm>> -> memref<10000x128xf32, #tpu.memory_space<hbm>>
    tpu.enqueue_indirect_dma source(%dma_start3A_21 : memref<10000x128xf32, #tpu.memory_space<hbm>>) target(%dma_start3A_17 : memref<128x128xf32, #tpu.memory_space<vmem>>) offsets(%dma_start3A_18 : memref<128xi32, #tpu.memory_space<vmem>>) semaphore(%arg8 : memref<!tpu.dma_semaphore, #tpu.memory_space<semaphore_mem>>)
    %add3A_22 = arith.constant 256 : i32
    %add3A_23 = arith.addi %multiple_of3A_4, %add3A_22 : i32
    %dma_start3A_24 = arith.constant 256 : i32
    %dma_start3A_25 = arith.constant 0 : i32
    %dma_start3A_26 = tpu.memref_slice %arg6[%dma_start3A_24, %dma_start3A_25] : memref<384x128xf32, #tpu.memory_space<vmem>> -> memref<128x128xf32, #tpu.memory_space<vmem>>
    %dma_start3A_27 = tpu.memref_slice %arg5[%add3A_23] : memref<5000xi32, #tpu.memory_space<vmem>> -> memref<128xi32, #tpu.memory_space<vmem>>
    %dma_start3A_28 = arith.constant 0 : i32
    %dma_start3A_29 = arith.constant 0 : i32
    %dma_start3A_30 = tpu.memref_slice %arg2[%dma_start3A_28, %dma_start3A_29] : memref<10000x128xf32, #tpu.memory_space<hbm>> -> memref<10000x128xf32, #tpu.memory_space<hbm>>
    tpu.enqueue_indirect_dma source(%dma_start3A_30 : memref<10000x128xf32, #tpu.memory_space<hbm>>) target(%dma_start3A_26 : memref<128x128xf32, #tpu.memory_space<vmem>>) offsets(%dma_start3A_27 : memref<128xi32, #tpu.memory_space<vmem>>) semaphore(%arg8 : memref<!tpu.dma_semaphore, #tpu.memory_space<semaphore_mem>>)
    %scan3A = arith.constant 0 : i32
    %scan3A_31 = arith.constant 0 : i32
    %scan3A_32 = arith.constant 6 : i32
    %scan3A_33 = arith.addi %scan3A_31, %scan3A_32 : i32
    %scan3A_34 = arith.constant 1 : i32
    scf.for %scan3A_71 = %scan3A_31 to %scan3A_33 step %scan3A_34  : i32 {
      %mul3A_72 = arith.constant 2 : i32
      %mul3A_73 = arith.muli %mul3A_72, %scan3A_71 : i32
      %dma_wait3A_74 = arith.constant 0 : i32
      %dma_wait3A_75 = tpu.memref_slice %arg4[%multiple_of3A, %dma_wait3A_74] : memref<160000x128xf32, #tpu.memory_space<hbm>> -> memref<384x128xf32, #tpu.memory_space<hbm>>
      %dma_wait3A_76 = arith.constant 0 : i32
      %dma_wait3A_77 = tpu.memref_slice %arg4[%multiple_of3A, %dma_wait3A_76] : memref<160000x128xf32, #tpu.memory_space<hbm>> -> memref<384x128xf32, #tpu.memory_space<hbm>>
      tpu.wait_dma2 semaphore(%arg8 : memref<!tpu.dma_semaphore, #tpu.memory_space<semaphore_mem>>) src(%dma_wait3A_77 : memref<384x128xf32, #tpu.memory_space<hbm>>) dst(%arg6 : memref<384x128xf32, #tpu.memory_space<vmem>>)
      %gt3A = arith.constant 0 : i32
      %gt3A_78 = arith.cmpi sgt, %scan3A_71, %gt3A : i32
      %convert_element_type3A = arith.extui %gt3A_78 : i1 to i32
      %cond3A = arith.constant 0 : i32
      %cond3A_79 = arith.cmpi ne, %convert_element_type3A, %cond3A : i32
      scf.if %cond3A_79 {
        %dma_wait3A_170 = arith.constant 0 : i32
        %dma_wait3A_171 = tpu.memref_slice %arg4[%multiple_of3A, %dma_wait3A_170] : memref<160000x128xf32, #tpu.memory_space<hbm>> -> memref<384x128xf32, #tpu.memory_space<hbm>>
        %dma_wait3A_172 = arith.constant 0 : i32
        %dma_wait3A_173 = tpu.memref_slice %arg4[%multiple_of3A, %dma_wait3A_172] : memref<160000x128xf32, #tpu.memory_space<hbm>> -> memref<384x128xf32, #tpu.memory_space<hbm>>
        tpu.wait_dma2 semaphore(%arg11 : memref<!tpu.dma_semaphore, #tpu.memory_space<semaphore_mem>>) src(%arg7 : memref<384x128xf32, #tpu.memory_space<vmem>>) dst(%dma_wait3A_173 : memref<384x128xf32, #tpu.memory_space<hbm>>)
      } else {
      }
      %add3A_80 = arith.constant 1 : i32
      %add3A_81 = arith.addi %mul3A_73, %add3A_80 : i32
      %mul3A_82 = arith.constant 384 : i32
      %mul3A_83 = arith.muli %add3A_81, %mul3A_82 : i32
      %multiple_of3A_84 = tpu.assume_multiple %mul3A_83, 8 : i32
      %add3A_85 = arith.constant 0 : i32
      %add3A_86 = arith.addi %multiple_of3A_84, %add3A_85 : i32
      %dma_start3A_87 = arith.constant 0 : i32
      %dma_start3A_88 = arith.constant 0 : i32
      %dma_start3A_89 = tpu.memref_slice %arg7[%dma_start3A_87, %dma_start3A_88] : memref<384x128xf32, #tpu.memory_space<vmem>> -> memref<128x128xf32, #tpu.memory_space<vmem>>
      %dma_start3A_90 = tpu.memref_slice %arg5[%add3A_86] : memref<5000xi32, #tpu.memory_space<vmem>> -> memref<128xi32, #tpu.memory_space<vmem>>
      %dma_start3A_91 = arith.constant 0 : i32
      %dma_start3A_92 = arith.constant 0 : i32
      %dma_start3A_93 = tpu.memref_slice %arg2[%dma_start3A_91, %dma_start3A_92] : memref<10000x128xf32, #tpu.memory_space<hbm>> -> memref<10000x128xf32, #tpu.memory_space<hbm>>
      tpu.enqueue_indirect_dma source(%dma_start3A_93 : memref<10000x128xf32, #tpu.memory_space<hbm>>) target(%dma_start3A_89 : memref<128x128xf32, #tpu.memory_space<vmem>>) offsets(%dma_start3A_90 : memref<128xi32, #tpu.memory_space<vmem>>) semaphore(%arg9 : memref<!tpu.dma_semaphore, #tpu.memory_space<semaphore_mem>>)
      %add3A_94 = arith.constant 128 : i32
      %add3A_95 = arith.addi %multiple_of3A_84, %add3A_94 : i32
      %dma_start3A_96 = arith.constant 128 : i32
      %dma_start3A_97 = arith.constant 0 : i32
      %dma_start3A_98 = tpu.memref_slice %arg7[%dma_start3A_96, %dma_start3A_97] : memref<384x128xf32, #tpu.memory_space<vmem>> -> memref<128x128xf32, #tpu.memory_space<vmem>>
      %dma_start3A_99 = tpu.memref_slice %arg5[%add3A_95] : memref<5000xi32, #tpu.memory_space<vmem>> -> memref<128xi32, #tpu.memory_space<vmem>>
      %dma_start3A_100 = arith.constant 0 : i32
      %dma_start3A_101 = arith.constant 0 : i32
      %dma_start3A_102 = tpu.memref_slice %arg2[%dma_start3A_100, %dma_start3A_101] : memref<10000x128xf32, #tpu.memory_space<hbm>> -> memref<10000x128xf32, #tpu.memory_space<hbm>>
      tpu.enqueue_indirect_dma source(%dma_start3A_102 : memref<10000x128xf32, #tpu.memory_space<hbm>>) target(%dma_start3A_98 : memref<128x128xf32, #tpu.memory_space<vmem>>) offsets(%dma_start3A_99 : memref<128xi32, #tpu.memory_space<vmem>>) semaphore(%arg9 : memref<!tpu.dma_semaphore, #tpu.memory_space<semaphore_mem>>)
      %add3A_103 = arith.constant 256 : i32
      %add3A_104 = arith.addi %multiple_of3A_84, %add3A_103 : i32
      %dma_start3A_105 = arith.constant 256 : i32
      %dma_start3A_106 = arith.constant 0 : i32
      %dma_start3A_107 = tpu.memref_slice %arg7[%dma_start3A_105, %dma_start3A_106] : memref<384x128xf32, #tpu.memory_space<vmem>> -> memref<128x128xf32, #tpu.memory_space<vmem>>
      %dma_start3A_108 = tpu.memref_slice %arg5[%add3A_104] : memref<5000xi32, #tpu.memory_space<vmem>> -> memref<128xi32, #tpu.memory_space<vmem>>
      %dma_start3A_109 = arith.constant 0 : i32
      %dma_start3A_110 = arith.constant 0 : i32
      %dma_start3A_111 = tpu.memref_slice %arg2[%dma_start3A_109, %dma_start3A_110] : memref<10000x128xf32, #tpu.memory_space<hbm>> -> memref<10000x128xf32, #tpu.memory_space<hbm>>
      tpu.enqueue_indirect_dma source(%dma_start3A_111 : memref<10000x128xf32, #tpu.memory_space<hbm>>) target(%dma_start3A_107 : memref<128x128xf32, #tpu.memory_space<vmem>>) offsets(%dma_start3A_108 : memref<128xi32, #tpu.memory_space<vmem>>) semaphore(%arg9 : memref<!tpu.dma_semaphore, #tpu.memory_space<semaphore_mem>>)
      %mul3A_112 = arith.constant 384 : i32
      %mul3A_113 = arith.muli %mul3A_73, %mul3A_112 : i32
      %multiple_of3A_114 = tpu.assume_multiple %mul3A_113, 8 : i32
      %add3A_115 = arith.addi %multiple_of3A, %multiple_of3A_114 : i32
      %dma_start3A_116 = arith.constant 0 : i32
      %dma_start3A_117 = tpu.memref_slice %arg4[%add3A_115, %dma_start3A_116] : memref<160000x128xf32, #tpu.memory_space<hbm>> -> memref<384x128xf32, #tpu.memory_space<hbm>>
      %dma_start3A_118 = arith.constant 0 : i32
      %dma_start3A_119 = tpu.memref_slice %arg4[%add3A_115, %dma_start3A_118] : memref<160000x128xf32, #tpu.memory_space<hbm>> -> memref<384x128xf32, #tpu.memory_space<hbm>>
      tpu.enqueue_dma source(%arg6 : memref<384x128xf32, #tpu.memory_space<vmem>>) target(%dma_start3A_119 : memref<384x128xf32, #tpu.memory_space<hbm>>) target_semaphore(%arg10 : memref<!tpu.dma_semaphore, #tpu.memory_space<semaphore_mem>>)
      %dma_wait3A_120 = arith.constant 0 : i32
      %dma_wait3A_121 = tpu.memref_slice %arg4[%multiple_of3A, %dma_wait3A_120] : memref<160000x128xf32, #tpu.memory_space<hbm>> -> memref<384x128xf32, #tpu.memory_space<hbm>>
      %dma_wait3A_122 = arith.constant 0 : i32
      %dma_wait3A_123 = tpu.memref_slice %arg4[%multiple_of3A, %dma_wait3A_122] : memref<160000x128xf32, #tpu.memory_space<hbm>> -> memref<384x128xf32, #tpu.memory_space<hbm>>
      tpu.wait_dma2 semaphore(%arg9 : memref<!tpu.dma_semaphore, #tpu.memory_space<semaphore_mem>>) src(%dma_wait3A_123 : memref<384x128xf32, #tpu.memory_space<hbm>>) dst(%arg7 : memref<384x128xf32, #tpu.memory_space<vmem>>)
      %dma_wait3A_124 = arith.constant 0 : i32
      %dma_wait3A_125 = tpu.memref_slice %arg4[%multiple_of3A, %dma_wait3A_124] : memref<160000x128xf32, #tpu.memory_space<hbm>> -> memref<384x128xf32, #tpu.memory_space<hbm>>
      %dma_wait3A_126 = arith.constant 0 : i32
      %dma_wait3A_127 = tpu.memref_slice %arg4[%multiple_of3A, %dma_wait3A_126] : memref<160000x128xf32, #tpu.memory_space<hbm>> -> memref<384x128xf32, #tpu.memory_space<hbm>>
      tpu.wait_dma2 semaphore(%arg10 : memref<!tpu.dma_semaphore, #tpu.memory_space<semaphore_mem>>) src(%arg6 : memref<384x128xf32, #tpu.memory_space<vmem>>) dst(%dma_wait3A_127 : memref<384x128xf32, #tpu.memory_space<hbm>>)
      %add3A_128 = arith.constant 2 : i32
      %add3A_129 = arith.addi %mul3A_73, %add3A_128 : i32
      %mul3A_130 = arith.constant 384 : i32
      %mul3A_131 = arith.muli %add3A_129, %mul3A_130 : i32
      %multiple_of3A_132 = tpu.assume_multiple %mul3A_131, 8 : i32
      %add3A_133 = arith.constant 0 : i32
      %add3A_134 = arith.addi %multiple_of3A_132, %add3A_133 : i32
      %dma_start3A_135 = arith.constant 0 : i32
      %dma_start3A_136 = arith.constant 0 : i32
      %dma_start3A_137 = tpu.memref_slice %arg6[%dma_start3A_135, %dma_start3A_136] : memref<384x128xf32, #tpu.memory_space<vmem>> -> memref<128x128xf32, #tpu.memory_space<vmem>>
      %dma_start3A_138 = tpu.memref_slice %arg5[%add3A_134] : memref<5000xi32, #tpu.memory_space<vmem>> -> memref<128xi32, #tpu.memory_space<vmem>>
      %dma_start3A_139 = arith.constant 0 : i32
      %dma_start3A_140 = arith.constant 0 : i32
      %dma_start3A_141 = tpu.memref_slice %arg2[%dma_start3A_139, %dma_start3A_140] : memref<10000x128xf32, #tpu.memory_space<hbm>> -> memref<10000x128xf32, #tpu.memory_space<hbm>>
      tpu.enqueue_indirect_dma source(%dma_start3A_141 : memref<10000x128xf32, #tpu.memory_space<hbm>>) target(%dma_start3A_137 : memref<128x128xf32, #tpu.memory_space<vmem>>) offsets(%dma_start3A_138 : memref<128xi32, #tpu.memory_space<vmem>>) semaphore(%arg8 : memref<!tpu.dma_semaphore, #tpu.memory_space<semaphore_mem>>)
      %add3A_142 = arith.constant 128 : i32
      %add3A_143 = arith.addi %multiple_of3A_132, %add3A_142 : i32
      %dma_start3A_144 = arith.constant 128 : i32
      %dma_start3A_145 = arith.constant 0 : i32
      %dma_start3A_146 = tpu.memref_slice %arg6[%dma_start3A_144, %dma_start3A_145] : memref<384x128xf32, #tpu.memory_space<vmem>> -> memref<128x128xf32, #tpu.memory_space<vmem>>
      %dma_start3A_147 = tpu.memref_slice %arg5[%add3A_143] : memref<5000xi32, #tpu.memory_space<vmem>> -> memref<128xi32, #tpu.memory_space<vmem>>
      %dma_start3A_148 = arith.constant 0 : i32
      %dma_start3A_149 = arith.constant 0 : i32
      %dma_start3A_150 = tpu.memref_slice %arg2[%dma_start3A_148, %dma_start3A_149] : memref<10000x128xf32, #tpu.memory_space<hbm>> -> memref<10000x128xf32, #tpu.memory_space<hbm>>
      tpu.enqueue_indirect_dma source(%dma_start3A_150 : memref<10000x128xf32, #tpu.memory_space<hbm>>) target(%dma_start3A_146 : memref<128x128xf32, #tpu.memory_space<vmem>>) offsets(%dma_start3A_147 : memref<128xi32, #tpu.memory_space<vmem>>) semaphore(%arg8 : memref<!tpu.dma_semaphore, #tpu.memory_space<semaphore_mem>>)
      %add3A_151 = arith.constant 256 : i32
      %add3A_152 = arith.addi %multiple_of3A_132, %add3A_151 : i32
      %dma_start3A_153 = arith.constant 256 : i32
      %dma_start3A_154 = arith.constant 0 : i32
      %dma_start3A_155 = tpu.memref_slice %arg6[%dma_start3A_153, %dma_start3A_154] : memref<384x128xf32, #tpu.memory_space<vmem>> -> memref<128x128xf32, #tpu.memory_space<vmem>>
      %dma_start3A_156 = tpu.memref_slice %arg5[%add3A_152] : memref<5000xi32, #tpu.memory_space<vmem>> -> memref<128xi32, #tpu.memory_space<vmem>>
      %dma_start3A_157 = arith.constant 0 : i32
      %dma_start3A_158 = arith.constant 0 : i32
      %dma_start3A_159 = tpu.memref_slice %arg2[%dma_start3A_157, %dma_start3A_158] : memref<10000x128xf32, #tpu.memory_space<hbm>> -> memref<10000x128xf32, #tpu.memory_space<hbm>>
      tpu.enqueue_indirect_dma source(%dma_start3A_159 : memref<10000x128xf32, #tpu.memory_space<hbm>>) target(%dma_start3A_155 : memref<128x128xf32, #tpu.memory_space<vmem>>) offsets(%dma_start3A_156 : memref<128xi32, #tpu.memory_space<vmem>>) semaphore(%arg8 : memref<!tpu.dma_semaphore, #tpu.memory_space<semaphore_mem>>)
      %add3A_160 = arith.constant 1 : i32
      %add3A_161 = arith.addi %mul3A_73, %add3A_160 : i32
      %mul3A_162 = arith.constant 384 : i32
      %mul3A_163 = arith.muli %add3A_161, %mul3A_162 : i32
      %multiple_of3A_164 = tpu.assume_multiple %mul3A_163, 8 : i32
      %add3A_165 = arith.addi %multiple_of3A, %multiple_of3A_164 : i32
      %dma_start3A_166 = arith.constant 0 : i32
      %dma_start3A_167 = tpu.memref_slice %arg4[%add3A_165, %dma_start3A_166] : memref<160000x128xf32, #tpu.memory_space<hbm>> -> memref<384x128xf32, #tpu.memory_space<hbm>>
      %dma_start3A_168 = arith.constant 0 : i32
      %dma_start3A_169 = tpu.memref_slice %arg4[%add3A_165, %dma_start3A_168] : memref<160000x128xf32, #tpu.memory_space<hbm>> -> memref<384x128xf32, #tpu.memory_space<hbm>>
      tpu.enqueue_dma source(%arg7 : memref<384x128xf32, #tpu.memory_space<vmem>>) target(%dma_start3A_169 : memref<384x128xf32, #tpu.memory_space<hbm>>) target_semaphore(%arg11 : memref<!tpu.dma_semaphore, #tpu.memory_space<semaphore_mem>>)
    }
    %scan3A_35 = arith.constant 6 : i32
    %dma_wait3A = arith.constant 0 : i32
    %dma_wait3A_36 = tpu.memref_slice %arg4[%multiple_of3A, %dma_wait3A] : memref<160000x128xf32, #tpu.memory_space<hbm>> -> memref<384x128xf32, #tpu.memory_space<hbm>>
    %dma_wait3A_37 = arith.constant 0 : i32
    %dma_wait3A_38 = tpu.memref_slice %arg4[%multiple_of3A, %dma_wait3A_37] : memref<160000x128xf32, #tpu.memory_space<hbm>> -> memref<384x128xf32, #tpu.memory_space<hbm>>
    tpu.wait_dma2 semaphore(%arg8 : memref<!tpu.dma_semaphore, #tpu.memory_space<semaphore_mem>>) src(%dma_wait3A_38 : memref<384x128xf32, #tpu.memory_space<hbm>>) dst(%arg6 : memref<384x128xf32, #tpu.memory_space<vmem>>)
    %dma_wait3A_39 = arith.constant 0 : i32
    %dma_wait3A_40 = tpu.memref_slice %arg4[%multiple_of3A, %dma_wait3A_39] : memref<160000x128xf32, #tpu.memory_space<hbm>> -> memref<384x128xf32, #tpu.memory_space<hbm>>
    %dma_wait3A_41 = arith.constant 0 : i32
    %dma_wait3A_42 = tpu.memref_slice %arg4[%multiple_of3A, %dma_wait3A_41] : memref<160000x128xf32, #tpu.memory_space<hbm>> -> memref<384x128xf32, #tpu.memory_space<hbm>>
    tpu.wait_dma2 semaphore(%arg11 : memref<!tpu.dma_semaphore, #tpu.memory_space<semaphore_mem>>) src(%arg7 : memref<384x128xf32, #tpu.memory_space<vmem>>) dst(%dma_wait3A_42 : memref<384x128xf32, #tpu.memory_space<hbm>>)
    %multiple_of3A_43 = arith.constant 4608 : i32
    %multiple_of3A_44 = tpu.assume_multiple %multiple_of3A_43, 8 : i32
    %add3A_45 = arith.addi %multiple_of3A, %multiple_of3A_44 : i32
    %dma_start3A_46 = arith.constant 0 : i32
    %dma_start3A_47 = tpu.memref_slice %arg4[%add3A_45, %dma_start3A_46] : memref<160000x128xf32, #tpu.memory_space<hbm>> -> memref<384x128xf32, #tpu.memory_space<hbm>>
    %dma_start3A_48 = arith.constant 0 : i32
    %dma_start3A_49 = tpu.memref_slice %arg4[%add3A_45, %dma_start3A_48] : memref<160000x128xf32, #tpu.memory_space<hbm>> -> memref<384x128xf32, #tpu.memory_space<hbm>>
    tpu.enqueue_dma source(%arg6 : memref<384x128xf32, #tpu.memory_space<vmem>>) target(%dma_start3A_49 : memref<384x128xf32, #tpu.memory_space<hbm>>) target_semaphore(%arg10 : memref<!tpu.dma_semaphore, #tpu.memory_space<semaphore_mem>>)
    %multiple_of3A_50 = arith.constant 4992 : i32
    %multiple_of3A_51 = tpu.assume_multiple %multiple_of3A_50, 8 : i32
    %dma_start3A_52 = arith.constant 0 : i32
    %dma_start3A_53 = arith.constant 0 : i32
    %dma_start3A_54 = tpu.memref_slice %arg7[%dma_start3A_52, %dma_start3A_53] : memref<384x128xf32, #tpu.memory_space<vmem>> -> memref<8x128xf32, #tpu.memory_space<vmem>>
    %dma_start3A_55 = tpu.memref_slice %arg5[%multiple_of3A_51] : memref<5000xi32, #tpu.memory_space<vmem>> -> memref<8xi32, #tpu.memory_space<vmem>>
    %dma_start3A_56 = arith.constant 0 : i32
    %dma_start3A_57 = arith.constant 0 : i32
    %dma_start3A_58 = tpu.memref_slice %arg2[%dma_start3A_56, %dma_start3A_57] : memref<10000x128xf32, #tpu.memory_space<hbm>> -> memref<10000x128xf32, #tpu.memory_space<hbm>>
    tpu.enqueue_indirect_dma source(%dma_start3A_58 : memref<10000x128xf32, #tpu.memory_space<hbm>>) target(%dma_start3A_54 : memref<8x128xf32, #tpu.memory_space<vmem>>) offsets(%dma_start3A_55 : memref<8xi32, #tpu.memory_space<vmem>>) semaphore(%arg9 : memref<!tpu.dma_semaphore, #tpu.memory_space<semaphore_mem>>)
    %dma_wait3A_59 = arith.constant 0 : i32
    %dma_wait3A_60 = arith.constant 0 : i32
    %dma_wait3A_61 = tpu.memref_slice %arg7[%dma_wait3A_59, %dma_wait3A_60] : memref<384x128xf32, #tpu.memory_space<vmem>> -> memref<8x128xf32, #tpu.memory_space<vmem>>
    %dma_wait3A_62 = tpu.memref_slice %arg5[%multiple_of3A_51] : memref<5000xi32, #tpu.memory_space<vmem>> -> memref<8xi32, #tpu.memory_space<vmem>>
    %dma_wait3A_63 = arith.constant 0 : i32
    %dma_wait3A_64 = arith.constant 0 : i32
    %dma_wait3A_65 = tpu.memref_slice %arg2[%dma_wait3A_63, %dma_wait3A_64] : memref<10000x128xf32, #tpu.memory_space<hbm>> -> memref<10000x128xf32, #tpu.memory_space<hbm>>
    tpu.wait_indirect_dma semaphore(%arg9 : memref<!tpu.dma_semaphore, #tpu.memory_space<semaphore_mem>>) src(%dma_wait3A_65 : memref<10000x128xf32, #tpu.memory_space<hbm>>) dst(%dma_wait3A_61 : memref<8x128xf32, #tpu.memory_space<vmem>>)
    %add3A_66 = arith.addi %multiple_of3A, %multiple_of3A_51 : i32
    "tpu.region"() ({
      %run_scoped3A = tpu.sem_alloc : memref<!tpu.dma_semaphore, #tpu.memory_space<semaphore_mem>>
      %dma_start3A_71 = arith.constant 0 : i32
      %dma_start3A_72 = arith.constant 0 : i32
      %dma_start3A_73 = tpu.memref_slice %arg7[%dma_start3A_71, %dma_start3A_72] : memref<384x128xf32, #tpu.memory_space<vmem>> -> memref<8x128xf32, #tpu.memory_space<vmem>>
      %dma_start3A_74 = arith.constant 0 : i32
      %dma_start3A_75 = tpu.memref_slice %arg4[%add3A_66, %dma_start3A_74] : memref<160000x128xf32, #tpu.memory_space<hbm>> -> memref<8x128xf32, #tpu.memory_space<hbm>>
      %dma_start3A_76 = arith.constant 0 : i32
      %dma_start3A_77 = tpu.memref_slice %arg4[%add3A_66, %dma_start3A_76] : memref<160000x128xf32, #tpu.memory_space<hbm>> -> memref<8x128xf32, #tpu.memory_space<hbm>>
      %dma_start3A_78 = arith.constant 0 : i32
      %dma_start3A_79 = arith.constant 0 : i32
      %dma_start3A_80 = tpu.memref_slice %arg7[%dma_start3A_78, %dma_start3A_79] : memref<384x128xf32, #tpu.memory_space<vmem>> -> memref<8x128xf32, #tpu.memory_space<vmem>>
      tpu.enqueue_dma source(%dma_start3A_80 : memref<8x128xf32, #tpu.memory_space<vmem>>) target(%dma_start3A_77 : memref<8x128xf32, #tpu.memory_space<hbm>>) target_semaphore(%run_scoped3A : memref<!tpu.dma_semaphore, #tpu.memory_space<semaphore_mem>>)
      %dma_wait3A_81 = arith.constant 0 : i32
      %dma_wait3A_82 = arith.constant 0 : i32
      %dma_wait3A_83 = tpu.memref_slice %arg7[%dma_wait3A_81, %dma_wait3A_82] : memref<384x128xf32, #tpu.memory_space<vmem>> -> memref<8x128xf32, #tpu.memory_space<vmem>>
      %dma_wait3A_84 = arith.constant 0 : i32
      %dma_wait3A_85 = tpu.memref_slice %arg4[%add3A_66, %dma_wait3A_84] : memref<160000x128xf32, #tpu.memory_space<hbm>> -> memref<8x128xf32, #tpu.memory_space<hbm>>
      %dma_wait3A_86 = arith.constant 0 : i32
      %dma_wait3A_87 = tpu.memref_slice %arg4[%add3A_66, %dma_wait3A_86] : memref<160000x128xf32, #tpu.memory_space<hbm>> -> memref<8x128xf32, #tpu.memory_space<hbm>>
      %dma_wait3A_88 = arith.constant 0 : i32
      %dma_wait3A_89 = arith.constant 0 : i32
      %dma_wait3A_90 = tpu.memref_slice %arg7[%dma_wait3A_88, %dma_wait3A_89] : memref<384x128xf32, #tpu.memory_space<vmem>> -> memref<8x128xf32, #tpu.memory_space<vmem>>
      tpu.wait_dma2 semaphore(%run_scoped3A : memref<!tpu.dma_semaphore, #tpu.memory_space<semaphore_mem>>) src(%dma_wait3A_90 : memref<8x128xf32, #tpu.memory_space<vmem>>) dst(%dma_wait3A_87 : memref<8x128xf32, #tpu.memory_space<hbm>>)
      tpu.yield
    }) : () -> ()
    %dma_wait3A_67 = arith.constant 0 : i32
    %dma_wait3A_68 = tpu.memref_slice %arg4[%multiple_of3A, %dma_wait3A_67] : memref<160000x128xf32, #tpu.memory_space<hbm>> -> memref<384x128xf32, #tpu.memory_space<hbm>>
    %dma_wait3A_69 = arith.constant 0 : i32
    %dma_wait3A_70 = tpu.memref_slice %arg4[%multiple_of3A, %dma_wait3A_69] : memref<160000x128xf32, #tpu.memory_space<hbm>> -> memref<384x128xf32, #tpu.memory_space<hbm>>
    tpu.wait_dma2 semaphore(%arg10 : memref<!tpu.dma_semaphore, #tpu.memory_space<semaphore_mem>>) src(%arg6 : memref<384x128xf32, #tpu.memory_space<vmem>>) dst(%dma_wait3A_70 : memref<384x128xf32, #tpu.memory_space<hbm>>)
    return
  }
}

#map = affine_map<(d0, d1) -> (0, 0)>
#map1 = affine_map<(d0, d1) -> (0)>
module attributes {stable_mosaic.version = 14 : i64} {
  func.func @k(%arg0: i32, %arg1: i32, %arg2: memref<10000x128xf32, #tpu.memory_space<hbm>>, %arg3: memref<160000xi32, #tpu.memory_space<hbm>>, %arg4: memref<160000x128xf32, #tpu.memory_space<hbm>>, %arg5: memref<5000xi32, #tpu.memory_space<vmem>>, %arg6: memref<384x128xf32, #tpu.memory_space<vmem>>, %arg7: memref<384x128xf32, #tpu.memory_space<vmem>>, %arg8: memref<!tpu.dma_semaphore, #tpu.memory_space<semaphore_mem>>, %arg9: memref<!tpu.dma_semaphore, #tpu.memory_space<semaphore_mem>>, %arg10: memref<!tpu.dma_semaphore, #tpu.memory_space<semaphore_mem>>, %arg11: memref<!tpu.dma_semaphore, #tpu.memory_space<semaphore_mem>>) attributes {dimension_semantics = [#tpu.dimension_semantics<core_parallel>, #tpu.dimension_semantics<subcore_parallel>], iteration_bounds = array<i64: 2, 16>, scalar_prefetch = 0 : i64, scratch_operands = 7 : i64, tpu.core_type = #tpu.core_type<sc_vector_subcore>, window_params = [{transform_indices = #map}, {transform_indices = #map1}, {transform_indices = #map}]} {
    %mul3A = arith.constant 2 : i32
    %mul3A_0 = arith.muli %arg1, %mul3A : i32
    %add3A = arith.addi %mul3A_0, %arg0 : i32
    %mul3A_1 = arith.constant 5000 : i32
    %mul3A_2 = arith.muli %add3A, %mul3A_1 : i32
    %multiple_of3A = tpu.assume_multiple %mul3A_2, 8 : i32
    "tpu.region"() ({
      %run_scoped3A = tpu.sem_alloc : memref<!tpu.dma_semaphore, #tpu.memory_space<semaphore_mem>>
      %dma_start3A_71 = tpu.memref_slice %arg3[%multiple_of3A] : memref<160000xi32, #tpu.memory_space<hbm>> -> memref<5000xi32, #tpu.memory_space<hbm>>
      %dma_start3A_72 = tpu.memref_slice %arg3[%multiple_of3A] : memref<160000xi32, #tpu.memory_space<hbm>> -> memref<5000xi32, #tpu.memory_space<hbm>>
      tpu.enqueue_dma source(%dma_start3A_72 : memref<5000xi32, #tpu.memory_space<hbm>>) target(%arg5 : memref<5000xi32, #tpu.memory_space<vmem>>) target_semaphore(%run_scoped3A : memref<!tpu.dma_semaphore, #tpu.memory_space<semaphore_mem>>)
      %dma_wait3A_73 = tpu.memref_slice %arg3[%multiple_of3A] : memref<160000xi32, #tpu.memory_space<hbm>> -> memref<5000xi32, #tpu.memory_space<hbm>>
      %dma_wait3A_74 = tpu.memref_slice %arg3[%multiple_of3A] : memref<160000xi32, #tpu.memory_space<hbm>> -> memref<5000xi32, #tpu.memory_space<hbm>>
      tpu.wait_dma2 semaphore(%run_scoped3A : memref<!tpu.dma_semaphore, #tpu.memory_space<semaphore_mem>>) src(%dma_wait3A_74 : memref<5000xi32, #tpu.memory_space<hbm>>) dst(%arg5 : memref<5000xi32, #tpu.memory_space<vmem>>)
      tpu.yield
    }) : () -> ()
    %multiple_of3A_3 = arith.constant 0 : i32
    %multiple_of3A_4 = tpu.assume_multiple %multiple_of3A_3, 8 : i32
    %add3A_5 = arith.constant 0 : i32
    %add3A_6 = arith.addi %multiple_of3A_4, %add3A_5 : i32
    %dma_start3A = arith.constant 0 : i32
    %dma_start3A_7 = arith.constant 0 : i32
    %dma_start3A_8 = tpu.memref_slice %arg6[%dma_start3A, %dma_start3A_7] : memref<384x128xf32, #tpu.memory_space<vmem>> -> memref<128x128xf32, #tpu.memory_space<vmem>>
    %dma_start3A_9 = tpu.memref_slice %arg5[%add3A_6] : memref<5000xi32, #tpu.memory_space<vmem>> -> memref<128xi32, #tpu.memory_space<vmem>>
    %dma_start3A_10 = arith.constant 0 : i32
    %dma_start3A_11 = arith.constant 0 : i32
    %dma_start3A_12 = tpu.memref_slice %arg2[%dma_start3A_10, %dma_start3A_11] : memref<10000x128xf32, #tpu.memory_space<hbm>> -> memref<10000x128xf32, #tpu.memory_space<hbm>>
    tpu.enqueue_indirect_dma source(%dma_start3A_12 : memref<10000x128xf32, #tpu.memory_space<hbm>>) target(%dma_start3A_8 : memref<128x128xf32, #tpu.memory_space<vmem>>) offsets(%dma_start3A_9 : memref<128xi32, #tpu.memory_space<vmem>>) semaphore(%arg8 : memref<!tpu.dma_semaphore, #tpu.memory_space<semaphore_mem>>)
    %add3A_13 = arith.constant 128 : i32
    %add3A_14 = arith.addi %multiple_of3A_4, %add3A_13 : i32
    %dma_start3A_15 = arith.constant 128 : i32
    %dma_start3A_16 = arith.constant 0 : i32
    %dma_start3A_17 = tpu.memref_slice %arg6[%dma_start3A_15, %dma_start3A_16] : memref<384x128xf32, #tpu.memory_space<vmem>> -> memref<128x128xf32, #tpu.memory_space<vmem>>
    %dma_start3A_18 = tpu.memref_slice %arg5[%add3A_14] : memref<5000xi32, #tpu.memory_space<vmem>> -> memref<128xi32, #tpu.memory_space<vmem>>
    %dma_start3A_19 = arith.constant 0 : i32
    %dma_start3A_20 = arith.constant 0 : i32
    %dma_start3A_21 = tpu.memref_slice %arg2[%dma_start3A_19, %dma_start3A_20] : memref<10000x128xf32, #tpu.memory_space<hbm>> -> memref<10000x128xf32, #tpu.memory_space<hbm>>
    tpu.enqueue_indirect_dma source(%dma_start3A_21 : memref<10000x128xf32, #tpu.memory_space<hbm>>) target(%dma_start3A_17 : memref<128x128xf32, #tpu.memory_space<vmem>>) offsets(%dma_start3A_18 : memref<128xi32, #tpu.memory_space<vmem>>) semaphore(%arg8 : memref<!tpu.dma_semaphore, #tpu.memory_space<semaphore_mem>>)
    %add3A_22 = arith.constant 256 : i32
    %add3A_23 = arith.addi %multiple_of3A_4, %add3A_22 : i32
    %dma_start3A_24 = arith.constant 256 : i32
    %dma_start3A_25 = arith.constant 0 : i32
    %dma_start3A_26 = tpu.memref_slice %arg6[%dma_start3A_24, %dma_start3A_25] : memref<384x128xf32, #tpu.memory_space<vmem>> -> memref<128x128xf32, #tpu.memory_space<vmem>>
    %dma_start3A_27 = tpu.memref_slice %arg5[%add3A_23] : memref<5000xi32, #tpu.memory_space<vmem>> -> memref<128xi32, #tpu.memory_space<vmem>>
    %dma_start3A_28 = arith.constant 0 : i32
    %dma_start3A_29 = arith.constant 0 : i32
    %dma_start3A_30 = tpu.memref_slice %arg2[%dma_start3A_28, %dma_start3A_29] : memref<10000x128xf32, #tpu.memory_space<hbm>> -> memref<10000x128xf32, #tpu.memory_space<hbm>>
    tpu.enqueue_indirect_dma source(%dma_start3A_30 : memref<10000x128xf32, #tpu.memory_space<hbm>>) target(%dma_start3A_26 : memref<128x128xf32, #tpu.memory_space<vmem>>) offsets(%dma_start3A_27 : memref<128xi32, #tpu.memory_space<vmem>>) semaphore(%arg8 : memref<!tpu.dma_semaphore, #tpu.memory_space<semaphore_mem>>)
    %scan3A = arith.constant 0 : i32
    %scan3A_31 = arith.constant 0 : i32
    %scan3A_32 = arith.constant 6 : i32
    %scan3A_33 = arith.addi %scan3A_31, %scan3A_32 : i32
    %scan3A_34 = arith.constant 1 : i32
    scf.for %scan3A_71 = %scan3A_31 to %scan3A_33 step %scan3A_34  : i32 {
      %mul3A_72 = arith.constant 2 : i32
      %mul3A_73 = arith.muli %mul3A_72, %scan3A_71 : i32
      %dma_wait3A_74 = arith.constant 0 : i32
      %dma_wait3A_75 = tpu.memref_slice %arg4[%multiple_of3A, %dma_wait3A_74] : memref<160000x128xf32, #tpu.memory_space<hbm>> -> memref<384x128xf32, #tpu.memory_space<hbm>>
      %dma_wait3A_76 = arith.constant 0 : i32
      %dma_wait3A_77 = tpu.memref_slice %arg4[%multiple_of3A, %dma_wait3A_76] : memref<160000x128xf32, #tpu.memory_space<hbm>> -> memref<384x128xf32, #tpu.memory_space<hbm>>
      tpu.wait_dma2 semaphore(%arg8 : memref<!tpu.dma_semaphore, #tpu.memory_space<semaphore_mem>>) src(%dma_wait3A_77 : memref<384x128xf32, #tpu.memory_space<hbm>>) dst(%arg6 : memref<384x128xf32, #tpu.memory_space<vmem>>)
      %gt3A = arith.constant 0 : i32
      %gt3A_78 = arith.cmpi sgt, %scan3A_71, %gt3A : i32
      %convert_element_type3A = arith.extui %gt3A_78 : i1 to i32
      %cond3A = arith.constant 0 : i32
      %cond3A_79 = arith.cmpi ne, %convert_element_type3A, %cond3A : i32
      scf.if %cond3A_79 {
        %dma_wait3A_170 = arith.constant 0 : i32
        %dma_wait3A_171 = tpu.memref_slice %arg4[%multiple_of3A, %dma_wait3A_170] : memref<160000x128xf32, #tpu.memory_space<hbm>> -> memref<384x128xf32, #tpu.memory_space<hbm>>
        %dma_wait3A_172 = arith.constant 0 : i32
        %dma_wait3A_173 = tpu.memref_slice %arg4[%multiple_of3A, %dma_wait3A_172] : memref<160000x128xf32, #tpu.memory_space<hbm>> -> memref<384x128xf32, #tpu.memory_space<hbm>>
        tpu.wait_dma2 semaphore(%arg11 : memref<!tpu.dma_semaphore, #tpu.memory_space<semaphore_mem>>) src(%arg7 : memref<384x128xf32, #tpu.memory_space<vmem>>) dst(%dma_wait3A_173 : memref<384x128xf32, #tpu.memory_space<hbm>>)
      } else {
      }
      %add3A_80 = arith.constant 1 : i32
      %add3A_81 = arith.addi %mul3A_73, %add3A_80 : i32
      %mul3A_82 = arith.constant 384 : i32
      %mul3A_83 = arith.muli %add3A_81, %mul3A_82 : i32
      %multiple_of3A_84 = tpu.assume_multiple %mul3A_83, 8 : i32
      %add3A_85 = arith.constant 0 : i32
      %add3A_86 = arith.addi %multiple_of3A_84, %add3A_85 : i32
      %dma_start3A_87 = arith.constant 0 : i32
      %dma_start3A_88 = arith.constant 0 : i32
      %dma_start3A_89 = tpu.memref_slice %arg7[%dma_start3A_87, %dma_start3A_88] : memref<384x128xf32, #tpu.memory_space<vmem>> -> memref<128x128xf32, #tpu.memory_space<vmem>>
      %dma_start3A_90 = tpu.memref_slice %arg5[%add3A_86] : memref<5000xi32, #tpu.memory_space<vmem>> -> memref<128xi32, #tpu.memory_space<vmem>>
      %dma_start3A_91 = arith.constant 0 : i32
      %dma_start3A_92 = arith.constant 0 : i32
      %dma_start3A_93 = tpu.memref_slice %arg2[%dma_start3A_91, %dma_start3A_92] : memref<10000x128xf32, #tpu.memory_space<hbm>> -> memref<10000x128xf32, #tpu.memory_space<hbm>>
      tpu.enqueue_indirect_dma source(%dma_start3A_93 : memref<10000x128xf32, #tpu.memory_space<hbm>>) target(%dma_start3A_89 : memref<128x128xf32, #tpu.memory_space<vmem>>) offsets(%dma_start3A_90 : memref<128xi32, #tpu.memory_space<vmem>>) semaphore(%arg9 : memref<!tpu.dma_semaphore, #tpu.memory_space<semaphore_mem>>)
      %add3A_94 = arith.constant 128 : i32
      %add3A_95 = arith.addi %multiple_of3A_84, %add3A_94 : i32
      %dma_start3A_96 = arith.constant 128 : i32
      %dma_start3A_97 = arith.constant 0 : i32
      %dma_start3A_98 = tpu.memref_slice %arg7[%dma_start3A_96, %dma_start3A_97] : memref<384x128xf32, #tpu.memory_space<vmem>> -> memref<128x128xf32, #tpu.memory_space<vmem>>
      %dma_start3A_99 = tpu.memref_slice %arg5[%add3A_95] : memref<5000xi32, #tpu.memory_space<vmem>> -> memref<128xi32, #tpu.memory_space<vmem>>
      %dma_start3A_100 = arith.constant 0 : i32
      %dma_start3A_101 = arith.constant 0 : i32
      %dma_start3A_102 = tpu.memref_slice %arg2[%dma_start3A_100, %dma_start3A_101] : memref<10000x128xf32, #tpu.memory_space<hbm>> -> memref<10000x128xf32, #tpu.memory_space<hbm>>
      tpu.enqueue_indirect_dma source(%dma_start3A_102 : memref<10000x128xf32, #tpu.memory_space<hbm>>) target(%dma_start3A_98 : memref<128x128xf32, #tpu.memory_space<vmem>>) offsets(%dma_start3A_99 : memref<128xi32, #tpu.memory_space<vmem>>) semaphore(%arg9 : memref<!tpu.dma_semaphore, #tpu.memory_space<semaphore_mem>>)
      %add3A_103 = arith.constant 256 : i32
      %add3A_104 = arith.addi %multiple_of3A_84, %add3A_103 : i32
      %dma_start3A_105 = arith.constant 256 : i32
      %dma_start3A_106 = arith.constant 0 : i32
      %dma_start3A_107 = tpu.memref_slice %arg7[%dma_start3A_105, %dma_start3A_106] : memref<384x128xf32, #tpu.memory_space<vmem>> -> memref<128x128xf32, #tpu.memory_space<vmem>>
      %dma_start3A_108 = tpu.memref_slice %arg5[%add3A_104] : memref<5000xi32, #tpu.memory_space<vmem>> -> memref<128xi32, #tpu.memory_space<vmem>>
      %dma_start3A_109 = arith.constant 0 : i32
      %dma_start3A_110 = arith.constant 0 : i32
      %dma_start3A_111 = tpu.memref_slice %arg2[%dma_start3A_109, %dma_start3A_110] : memref<10000x128xf32, #tpu.memory_space<hbm>> -> memref<10000x128xf32, #tpu.memory_space<hbm>>
      tpu.enqueue_indirect_dma source(%dma_start3A_111 : memref<10000x128xf32, #tpu.memory_space<hbm>>) target(%dma_start3A_107 : memref<128x128xf32, #tpu.memory_space<vmem>>) offsets(%dma_start3A_108 : memref<128xi32, #tpu.memory_space<vmem>>) semaphore(%arg9 : memref<!tpu.dma_semaphore, #tpu.memory_space<semaphore_mem>>)
      %mul3A_112 = arith.constant 384 : i32
      %mul3A_113 = arith.muli %mul3A_73, %mul3A_112 : i32
      %multiple_of3A_114 = tpu.assume_multiple %mul3A_113, 8 : i32
      %add3A_115 = arith.addi %multiple_of3A, %multiple_of3A_114 : i32
      %dma_start3A_116 = arith.constant 0 : i32
      %dma_start3A_117 = tpu.memref_slice %arg4[%add3A_115, %dma_start3A_116] : memref<160000x128xf32, #tpu.memory_space<hbm>> -> memref<384x128xf32, #tpu.memory_space<hbm>>
      %dma_start3A_118 = arith.constant 0 : i32
      %dma_start3A_119 = tpu.memref_slice %arg4[%add3A_115, %dma_start3A_118] : memref<160000x128xf32, #tpu.memory_space<hbm>> -> memref<384x128xf32, #tpu.memory_space<hbm>>
      tpu.enqueue_dma source(%arg6 : memref<384x128xf32, #tpu.memory_space<vmem>>) target(%dma_start3A_119 : memref<384x128xf32, #tpu.memory_space<hbm>>) target_semaphore(%arg10 : memref<!tpu.dma_semaphore, #tpu.memory_space<semaphore_mem>>)
      %dma_wait3A_120 = arith.constant 0 : i32
      %dma_wait3A_121 = tpu.memref_slice %arg4[%multiple_of3A, %dma_wait3A_120] : memref<160000x128xf32, #tpu.memory_space<hbm>> -> memref<384x128xf32, #tpu.memory_space<hbm>>
      %dma_wait3A_122 = arith.constant 0 : i32
      %dma_wait3A_123 = tpu.memref_slice %arg4[%multiple_of3A, %dma_wait3A_122] : memref<160000x128xf32, #tpu.memory_space<hbm>> -> memref<384x128xf32, #tpu.memory_space<hbm>>
      tpu.wait_dma2 semaphore(%arg9 : memref<!tpu.dma_semaphore, #tpu.memory_space<semaphore_mem>>) src(%dma_wait3A_123 : memref<384x128xf32, #tpu.memory_space<hbm>>) dst(%arg7 : memref<384x128xf32, #tpu.memory_space<vmem>>)
      %dma_wait3A_124 = arith.constant 0 : i32
      %dma_wait3A_125 = tpu.memref_slice %arg4[%multiple_of3A, %dma_wait3A_124] : memref<160000x128xf32, #tpu.memory_space<hbm>> -> memref<384x128xf32, #tpu.memory_space<hbm>>
      %dma_wait3A_126 = arith.constant 0 : i32
      %dma_wait3A_127 = tpu.memref_slice %arg4[%multiple_of3A, %dma_wait3A_126] : memref<160000x128xf32, #tpu.memory_space<hbm>> -> memref<384x128xf32, #tpu.memory_space<hbm>>
      tpu.wait_dma2 semaphore(%arg10 : memref<!tpu.dma_semaphore, #tpu.memory_space<semaphore_mem>>) src(%arg6 : memref<384x128xf32, #tpu.memory_space<vmem>>) dst(%dma_wait3A_127 : memref<384x128xf32, #tpu.memory_space<hbm>>)
      %add3A_128 = arith.constant 2 : i32
      %add3A_129 = arith.addi %mul3A_73, %add3A_128 : i32
      %mul3A_130 = arith.constant 384 : i32
      %mul3A_131 = arith.muli %add3A_129, %mul3A_130 : i32
      %multiple_of3A_132 = tpu.assume_multiple %mul3A_131, 8 : i32
      %add3A_133 = arith.constant 0 : i32
      %add3A_134 = arith.addi %multiple_of3A_132, %add3A_133 : i32
      %dma_start3A_135 = arith.constant 0 : i32
      %dma_start3A_136 = arith.constant 0 : i32
      %dma_start3A_137 = tpu.memref_slice %arg6[%dma_start3A_135, %dma_start3A_136] : memref<384x128xf32, #tpu.memory_space<vmem>> -> memref<128x128xf32, #tpu.memory_space<vmem>>
      %dma_start3A_138 = tpu.memref_slice %arg5[%add3A_134] : memref<5000xi32, #tpu.memory_space<vmem>> -> memref<128xi32, #tpu.memory_space<vmem>>
      %dma_start3A_139 = arith.constant 0 : i32
      %dma_start3A_140 = arith.constant 0 : i32
      %dma_start3A_141 = tpu.memref_slice %arg2[%dma_start3A_139, %dma_start3A_140] : memref<10000x128xf32, #tpu.memory_space<hbm>> -> memref<10000x128xf32, #tpu.memory_space<hbm>>
      tpu.enqueue_indirect_dma source(%dma_start3A_141 : memref<10000x128xf32, #tpu.memory_space<hbm>>) target(%dma_start3A_137 : memref<128x128xf32, #tpu.memory_space<vmem>>) offsets(%dma_start3A_138 : memref<128xi32, #tpu.memory_space<vmem>>) semaphore(%arg8 : memref<!tpu.dma_semaphore, #tpu.memory_space<semaphore_mem>>)
      %add3A_142 = arith.constant 128 : i32
      %add3A_143 = arith.addi %multiple_of3A_132, %add3A_142 : i32
      %dma_start3A_144 = arith.constant 128 : i32
      %dma_start3A_145 = arith.constant 0 : i32
      %dma_start3A_146 = tpu.memref_slice %arg6[%dma_start3A_144, %dma_start3A_145] : memref<384x128xf32, #tpu.memory_space<vmem>> -> memref<128x128xf32, #tpu.memory_space<vmem>>
      %dma_start3A_147 = tpu.memref_slice %arg5[%add3A_143] : memref<5000xi32, #tpu.memory_space<vmem>> -> memref<128xi32, #tpu.memory_space<vmem>>
      %dma_start3A_148 = arith.constant 0 : i32
      %dma_start3A_149 = arith.constant 0 : i32
      %dma_start3A_150 = tpu.memref_slice %arg2[%dma_start3A_148, %dma_start3A_149] : memref<10000x128xf32, #tpu.memory_space<hbm>> -> memref<10000x128xf32, #tpu.memory_space<hbm>>
      tpu.enqueue_indirect_dma source(%dma_start3A_150 : memref<10000x128xf32, #tpu.memory_space<hbm>>) target(%dma_start3A_146 : memref<128x128xf32, #tpu.memory_space<vmem>>) offsets(%dma_start3A_147 : memref<128xi32, #tpu.memory_space<vmem>>) semaphore(%arg8 : memref<!tpu.dma_semaphore, #tpu.memory_space<semaphore_mem>>)
      %add3A_151 = arith.constant 256 : i32
      %add3A_152 = arith.addi %multiple_of3A_132, %add3A_151 : i32
      %dma_start3A_153 = arith.constant 256 : i32
      %dma_start3A_154 = arith.constant 0 : i32
      %dma_start3A_155 = tpu.memref_slice %arg6[%dma_start3A_153, %dma_start3A_154] : memref<384x128xf32, #tpu.memory_space<vmem>> -> memref<128x128xf32, #tpu.memory_space<vmem>>
      %dma_start3A_156 = tpu.memref_slice %arg5[%add3A_152] : memref<5000xi32, #tpu.memory_space<vmem>> -> memref<128xi32, #tpu.memory_space<vmem>>
      %dma_start3A_157 = arith.constant 0 : i32
      %dma_start3A_158 = arith.constant 0 : i32
      %dma_start3A_159 = tpu.memref_slice %arg2[%dma_start3A_157, %dma_start3A_158] : memref<10000x128xf32, #tpu.memory_space<hbm>> -> memref<10000x128xf32, #tpu.memory_space<hbm>>
      tpu.enqueue_indirect_dma source(%dma_start3A_159 : memref<10000x128xf32, #tpu.memory_space<hbm>>) target(%dma_start3A_155 : memref<128x128xf32, #tpu.memory_space<vmem>>) offsets(%dma_start3A_156 : memref<128xi32, #tpu.memory_space<vmem>>) semaphore(%arg8 : memref<!tpu.dma_semaphore, #tpu.memory_space<semaphore_mem>>)
      %add3A_160 = arith.constant 1 : i32
      %add3A_161 = arith.addi %mul3A_73, %add3A_160 : i32
      %mul3A_162 = arith.constant 384 : i32
      %mul3A_163 = arith.muli %add3A_161, %mul3A_162 : i32
      %multiple_of3A_164 = tpu.assume_multiple %mul3A_163, 8 : i32
      %add3A_165 = arith.addi %multiple_of3A, %multiple_of3A_164 : i32
      %dma_start3A_166 = arith.constant 0 : i32
      %dma_start3A_167 = tpu.memref_slice %arg4[%add3A_165, %dma_start3A_166] : memref<160000x128xf32, #tpu.memory_space<hbm>> -> memref<384x128xf32, #tpu.memory_space<hbm>>
      %dma_start3A_168 = arith.constant 0 : i32
      %dma_start3A_169 = tpu.memref_slice %arg4[%add3A_165, %dma_start3A_168] : memref<160000x128xf32, #tpu.memory_space<hbm>> -> memref<384x128xf32, #tpu.memory_space<hbm>>
      tpu.enqueue_dma source(%arg7 : memref<384x128xf32, #tpu.memory_space<vmem>>) target(%dma_start3A_169 : memref<384x128xf32, #tpu.memory_space<hbm>>) target_semaphore(%arg11 : memref<!tpu.dma_semaphore, #tpu.memory_space<semaphore_mem>>)
    }
    %scan3A_35 = arith.constant 6 : i32
    %dma_wait3A = arith.constant 0 : i32
    %dma_wait3A_36 = tpu.memref_slice %arg4[%multiple_of3A, %dma_wait3A] : memref<160000x128xf32, #tpu.memory_space<hbm>> -> memref<384x128xf32, #tpu.memory_space<hbm>>
    %dma_wait3A_37 = arith.constant 0 : i32
    %dma_wait3A_38 = tpu.memref_slice %arg4[%multiple_of3A, %dma_wait3A_37] : memref<160000x128xf32, #tpu.memory_space<hbm>> -> memref<384x128xf32, #tpu.memory_space<hbm>>
    tpu.wait_dma2 semaphore(%arg8 : memref<!tpu.dma_semaphore, #tpu.memory_space<semaphore_mem>>) src(%dma_wait3A_38 : memref<384x128xf32, #tpu.memory_space<hbm>>) dst(%arg6 : memref<384x128xf32, #tpu.memory_space<vmem>>)
    %dma_wait3A_39 = arith.constant 0 : i32
    %dma_wait3A_40 = tpu.memref_slice %arg4[%multiple_of3A, %dma_wait3A_39] : memref<160000x128xf32, #tpu.memory_space<hbm>> -> memref<384x128xf32, #tpu.memory_space<hbm>>
    %dma_wait3A_41 = arith.constant 0 : i32
    %dma_wait3A_42 = tpu.memref_slice %arg4[%multiple_of3A, %dma_wait3A_41] : memref<160000x128xf32, #tpu.memory_space<hbm>> -> memref<384x128xf32, #tpu.memory_space<hbm>>
    tpu.wait_dma2 semaphore(%arg11 : memref<!tpu.dma_semaphore, #tpu.memory_space<semaphore_mem>>) src(%arg7 : memref<384x128xf32, #tpu.memory_space<vmem>>) dst(%dma_wait3A_42 : memref<384x128xf32, #tpu.memory_space<hbm>>)
    %multiple_of3A_43 = arith.constant 4608 : i32
    %multiple_of3A_44 = tpu.assume_multiple %multiple_of3A_43, 8 : i32
    %add3A_45 = arith.addi %multiple_of3A, %multiple_of3A_44 : i32
    %dma_start3A_46 = arith.constant 0 : i32
    %dma_start3A_47 = tpu.memref_slice %arg4[%add3A_45, %dma_start3A_46] : memref<160000x128xf32, #tpu.memory_space<hbm>> -> memref<384x128xf32, #tpu.memory_space<hbm>>
    %dma_start3A_48 = arith.constant 0 : i32
    %dma_start3A_49 = tpu.memref_slice %arg4[%add3A_45, %dma_start3A_48] : memref<160000x128xf32, #tpu.memory_space<hbm>> -> memref<384x128xf32, #tpu.memory_space<hbm>>
    tpu.enqueue_dma source(%arg6 : memref<384x128xf32, #tpu.memory_space<vmem>>) target(%dma_start3A_49 : memref<384x128xf32, #tpu.memory_space<hbm>>) target_semaphore(%arg10 : memref<!tpu.dma_semaphore, #tpu.memory_space<semaphore_mem>>)
    %multiple_of3A_50 = arith.constant 4992 : i32
    %multiple_of3A_51 = tpu.assume_multiple %multiple_of3A_50, 8 : i32
    %dma_start3A_52 = arith.constant 0 : i32
    %dma_start3A_53 = arith.constant 0 : i32
    %dma_start3A_54 = tpu.memref_slice %arg7[%dma_start3A_52, %dma_start3A_53] : memref<384x128xf32, #tpu.memory_space<vmem>> -> memref<8x128xf32, #tpu.memory_space<vmem>>
    %dma_start3A_55 = tpu.memref_slice %arg5[%multiple_of3A_51] : memref<5000xi32, #tpu.memory_space<vmem>> -> memref<8xi32, #tpu.memory_space<vmem>>
    %dma_start3A_56 = arith.constant 0 : i32
    %dma_start3A_57 = arith.constant 0 : i32
    %dma_start3A_58 = tpu.memref_slice %arg2[%dma_start3A_56, %dma_start3A_57] : memref<10000x128xf32, #tpu.memory_space<hbm>> -> memref<10000x128xf32, #tpu.memory_space<hbm>>
    tpu.enqueue_indirect_dma source(%dma_start3A_58 : memref<10000x128xf32, #tpu.memory_space<hbm>>) target(%dma_start3A_54 : memref<8x128xf32, #tpu.memory_space<vmem>>) offsets(%dma_start3A_55 : memref<8xi32, #tpu.memory_space<vmem>>) semaphore(%arg9 : memref<!tpu.dma_semaphore, #tpu.memory_space<semaphore_mem>>)
    %dma_wait3A_59 = arith.constant 0 : i32
    %dma_wait3A_60 = arith.constant 0 : i32
    %dma_wait3A_61 = tpu.memref_slice %arg7[%dma_wait3A_59, %dma_wait3A_60] : memref<384x128xf32, #tpu.memory_space<vmem>> -> memref<8x128xf32, #tpu.memory_space<vmem>>
    %dma_wait3A_62 = tpu.memref_slice %arg5[%multiple_of3A_51] : memref<5000xi32, #tpu.memory_space<vmem>> -> memref<8xi32, #tpu.memory_space<vmem>>
    %dma_wait3A_63 = arith.constant 0 : i32
    %dma_wait3A_64 = arith.constant 0 : i32
    %dma_wait3A_65 = tpu.memref_slice %arg2[%dma_wait3A_63, %dma_wait3A_64] : memref<10000x128xf32, #tpu.memory_space<hbm>> -> memref<10000x128xf32, #tpu.memory_space<hbm>>
    tpu.wait_indirect_dma semaphore(%arg9 : memref<!tpu.dma_semaphore, #tpu.memory_space<semaphore_mem>>) src(%dma_wait3A_65 : memref<10000x128xf32, #tpu.memory_space<hbm>>) dst(%dma_wait3A_61 : memref<8x128xf32, #tpu.memory_space<vmem>>)
    %add3A_66 = arith.addi %multiple_of3A, %multiple_of3A_51 : i32
    "tpu.region"() ({
      %run_scoped3A = tpu.sem_alloc : memref<!tpu.dma_semaphore, #tpu.memory_space<semaphore_mem>>
      %dma_start3A_71 = arith.constant 0 : i32
      %dma_start3A_72 = arith.constant 0 : i32
      %dma_start3A_73 = tpu.memref_slice %arg7[%dma_start3A_71, %dma_start3A_72] : memref<384x128xf32, #tpu.memory_space<vmem>> -> memref<8x128xf32, #tpu.memory_space<vmem>>
      %dma_start3A_74 = arith.constant 0 : i32
      %dma_start3A_75 = tpu.memref_slice %arg4[%add3A_66, %dma_start3A_74] : memref<160000x128xf32, #tpu.memory_space<hbm>> -> memref<8x128xf32, #tpu.memory_space<hbm>>
      %dma_start3A_76 = arith.constant 0 : i32
      %dma_start3A_77 = tpu.memref_slice %arg4[%add3A_66, %dma_start3A_76] : memref<160000x128xf32, #tpu.memory_space<hbm>> -> memref<8x128xf32, #tpu.memory_space<hbm>>
      %dma_start3A_78 = arith.constant 0 : i32
      %dma_start3A_79 = arith.constant 0 : i32
      %dma_start3A_80 = tpu.memref_slice %arg7[%dma_start3A_78, %dma_start3A_79] : memref<384x128xf32, #tpu.memory_space<vmem>> -> memref<8x128xf32, #tpu.memory_space<vmem>>
      tpu.enqueue_dma source(%dma_start3A_80 : memref<8x128xf32, #tpu.memory_space<vmem>>) target(%dma_start3A_77 : memref<8x128xf32, #tpu.memory_space<hbm>>) target_semaphore(%run_scoped3A : memref<!tpu.dma_semaphore, #tpu.memory_space<semaphore_mem>>)
      %dma_wait3A_81 = arith.constant 0 : i32
      %dma_wait3A_82 = arith.constant 0 : i32
      %dma_wait3A_83 = tpu.memref_slice %arg7[%dma_wait3A_81, %dma_wait3A_82] : memref<384x128xf32, #tpu.memory_space<vmem>> -> memref<8x128xf32, #tpu.memory_space<vmem>>
      %dma_wait3A_84 = arith.constant 0 : i32
      %dma_wait3A_85 = tpu.memref_slice %arg4[%add3A_66, %dma_wait3A_84] : memref<160000x128xf32, #tpu.memory_space<hbm>> -> memref<8x128xf32, #tpu.memory_space<hbm>>
      %dma_wait3A_86 = arith.constant 0 : i32
      %dma_wait3A_87 = tpu.memref_slice %arg4[%add3A_66, %dma_wait3A_86] : memref<160000x128xf32, #tpu.memory_space<hbm>> -> memref<8x128xf32, #tpu.memory_space<hbm>>
      %dma_wait3A_88 = arith.constant 0 : i32
      %dma_wait3A_89 = arith.constant 0 : i32
      %dma_wait3A_90 = tpu.memref_slice %arg7[%dma_wait3A_88, %dma_wait3A_89] : memref<384x128xf32, #tpu.memory_space<vmem>> -> memref<8x128xf32, #tpu.memory_space<vmem>>
      tpu.wait_dma2 semaphore(%run_scoped3A : memref<!tpu.dma_semaphore, #tpu.memory_space<semaphore_mem>>) src(%dma_wait3A_90 : memref<8x128xf32, #tpu.memory_space<vmem>>) dst(%dma_wait3A_87 : memref<8x128xf32, #tpu.memory_space<hbm>>)
      tpu.yield
    }) : () -> ()
    %dma_wait3A_67 = arith.constant 0 : i32
    %dma_wait3A_68 = tpu.memref_slice %arg4[%multiple_of3A, %dma_wait3A_67] : memref<160000x128xf32, #tpu.memory_space<hbm>> -> memref<384x128xf32, #tpu.memory_space<hbm>>
    %dma_wait3A_69 = arith.constant 0 : i32
    %dma_wait3A_70 = tpu.memref_slice %arg4[%multiple_of3A, %dma_wait3A_69] : memref<160000x128xf32, #tpu.memory_space<hbm>> -> memref<384x128xf32, #tpu.memory_space<hbm>>
    tpu.wait_dma2 semaphore(%arg10 : memref<!tpu.dma_semaphore, #tpu.memory_space<semaphore_mem>>) src(%arg6 : memref<384x128xf32, #tpu.memory_space<vmem>>) dst(%dma_wait3A_70 : memref<384x128xf32, #tpu.memory_space<hbm>>)
    return
  }
}

module attributes {stable_mosaic.version = 14 : i64} {
  func.func @_mod_body(%arg0: i32, %arg1: memref<1x64xf32, #tpu.memory_space<vmem>>, %arg2: memref<128x1792xf32, #tpu.memory_space<vmem>>, %arg3: memref<1x1792xf32, #tpu.memory_space<vmem>>, %arg4: memref<1x1792xf32, #tpu.memory_space<vmem>>) attributes {dimension_semantics = [#tpu.dimension_semantics<arbitrary>], iteration_bounds = array<i64: 1>, scalar_prefetch = 0 : i64, scratch_operands = 0 : i64, tpu.core_type = #tpu.core_type<tc>, window_params = [{pipeline_mode = #tpu.pipeline_mode<synchronous>, transform_indices = @transform_0, window_bounds = array<i64: 1, 64>}, {pipeline_mode = #tpu.pipeline_mode<synchronous>, transform_indices = @transform_1, window_bounds = array<i64: 128, 1792>}, {pipeline_mode = #tpu.pipeline_mode<synchronous>, transform_indices = @transform_2, window_bounds = array<i64: 1, 1792>}, {pipeline_mode = #tpu.pipeline_mode<synchronous>, transform_indices = @transform_3, window_bounds = array<i64: 1, 1792>}]} {
    %get3A = arith.constant 0 : index
    %get3A_0 = arith.constant 0 : index
    %get3A_1 = vector.load %arg1[%get3A, %get3A_0] : memref<1x64xf32, #tpu.memory_space<vmem>>, vector<1x64xf32>
    %sin3A = math.sin %get3A_1 : vector<1x64xf32>
    %get3A_2 = arith.constant 0 : index
    %get3A_3 = arith.constant 0 : index
    %get3A_4 = vector.load %arg1[%get3A_2, %get3A_3] : memref<1x64xf32, #tpu.memory_space<vmem>>, vector<1x64xf32>
    %cos3A = math.cos %get3A_4 : vector<1x64xf32>
    %concatenate3A = tpu.concatenate %sin3A, %cos3A in 1 : vector<1x64xf32>, vector<1x64xf32> -> vector<1x128xf32>
    %get3A_5 = arith.constant 0 : index
    %get3A_6 = arith.constant 0 : index
    %get3A_7 = vector.load %arg2[%get3A_5, %get3A_6] : memref<128x1792xf32, #tpu.memory_space<vmem>>, vector<128x1792xf32>
    %dot_general3A = arith.constant dense<0.000000e+00> : vector<1x1792xf32>
    %dot_general3A_8 = tpu.matmul %concatenate3A, %get3A_7, %dot_general3A {dimension_numbers = #tpu.dot_dimension_numbers<[1], [0], [0], [1], [0, 0, 1, 1], [], []>, transpose_lhs_hint = false} : vector<1x128xf32>, vector<128x1792xf32>, vector<1x1792xf32> -> vector<1x1792xf32>
    %get3A_9 = arith.constant 0 : index
    %get3A_10 = arith.constant 0 : index
    %get3A_11 = vector.load %arg3[%get3A_9, %get3A_10] : memref<1x1792xf32, #tpu.memory_space<vmem>>, vector<1x1792xf32>
    %add3A = arith.addf %dot_general3A_8, %get3A_11 : vector<1x1792xf32>
    %swap3A = arith.constant 0 : index
    %swap3A_12 = arith.constant 0 : index
    %swap3A_13 = vector.load %arg4[%swap3A, %swap3A_12] : memref<1x1792xf32, #tpu.memory_space<vmem>>, vector<1x1792xf32>
    tpu.vector_store %arg4[%swap3A, %swap3A_12], %add3A {strides = array<i32>} : memref<1x1792xf32, #tpu.memory_space<vmem>>, vector<1x1792xf32>,
    return
  }
  func.func @transform_0(%arg0: i32) -> (i32, i32) {
    %c0_i32 = arith.constant 0 : i32
    %c0_i32_0 = arith.constant 0 : i32
    %c0_i32_1 = arith.constant 0 : i32
    return %c0_i32, %c0_i32_0 : i32, i32
  }
  func.func @transform_1(%arg0: i32) -> (i32, i32) {
    %c0_i32 = arith.constant 0 : i32
    %c0_i32_0 = arith.constant 0 : i32
    %c0_i32_1 = arith.constant 0 : i32
    return %c0_i32, %c0_i32_0 : i32, i32
  }
  func.func @transform_2(%arg0: i32) -> (i32, i32) {
    %c0_i32 = arith.constant 0 : i32
    %c0_i32_0 = arith.constant 0 : i32
    %c0_i32_1 = arith.constant 0 : i32
    return %c0_i32, %c0_i32_0 : i32, i32
  }
  func.func @transform_3(%arg0: i32) -> (i32, i32) {
    %c0_i32 = arith.constant 0 : i32
    %c0_i32_0 = arith.constant 0 : i32
    %c0_i32_1 = arith.constant 0 : i32
    return %c0_i32, %c0_i32_0 : i32, i32
  }
}

module attributes {stable_mosaic.version = 14 : i64} {
  func.func @_pre_body(%arg0: i32, %arg1: memref<400x128xf32, #tpu.memory_space<vmem>>, %arg2: memref<400x128xf32, #tpu.memory_space<vmem>>, %arg3: memref<128x128xf32, #tpu.memory_space<vmem>>, %arg4: memref<128x128xf32, #tpu.memory_space<vmem>>, %arg5: memref<1x128xf32, #tpu.memory_space<vmem>>, %arg6: memref<128x128xf32, #tpu.memory_space<vmem>>, %arg7: memref<1x128xf32, #tpu.memory_space<vmem>>, %arg8: memref<1x256xf32, #tpu.memory_space<vmem>>, %arg9: memref<128x128xf32, #tpu.memory_space<vmem>>, %arg10: memref<128x128xf32, #tpu.memory_space<vmem>>, %arg11: memref<1x128xf32, #tpu.memory_space<vmem>>, %arg12: memref<400x128xf32, #tpu.memory_space<vmem>>, %arg13: memref<400x128xf32, #tpu.memory_space<vmem>>, %arg14: memref<400x128xf32, #tpu.memory_space<vmem>>) attributes {dimension_semantics = [#tpu.dimension_semantics<arbitrary>], iteration_bounds = array<i64: 25>, scalar_prefetch = 0 : i64, scratch_operands = 0 : i64, tpu.core_type = #tpu.core_type<tc>, window_params = [{transform_indices = @transform_0, window_bounds = array<i64: 400, 128>}, {transform_indices = @transform_1, window_bounds = array<i64: 400, 128>}, {pipeline_mode = #tpu.pipeline_mode<synchronous>, transform_indices = @transform_2, window_bounds = array<i64: 128, 128>}, {pipeline_mode = #tpu.pipeline_mode<synchronous>, transform_indices = @transform_3, window_bounds = array<i64: 128, 128>}, {pipeline_mode = #tpu.pipeline_mode<synchronous>, transform_indices = @transform_4, window_bounds = array<i64: 1, 128>}, {pipeline_mode = #tpu.pipeline_mode<synchronous>, transform_indices = @transform_5, window_bounds = array<i64: 128, 128>}, {pipeline_mode = #tpu.pipeline_mode<synchronous>, transform_indices = @transform_6, window_bounds = array<i64: 1, 128>}, {pipeline_mode = #tpu.pipeline_mode<synchronous>, transform_indices = @transform_7, window_bounds = array<i64: 1, 256>}, {pipeline_mode = #tpu.pipeline_mode<synchronous>, transform_indices = @transform_8, window_bounds = array<i64: 128, 128>}, {pipeline_mode = #tpu.pipeline_mode<synchronous>, transform_indices = @transform_9, window_bounds = array<i64: 128, 128>}, {pipeline_mode = #tpu.pipeline_mode<synchronous>, transform_indices = @transform_10, window_bounds = array<i64: 1, 128>}, {transform_indices = @transform_11, window_bounds = array<i64: 400, 128>}, {transform_indices = @transform_12, window_bounds = array<i64: 400, 128>}, {transform_indices = @transform_13, window_bounds = array<i64: 400, 128>}]} {
    %get3A = arith.constant 0 : index
    %get3A_0 = arith.constant 0 : index
    %get3A_1 = vector.load %arg1[%get3A, %get3A_0] : memref<400x128xf32, #tpu.memory_space<vmem>>, vector<400x128xf32>
    %get3A_2 = arith.constant 0 : index
    %get3A_3 = arith.constant 0 : index
    %get3A_4 = vector.load %arg2[%get3A_2, %get3A_3] : memref<400x128xf32, #tpu.memory_space<vmem>>, vector<400x128xf32>
    %get3A_5 = arith.constant 0 : index
    %get3A_6 = arith.constant 0 : index
    %get3A_7 = vector.load %arg3[%get3A_5, %get3A_6] : memref<128x128xf32, #tpu.memory_space<vmem>>, vector<128x128xf32>
    %dot_general3A = arith.constant dense<0.000000e+00> : vector<400x128xf32>
    %dot_general3A_8 = tpu.matmul %get3A_1, %get3A_7, %dot_general3A {dimension_numbers = #tpu.dot_dimension_numbers<[1], [0], [0], [1], [0, 0, 1, 1], [], []>, transpose_lhs_hint = false} : vector<400x128xf32>, vector<128x128xf32>, vector<400x128xf32> -> vector<400x128xf32>
    %get3A_9 = arith.constant 0 : index
    %get3A_10 = arith.constant 0 : index
    %get3A_11 = vector.load %arg4[%get3A_9, %get3A_10] : memref<128x128xf32, #tpu.memory_space<vmem>>, vector<128x128xf32>
    %dot_general3A_12 = arith.constant dense<0.000000e+00> : vector<400x128xf32>
    %dot_general3A_13 = tpu.matmul %get3A_4, %get3A_11, %dot_general3A_12 {dimension_numbers = #tpu.dot_dimension_numbers<[1], [0], [0], [1], [0, 0, 1, 1], [], []>, transpose_lhs_hint = false} : vector<400x128xf32>, vector<128x128xf32>, vector<400x128xf32> -> vector<400x128xf32>
    %add3A = arith.addf %dot_general3A_8, %dot_general3A_13 : vector<400x128xf32>
    %get3A_14 = arith.constant 0 : index
    %get3A_15 = arith.constant 0 : index
    %get3A_16 = vector.load %arg5[%get3A_14, %get3A_15] : memref<1x128xf32, #tpu.memory_space<vmem>>, vector<1x128xf32>
    %add3A_17 = vector.broadcast %get3A_16 : vector<1x128xf32> to vector<400x128xf32>
    %add3A_18 = arith.addf %add3A, %add3A_17 : vector<400x128xf32>
    %integer_pow3A = arith.mulf %add3A_18, %add3A_18 : vector<400x128xf32>
    %integer_pow3A_19 = arith.mulf %add3A_18, %integer_pow3A : vector<400x128xf32>
    %mul3A = arith.constant 4.471500e-02 : f32
    %mul3A_20 = vector.broadcast %mul3A : f32 to vector<400x128xf32>
    %mul3A_21 = arith.mulf %mul3A_20, %integer_pow3A_19 : vector<400x128xf32>
    %add3A_22 = arith.addf %add3A_18, %mul3A_21 : vector<400x128xf32>
    %mul3A_23 = arith.constant 0.797884583 : f32
    %mul3A_24 = vector.broadcast %mul3A_23 : f32 to vector<400x128xf32>
    %mul3A_25 = arith.mulf %mul3A_24, %add3A_22 : vector<400x128xf32>
    %tanh3A = math.tanh %mul3A_25 : vector<400x128xf32>
    %add3A_26 = arith.constant 1.000000e+00 : f32
    %add3A_27 = vector.broadcast %add3A_26 : f32 to vector<400x128xf32>
    %add3A_28 = arith.addf %add3A_27, %tanh3A : vector<400x128xf32>
    %mul3A_29 = arith.constant 5.000000e-01 : f32
    %mul3A_30 = vector.broadcast %mul3A_29 : f32 to vector<400x128xf32>
    %mul3A_31 = arith.mulf %mul3A_30, %add3A_28 : vector<400x128xf32>
    %mul3A_32 = arith.mulf %add3A_18, %mul3A_31 : vector<400x128xf32>
    %get3A_33 = arith.constant 0 : index
    %get3A_34 = arith.constant 0 : index
    %get3A_35 = vector.load %arg6[%get3A_33, %get3A_34] : memref<128x128xf32, #tpu.memory_space<vmem>>, vector<128x128xf32>
    %dot_general3A_36 = arith.constant dense<0.000000e+00> : vector<400x128xf32>
    %dot_general3A_37 = tpu.matmul %mul3A_32, %get3A_35, %dot_general3A_36 {dimension_numbers = #tpu.dot_dimension_numbers<[1], [0], [0], [1], [0, 0, 1, 1], [], []>, transpose_lhs_hint = false} : vector<400x128xf32>, vector<128x128xf32>, vector<400x128xf32> -> vector<400x128xf32>
    %get3A_38 = arith.constant 0 : index
    %get3A_39 = arith.constant 0 : index
    %get3A_40 = vector.load %arg7[%get3A_38, %get3A_39] : memref<1x128xf32, #tpu.memory_space<vmem>>, vector<1x128xf32>
    %add3A_41 = vector.broadcast %get3A_40 : vector<1x128xf32> to vector<400x128xf32>
    %add3A_42 = arith.addf %dot_general3A_37, %add3A_41 : vector<400x128xf32>
    %add3A_43 = arith.addf %get3A_1, %add3A_42 : vector<400x128xf32>
    %get3A_44 = arith.constant 0 : index
    %get3A_45 = arith.constant 0 : index
    %get3A_46 = vector.load %arg8[%get3A_44, %get3A_45] : memref<1x256xf32, #tpu.memory_space<vmem>>, vector<1x256xf32>
    %slice3A = vector.extract_strided_slice %get3A_46 {offsets = [0, 0], sizes = [1, 128], strides = [1, 1]} : vector<1x256xf32> to vector<1x128xf32>
    %slice3A_47 = vector.extract_strided_slice %get3A_46 {offsets = [0, 128], sizes = [1, 128], strides = [1, 1]} : vector<1x256xf32> to vector<1x128xf32>
    %reduce_sum3A = arith.constant dense<0.000000e+00> : vector<400xf32>
    %reduce_sum3A_48 = vector.multi_reduction <add>, %add3A_43, %reduce_sum3A [1] : vector<400x128xf32> to vector<400xf32>
    %broadcast_in_dim3A = vector.shape_cast %reduce_sum3A_48 : vector<400xf32> to vector<400x1xf32>
    %div3A = arith.constant 1.280000e+02 : f32
    %div3A_49 = vector.broadcast %div3A : f32 to vector<400x1xf32>
    %div3A_50 = arith.divf %broadcast_in_dim3A, %div3A_49 : vector<400x1xf32>
    %sub3A = vector.broadcast %div3A_50 : vector<400x1xf32> to vector<400x128xf32>
    %sub3A_51 = arith.subf %add3A_43, %sub3A : vector<400x128xf32>
    %mul3A_52 = arith.mulf %sub3A_51, %sub3A_51 : vector<400x128xf32>
    %reduce_sum3A_53 = arith.constant dense<0.000000e+00> : vector<400xf32>
    %reduce_sum3A_54 = vector.multi_reduction <add>, %mul3A_52, %reduce_sum3A_53 [1] : vector<400x128xf32> to vector<400xf32>
    %broadcast_in_dim3A_55 = vector.shape_cast %reduce_sum3A_54 : vector<400xf32> to vector<400x1xf32>
    %div3A_56 = arith.constant 1.280000e+02 : f32
    %div3A_57 = vector.broadcast %div3A_56 : f32 to vector<400x1xf32>
    %div3A_58 = arith.divf %broadcast_in_dim3A_55, %div3A_57 : vector<400x1xf32>
    %add3A_59 = arith.constant 9.99999974E-6 : f32
    %add3A_60 = vector.broadcast %add3A_59 : f32 to vector<400x1xf32>
    %add3A_61 = arith.addf %div3A_58, %add3A_60 : vector<400x1xf32>
    %rsqrt3A = math.rsqrt %add3A_61 : vector<400x1xf32>
    %mul3A_62 = vector.broadcast %rsqrt3A : vector<400x1xf32> to vector<400x128xf32>
    %mul3A_63 = arith.mulf %sub3A_51, %mul3A_62 : vector<400x128xf32>
    %add3A_64 = arith.constant 1.000000e+00 : f32
    %add3A_65 = vector.broadcast %add3A_64 : f32 to vector<1x128xf32>
    %add3A_66 = arith.addf %add3A_65, %slice3A : vector<1x128xf32>
    %mul3A_67 = vector.broadcast %add3A_66 : vector<1x128xf32> to vector<400x128xf32>
    %mul3A_68 = arith.mulf %mul3A_63, %mul3A_67 : vector<400x128xf32>
    %add3A_69 = vector.broadcast %slice3A_47 : vector<1x128xf32> to vector<400x128xf32>
    %add3A_70 = arith.addf %mul3A_68, %add3A_69 : vector<400x128xf32>
    %swap3A = arith.constant 0 : index
    %swap3A_71 = arith.constant 0 : index
    %swap3A_72 = vector.load %arg12[%swap3A, %swap3A_71] : memref<400x128xf32, #tpu.memory_space<vmem>>, vector<400x128xf32>
    tpu.vector_store %arg12[%swap3A, %swap3A_71], %add3A_70 {strides = array<i32>} : memref<400x128xf32, #tpu.memory_space<vmem>>, vector<400x128xf32>,
    %get3A_73 = arith.constant 0 : index
    %get3A_74 = arith.constant 0 : index
    %get3A_75 = vector.load %arg9[%get3A_73, %get3A_74] : memref<128x128xf32, #tpu.memory_space<vmem>>, vector<128x128xf32>
    %dot_general3A_76 = arith.constant dense<0.000000e+00> : vector<400x128xf32>
    %dot_general3A_77 = tpu.matmul %add3A_70, %get3A_75, %dot_general3A_76 {dimension_numbers = #tpu.dot_dimension_numbers<[1], [0], [0], [1], [0, 0, 1, 1], [], []>, transpose_lhs_hint = false} : vector<400x128xf32>, vector<128x128xf32>, vector<400x128xf32> -> vector<400x128xf32>
    %get3A_78 = arith.constant 0 : index
    %get3A_79 = arith.constant 0 : index
    %get3A_80 = vector.load %arg11[%get3A_78, %get3A_79] : memref<1x128xf32, #tpu.memory_space<vmem>>, vector<1x128xf32>
    %add3A_81 = vector.broadcast %get3A_80 : vector<1x128xf32> to vector<400x128xf32>
    %add3A_82 = arith.addf %dot_general3A_77, %add3A_81 : vector<400x128xf32>
    %swap3A_83 = arith.constant 0 : index
    %swap3A_84 = arith.constant 0 : index
    %swap3A_85 = vector.load %arg13[%swap3A_83, %swap3A_84] : memref<400x128xf32, #tpu.memory_space<vmem>>, vector<400x128xf32>
    tpu.vector_store %arg13[%swap3A_83, %swap3A_84], %add3A_82 {strides = array<i32>} : memref<400x128xf32, #tpu.memory_space<vmem>>, vector<400x128xf32>,
    %get3A_86 = arith.constant 0 : index
    %get3A_87 = arith.constant 0 : index
    %get3A_88 = vector.load %arg10[%get3A_86, %get3A_87] : memref<128x128xf32, #tpu.memory_space<vmem>>, vector<128x128xf32>
    %dot_general3A_89 = arith.constant dense<0.000000e+00> : vector<400x128xf32>
    %dot_general3A_90 = tpu.matmul %add3A_70, %get3A_88, %dot_general3A_89 {dimension_numbers = #tpu.dot_dimension_numbers<[1], [0], [0], [1], [0, 0, 1, 1], [], []>, transpose_lhs_hint = false} : vector<400x128xf32>, vector<128x128xf32>, vector<400x128xf32> -> vector<400x128xf32>
    %swap3A_91 = arith.constant 0 : index
    %swap3A_92 = arith.constant 0 : index
    %swap3A_93 = vector.load %arg14[%swap3A_91, %swap3A_92] : memref<400x128xf32, #tpu.memory_space<vmem>>, vector<400x128xf32>
    tpu.vector_store %arg14[%swap3A_91, %swap3A_92], %dot_general3A_90 {strides = array<i32>} : memref<400x128xf32, #tpu.memory_space<vmem>>, vector<400x128xf32>,
    return
  }
  func.func @transform_0(%arg0: i32) -> (i32, i32) {
    %c0_i32 = arith.constant 0 : i32
    %c0_i32_0 = arith.constant 0 : i32
    return %arg0, %c0_i32 : i32, i32
  }
  func.func @transform_1(%arg0: i32) -> (i32, i32) {
    %c0_i32 = arith.constant 0 : i32
    %c0_i32_0 = arith.constant 0 : i32
    return %arg0, %c0_i32 : i32, i32
  }
  func.func @transform_2(%arg0: i32) -> (i32, i32) {
    %c0_i32 = arith.constant 0 : i32
    %c0_i32_0 = arith.constant 0 : i32
    %c0_i32_1 = arith.constant 0 : i32
    return %c0_i32, %c0_i32_0 : i32, i32
  }
  func.func @transform_3(%arg0: i32) -> (i32, i32) {
    %c0_i32 = arith.constant 0 : i32
    %c0_i32_0 = arith.constant 0 : i32
    %c0_i32_1 = arith.constant 0 : i32
    return %c0_i32, %c0_i32_0 : i32, i32
  }
  func.func @transform_4(%arg0: i32) -> (i32, i32) {
    %c0_i32 = arith.constant 0 : i32
    %c0_i32_0 = arith.constant 0 : i32
    %c0_i32_1 = arith.constant 0 : i32
    return %c0_i32, %c0_i32_0 : i32, i32
  }
  func.func @transform_5(%arg0: i32) -> (i32, i32) {
    %c0_i32 = arith.constant 0 : i32
    %c0_i32_0 = arith.constant 0 : i32
    %c0_i32_1 = arith.constant 0 : i32
    return %c0_i32, %c0_i32_0 : i32, i32
  }
  func.func @transform_6(%arg0: i32) -> (i32, i32) {
    %c0_i32 = arith.constant 0 : i32
    %c0_i32_0 = arith.constant 0 : i32
    %c0_i32_1 = arith.constant 0 : i32
    return %c0_i32, %c0_i32_0 : i32, i32
  }
  func.func @transform_7(%arg0: i32) -> (i32, i32) {
    %c0_i32 = arith.constant 0 : i32
    %c0_i32_0 = arith.constant 0 : i32
    %c0_i32_1 = arith.constant 0 : i32
    return %c0_i32, %c0_i32_0 : i32, i32
  }
  func.func @transform_8(%arg0: i32) -> (i32, i32) {
    %c0_i32 = arith.constant 0 : i32
    %c0_i32_0 = arith.constant 0 : i32
    %c0_i32_1 = arith.constant 0 : i32
    return %c0_i32, %c0_i32_0 : i32, i32
  }
  func.func @transform_9(%arg0: i32) -> (i32, i32) {
    %c0_i32 = arith.constant 0 : i32
    %c0_i32_0 = arith.constant 0 : i32
    %c0_i32_1 = arith.constant 0 : i32
    return %c0_i32, %c0_i32_0 : i32, i32
  }
  func.func @transform_10(%arg0: i32) -> (i32, i32) {
    %c0_i32 = arith.constant 0 : i32
    %c0_i32_0 = arith.constant 0 : i32
    %c0_i32_1 = arith.constant 0 : i32
    return %c0_i32, %c0_i32_0 : i32, i32
  }
  func.func @transform_11(%arg0: i32) -> (i32, i32) {
    %c0_i32 = arith.constant 0 : i32
    %c0_i32_0 = arith.constant 0 : i32
    return %arg0, %c0_i32 : i32, i32
  }
  func.func @transform_12(%arg0: i32) -> (i32, i32) {
    %c0_i32 = arith.constant 0 : i32
    %c0_i32_0 = arith.constant 0 : i32
    return %arg0, %c0_i32 : i32, i32
  }
  func.func @transform_13(%arg0: i32) -> (i32, i32) {
    %c0_i32 = arith.constant 0 : i32
    %c0_i32_0 = arith.constant 0 : i32
    return %arg0, %c0_i32 : i32, i32
  }
}

module attributes {stable_mosaic.version = 14 : i64} {
  func.func @_layer_body(%arg0: i32, %arg1: memref<400x128xf32, #tpu.memory_space<vmem>>, %arg2: memref<400x128xf32, #tpu.memory_space<vmem>>, %arg3: memref<6400x128xf32, #tpu.memory_space<vmem>>, %arg4: memref<6400x128xf32, #tpu.memory_space<vmem>>, %arg5: memref<400x16xf32, #tpu.memory_space<vmem>>, %arg6: memref<128x128xf32, #tpu.memory_space<vmem>>, %arg7: memref<128x128xf32, #tpu.memory_space<vmem>>, %arg8: memref<1x128xf32, #tpu.memory_space<vmem>>, %arg9: memref<1x256xf32, #tpu.memory_space<vmem>>, %arg10: memref<1x256xf32, #tpu.memory_space<vmem>>, %arg11: memref<128x128xf32, #tpu.memory_space<vmem>>, %arg12: memref<128x128xf32, #tpu.memory_space<vmem>>, %arg13: memref<1x128xf32, #tpu.memory_space<vmem>>, %arg14: memref<400x128xf32, #tpu.memory_space<vmem>>, %arg15: memref<400x128xf32, #tpu.memory_space<vmem>>, %arg16: memref<400x128xf32, #tpu.memory_space<vmem>>, %arg17: memref<6400x128xbf16, #tpu.memory_space<vmem>>) attributes {dimension_semantics = [#tpu.dimension_semantics<arbitrary>], iteration_bounds = array<i64: 25>, scalar_prefetch = 0 : i64, scratch_operands = 0 : i64, tpu.core_type = #tpu.core_type<tc>, window_params = [{transform_indices = @transform_0, window_bounds = array<i64: 400, 128>}, {transform_indices = @transform_1, window_bounds = array<i64: 400, 128>}, {transform_indices = @transform_2, window_bounds = array<i64: 6400, 128>}, {transform_indices = @transform_3, window_bounds = array<i64: 6400, 128>}, {transform_indices = @transform_4, window_bounds = array<i64: 400, 16>}, {pipeline_mode = #tpu.pipeline_mode<synchronous>, transform_indices = @transform_5, window_bounds = array<i64: 128, 128>}, {pipeline_mode = #tpu.pipeline_mode<synchronous>, transform_indices = @transform_6, window_bounds = array<i64: 128, 128>}, {pipeline_mode = #tpu.pipeline_mode<synchronous>, transform_indices = @transform_7, window_bounds = array<i64: 1, 128>}, {pipeline_mode = #tpu.pipeline_mode<synchronous>, transform_indices = @transform_8, window_bounds = array<i64: 1, 256>}, {pipeline_mode = #tpu.pipeline_mode<synchronous>, transform_indices = @transform_9, window_bounds = array<i64: 1, 256>}, {pipeline_mode = #tpu.pipeline_mode<synchronous>, transform_indices = @transform_10, window_bounds = array<i64: 128, 128>}, {pipeline_mode = #tpu.pipeline_mode<synchronous>, transform_indices = @transform_11, window_bounds = array<i64: 128, 128>}, {pipeline_mode = #tpu.pipeline_mode<synchronous>, transform_indices = @transform_12, window_bounds = array<i64: 1, 128>}, {transform_indices = @transform_13, window_bounds = array<i64: 400, 128>}, {transform_indices = @transform_14, window_bounds = array<i64: 400, 128>}, {transform_indices = @transform_15, window_bounds = array<i64: 400, 128>}, {transform_indices = @transform_16, window_bounds = array<i64: 6400, 128>}]} {
    %get3A = arith.constant 0 : index
    %get3A_0 = arith.constant 0 : index
    %get3A_1 = vector.load %arg4[%get3A, %get3A_0] : memref<6400x128xf32, #tpu.memory_space<vmem>>, vector<6400x128xf32>
    %get3A_2 = arith.constant 0 : index
    %get3A_3 = arith.constant 0 : index
    %get3A_4 = vector.load %arg6[%get3A_2, %get3A_3] : memref<128x128xf32, #tpu.memory_space<vmem>>, vector<128x128xf32>
    %dot_general3A = arith.constant dense<0.000000e+00> : vector<6400x128xf32>
    %dot_general3A_5 = tpu.matmul %get3A_1, %get3A_4, %dot_general3A {dimension_numbers = #tpu.dot_dimension_numbers<[1], [0], [0], [1], [0, 0, 1, 1], [], []>, transpose_lhs_hint = false} : vector<6400x128xf32>, vector<128x128xf32>, vector<6400x128xf32> -> vector<6400x128xf32>
    %get3A_6 = arith.constant 0 : index
    %get3A_7 = arith.constant 0 : index
    %get3A_8 = vector.load %arg3[%get3A_6, %get3A_7] : memref<6400x128xf32, #tpu.memory_space<vmem>>, vector<6400x128xf32>
    %add3A = arith.addf %dot_general3A_5, %get3A_8 : vector<6400x128xf32>
    %reshape3A = vector.shape_cast %add3A : vector<6400x128xf32> to vector<400x16x128xf32>
    %get3A_9 = arith.constant 0 : index
    %get3A_10 = arith.constant 0 : index
    %get3A_11 = vector.load %arg2[%get3A_9, %get3A_10] : memref<400x128xf32, #tpu.memory_space<vmem>>, vector<400x128xf32>
    %broadcast_in_dim3A = vector.shape_cast %get3A_11 : vector<400x128xf32> to vector<400x1x128xf32>
    %add3A_12 = vector.broadcast %broadcast_in_dim3A : vector<400x1x128xf32> to vector<400x16x128xf32>
    %add3A_13 = arith.addf %reshape3A, %add3A_12 : vector<400x16x128xf32>
    %integer_pow3A = arith.mulf %add3A_13, %add3A_13 : vector<400x16x128xf32>
    %integer_pow3A_14 = arith.mulf %add3A_13, %integer_pow3A : vector<400x16x128xf32>
    %mul3A = arith.constant 4.471500e-02 : f32
    %mul3A_15 = vector.broadcast %mul3A : f32 to vector<400x16x128xf32>
    %mul3A_16 = arith.mulf %mul3A_15, %integer_pow3A_14 : vector<400x16x128xf32>
    %add3A_17 = arith.addf %add3A_13, %mul3A_16 : vector<400x16x128xf32>
    %mul3A_18 = arith.constant 0.797884583 : f32
    %mul3A_19 = vector.broadcast %mul3A_18 : f32 to vector<400x16x128xf32>
    %mul3A_20 = arith.mulf %mul3A_19, %add3A_17 : vector<400x16x128xf32>
    %tanh3A = math.tanh %mul3A_20 : vector<400x16x128xf32>
    %add3A_21 = arith.constant 1.000000e+00 : f32
    %add3A_22 = vector.broadcast %add3A_21 : f32 to vector<400x16x128xf32>
    %add3A_23 = arith.addf %add3A_22, %tanh3A : vector<400x16x128xf32>
    %mul3A_24 = arith.constant 5.000000e-01 : f32
    %mul3A_25 = vector.broadcast %mul3A_24 : f32 to vector<400x16x128xf32>
    %mul3A_26 = arith.mulf %mul3A_25, %add3A_23 : vector<400x16x128xf32>
    %mul3A_27 = arith.mulf %add3A_13, %mul3A_26 : vector<400x16x128xf32>
    %convert_element_type3A = arith.truncf %mul3A_27 : vector<400x16x128xf32> to vector<400x16x128xbf16>
    %reshape3A_28 = vector.shape_cast %convert_element_type3A : vector<400x16x128xbf16> to vector<6400x128xbf16>
    %get3A_29 = arith.constant 0 : index
    %get3A_30 = arith.constant 0 : index
    %get3A_31 = vector.load %arg7[%get3A_29, %get3A_30] : memref<128x128xf32, #tpu.memory_space<vmem>>, vector<128x128xf32>
    %dot_general3A_32 = arith.constant dense<0.000000e+00> : vector<6400x128xf32>
    %dot_general3A_33 = tpu.matmul %reshape3A_28, %get3A_31, %dot_general3A_32 {dimension_numbers = #tpu.dot_dimension_numbers<[1], [0], [0], [1], [0, 0, 1, 1], [], []>, transpose_lhs_hint = false} : vector<6400x128xbf16>, vector<128x128xf32>, vector<6400x128xf32> -> vector<6400x128xf32>
    %get3A_34 = arith.constant 0 : index
    %get3A_35 = arith.constant 0 : index
    %get3A_36 = vector.load %arg8[%get3A_34, %get3A_35] : memref<1x128xf32, #tpu.memory_space<vmem>>, vector<1x128xf32>
    %add3A_37 = vector.broadcast %get3A_36 : vector<1x128xf32> to vector<6400x128xf32>
    %add3A_38 = arith.addf %dot_general3A_33, %add3A_37 : vector<6400x128xf32>
    %reshape3A_39 = vector.shape_cast %add3A_38 : vector<6400x128xf32> to vector<400x16x128xf32>
    %get3A_40 = arith.constant 0 : index
    %get3A_41 = arith.constant 0 : index
    %get3A_42 = vector.load %arg5[%get3A_40, %get3A_41] : memref<400x16xf32, #tpu.memory_space<vmem>>, vector<400x16xf32>
    %broadcast_in_dim3A_43 = vector.shape_cast %get3A_42 : vector<400x16xf32> to vector<400x16x1xf32>
    %mul3A_44 = vector.broadcast %broadcast_in_dim3A_43 : vector<400x16x1xf32> to vector<400x16x128xf32>
    %mul3A_45 = arith.mulf %reshape3A_39, %mul3A_44 : vector<400x16x128xf32>
    %reduce_sum3A = arith.constant dense<0.000000e+00> : vector<400x128xf32>
    %reduce_sum3A_46 = vector.multi_reduction <add>, %mul3A_45, %reduce_sum3A [1] : vector<400x16x128xf32> to vector<400x128xf32>
    %get3A_47 = arith.constant 0 : index
    %get3A_48 = arith.constant 0 : index
    %get3A_49 = vector.load %arg1[%get3A_47, %get3A_48] : memref<400x128xf32, #tpu.memory_space<vmem>>, vector<400x128xf32>
    %add3A_50 = arith.addf %get3A_49, %reduce_sum3A_46 : vector<400x128xf32>
    %get3A_51 = arith.constant 0 : index
    %get3A_52 = arith.constant 0 : index
    %get3A_53 = vector.load %arg9[%get3A_51, %get3A_52] : memref<1x256xf32, #tpu.memory_space<vmem>>, vector<1x256xf32>
    %slice3A = vector.extract_strided_slice %get3A_53 {offsets = [0, 0], sizes = [1, 128], strides = [1, 1]} : vector<1x256xf32> to vector<1x128xf32>
    %slice3A_54 = vector.extract_strided_slice %get3A_53 {offsets = [0, 128], sizes = [1, 128], strides = [1, 1]} : vector<1x256xf32> to vector<1x128xf32>
    %reduce_sum3A_55 = arith.constant dense<0.000000e+00> : vector<400xf32>
    %reduce_sum3A_56 = vector.multi_reduction <add>, %add3A_50, %reduce_sum3A_55 [1] : vector<400x128xf32> to vector<400xf32>
    %broadcast_in_dim3A_57 = vector.shape_cast %reduce_sum3A_56 : vector<400xf32> to vector<400x1xf32>
    %div3A = arith.constant 1.280000e+02 : f32
    %div3A_58 = vector.broadcast %div3A : f32 to vector<400x1xf32>
    %div3A_59 = arith.divf %broadcast_in_dim3A_57, %div3A_58 : vector<400x1xf32>
    %sub3A = vector.broadcast %div3A_59 : vector<400x1xf32> to vector<400x128xf32>
    %sub3A_60 = arith.subf %add3A_50, %sub3A : vector<400x128xf32>
    %mul3A_61 = arith.mulf %sub3A_60, %sub3A_60 : vector<400x128xf32>
    %reduce_sum3A_62 = arith.constant dense<0.000000e+00> : vector<400xf32>
    %reduce_sum3A_63 = vector.multi_reduction <add>, %mul3A_61, %reduce_sum3A_62 [1] : vector<400x128xf32> to vector<400xf32>
    %broadcast_in_dim3A_64 = vector.shape_cast %reduce_sum3A_63 : vector<400xf32> to vector<400x1xf32>
    %div3A_65 = arith.constant 1.280000e+02 : f32
    %div3A_66 = vector.broadcast %div3A_65 : f32 to vector<400x1xf32>
    %div3A_67 = arith.divf %broadcast_in_dim3A_64, %div3A_66 : vector<400x1xf32>
    %add3A_68 = arith.constant 9.99999974E-6 : f32
    %add3A_69 = vector.broadcast %add3A_68 : f32 to vector<400x1xf32>
    %add3A_70 = arith.addf %div3A_67, %add3A_69 : vector<400x1xf32>
    %rsqrt3A = math.rsqrt %add3A_70 : vector<400x1xf32>
    %mul3A_71 = vector.broadcast %rsqrt3A : vector<400x1xf32> to vector<400x128xf32>
    %mul3A_72 = arith.mulf %sub3A_60, %mul3A_71 : vector<400x128xf32>
    %add3A_73 = arith.constant 1.000000e+00 : f32
    %add3A_74 = vector.broadcast %add3A_73 : f32 to vector<1x128xf32>
    %add3A_75 = arith.addf %add3A_74, %slice3A : vector<1x128xf32>
    %mul3A_76 = vector.broadcast %add3A_75 : vector<1x128xf32> to vector<400x128xf32>
    %mul3A_77 = arith.mulf %mul3A_72, %mul3A_76 : vector<400x128xf32>
    %add3A_78 = vector.broadcast %slice3A_54 : vector<1x128xf32> to vector<400x128xf32>
    %add3A_79 = arith.addf %mul3A_77, %add3A_78 : vector<400x128xf32>
    %swap3A = arith.constant 0 : index
    %swap3A_80 = arith.constant 0 : index
    %swap3A_81 = vector.load %arg14[%swap3A, %swap3A_80] : memref<400x128xf32, #tpu.memory_space<vmem>>, vector<400x128xf32>
    tpu.vector_store %arg14[%swap3A, %swap3A_80], %add3A_79 {strides = array<i32>} : memref<400x128xf32, #tpu.memory_space<vmem>>, vector<400x128xf32>,
    %get3A_82 = arith.constant 0 : index
    %get3A_83 = arith.constant 0 : index
    %get3A_84 = vector.load %arg11[%get3A_82, %get3A_83] : memref<128x128xf32, #tpu.memory_space<vmem>>, vector<128x128xf32>
    %dot_general3A_85 = arith.constant dense<0.000000e+00> : vector<400x128xf32>
    %dot_general3A_86 = tpu.matmul %add3A_79, %get3A_84, %dot_general3A_85 {dimension_numbers = #tpu.dot_dimension_numbers<[1], [0], [0], [1], [0, 0, 1, 1], [], []>, transpose_lhs_hint = false} : vector<400x128xf32>, vector<128x128xf32>, vector<400x128xf32> -> vector<400x128xf32>
    %get3A_87 = arith.constant 0 : index
    %get3A_88 = arith.constant 0 : index
    %get3A_89 = vector.load %arg13[%get3A_87, %get3A_88] : memref<1x128xf32, #tpu.memory_space<vmem>>, vector<1x128xf32>
    %add3A_90 = vector.broadcast %get3A_89 : vector<1x128xf32> to vector<400x128xf32>
    %add3A_91 = arith.addf %dot_general3A_86, %add3A_90 : vector<400x128xf32>
    %swap3A_92 = arith.constant 0 : index
    %swap3A_93 = arith.constant 0 : index
    %swap3A_94 = vector.load %arg15[%swap3A_92, %swap3A_93] : memref<400x128xf32, #tpu.memory_space<vmem>>, vector<400x128xf32>
    tpu.vector_store %arg15[%swap3A_92, %swap3A_93], %add3A_91 {strides = array<i32>} : memref<400x128xf32, #tpu.memory_space<vmem>>, vector<400x128xf32>,
    %get3A_95 = arith.constant 0 : index
    %get3A_96 = arith.constant 0 : index
    %get3A_97 = vector.load %arg12[%get3A_95, %get3A_96] : memref<128x128xf32, #tpu.memory_space<vmem>>, vector<128x128xf32>
    %dot_general3A_98 = arith.constant dense<0.000000e+00> : vector<400x128xf32>
    %dot_general3A_99 = tpu.matmul %add3A_79, %get3A_97, %dot_general3A_98 {dimension_numbers = #tpu.dot_dimension_numbers<[1], [0], [0], [1], [0, 0, 1, 1], [], []>, transpose_lhs_hint = false} : vector<400x128xf32>, vector<128x128xf32>, vector<400x128xf32> -> vector<400x128xf32>
    %swap3A_100 = arith.constant 0 : index
    %swap3A_101 = arith.constant 0 : index
    %swap3A_102 = vector.load %arg16[%swap3A_100, %swap3A_101] : memref<400x128xf32, #tpu.memory_space<vmem>>, vector<400x128xf32>
    tpu.vector_store %arg16[%swap3A_100, %swap3A_101], %dot_general3A_99 {strides = array<i32>} : memref<400x128xf32, #tpu.memory_space<vmem>>, vector<400x128xf32>,
    %reshape3A_103 = vector.shape_cast %mul3A_45 : vector<400x16x128xf32> to vector<6400x128xf32>
    %add3A_104 = arith.addf %get3A_1, %reshape3A_103 : vector<6400x128xf32>
    %get3A_105 = arith.constant 0 : index
    %get3A_106 = arith.constant 0 : index
    %get3A_107 = vector.load %arg10[%get3A_105, %get3A_106] : memref<1x256xf32, #tpu.memory_space<vmem>>, vector<1x256xf32>
    %slice3A_108 = vector.extract_strided_slice %get3A_107 {offsets = [0, 0], sizes = [1, 128], strides = [1, 1]} : vector<1x256xf32> to vector<1x128xf32>
    %slice3A_109 = vector.extract_strided_slice %get3A_107 {offsets = [0, 128], sizes = [1, 128], strides = [1, 1]} : vector<1x256xf32> to vector<1x128xf32>
    %reduce_sum3A_110 = arith.constant dense<0.000000e+00> : vector<6400xf32>
    %reduce_sum3A_111 = vector.multi_reduction <add>, %add3A_104, %reduce_sum3A_110 [1] : vector<6400x128xf32> to vector<6400xf32>
    %broadcast_in_dim3A_112 = vector.shape_cast %reduce_sum3A_111 : vector<6400xf32> to vector<6400x1xf32>
    %div3A_113 = arith.constant 1.280000e+02 : f32
    %div3A_114 = vector.broadcast %div3A_113 : f32 to vector<6400x1xf32>
    %div3A_115 = arith.divf %broadcast_in_dim3A_112, %div3A_114 : vector<6400x1xf32>
    %sub3A_116 = vector.broadcast %div3A_115 : vector<6400x1xf32> to vector<6400x128xf32>
    %sub3A_117 = arith.subf %add3A_104, %sub3A_116 : vector<6400x128xf32>
    %mul3A_118 = arith.mulf %sub3A_117, %sub3A_117 : vector<6400x128xf32>
    %reduce_sum3A_119 = arith.constant dense<0.000000e+00> : vector<6400xf32>
    %reduce_sum3A_120 = vector.multi_reduction <add>, %mul3A_118, %reduce_sum3A_119 [1] : vector<6400x128xf32> to vector<6400xf32>
    %broadcast_in_dim3A_121 = vector.shape_cast %reduce_sum3A_120 : vector<6400xf32> to vector<6400x1xf32>
    %div3A_122 = arith.constant 1.280000e+02 : f32
    %div3A_123 = vector.broadcast %div3A_122 : f32 to vector<6400x1xf32>
    %div3A_124 = arith.divf %broadcast_in_dim3A_121, %div3A_123 : vector<6400x1xf32>
    %add3A_125 = arith.constant 9.99999974E-6 : f32
    %add3A_126 = vector.broadcast %add3A_125 : f32 to vector<6400x1xf32>
    %add3A_127 = arith.addf %div3A_124, %add3A_126 : vector<6400x1xf32>
    %rsqrt3A_128 = math.rsqrt %add3A_127 : vector<6400x1xf32>
    %mul3A_129 = vector.broadcast %rsqrt3A_128 : vector<6400x1xf32> to vector<6400x128xf32>
    %mul3A_130 = arith.mulf %sub3A_117, %mul3A_129 : vector<6400x128xf32>
    %add3A_131 = arith.constant 1.000000e+00 : f32
    %add3A_132 = vector.broadcast %add3A_131 : f32 to vector<1x128xf32>
    %add3A_133 = arith.addf %add3A_132, %slice3A_108 : vector<1x128xf32>
    %mul3A_134 = vector.broadcast %add3A_133 : vector<1x128xf32> to vector<6400x128xf32>
    %mul3A_135 = arith.mulf %mul3A_130, %mul3A_134 : vector<6400x128xf32>
    %add3A_136 = vector.broadcast %slice3A_109 : vector<1x128xf32> to vector<6400x128xf32>
    %add3A_137 = arith.addf %mul3A_135, %add3A_136 : vector<6400x128xf32>
    %convert_element_type3A_138 = arith.truncf %add3A_137 : vector<6400x128xf32> to vector<6400x128xbf16>
    %swap3A_139 = arith.constant 0 : index
    %swap3A_140 = arith.constant 0 : index
    %swap3A_141 = vector.load %arg17[%swap3A_139, %swap3A_140] : memref<6400x128xbf16, #tpu.memory_space<vmem>>, vector<6400x128xbf16>
    tpu.vector_store %arg17[%swap3A_139, %swap3A_140], %convert_element_type3A_138 {strides = array<i32>} : memref<6400x128xbf16, #tpu.memory_space<vmem>>, vector<6400x128xbf16>,
    return
  }
  func.func @transform_0(%arg0: i32) -> (i32, i32) {
    %c0_i32 = arith.constant 0 : i32
    %c0_i32_0 = arith.constant 0 : i32
    return %arg0, %c0_i32 : i32, i32
  }
  func.func @transform_1(%arg0: i32) -> (i32, i32) {
    %c0_i32 = arith.constant 0 : i32
    %c0_i32_0 = arith.constant 0 : i32
    return %arg0, %c0_i32 : i32, i32
  }
  func.func @transform_2(%arg0: i32) -> (i32, i32) {
    %c0_i32 = arith.constant 0 : i32
    %c0_i32_0 = arith.constant 0 : i32
    return %arg0, %c0_i32 : i32, i32
  }
  func.func @transform_3(%arg0: i32) -> (i32, i32) {
    %c0_i32 = arith.constant 0 : i32
    %c0_i32_0 = arith.constant 0 : i32
    return %arg0, %c0_i32 : i32, i32
  }
  func.func @transform_4(%arg0: i32) -> (i32, i32) {
    %c0_i32 = arith.constant 0 : i32
    %c0_i32_0 = arith.constant 0 : i32
    return %arg0, %c0_i32 : i32, i32
  }
  func.func @transform_5(%arg0: i32) -> (i32, i32) {
    %c0_i32 = arith.constant 0 : i32
    %c0_i32_0 = arith.constant 0 : i32
    %c0_i32_1 = arith.constant 0 : i32
    return %c0_i32, %c0_i32_0 : i32, i32
  }
  func.func @transform_6(%arg0: i32) -> (i32, i32) {
    %c0_i32 = arith.constant 0 : i32
    %c0_i32_0 = arith.constant 0 : i32
    %c0_i32_1 = arith.constant 0 : i32
    return %c0_i32, %c0_i32_0 : i32, i32
  }
  func.func @transform_7(%arg0: i32) -> (i32, i32) {
    %c0_i32 = arith.constant 0 : i32
    %c0_i32_0 = arith.constant 0 : i32
    %c0_i32_1 = arith.constant 0 : i32
    return %c0_i32, %c0_i32_0 : i32, i32
  }
  func.func @transform_8(%arg0: i32) -> (i32, i32) {
    %c0_i32 = arith.constant 0 : i32
    %c0_i32_0 = arith.constant 0 : i32
    %c0_i32_1 = arith.constant 0 : i32
    return %c0_i32, %c0_i32_0 : i32, i32
  }
  func.func @transform_9(%arg0: i32) -> (i32, i32) {
    %c0_i32 = arith.constant 0 : i32
    %c0_i32_0 = arith.constant 0 : i32
    %c0_i32_1 = arith.constant 0 : i32
    return %c0_i32, %c0_i32_0 : i32, i32
  }
  func.func @transform_10(%arg0: i32) -> (i32, i32) {
    %c0_i32 = arith.constant 0 : i32
    %c0_i32_0 = arith.constant 0 : i32
    %c0_i32_1 = arith.constant 0 : i32
    return %c0_i32, %c0_i32_0 : i32, i32
  }
  func.func @transform_11(%arg0: i32) -> (i32, i32) {
    %c0_i32 = arith.constant 0 : i32
    %c0_i32_0 = arith.constant 0 : i32
    %c0_i32_1 = arith.constant 0 : i32
    return %c0_i32, %c0_i32_0 : i32, i32
  }
  func.func @transform_12(%arg0: i32) -> (i32, i32) {
    %c0_i32 = arith.constant 0 : i32
    %c0_i32_0 = arith.constant 0 : i32
    %c0_i32_1 = arith.constant 0 : i32
    return %c0_i32, %c0_i32_0 : i32, i32
  }
  func.func @transform_13(%arg0: i32) -> (i32, i32) {
    %c0_i32 = arith.constant 0 : i32
    %c0_i32_0 = arith.constant 0 : i32
    return %arg0, %c0_i32 : i32, i32
  }
  func.func @transform_14(%arg0: i32) -> (i32, i32) {
    %c0_i32 = arith.constant 0 : i32
    %c0_i32_0 = arith.constant 0 : i32
    return %arg0, %c0_i32 : i32, i32
  }
  func.func @transform_15(%arg0: i32) -> (i32, i32) {
    %c0_i32 = arith.constant 0 : i32
    %c0_i32_0 = arith.constant 0 : i32
    return %arg0, %c0_i32 : i32, i32
  }
  func.func @transform_16(%arg0: i32) -> (i32, i32) {
    %c0_i32 = arith.constant 0 : i32
    %c0_i32_0 = arith.constant 0 : i32
    return %arg0, %c0_i32 : i32, i32
  }
}

module attributes {stable_mosaic.version = 14 : i64} {
  func.func @_layer_body(%arg0: i32, %arg1: memref<400x128xf32, #tpu.memory_space<vmem>>, %arg2: memref<400x128xf32, #tpu.memory_space<vmem>>, %arg3: memref<6400x128xf32, #tpu.memory_space<vmem>>, %arg4: memref<6400x128xbf16, #tpu.memory_space<vmem>>, %arg5: memref<400x16xf32, #tpu.memory_space<vmem>>, %arg6: memref<128x128xf32, #tpu.memory_space<vmem>>, %arg7: memref<128x128xf32, #tpu.memory_space<vmem>>, %arg8: memref<1x128xf32, #tpu.memory_space<vmem>>, %arg9: memref<1x256xf32, #tpu.memory_space<vmem>>, %arg10: memref<1x256xf32, #tpu.memory_space<vmem>>, %arg11: memref<128x128xf32, #tpu.memory_space<vmem>>, %arg12: memref<128x128xf32, #tpu.memory_space<vmem>>, %arg13: memref<1x128xf32, #tpu.memory_space<vmem>>, %arg14: memref<400x128xf32, #tpu.memory_space<vmem>>, %arg15: memref<400x128xf32, #tpu.memory_space<vmem>>, %arg16: memref<400x128xf32, #tpu.memory_space<vmem>>, %arg17: memref<6400x128xbf16, #tpu.memory_space<vmem>>) attributes {dimension_semantics = [#tpu.dimension_semantics<arbitrary>], iteration_bounds = array<i64: 25>, scalar_prefetch = 0 : i64, scratch_operands = 0 : i64, tpu.core_type = #tpu.core_type<tc>, window_params = [{transform_indices = @transform_0, window_bounds = array<i64: 400, 128>}, {transform_indices = @transform_1, window_bounds = array<i64: 400, 128>}, {transform_indices = @transform_2, window_bounds = array<i64: 6400, 128>}, {transform_indices = @transform_3, window_bounds = array<i64: 6400, 128>}, {transform_indices = @transform_4, window_bounds = array<i64: 400, 16>}, {pipeline_mode = #tpu.pipeline_mode<synchronous>, transform_indices = @transform_5, window_bounds = array<i64: 128, 128>}, {pipeline_mode = #tpu.pipeline_mode<synchronous>, transform_indices = @transform_6, window_bounds = array<i64: 128, 128>}, {pipeline_mode = #tpu.pipeline_mode<synchronous>, transform_indices = @transform_7, window_bounds = array<i64: 1, 128>}, {pipeline_mode = #tpu.pipeline_mode<synchronous>, transform_indices = @transform_8, window_bounds = array<i64: 1, 256>}, {pipeline_mode = #tpu.pipeline_mode<synchronous>, transform_indices = @transform_9, window_bounds = array<i64: 1, 256>}, {pipeline_mode = #tpu.pipeline_mode<synchronous>, transform_indices = @transform_10, window_bounds = array<i64: 128, 128>}, {pipeline_mode = #tpu.pipeline_mode<synchronous>, transform_indices = @transform_11, window_bounds = array<i64: 128, 128>}, {pipeline_mode = #tpu.pipeline_mode<synchronous>, transform_indices = @transform_12, window_bounds = array<i64: 1, 128>}, {transform_indices = @transform_13, window_bounds = array<i64: 400, 128>}, {transform_indices = @transform_14, window_bounds = array<i64: 400, 128>}, {transform_indices = @transform_15, window_bounds = array<i64: 400, 128>}, {transform_indices = @transform_16, window_bounds = array<i64: 6400, 128>}]} {
    %get3A = arith.constant 0 : index
    %get3A_0 = arith.constant 0 : index
    %get3A_1 = vector.load %arg4[%get3A, %get3A_0] : memref<6400x128xbf16, #tpu.memory_space<vmem>>, vector<6400x128xbf16>
    %get3A_2 = arith.constant 0 : index
    %get3A_3 = arith.constant 0 : index
    %get3A_4 = vector.load %arg6[%get3A_2, %get3A_3] : memref<128x128xf32, #tpu.memory_space<vmem>>, vector<128x128xf32>
    %dot_general3A = arith.constant dense<0.000000e+00> : vector<6400x128xf32>
    %dot_general3A_5 = tpu.matmul %get3A_1, %get3A_4, %dot_general3A {dimension_numbers = #tpu.dot_dimension_numbers<[1], [0], [0], [1], [0, 0, 1, 1], [], []>, transpose_lhs_hint = false} : vector<6400x128xbf16>, vector<128x128xf32>, vector<6400x128xf32> -> vector<6400x128xf32>
    %get3A_6 = arith.constant 0 : index
    %get3A_7 = arith.constant 0 : index
    %get3A_8 = vector.load %arg3[%get3A_6, %get3A_7] : memref<6400x128xf32, #tpu.memory_space<vmem>>, vector<6400x128xf32>
    %add3A = arith.addf %dot_general3A_5, %get3A_8 : vector<6400x128xf32>
    %reshape3A = vector.shape_cast %add3A : vector<6400x128xf32> to vector<400x16x128xf32>
    %get3A_9 = arith.constant 0 : index
    %get3A_10 = arith.constant 0 : index
    %get3A_11 = vector.load %arg2[%get3A_9, %get3A_10] : memref<400x128xf32, #tpu.memory_space<vmem>>, vector<400x128xf32>
    %broadcast_in_dim3A = vector.shape_cast %get3A_11 : vector<400x128xf32> to vector<400x1x128xf32>
    %add3A_12 = vector.broadcast %broadcast_in_dim3A : vector<400x1x128xf32> to vector<400x16x128xf32>
    %add3A_13 = arith.addf %reshape3A, %add3A_12 : vector<400x16x128xf32>
    %integer_pow3A = arith.mulf %add3A_13, %add3A_13 : vector<400x16x128xf32>
    %integer_pow3A_14 = arith.mulf %add3A_13, %integer_pow3A : vector<400x16x128xf32>
    %mul3A = arith.constant 4.471500e-02 : f32
    %mul3A_15 = vector.broadcast %mul3A : f32 to vector<400x16x128xf32>
    %mul3A_16 = arith.mulf %mul3A_15, %integer_pow3A_14 : vector<400x16x128xf32>
    %add3A_17 = arith.addf %add3A_13, %mul3A_16 : vector<400x16x128xf32>
    %mul3A_18 = arith.constant 0.797884583 : f32
    %mul3A_19 = vector.broadcast %mul3A_18 : f32 to vector<400x16x128xf32>
    %mul3A_20 = arith.mulf %mul3A_19, %add3A_17 : vector<400x16x128xf32>
    %tanh3A = math.tanh %mul3A_20 : vector<400x16x128xf32>
    %add3A_21 = arith.constant 1.000000e+00 : f32
    %add3A_22 = vector.broadcast %add3A_21 : f32 to vector<400x16x128xf32>
    %add3A_23 = arith.addf %add3A_22, %tanh3A : vector<400x16x128xf32>
    %mul3A_24 = arith.constant 5.000000e-01 : f32
    %mul3A_25 = vector.broadcast %mul3A_24 : f32 to vector<400x16x128xf32>
    %mul3A_26 = arith.mulf %mul3A_25, %add3A_23 : vector<400x16x128xf32>
    %mul3A_27 = arith.mulf %add3A_13, %mul3A_26 : vector<400x16x128xf32>
    %convert_element_type3A = arith.truncf %mul3A_27 : vector<400x16x128xf32> to vector<400x16x128xbf16>
    %reshape3A_28 = vector.shape_cast %convert_element_type3A : vector<400x16x128xbf16> to vector<6400x128xbf16>
    %get3A_29 = arith.constant 0 : index
    %get3A_30 = arith.constant 0 : index
    %get3A_31 = vector.load %arg7[%get3A_29, %get3A_30] : memref<128x128xf32, #tpu.memory_space<vmem>>, vector<128x128xf32>
    %dot_general3A_32 = arith.constant dense<0.000000e+00> : vector<6400x128xf32>
    %dot_general3A_33 = tpu.matmul %reshape3A_28, %get3A_31, %dot_general3A_32 {dimension_numbers = #tpu.dot_dimension_numbers<[1], [0], [0], [1], [0, 0, 1, 1], [], []>, transpose_lhs_hint = false} : vector<6400x128xbf16>, vector<128x128xf32>, vector<6400x128xf32> -> vector<6400x128xf32>
    %get3A_34 = arith.constant 0 : index
    %get3A_35 = arith.constant 0 : index
    %get3A_36 = vector.load %arg8[%get3A_34, %get3A_35] : memref<1x128xf32, #tpu.memory_space<vmem>>, vector<1x128xf32>
    %add3A_37 = vector.broadcast %get3A_36 : vector<1x128xf32> to vector<6400x128xf32>
    %add3A_38 = arith.addf %dot_general3A_33, %add3A_37 : vector<6400x128xf32>
    %reshape3A_39 = vector.shape_cast %add3A_38 : vector<6400x128xf32> to vector<400x16x128xf32>
    %get3A_40 = arith.constant 0 : index
    %get3A_41 = arith.constant 0 : index
    %get3A_42 = vector.load %arg5[%get3A_40, %get3A_41] : memref<400x16xf32, #tpu.memory_space<vmem>>, vector<400x16xf32>
    %broadcast_in_dim3A_43 = vector.shape_cast %get3A_42 : vector<400x16xf32> to vector<400x16x1xf32>
    %mul3A_44 = vector.broadcast %broadcast_in_dim3A_43 : vector<400x16x1xf32> to vector<400x16x128xf32>
    %mul3A_45 = arith.mulf %reshape3A_39, %mul3A_44 : vector<400x16x128xf32>
    %reduce_sum3A = arith.constant dense<0.000000e+00> : vector<400x128xf32>
    %reduce_sum3A_46 = vector.multi_reduction <add>, %mul3A_45, %reduce_sum3A [1] : vector<400x16x128xf32> to vector<400x128xf32>
    %get3A_47 = arith.constant 0 : index
    %get3A_48 = arith.constant 0 : index
    %get3A_49 = vector.load %arg1[%get3A_47, %get3A_48] : memref<400x128xf32, #tpu.memory_space<vmem>>, vector<400x128xf32>
    %add3A_50 = arith.addf %get3A_49, %reduce_sum3A_46 : vector<400x128xf32>
    %get3A_51 = arith.constant 0 : index
    %get3A_52 = arith.constant 0 : index
    %get3A_53 = vector.load %arg9[%get3A_51, %get3A_52] : memref<1x256xf32, #tpu.memory_space<vmem>>, vector<1x256xf32>
    %slice3A = vector.extract_strided_slice %get3A_53 {offsets = [0, 0], sizes = [1, 128], strides = [1, 1]} : vector<1x256xf32> to vector<1x128xf32>
    %slice3A_54 = vector.extract_strided_slice %get3A_53 {offsets = [0, 128], sizes = [1, 128], strides = [1, 1]} : vector<1x256xf32> to vector<1x128xf32>
    %reduce_sum3A_55 = arith.constant dense<0.000000e+00> : vector<400xf32>
    %reduce_sum3A_56 = vector.multi_reduction <add>, %add3A_50, %reduce_sum3A_55 [1] : vector<400x128xf32> to vector<400xf32>
    %broadcast_in_dim3A_57 = vector.shape_cast %reduce_sum3A_56 : vector<400xf32> to vector<400x1xf32>
    %div3A = arith.constant 1.280000e+02 : f32
    %div3A_58 = vector.broadcast %div3A : f32 to vector<400x1xf32>
    %div3A_59 = arith.divf %broadcast_in_dim3A_57, %div3A_58 : vector<400x1xf32>
    %sub3A = vector.broadcast %div3A_59 : vector<400x1xf32> to vector<400x128xf32>
    %sub3A_60 = arith.subf %add3A_50, %sub3A : vector<400x128xf32>
    %mul3A_61 = arith.mulf %sub3A_60, %sub3A_60 : vector<400x128xf32>
    %reduce_sum3A_62 = arith.constant dense<0.000000e+00> : vector<400xf32>
    %reduce_sum3A_63 = vector.multi_reduction <add>, %mul3A_61, %reduce_sum3A_62 [1] : vector<400x128xf32> to vector<400xf32>
    %broadcast_in_dim3A_64 = vector.shape_cast %reduce_sum3A_63 : vector<400xf32> to vector<400x1xf32>
    %div3A_65 = arith.constant 1.280000e+02 : f32
    %div3A_66 = vector.broadcast %div3A_65 : f32 to vector<400x1xf32>
    %div3A_67 = arith.divf %broadcast_in_dim3A_64, %div3A_66 : vector<400x1xf32>
    %add3A_68 = arith.constant 9.99999974E-6 : f32
    %add3A_69 = vector.broadcast %add3A_68 : f32 to vector<400x1xf32>
    %add3A_70 = arith.addf %div3A_67, %add3A_69 : vector<400x1xf32>
    %rsqrt3A = math.rsqrt %add3A_70 : vector<400x1xf32>
    %mul3A_71 = vector.broadcast %rsqrt3A : vector<400x1xf32> to vector<400x128xf32>
    %mul3A_72 = arith.mulf %sub3A_60, %mul3A_71 : vector<400x128xf32>
    %add3A_73 = arith.constant 1.000000e+00 : f32
    %add3A_74 = vector.broadcast %add3A_73 : f32 to vector<1x128xf32>
    %add3A_75 = arith.addf %add3A_74, %slice3A : vector<1x128xf32>
    %mul3A_76 = vector.broadcast %add3A_75 : vector<1x128xf32> to vector<400x128xf32>
    %mul3A_77 = arith.mulf %mul3A_72, %mul3A_76 : vector<400x128xf32>
    %add3A_78 = vector.broadcast %slice3A_54 : vector<1x128xf32> to vector<400x128xf32>
    %add3A_79 = arith.addf %mul3A_77, %add3A_78 : vector<400x128xf32>
    %swap3A = arith.constant 0 : index
    %swap3A_80 = arith.constant 0 : index
    %swap3A_81 = vector.load %arg14[%swap3A, %swap3A_80] : memref<400x128xf32, #tpu.memory_space<vmem>>, vector<400x128xf32>
    tpu.vector_store %arg14[%swap3A, %swap3A_80], %add3A_79 {strides = array<i32>} : memref<400x128xf32, #tpu.memory_space<vmem>>, vector<400x128xf32>,
    %get3A_82 = arith.constant 0 : index
    %get3A_83 = arith.constant 0 : index
    %get3A_84 = vector.load %arg11[%get3A_82, %get3A_83] : memref<128x128xf32, #tpu.memory_space<vmem>>, vector<128x128xf32>
    %dot_general3A_85 = arith.constant dense<0.000000e+00> : vector<400x128xf32>
    %dot_general3A_86 = tpu.matmul %add3A_79, %get3A_84, %dot_general3A_85 {dimension_numbers = #tpu.dot_dimension_numbers<[1], [0], [0], [1], [0, 0, 1, 1], [], []>, transpose_lhs_hint = false} : vector<400x128xf32>, vector<128x128xf32>, vector<400x128xf32> -> vector<400x128xf32>
    %get3A_87 = arith.constant 0 : index
    %get3A_88 = arith.constant 0 : index
    %get3A_89 = vector.load %arg13[%get3A_87, %get3A_88] : memref<1x128xf32, #tpu.memory_space<vmem>>, vector<1x128xf32>
    %add3A_90 = vector.broadcast %get3A_89 : vector<1x128xf32> to vector<400x128xf32>
    %add3A_91 = arith.addf %dot_general3A_86, %add3A_90 : vector<400x128xf32>
    %swap3A_92 = arith.constant 0 : index
    %swap3A_93 = arith.constant 0 : index
    %swap3A_94 = vector.load %arg15[%swap3A_92, %swap3A_93] : memref<400x128xf32, #tpu.memory_space<vmem>>, vector<400x128xf32>
    tpu.vector_store %arg15[%swap3A_92, %swap3A_93], %add3A_91 {strides = array<i32>} : memref<400x128xf32, #tpu.memory_space<vmem>>, vector<400x128xf32>,
    %get3A_95 = arith.constant 0 : index
    %get3A_96 = arith.constant 0 : index
    %get3A_97 = vector.load %arg12[%get3A_95, %get3A_96] : memref<128x128xf32, #tpu.memory_space<vmem>>, vector<128x128xf32>
    %dot_general3A_98 = arith.constant dense<0.000000e+00> : vector<400x128xf32>
    %dot_general3A_99 = tpu.matmul %add3A_79, %get3A_97, %dot_general3A_98 {dimension_numbers = #tpu.dot_dimension_numbers<[1], [0], [0], [1], [0, 0, 1, 1], [], []>, transpose_lhs_hint = false} : vector<400x128xf32>, vector<128x128xf32>, vector<400x128xf32> -> vector<400x128xf32>
    %swap3A_100 = arith.constant 0 : index
    %swap3A_101 = arith.constant 0 : index
    %swap3A_102 = vector.load %arg16[%swap3A_100, %swap3A_101] : memref<400x128xf32, #tpu.memory_space<vmem>>, vector<400x128xf32>
    tpu.vector_store %arg16[%swap3A_100, %swap3A_101], %dot_general3A_99 {strides = array<i32>} : memref<400x128xf32, #tpu.memory_space<vmem>>, vector<400x128xf32>,
    %convert_element_type3A_103 = arith.extf %get3A_1 : vector<6400x128xbf16> to vector<6400x128xf32>
    %reshape3A_104 = vector.shape_cast %mul3A_45 : vector<400x16x128xf32> to vector<6400x128xf32>
    %add3A_105 = arith.addf %convert_element_type3A_103, %reshape3A_104 : vector<6400x128xf32>
    %get3A_106 = arith.constant 0 : index
    %get3A_107 = arith.constant 0 : index
    %get3A_108 = vector.load %arg10[%get3A_106, %get3A_107] : memref<1x256xf32, #tpu.memory_space<vmem>>, vector<1x256xf32>
    %slice3A_109 = vector.extract_strided_slice %get3A_108 {offsets = [0, 0], sizes = [1, 128], strides = [1, 1]} : vector<1x256xf32> to vector<1x128xf32>
    %slice3A_110 = vector.extract_strided_slice %get3A_108 {offsets = [0, 128], sizes = [1, 128], strides = [1, 1]} : vector<1x256xf32> to vector<1x128xf32>
    %reduce_sum3A_111 = arith.constant dense<0.000000e+00> : vector<6400xf32>
    %reduce_sum3A_112 = vector.multi_reduction <add>, %add3A_105, %reduce_sum3A_111 [1] : vector<6400x128xf32> to vector<6400xf32>
    %broadcast_in_dim3A_113 = vector.shape_cast %reduce_sum3A_112 : vector<6400xf32> to vector<6400x1xf32>
    %div3A_114 = arith.constant 1.280000e+02 : f32
    %div3A_115 = vector.broadcast %div3A_114 : f32 to vector<6400x1xf32>
    %div3A_116 = arith.divf %broadcast_in_dim3A_113, %div3A_115 : vector<6400x1xf32>
    %sub3A_117 = vector.broadcast %div3A_116 : vector<6400x1xf32> to vector<6400x128xf32>
    %sub3A_118 = arith.subf %add3A_105, %sub3A_117 : vector<6400x128xf32>
    %mul3A_119 = arith.mulf %sub3A_118, %sub3A_118 : vector<6400x128xf32>
    %reduce_sum3A_120 = arith.constant dense<0.000000e+00> : vector<6400xf32>
    %reduce_sum3A_121 = vector.multi_reduction <add>, %mul3A_119, %reduce_sum3A_120 [1] : vector<6400x128xf32> to vector<6400xf32>
    %broadcast_in_dim3A_122 = vector.shape_cast %reduce_sum3A_121 : vector<6400xf32> to vector<6400x1xf32>
    %div3A_123 = arith.constant 1.280000e+02 : f32
    %div3A_124 = vector.broadcast %div3A_123 : f32 to vector<6400x1xf32>
    %div3A_125 = arith.divf %broadcast_in_dim3A_122, %div3A_124 : vector<6400x1xf32>
    %add3A_126 = arith.constant 9.99999974E-6 : f32
    %add3A_127 = vector.broadcast %add3A_126 : f32 to vector<6400x1xf32>
    %add3A_128 = arith.addf %div3A_125, %add3A_127 : vector<6400x1xf32>
    %rsqrt3A_129 = math.rsqrt %add3A_128 : vector<6400x1xf32>
    %mul3A_130 = vector.broadcast %rsqrt3A_129 : vector<6400x1xf32> to vector<6400x128xf32>
    %mul3A_131 = arith.mulf %sub3A_118, %mul3A_130 : vector<6400x128xf32>
    %add3A_132 = arith.constant 1.000000e+00 : f32
    %add3A_133 = vector.broadcast %add3A_132 : f32 to vector<1x128xf32>
    %add3A_134 = arith.addf %add3A_133, %slice3A_109 : vector<1x128xf32>
    %mul3A_135 = vector.broadcast %add3A_134 : vector<1x128xf32> to vector<6400x128xf32>
    %mul3A_136 = arith.mulf %mul3A_131, %mul3A_135 : vector<6400x128xf32>
    %add3A_137 = vector.broadcast %slice3A_110 : vector<1x128xf32> to vector<6400x128xf32>
    %add3A_138 = arith.addf %mul3A_136, %add3A_137 : vector<6400x128xf32>
    %convert_element_type3A_139 = arith.truncf %add3A_138 : vector<6400x128xf32> to vector<6400x128xbf16>
    %swap3A_140 = arith.constant 0 : index
    %swap3A_141 = arith.constant 0 : index
    %swap3A_142 = vector.load %arg17[%swap3A_140, %swap3A_141] : memref<6400x128xbf16, #tpu.memory_space<vmem>>, vector<6400x128xbf16>
    tpu.vector_store %arg17[%swap3A_140, %swap3A_141], %convert_element_type3A_139 {strides = array<i32>} : memref<6400x128xbf16, #tpu.memory_space<vmem>>, vector<6400x128xbf16>,
    return
  }
  func.func @transform_0(%arg0: i32) -> (i32, i32) {
    %c0_i32 = arith.constant 0 : i32
    %c0_i32_0 = arith.constant 0 : i32
    return %arg0, %c0_i32 : i32, i32
  }
  func.func @transform_1(%arg0: i32) -> (i32, i32) {
    %c0_i32 = arith.constant 0 : i32
    %c0_i32_0 = arith.constant 0 : i32
    return %arg0, %c0_i32 : i32, i32
  }
  func.func @transform_2(%arg0: i32) -> (i32, i32) {
    %c0_i32 = arith.constant 0 : i32
    %c0_i32_0 = arith.constant 0 : i32
    return %arg0, %c0_i32 : i32, i32
  }
  func.func @transform_3(%arg0: i32) -> (i32, i32) {
    %c0_i32 = arith.constant 0 : i32
    %c0_i32_0 = arith.constant 0 : i32
    return %arg0, %c0_i32 : i32, i32
  }
  func.func @transform_4(%arg0: i32) -> (i32, i32) {
    %c0_i32 = arith.constant 0 : i32
    %c0_i32_0 = arith.constant 0 : i32
    return %arg0, %c0_i32 : i32, i32
  }
  func.func @transform_5(%arg0: i32) -> (i32, i32) {
    %c0_i32 = arith.constant 0 : i32
    %c0_i32_0 = arith.constant 0 : i32
    %c0_i32_1 = arith.constant 0 : i32
    return %c0_i32, %c0_i32_0 : i32, i32
  }
  func.func @transform_6(%arg0: i32) -> (i32, i32) {
    %c0_i32 = arith.constant 0 : i32
    %c0_i32_0 = arith.constant 0 : i32
    %c0_i32_1 = arith.constant 0 : i32
    return %c0_i32, %c0_i32_0 : i32, i32
  }
  func.func @transform_7(%arg0: i32) -> (i32, i32) {
    %c0_i32 = arith.constant 0 : i32
    %c0_i32_0 = arith.constant 0 : i32
    %c0_i32_1 = arith.constant 0 : i32
    return %c0_i32, %c0_i32_0 : i32, i32
  }
  func.func @transform_8(%arg0: i32) -> (i32, i32) {
    %c0_i32 = arith.constant 0 : i32
    %c0_i32_0 = arith.constant 0 : i32
    %c0_i32_1 = arith.constant 0 : i32
    return %c0_i32, %c0_i32_0 : i32, i32
  }
  func.func @transform_9(%arg0: i32) -> (i32, i32) {
    %c0_i32 = arith.constant 0 : i32
    %c0_i32_0 = arith.constant 0 : i32
    %c0_i32_1 = arith.constant 0 : i32
    return %c0_i32, %c0_i32_0 : i32, i32
  }
  func.func @transform_10(%arg0: i32) -> (i32, i32) {
    %c0_i32 = arith.constant 0 : i32
    %c0_i32_0 = arith.constant 0 : i32
    %c0_i32_1 = arith.constant 0 : i32
    return %c0_i32, %c0_i32_0 : i32, i32
  }
  func.func @transform_11(%arg0: i32) -> (i32, i32) {
    %c0_i32 = arith.constant 0 : i32
    %c0_i32_0 = arith.constant 0 : i32
    %c0_i32_1 = arith.constant 0 : i32
    return %c0_i32, %c0_i32_0 : i32, i32
  }
  func.func @transform_12(%arg0: i32) -> (i32, i32) {
    %c0_i32 = arith.constant 0 : i32
    %c0_i32_0 = arith.constant 0 : i32
    %c0_i32_1 = arith.constant 0 : i32
    return %c0_i32, %c0_i32_0 : i32, i32
  }
  func.func @transform_13(%arg0: i32) -> (i32, i32) {
    %c0_i32 = arith.constant 0 : i32
    %c0_i32_0 = arith.constant 0 : i32
    return %arg0, %c0_i32 : i32, i32
  }
  func.func @transform_14(%arg0: i32) -> (i32, i32) {
    %c0_i32 = arith.constant 0 : i32
    %c0_i32_0 = arith.constant 0 : i32
    return %arg0, %c0_i32 : i32, i32
  }
  func.func @transform_15(%arg0: i32) -> (i32, i32) {
    %c0_i32 = arith.constant 0 : i32
    %c0_i32_0 = arith.constant 0 : i32
    return %arg0, %c0_i32 : i32, i32
  }
  func.func @transform_16(%arg0: i32) -> (i32, i32) {
    %c0_i32 = arith.constant 0 : i32
    %c0_i32_0 = arith.constant 0 : i32
    return %arg0, %c0_i32 : i32, i32
  }
}

module attributes {stable_mosaic.version = 14 : i64} {
  func.func @_last_body(%arg0: i32, %arg1: memref<400x128xf32, #tpu.memory_space<vmem>>, %arg2: memref<400x128xf32, #tpu.memory_space<vmem>>, %arg3: memref<6400x128xf32, #tpu.memory_space<vmem>>, %arg4: memref<6400x128xbf16, #tpu.memory_space<vmem>>, %arg5: memref<400x16xf32, #tpu.memory_space<vmem>>, %arg6: memref<128x128xf32, #tpu.memory_space<vmem>>, %arg7: memref<128x128xf32, #tpu.memory_space<vmem>>, %arg8: memref<1x128xf32, #tpu.memory_space<vmem>>, %arg9: memref<1x256xf32, #tpu.memory_space<vmem>>, %arg10: memref<128x128xf32, #tpu.memory_space<vmem>>, %arg11: memref<400x128xf32, #tpu.memory_space<vmem>>) attributes {dimension_semantics = [#tpu.dimension_semantics<arbitrary>], iteration_bounds = array<i64: 25>, scalar_prefetch = 0 : i64, scratch_operands = 0 : i64, tpu.core_type = #tpu.core_type<tc>, window_params = [{transform_indices = @transform_0, window_bounds = array<i64: 400, 128>}, {transform_indices = @transform_1, window_bounds = array<i64: 400, 128>}, {transform_indices = @transform_2, window_bounds = array<i64: 6400, 128>}, {transform_indices = @transform_3, window_bounds = array<i64: 6400, 128>}, {transform_indices = @transform_4, window_bounds = array<i64: 400, 16>}, {pipeline_mode = #tpu.pipeline_mode<synchronous>, transform_indices = @transform_5, window_bounds = array<i64: 128, 128>}, {pipeline_mode = #tpu.pipeline_mode<synchronous>, transform_indices = @transform_6, window_bounds = array<i64: 128, 128>}, {pipeline_mode = #tpu.pipeline_mode<synchronous>, transform_indices = @transform_7, window_bounds = array<i64: 1, 128>}, {pipeline_mode = #tpu.pipeline_mode<synchronous>, transform_indices = @transform_8, window_bounds = array<i64: 1, 256>}, {pipeline_mode = #tpu.pipeline_mode<synchronous>, transform_indices = @transform_9, window_bounds = array<i64: 128, 128>}, {transform_indices = @transform_10, window_bounds = array<i64: 400, 128>}]} {
    %get3A = arith.constant 0 : index
    %get3A_0 = arith.constant 0 : index
    %get3A_1 = vector.load %arg4[%get3A, %get3A_0] : memref<6400x128xbf16, #tpu.memory_space<vmem>>, vector<6400x128xbf16>
    %get3A_2 = arith.constant 0 : index
    %get3A_3 = arith.constant 0 : index
    %get3A_4 = vector.load %arg6[%get3A_2, %get3A_3] : memref<128x128xf32, #tpu.memory_space<vmem>>, vector<128x128xf32>
    %dot_general3A = arith.constant dense<0.000000e+00> : vector<6400x128xf32>
    %dot_general3A_5 = tpu.matmul %get3A_1, %get3A_4, %dot_general3A {dimension_numbers = #tpu.dot_dimension_numbers<[1], [0], [0], [1], [0, 0, 1, 1], [], []>, transpose_lhs_hint = false} : vector<6400x128xbf16>, vector<128x128xf32>, vector<6400x128xf32> -> vector<6400x128xf32>
    %get3A_6 = arith.constant 0 : index
    %get3A_7 = arith.constant 0 : index
    %get3A_8 = vector.load %arg3[%get3A_6, %get3A_7] : memref<6400x128xf32, #tpu.memory_space<vmem>>, vector<6400x128xf32>
    %add3A = arith.addf %dot_general3A_5, %get3A_8 : vector<6400x128xf32>
    %reshape3A = vector.shape_cast %add3A : vector<6400x128xf32> to vector<400x16x128xf32>
    %get3A_9 = arith.constant 0 : index
    %get3A_10 = arith.constant 0 : index
    %get3A_11 = vector.load %arg2[%get3A_9, %get3A_10] : memref<400x128xf32, #tpu.memory_space<vmem>>, vector<400x128xf32>
    %broadcast_in_dim3A = vector.shape_cast %get3A_11 : vector<400x128xf32> to vector<400x1x128xf32>
    %add3A_12 = vector.broadcast %broadcast_in_dim3A : vector<400x1x128xf32> to vector<400x16x128xf32>
    %add3A_13 = arith.addf %reshape3A, %add3A_12 : vector<400x16x128xf32>
    %integer_pow3A = arith.mulf %add3A_13, %add3A_13 : vector<400x16x128xf32>
    %integer_pow3A_14 = arith.mulf %add3A_13, %integer_pow3A : vector<400x16x128xf32>
    %mul3A = arith.constant 4.471500e-02 : f32
    %mul3A_15 = vector.broadcast %mul3A : f32 to vector<400x16x128xf32>
    %mul3A_16 = arith.mulf %mul3A_15, %integer_pow3A_14 : vector<400x16x128xf32>
    %add3A_17 = arith.addf %add3A_13, %mul3A_16 : vector<400x16x128xf32>
    %mul3A_18 = arith.constant 0.797884583 : f32
    %mul3A_19 = vector.broadcast %mul3A_18 : f32 to vector<400x16x128xf32>
    %mul3A_20 = arith.mulf %mul3A_19, %add3A_17 : vector<400x16x128xf32>
    %tanh3A = math.tanh %mul3A_20 : vector<400x16x128xf32>
    %add3A_21 = arith.constant 1.000000e+00 : f32
    %add3A_22 = vector.broadcast %add3A_21 : f32 to vector<400x16x128xf32>
    %add3A_23 = arith.addf %add3A_22, %tanh3A : vector<400x16x128xf32>
    %mul3A_24 = arith.constant 5.000000e-01 : f32
    %mul3A_25 = vector.broadcast %mul3A_24 : f32 to vector<400x16x128xf32>
    %mul3A_26 = arith.mulf %mul3A_25, %add3A_23 : vector<400x16x128xf32>
    %mul3A_27 = arith.mulf %add3A_13, %mul3A_26 : vector<400x16x128xf32>
    %convert_element_type3A = arith.truncf %mul3A_27 : vector<400x16x128xf32> to vector<400x16x128xbf16>
    %reshape3A_28 = vector.shape_cast %convert_element_type3A : vector<400x16x128xbf16> to vector<6400x128xbf16>
    %get3A_29 = arith.constant 0 : index
    %get3A_30 = arith.constant 0 : index
    %get3A_31 = vector.load %arg7[%get3A_29, %get3A_30] : memref<128x128xf32, #tpu.memory_space<vmem>>, vector<128x128xf32>
    %dot_general3A_32 = arith.constant dense<0.000000e+00> : vector<6400x128xf32>
    %dot_general3A_33 = tpu.matmul %reshape3A_28, %get3A_31, %dot_general3A_32 {dimension_numbers = #tpu.dot_dimension_numbers<[1], [0], [0], [1], [0, 0, 1, 1], [], []>, transpose_lhs_hint = false} : vector<6400x128xbf16>, vector<128x128xf32>, vector<6400x128xf32> -> vector<6400x128xf32>
    %get3A_34 = arith.constant 0 : index
    %get3A_35 = arith.constant 0 : index
    %get3A_36 = vector.load %arg8[%get3A_34, %get3A_35] : memref<1x128xf32, #tpu.memory_space<vmem>>, vector<1x128xf32>
    %add3A_37 = vector.broadcast %get3A_36 : vector<1x128xf32> to vector<6400x128xf32>
    %add3A_38 = arith.addf %dot_general3A_33, %add3A_37 : vector<6400x128xf32>
    %reshape3A_39 = vector.shape_cast %add3A_38 : vector<6400x128xf32> to vector<400x16x128xf32>
    %get3A_40 = arith.constant 0 : index
    %get3A_41 = arith.constant 0 : index
    %get3A_42 = vector.load %arg5[%get3A_40, %get3A_41] : memref<400x16xf32, #tpu.memory_space<vmem>>, vector<400x16xf32>
    %broadcast_in_dim3A_43 = vector.shape_cast %get3A_42 : vector<400x16xf32> to vector<400x16x1xf32>
    %mul3A_44 = vector.broadcast %broadcast_in_dim3A_43 : vector<400x16x1xf32> to vector<400x16x128xf32>
    %mul3A_45 = arith.mulf %reshape3A_39, %mul3A_44 : vector<400x16x128xf32>
    %reduce_sum3A = arith.constant dense<0.000000e+00> : vector<400x128xf32>
    %reduce_sum3A_46 = vector.multi_reduction <add>, %mul3A_45, %reduce_sum3A [1] : vector<400x16x128xf32> to vector<400x128xf32>
    %get3A_47 = arith.constant 0 : index
    %get3A_48 = arith.constant 0 : index
    %get3A_49 = vector.load %arg1[%get3A_47, %get3A_48] : memref<400x128xf32, #tpu.memory_space<vmem>>, vector<400x128xf32>
    %add3A_50 = arith.addf %get3A_49, %reduce_sum3A_46 : vector<400x128xf32>
    %get3A_51 = arith.constant 0 : index
    %get3A_52 = arith.constant 0 : index
    %get3A_53 = vector.load %arg9[%get3A_51, %get3A_52] : memref<1x256xf32, #tpu.memory_space<vmem>>, vector<1x256xf32>
    %slice3A = vector.extract_strided_slice %get3A_53 {offsets = [0, 0], sizes = [1, 128], strides = [1, 1]} : vector<1x256xf32> to vector<1x128xf32>
    %slice3A_54 = vector.extract_strided_slice %get3A_53 {offsets = [0, 128], sizes = [1, 128], strides = [1, 1]} : vector<1x256xf32> to vector<1x128xf32>
    %reduce_sum3A_55 = arith.constant dense<0.000000e+00> : vector<400xf32>
    %reduce_sum3A_56 = vector.multi_reduction <add>, %add3A_50, %reduce_sum3A_55 [1] : vector<400x128xf32> to vector<400xf32>
    %broadcast_in_dim3A_57 = vector.shape_cast %reduce_sum3A_56 : vector<400xf32> to vector<400x1xf32>
    %div3A = arith.constant 1.280000e+02 : f32
    %div3A_58 = vector.broadcast %div3A : f32 to vector<400x1xf32>
    %div3A_59 = arith.divf %broadcast_in_dim3A_57, %div3A_58 : vector<400x1xf32>
    %sub3A = vector.broadcast %div3A_59 : vector<400x1xf32> to vector<400x128xf32>
    %sub3A_60 = arith.subf %add3A_50, %sub3A : vector<400x128xf32>
    %mul3A_61 = arith.mulf %sub3A_60, %sub3A_60 : vector<400x128xf32>
    %reduce_sum3A_62 = arith.constant dense<0.000000e+00> : vector<400xf32>
    %reduce_sum3A_63 = vector.multi_reduction <add>, %mul3A_61, %reduce_sum3A_62 [1] : vector<400x128xf32> to vector<400xf32>
    %broadcast_in_dim3A_64 = vector.shape_cast %reduce_sum3A_63 : vector<400xf32> to vector<400x1xf32>
    %div3A_65 = arith.constant 1.280000e+02 : f32
    %div3A_66 = vector.broadcast %div3A_65 : f32 to vector<400x1xf32>
    %div3A_67 = arith.divf %broadcast_in_dim3A_64, %div3A_66 : vector<400x1xf32>
    %add3A_68 = arith.constant 9.99999974E-6 : f32
    %add3A_69 = vector.broadcast %add3A_68 : f32 to vector<400x1xf32>
    %add3A_70 = arith.addf %div3A_67, %add3A_69 : vector<400x1xf32>
    %rsqrt3A = math.rsqrt %add3A_70 : vector<400x1xf32>
    %mul3A_71 = vector.broadcast %rsqrt3A : vector<400x1xf32> to vector<400x128xf32>
    %mul3A_72 = arith.mulf %sub3A_60, %mul3A_71 : vector<400x128xf32>
    %add3A_73 = arith.constant 1.000000e+00 : f32
    %add3A_74 = vector.broadcast %add3A_73 : f32 to vector<1x128xf32>
    %add3A_75 = arith.addf %add3A_74, %slice3A : vector<1x128xf32>
    %mul3A_76 = vector.broadcast %add3A_75 : vector<1x128xf32> to vector<400x128xf32>
    %mul3A_77 = arith.mulf %mul3A_72, %mul3A_76 : vector<400x128xf32>
    %add3A_78 = vector.broadcast %slice3A_54 : vector<1x128xf32> to vector<400x128xf32>
    %add3A_79 = arith.addf %mul3A_77, %add3A_78 : vector<400x128xf32>
    %get3A_80 = arith.constant 0 : index
    %get3A_81 = arith.constant 0 : index
    %get3A_82 = vector.load %arg10[%get3A_80, %get3A_81] : memref<128x128xf32, #tpu.memory_space<vmem>>, vector<128x128xf32>
    %dot_general3A_83 = arith.constant dense<0.000000e+00> : vector<400x128xf32>
    %dot_general3A_84 = tpu.matmul %add3A_79, %get3A_82, %dot_general3A_83 {dimension_numbers = #tpu.dot_dimension_numbers<[1], [0], [0], [1], [0, 0, 1, 1], [], []>, transpose_lhs_hint = false} : vector<400x128xf32>, vector<128x128xf32>, vector<400x128xf32> -> vector<400x128xf32>
    %swap3A = arith.constant 0 : index
    %swap3A_85 = arith.constant 0 : index
    %swap3A_86 = vector.load %arg11[%swap3A, %swap3A_85] : memref<400x128xf32, #tpu.memory_space<vmem>>, vector<400x128xf32>
    tpu.vector_store %arg11[%swap3A, %swap3A_85], %dot_general3A_84 {strides = array<i32>} : memref<400x128xf32, #tpu.memory_space<vmem>>, vector<400x128xf32>,
    return
  }
  func.func @transform_0(%arg0: i32) -> (i32, i32) {
    %c0_i32 = arith.constant 0 : i32
    %c0_i32_0 = arith.constant 0 : i32
    return %arg0, %c0_i32 : i32, i32
  }
  func.func @transform_1(%arg0: i32) -> (i32, i32) {
    %c0_i32 = arith.constant 0 : i32
    %c0_i32_0 = arith.constant 0 : i32
    return %arg0, %c0_i32 : i32, i32
  }
  func.func @transform_2(%arg0: i32) -> (i32, i32) {
    %c0_i32 = arith.constant 0 : i32
    %c0_i32_0 = arith.constant 0 : i32
    return %arg0, %c0_i32 : i32, i32
  }
  func.func @transform_3(%arg0: i32) -> (i32, i32) {
    %c0_i32 = arith.constant 0 : i32
    %c0_i32_0 = arith.constant 0 : i32
    return %arg0, %c0_i32 : i32, i32
  }
  func.func @transform_4(%arg0: i32) -> (i32, i32) {
    %c0_i32 = arith.constant 0 : i32
    %c0_i32_0 = arith.constant 0 : i32
    return %arg0, %c0_i32 : i32, i32
  }
  func.func @transform_5(%arg0: i32) -> (i32, i32) {
    %c0_i32 = arith.constant 0 : i32
    %c0_i32_0 = arith.constant 0 : i32
    %c0_i32_1 = arith.constant 0 : i32
    return %c0_i32, %c0_i32_0 : i32, i32
  }
  func.func @transform_6(%arg0: i32) -> (i32, i32) {
    %c0_i32 = arith.constant 0 : i32
    %c0_i32_0 = arith.constant 0 : i32
    %c0_i32_1 = arith.constant 0 : i32
    return %c0_i32, %c0_i32_0 : i32, i32
  }
  func.func @transform_7(%arg0: i32) -> (i32, i32) {
    %c0_i32 = arith.constant 0 : i32
    %c0_i32_0 = arith.constant 0 : i32
    %c0_i32_1 = arith.constant 0 : i32
    return %c0_i32, %c0_i32_0 : i32, i32
  }
  func.func @transform_8(%arg0: i32) -> (i32, i32) {
    %c0_i32 = arith.constant 0 : i32
    %c0_i32_0 = arith.constant 0 : i32
    %c0_i32_1 = arith.constant 0 : i32
    return %c0_i32, %c0_i32_0 : i32, i32
  }
  func.func @transform_9(%arg0: i32) -> (i32, i32) {
    %c0_i32 = arith.constant 0 : i32
    %c0_i32_0 = arith.constant 0 : i32
    %c0_i32_1 = arith.constant 0 : i32
    return %c0_i32, %c0_i32_0 : i32, i32
  }
  func.func @transform_10(%arg0: i32) -> (i32, i32) {
    %c0_i32 = arith.constant 0 : i32
    %c0_i32_0 = arith.constant 0 : i32
    return %arg0, %c0_i32 : i32, i32
  }
}

</mosaic_0001>

<sc_bundles>
// kernel: kernel.10.cloned.1.call-start
scs
__scs_entry_jumppad:
0x0: {  	(pc) =	sbr.rel $0x88, $3  }
0x1: {  	(tag) =	ssettag $0x0;
	lr =	simm.s32 $0x1  }
0x2: {  	[smem:$0x3F8C] =	sst lr;
	_ =	strace $0xD0000000  }
0x3: {  	_ = 	snop  }
0x4: {  	_ = 	snop  }
0x5: {  	_ = 	snop  }
0x6: {  	_ = 	snop  }
0x7: {  	_ = 	snop  }
__scs_overlays_trampoline_lowered:
0x8: {  	[smem:$0x3F9B] =	sst s0  }
0x9: {  	[smem:$0x3F9C] =	sst s1  }
0xa: {  	[smem:$0x3F9D] =	sst s2  }
0xb: {  	[smem:$0x3F9E] =	sst s3  }
0xc: {  	[smem:$0x3F9F] =	sst s4  }
0xd: {  	[smem:$0x3FA0] =	sst s5  }
0xe: {  	[smem:$0x3FA1] =	sst s6  }
0xf: {  	[smem:$0x3FA2] =	sst s7  }
0x10: {  	[smem:$0x3FA3] =	sst s8  }
0x11: {  	[smem:$0x3FA4] =	sst s9;
	s0 =	simm.s32 @!p0 $0x0  }
0x12: {  	s1 =	sld [smem:$0x3F8A];
	s0 =	simm.s32 @p0 $0x1  }
0x13: {  	[smem:$0x3FA5] =	sst s0;
	s0 =	simm.s32 @!p1 $0x0  }
0x14: {  	s2 =	sld [smem:$0x3F89];
	s0 =	simm.s32 @p1 $0x1  }
0x15: {  	[smem:$0x3FA6] =	sst s0;
	s0 =	simm.s32 @!p2 $0x0  }
0x16: {  	s3 =	sld [smem:$0x3FDB];
	s0 =	simm.s32 @p2 $0x1  }
0x17: {  	s4 =	simm.s32 $0x1BF5;
	[smem:$0x3FA8] =	sst s0  }
0x18: {  	s0 =	sld [smem:$0x3F8B];
	_ =	swait.ge [sflag:s4], $0x0  }
0x19: {  	s7 =	sld [smem:$0x3F8C]  }
0x1a: {  	s8 =	sadd.s32 $0xFFFFE003, lr  }
0x1b: {  	s9 =	sadd.s32 $0xFFFFFEF7, lr;
	s5 =	simm.s32 $0xFFFFFFFF;
	p2 =	slt.u32 s8, $0xFFFFF086  }
0x1c: {  	p1 =	slt.u32 s9, $0xF7A;
	s5 =	simm.s32 @!p2 $0x0  }
0x1d: {  	s5 =	simm.s32 @p1 $0x1;
	p0 =	seq.s32 s7, s2  }
0x1e: {  	s7 =	smul.u32 @!p0 $0xF7A, s2;
	p2 =	seq.s32 @!p0 s5, $0x0  }
0x1f: {  	s9 =	smul.u32 $0xF7A, s1;
	s8 =	simm.s32 @!p0 $0x1BF5;
	p2 =	por !p2, p0  }
0x20: {  	[sflag:s8] =	ssyncset.s32 @!p0 $0xFFFFF086;
	s6 =	sadd.s32 @!p0 s3, s7;
	s7 =	simm.s32 @!p0 $0x108  }
0x21: {  	s3 =	sadd.s32 s3, s9;
	s6 =	sadd.s32 @!p0 $0x88, s6;
	s7 =	simm.s32 @p2 $0x1082  }
0x22: {  	[simem:s7], [sflag:s8] =	dma.local @!p0 [hbm:s6], $0xF7A  }
0x23: {  	s9 =	sor.u32 $0xD0000000, s2;
	s6 =	simm.s32 $0x108;
	_ =	swait.ge @!p0 [sflag:s8], $0x0  }
0x24: {  	s3 =	sadd.s32 $0x88, s3;
	s6 =	simm.s32 @!p1 $0x1082;
	[sflag:s4] =	ssyncset.s32 $0xFFFFF086  }
0x25: {  	[simem:s6], [sflag:s4] =	dma.local [hbm:s3], $0xF7A  }
0x26: {  	[smem:$0x3F8C] =	sst s1;
	(tag) =	ssettag s2;
	_ =	strace s9  }
0x27: {  	s1 =	sld [smem:$0x3F9C]  }
0x28: {  	s2 =	sld [smem:$0x3F9D]  }
0x29: {  	s4 =	sld [smem:$0x3F9F]  }
0x2a: {  	p0 =	seq.s32 s5, $0x0;
	s5 =	sld [smem:$0x3FA0]  }
0x2b: {  	s6 =	sld [smem:$0x3FA1]  }
0x2c: {  	s7 =	sld [smem:$0x3FA2]  }
0x2d: {  	s3 =	simm.s32 $0x108;
	s8 =	sld [smem:$0x3FA3]  }
0x2e: {  	s3 =	simm.s32 @!p0 $0x1082;
	s9 =	sld [smem:$0x3FA4]  }
0x2f: {  	lr =	sadd.s32 s0, s3;
	s0 =	sld [smem:$0x3F9B]  }
0x30: {  	s3 =	sld [smem:$0x3F9E]  }
0x31: {  	[smem:$0x3FA7] =	sst s10  }
0x32: {  	s10 =	sld [smem:$0x3FA5];
	_ =	sdelay $0x3  }
0x33: {  	p0 =	seq.s32 s10, $0x1;
	s10 =	sld [smem:$0x3FA7];
	_ =	sdelay $0x3  }
0x34: {  	[smem:$0x3FA7] =	sst s10  }
0x35: {  	s10 =	sld [smem:$0x3FA6];
	_ =	sdelay $0x3  }
0x36: {  	p1 =	seq.s32 s10, $0x1;
	s10 =	sld [smem:$0x3FA7];
	_ =	sdelay $0x3  }
0x37: {  	[smem:$0x3FA7] =	sst s10  }
0x38: {  	s10 =	sld [smem:$0x3FA8]  }
0x39: {  	_ = 	snop;
	(pc) =	sbr.ind lr, $3  }
0x3a: {  	_ = 	snop  }
0x3b: {  	_ = 	snop  }
0x3c: {  	p2 =	seq.s32 s10, $0x1;
	s10 =	sld [smem:$0x3FA7]  }
0x3d: {  	_ =	shalt  }
0x3e: {  	_ =	shalt  }
0x3f: {  	_ =	shalt  }
0x40: {  	_ =	shalt  }
0x41: {  	_ =	shalt  }
0x42: {  	_ =	shalt  }
0x43: {  	_ =	shalt  }
0x44: {  	_ =	shalt  }
0x45: {  	_ =	shalt  }
0x46: {  	_ =	shalt  }
0x47: {  	_ =	shalt  }
0x48: {  	_ =	shalt  }
0x49: {  	_ =	shalt  }
0x4a: {  	_ =	shalt  }
0x4b: {  	_ =	shalt  }
0x4c: {  	_ =	shalt  }
0x4d: {  	_ =	shalt  }
0x4e: {  	_ =	shalt  }
0x4f: {  	_ =	shalt  }
0x50: {  	_ =	shalt  }
0x51: {  	_ =	shalt  }
0x52: {  	_ =	shalt  }
0x53: {  	_ =	shalt  }
0x54: {  	_ =	shalt  }
0x55: {  	_ =	shalt  }
0x56: {  	_ =	shalt  }
0x57: {  	_ =	shalt  }
0x58: {  	_ =	shalt  }
0x59: {  	_ =	shalt  }
0x5a: {  	_ =	shalt  }
0x5b: {  	_ =	shalt  }
0x5c: {  	_ =	shalt  }
0x5d: {  	_ =	shalt  }
0x5e: {  	_ =	shalt  }
0x5f: {  	_ =	shalt  }
0x60: {  	_ =	shalt  }
0x61: {  	_ =	shalt  }
0x62: {  	_ =	shalt  }
0x63: {  	_ =	shalt  }
0x64: {  	_ =	shalt  }
0x65: {  	_ =	shalt  }
0x66: {  	_ =	shalt  }
0x67: {  	_ =	shalt  }
0x68: {  	_ =	shalt  }
0x69: {  	_ =	shalt  }
0x6a: {  	_ =	shalt  }
0x6b: {  	_ =	shalt  }
0x6c: {  	_ =	shalt  }
0x6d: {  	_ =	shalt  }
0x6e: {  	_ =	shalt  }
0x6f: {  	_ =	shalt  }
0x70: {  	_ =	shalt  }
0x71: {  	_ =	shalt  }
0x72: {  	_ =	shalt  }
0x73: {  	_ =	shalt  }
0x74: {  	_ =	shalt  }
0x75: {  	_ =	shalt  }
0x76: {  	_ =	shalt  }
0x77: {  	_ =	shalt  }
0x78: {  	_ =	shalt  }
0x79: {  	_ =	shalt  }
0x7a: {  	_ =	shalt  }
0x7b: {  	_ =	shalt  }
0x7c: {  	_ =	shalt  }
0x7d: {  	_ =	shalt  }
0x7e: {  	_ =	shalt  }
0x7f: {  	_ =	shalt  }
0x80: {  	_ =	shalt  }
0x81: {  	_ =	shalt  }
0x82: {  	_ =	shalt  }
0x83: {  	_ =	shalt  }
0x84: {  	_ =	shalt  }
0x85: {  	_ =	shalt  }
0x86: {  	_ =	shalt  }
0x87: {  	_ =	shalt  }
.Lfunc_end0:
.L_simem_size_0:
called_computation_lowered:
.L_overlay_start_0:
0x88: {  	s2 =	sld [smem:$0x3FD9]  }
0x89: {  	s3 =	sld [smem:$0x3FFE];
	_ =	sdelay $0x1  }
0x8a: {  	s1 =	srdreg.scid  }
0x8b: {  	s0 =	sand.u32 $0x1, s1  }
0x8c: {  	s16 =	sshll.u32 s0, $0xA;
	s2 =	sadd.s32 s3, s2  }
0x8d: {  	s2 =	sadd.s32 s2, s16  }
0x8e: {  	[smem:$0x3FB3] =	sst s2  }
0x8f: {  	_ = 	snop  }
0x90: {  	(tm) =	ssettm $0x1  }
0x91: {  	s17 =	sld [smem:$0x3FFB];
	_ =	sdelay $0x3  }
0x92: {  	_ =	strace s17  }
0x93: {  	s2 =	sld [smem:$0x3FFC];
	_ =	sdelay $0x3  }
0x94: {  	_ =	strace s2  }
0x95: {  	s2 =	sld [smem:$0x3FFD];
	_ =	sdelay $0x3  }
0x96: {  	_ =	strace s2  }
0x97: {  	_ =	strace $0x8FFFFFFF  }
0x98: {  	s18 =	sld [smem:$0x3FDB];
	_ =	sdelay $0x1  }
0x99: {  	s19 =	simm.s32 $_scs_section_size  }
0x9a: {  	s4 =	simm.s32 $_size__tile_overlayer_lowered;
	s5 =	simm.s32 $_tile_overlayer_lowered  }
0x9b: {  	s22 =	simm.s32 $0x1BFF;
	s21 =	sshll.u32 s5, $0x1;
	s2 =	sadd.s32 s19, s18  }
0x9c: {  	s6 =	simm.s32 $0x0;
	s20 =	sshll.u32 s4, $0x1;
	s4 =	sadd.s32 s21, s2  }
0x9d: {  	[timem:s6], [sflag:s22] =	dma.local [hbm:s4], s20  }
0x9e: {  	_ =	swait.ge [sflag:s22], s20  }
0x9f: {  	s3 =	ssub.s32 $0x0, s20;
	[sflag:s22] =	ssyncset.done $0x0  }
0xa0: {  	[sflag:s22] =	ssyncadd.s32 s3;
	_ =	sdelay $0x1  }
0xa1: {  	s23 =	simm.s32 $0x1B8B  }
0xa2: {  	_ =	swait.ge [sflag:s23], $0x1  }
0xa3: {  	[sflag:s23] =	ssyncset.done $0x0  }
0xa4: {  	s25 =	simm.s32 $0x1B8E;
	s24 =	sld [smem:$0x3FFE];
	[sflag:s23] =	ssyncadd.s32 $0xFFFFFFFF  }
0xa5: {  	s26 =	simm.s32 $execute0_lowered;
	[smem:$0x3FD2] =	sst s25  }
0xa6: {  	s4 =	sshll.u32 s26, $0x1;
	_ =	strace $0x80000046;
	[dreg:$0x1] =	wrdreg $0xFFFFFFFF  }
0xa7: {  	s28 =	simm.s32 $_size_execute0_lowered;
	s2 =	sadd.s32 s2, s4;
	[dreg:$0x0] =	wrdreg $0x0  }
0xa8: {  	s4 =	sshll.u32 s28, $0x1;
	[dreg:$0x2] =	wrdreg s2  }
0xa9: {  	[dreg:$0x3] =	wrdreg s4  }
0xaa: {  	[dreg:$0x4] =	wrdreg $0xC0  }
0xab: {  	_ =	task [dreg:s6], $0x5FFFF  }
0xac: {  	[dreg:$0x1] =	wrdreg $0xFFFFFFFF  }
0xad: {  	[dreg:$0x0] =	wrdreg $0x60  }
0xae: {  	[dreg:$0x2] =	wrdreg s24  }
0xaf: {  	[dreg:$0x3] =	wrdreg $0x9  }
0xb0: {  	_ =	task.clear_ibuf [dreg:s6], $0x4FFFF;
	_ =	strace $0x90000046  }
0xb1: {  	s29 =	simm.s32 $0x9;
	_ =	strace $0x80000048  }
0xb2: {  	_ =	swait.ge [sflag:s29], $0x1  }
0xb3: {  	[sflag:s29] =	ssyncadd.s32 $0xFFFFFFFF  }
0xb4: {  	_ =	strace $0x90000048  }
0xb5: {  	_ =	sfence  }
0xb6: {  	s30 =	sld [smem:$0x0];
	_ =	sdelay $0x2  }
0xb7: {  	s31 =	sshll.u32 s1, $0xD;
	s1 =	sshrl.u32 s1, $0x2  }
0xb8: {  	s3 =	sand.u32 $0x4000, s31;
	s1 =	sadd.s32 s1, s30  }
0xb9: {  	s0 =	sor.u32 s3, s0;
	s1 =	sshll.u32 s1, $0x11  }
0xba: {  	s0 =	sor.u32 s1, s0  }
0xbb: {  	s0 =	sadd.s32 $0x8F2B, s0  }
0xbc: {  	[sflag:s0] =	ssyncadd.remote.s32 $0x1  }
0xbd: {  	_ =	sfence.sel $0xFFFF  }
0xbe: {  	[dreg:$0x0] =	wrdreg $0xFFFFFFFF;
	(pc) =	sbr.abs _section_cstart, $3  }
0xbf: {  	[dreg:$0x1] =	wrdreg $0xFFFFFFFF  }
0xc0: {  	_ =	task.clear_ibuf [dreg:s6], $0x2FFFF;
	_ =	strace $0x9FFFFFFF  }
0xc1: {  	(tm) =	ssettm $0x7FFFFFFF  }
tec
execute0_lowered:
.L_overlay_start_1:
0x0: {  	(tag) =	ssettag $0x1  }
0x1: {  	s3 =	rddreg [dreg:$0x0];
	s2 =	simm.s32 $0x0  }
0x2: {  	s0 =	srdreg.scid;
	s23 =	simm.s32 $0x100;
	[smem:$0x7FF] =	sst s2  }
0x3: {  	s24 =	simm.s32 $0x180;
	_ =	strace $0x80000047;
	[dreg:$0x10] =	wrdreg s23  }
0x4: {  	s16 =	stileid.u32;
	s25 =	simm.s32 $0x200;
	[dreg:$0x11] =	wrdreg s24  }
0x5: {  	s26 =	simm.s32 $0x280;
	s7 =	simm.s32 $0x480;
	[dreg:$0x12] =	wrdreg s25  }
0x6: {  	s8 =	simm.s32 $0x500;
	s1 =	sand.u32 $0x1, s0;
	[dreg:$0x13] =	wrdreg s26  }
0x7: {  	s9 =	sshll.u32 s16, $0x1;
	s6 =	sadd.s32 $0x36400, s3;
	[dreg:$0x17] =	wrdreg s7  }
0x8: {  	s0 =	sor.u32 s1, s9;
	[dreg:$0x18] =	wrdreg s8;
	s9 =	simm.s32 $0x580  }
0x9: {  	s23 =	simm.s32 $0xB80;
	s4 =	smul.u32 $0x271, s0;
	[dreg:$0x19] =	wrdreg s9  }
0xa: {  	s24 =	simm.s32 $0xC00;
	s5 =	smul.u32 $0x9C400, s0;
	[smem:$0x7FA] =	sst s23  }
0xb: {  	s25 =	simm.s32 $0xC80;
	s0 =	smul.u32 $0x13880, s0;
	[smem:$0x7FB] =	sst s24  }
0xc: {  	s26 =	simm.s32 $0xD00;
	[smem:$0x7FC] =	sst s25;
	s4 =	sadd.s32 s4, s3  }
0xd: {  	[smem:$0x7FD] =	sst s26;
	s31 =	sadd.s32 s6, s0;
	s4 =	sadd.s32 $0x7200, s4  }
0xe: {  	s0 =	sadd.s32 $0x1800, s31;
	[dreg:$0x2] =	wrdreg s4  }
0xf: {  	s12 =	sadd.s32 $0x3000, s31;
	[dreg:$0x5] =	wrdreg s0  }
0x10: {  	s13 =	sadd.s32 $0x4800, s31;
	[dreg:$0x6] =	wrdreg s12  }
0x11: {  	s14 =	sadd.s32 $0x6000, s31;
	[dreg:$0x7] =	wrdreg s13  }
0x12: {  	s30 =	simm.s32 $0xD80;
	s15 =	sadd.s32 $0x7800, s31;
	[dreg:$0x8] =	wrdreg s14  }
0x13: {  	s29 =	simm.s32 $0xE80;
	s17 =	sadd.s32 $0x9000, s31;
	[dreg:$0x9] =	wrdreg s15  }
0x14: {  	s28 =	simm.s32 $0xF80;
	s18 =	sadd.s32 $0xA800, s31;
	[dreg:$0xa] =	wrdreg s17  }
0x15: {  	p0 =	por $0x0, $0x0;
	s19 =	sadd.s32 $0xC000, s31;
	[dreg:$0xb] =	wrdreg s18  }
0x16: {  	s1 =	ssub.s32 $0x2, s1;
	s20 =	sadd.s32 $0xD800, s31;
	[dreg:$0xc] =	wrdreg s19  }
0x17: {  	s7 =	simm.s32 $0xD400;
	s21 =	sadd.s32 $0xF000, s31;
	[dreg:$0xd] =	wrdreg s20  }
0x18: {  	s5 =	sshrl.u32 s5, $0x3;
	s22 =	sadd.s32 $0x10800, s31;
	[dreg:$0xe] =	wrdreg s21  }
0x19: {  	s5 =	sadd.s32 s6, s5;
	s6 =	simm.s32 $0x400;
	[dreg:$0xf] =	wrdreg s22  }
0x1a: {  	s8 =	simm.s32 $0x3;
	s10 =	sadd.s32 $0x12000, s5;
	[dreg:$0x16] =	wrdreg s6  }
0x1b: {  	s9 =	simm.s32 $0x5400;
	s11 =	sadd.s32 $0x13800, s5;
	[dreg:$0x3] =	wrdreg s10  }
0x1c: {  	s26 =	simm.s32 $0xF00;
	s4 =	simm.s32 $0x300;
	[dreg:$0x4] =	wrdreg s11  }
0x1d: {  	s25 =	simm.s32 $0x1000;
	s5 =	simm.s32 $0x380;
	[dreg:$0x14] =	wrdreg s4  }
0x1e: {  	s23 =	simm.s32 $0x1100;
	s13 =	simm.s32 $0x700;
	[dreg:$0x15] =	wrdreg s5  }
0x1f: {  	s24 =	simm.s32 $0x1180;
	s14 =	simm.s32 $0x780;
	[dreg:$0x1c] =	wrdreg s13  }
0x20: {  	s3 =	sadd.s32 $0xF200, s3;
	s15 =	simm.s32 $0x800;
	[dreg:$0x1d] =	wrdreg s14  }
0x21: {  	s12 =	sshrl.u32 s1, $0x1;
	s17 =	simm.s32 $0x880;
	[dreg:$0x1e] =	wrdreg s15  }
0x22: {  	s6 =	simm.s32 $0x80;
	s18 =	simm.s32 $0x900;
	[dreg:$0x1f] =	wrdreg s17  }
0x23: {  	s19 =	simm.s32 $0x980;
	s20 =	simm.s32 $0xA00;
	[smem:$0x7F5] =	sst s18  }
0x24: {  	s21 =	simm.s32 $0xA80;
	s22 =	simm.s32 $0xB00;
	[smem:$0x7F6] =	sst s19  }
0x25: {  	s10 =	simm.s32 $0x600;
	s11 =	simm.s32 $0x680;
	[smem:$0x7F7] =	sst s20  }
0x26: {  	s1 =	ssub.s32 s1, s12;
	s4 =	simm.s32 $0x5;
	[smem:$0x7F8] =	sst s21  }
0x27: {  	s5 =	simm.s32 $0x1400;
	[smem:$0x7F9] =	sst s22;
	s1 =	smax.u32 s1, $0x1  }
0x28: {  	s14 =	simm.s32 $0x11400;
	s15 =	simm.s32 $0x15400;
	p1 =	sne.s32 s1, $0x1  }
.Ltmp0:
0x29: {  	s12 =	simm.s32 $0x2;
	s13 =	simm.s32 $0x4;
	(pc) =	sbr.rel @!p1 .LBB2_1-.Ltmp0, $4  }
0x2a: {  	s22 =	simm.s32 $0xE00;
	s20 =	simm.s32 $0x1200;
	s0 =	rddreg [dreg:$0x2]  }
0x2b: {  	s21 =	simm.s32 $0x1280;
	s19 =	simm.s32 $0x1300;
	[dreg:$0x1a] =	wrdreg s10  }
0x2c: {  	s17 =	simm.s32 $0x8;
	s18 =	simm.s32 $0x1380;
	[dreg:$0x1b] =	wrdreg s11  }
0x2d: {  	s11 =	simm.s32 $0x9400;
	s10 =	simm.s32 $0x1;
	s1 =	sadd.s32 $0xFFFFFFFF, s1  }
0x2e: {  	[tilespmem:s2], [sflag:$0x5] =	stream.linear.gather [hbm4b:s0+s2], $0x1388, $0x38;
	[tilespmem:$0x19400] =	vst v63  }
0x2f: {  	_ =	swait.ge [sflag:s4], $0x1388  }
0x30: {  	[sflag:s4] =	ssyncset.done $0x0  }
0x31: {  	[sflag:s4] =	ssyncadd.s32 $0xFFFFEC78  }
0x32: {  	[tilespmem:s5], [sflag:$0x1] =	stream.indirect.gather [hbm4b:s3+s6], $0x80, s2, s6, $0xb8;
	[tilespmem:$0x19400] =	vst v63  }
0x33: {  	_ = 	snop  }
0x34: {  	[tilespmem:s9], [sflag:$0x1] =	stream.indirect.gather [hbm4b:s3+s6], $0x80, s6, s6, $0xb8;
	[tilespmem:$0x19400] =	vst v63  }
0x35: {  	s16 =	rddreg [dreg:$0x10]  }
0x36: {  	[tilespmem:s11], [sflag:$0x1] =	stream.indirect.gather [hbm4b:s3+s6], $0x80, s16, s6, $0xb8;
	[tilespmem:$0x19400] =	vst v63  }
0x37: {  	_ =	swait.ge [sflag:s10], $0xC000  }
0x38: {  	[sflag:s10] =	ssyncset.done $0x0  }
0x39: {  	s0 =	rddreg [dreg:$0x11];
	[sflag:s10] =	ssyncadd.s32 $0xFFFF4000  }
0x3a: {  	[tilespmem:s7], [sflag:$0x2] =	stream.indirect.gather [hbm4b:s3+s6], $0x80, s0, s6, $0xb8;
	[tilespmem:$0x19400] =	vst v63  }
0x3b: {  	s16 =	smov.u32 s1;
	s1 =	rddreg [dreg:$0x12]  }
0x3c: {  	[tilespmem:s14], [sflag:$0x2] =	stream.indirect.gather [hbm4b:s3+s6], $0x80, s1, s6, $0xb8;
	[tilespmem:$0x19400] =	vst v63  }
0x3d: {  	s0 =	rddreg [dreg:$0x13]  }
0x3e: {  	[tilespmem:s15], [sflag:$0x2] =	stream.indirect.gather [hbm4b:s3+s6], $0x80, s0, s6, $0xb8;
	[tilespmem:$0x19400] =	vst v63  }
0x3f: {  	_ = 	snop  }
0x40: {  	[hbm4b:s31+s2] =	stream.linear.scatter [tilespmem:s5], [sflag:$0x3], $0xC000, $0x38;
	[tilespmem:$0x19400] =	vst v63  }
0x41: {  	_ =	swait.ge [sflag:s12], $0xC000  }
0x42: {  	[sflag:s12] =	ssyncset.done $0x0  }
0x43: {  	[sflag:s12] =	ssyncadd.s32 $0xFFFF4000  }
0x44: {  	_ =	swait.ge [sflag:s8], $0xC000  }
0x45: {  	[sflag:s8] =	ssyncset.done $0x0  }
0x46: {  	s0 =	rddreg [dreg:$0x14];
	[sflag:s8] =	ssyncadd.s32 $0xFFFF4000  }
0x47: {  	[tilespmem:s5], [sflag:$0x1] =	stream.indirect.gather [hbm4b:s3+s6], $0x80, s0, s6, $0xb8;
	[tilespmem:$0x19400] =	vst v63  }
0x48: {  	s1 =	rddreg [dreg:$0x15]  }
0x49: {  	[tilespmem:s9], [sflag:$0x1] =	stream.indirect.gather [hbm4b:s3+s6], $0x80, s1, s6, $0xb8;
	[tilespmem:$0x19400] =	vst v63  }
0x4a: {  	s0 =	rddreg [dreg:$0x16]  }
0x4b: {  	[tilespmem:s11], [sflag:$0x1] =	stream.indirect.gather [hbm4b:s3+s6], $0x80, s0, s6, $0xb8;
	[tilespmem:$0x19400] =	vst v63  }
0x4c: {  	s1 =	rddreg [dreg:$0x5]  }
0x4d: {  	[hbm4b:s1+s2] =	stream.linear.scatter [tilespmem:s7], [sflag:$0x4], $0xC000, $0x38;
	[tilespmem:$0x19400] =	vst v63  }
0x4e: {  	_ =	swait.ge [sflag:s10], $0xC000  }
0x4f: {  	[sflag:s10] =	ssyncset.done $0x0  }
0x50: {  	[sflag:s10] =	ssyncadd.s32 $0xFFFF4000  }
0x51: {  	_ =	swait.ge [sflag:s13], $0xC000  }
0x52: {  	[sflag:s13] =	ssyncset.done $0x0  }
0x53: {  	s0 =	rddreg [dreg:$0x17];
	[sflag:s13] =	ssyncadd.s32 $0xFFFF4000  }
0x54: {  	[tilespmem:s7], [sflag:$0x2] =	stream.indirect.gather [hbm4b:s3+s6], $0x80, s0, s6, $0xb8;
	[tilespmem:$0x19400] =	vst v63  }
0x55: {  	s1 =	rddreg [dreg:$0x18]  }
0x56: {  	[tilespmem:s14], [sflag:$0x2] =	stream.indirect.gather [hbm4b:s3+s6], $0x80, s1, s6, $0xb8;
	[tilespmem:$0x19400] =	vst v63  }
0x57: {  	s0 =	rddreg [dreg:$0x19]  }
0x58: {  	[tilespmem:s15], [sflag:$0x2] =	stream.indirect.gather [hbm4b:s3+s6], $0x80, s0, s6, $0xb8;
	[tilespmem:$0x19400] =	vst v63  }
0x59: {  	s1 =	rddreg [dreg:$0x6]  }
0x5a: {  	[hbm4b:s1+s2] =	stream.linear.scatter [tilespmem:s5], [sflag:$0x3], $0xC000, $0x38;
	[tilespmem:$0x19400] =	vst v63  }
0x5b: {  	_ =	swait.ge [sflag:s12], $0xC000  }
0x5c: {  	[sflag:s12] =	ssyncset.done $0x0  }
0x5d: {  	[sflag:s12] =	ssyncadd.s32 $0xFFFF4000  }
0x5e: {  	_ =	swait.ge [sflag:s8], $0xC000  }
0x5f: {  	[sflag:s8] =	ssyncset.done $0x0  }
0x60: {  	s0 =	rddreg [dreg:$0x1a];
	[sflag:s8] =	ssyncadd.s32 $0xFFFF4000  }
0x61: {  	[tilespmem:s5], [sflag:$0x1] =	stream.indirect.gather [hbm4b:s3+s6], $0x80, s0, s6, $0xb8;
	[tilespmem:$0x19400] =	vst v63  }
0x62: {  	s1 =	rddreg [dreg:$0x1b]  }
0x63: {  	[tilespmem:s9], [sflag:$0x1] =	stream.indirect.gather [hbm4b:s3+s6], $0x80, s1, s6, $0xb8;
	[tilespmem:$0x19400] =	vst v63  }
0x64: {  	s0 =	rddreg [dreg:$0x1c]  }
0x65: {  	[tilespmem:s11], [sflag:$0x1] =	stream.indirect.gather [hbm4b:s3+s6], $0x80, s0, s6, $0xb8;
	[tilespmem:$0x19400] =	vst v63  }
0x66: {  	s1 =	rddreg [dreg:$0x7]  }
0x67: {  	[hbm4b:s1+s2] =	stream.linear.scatter [tilespmem:s7], [sflag:$0x4], $0xC000, $0x38;
	[tilespmem:$0x19400] =	vst v63  }
0x68: {  	_ =	swait.ge [sflag:s10], $0xC000  }
0x69: {  	[sflag:s10] =	ssyncset.done $0x0  }
0x6a: {  	[sflag:s10] =	ssyncadd.s32 $0xFFFF4000  }
0x6b: {  	_ =	swait.ge [sflag:s13], $0xC000  }
0x6c: {  	[sflag:s13] =	ssyncset.done $0x0  }
0x6d: {  	s0 =	rddreg [dreg:$0x1d];
	[sflag:s13] =	ssyncadd.s32 $0xFFFF4000  }
0x6e: {  	[tilespmem:s7], [sflag:$0x2] =	stream.indirect.gather [hbm4b:s3+s6], $0x80, s0, s6, $0xb8;
	[tilespmem:$0x19400] =	vst v63  }
0x6f: {  	s1 =	rddreg [dreg:$0x1e]  }
0x70: {  	[tilespmem:s14], [sflag:$0x2] =	stream.indirect.gather [hbm4b:s3+s6], $0x80, s1, s6, $0xb8;
	[tilespmem:$0x19400] =	vst v63  }
0x71: {  	s0 =	rddreg [dreg:$0x1f]  }
0x72: {  	[tilespmem:s15], [sflag:$0x2] =	stream.indirect.gather [hbm4b:s3+s6], $0x80, s0, s6, $0xb8;
	[tilespmem:$0x19400] =	vst v63  }
0x73: {  	s1 =	rddreg [dreg:$0x8]  }
0x74: {  	[hbm4b:s1+s2] =	stream.linear.scatter [tilespmem:s5], [sflag:$0x3], $0xC000, $0x38;
	[tilespmem:$0x19400] =	vst v63  }
0x75: {  	_ =	swait.ge [sflag:s12], $0xC000  }
0x76: {  	[sflag:s12] =	ssyncset.done $0x0  }
0x77: {  	[sflag:s12] =	ssyncadd.s32 $0xFFFF4000  }
0x78: {  	_ =	swait.ge [sflag:s8], $0xC000  }
0x79: {  	s0 =	sld [smem:$0x7F5]  }
0x7a: {  	[sflag:s8] =	ssyncset.done $0x0  }
0x7b: {  	s1 =	sld [smem:$0x7F6];
	[sflag:s8] =	ssyncadd.s32 $0xFFFF4000  }
0x7c: {  	[tilespmem:s5], [sflag:$0x1] =	stream.indirect.gather [hbm4b:s3+s6], $0x80, s0, s6, $0xb8;
	[tilespmem:$0x19400] =	vst v63  }
0x7d: {  	s0 =	sld [smem:$0x7F7]  }
0x7e: {  	[tilespmem:s9], [sflag:$0x1] =	stream.indirect.gather [hbm4b:s3+s6], $0x80, s1, s6, $0xb8;
	[tilespmem:$0x19400] =	vst v63  }
0x7f: {  	_ = 	snop  }
0x80: {  	[tilespmem:s11], [sflag:$0x1] =	stream.indirect.gather [hbm4b:s3+s6], $0x80, s0, s6, $0xb8;
	[tilespmem:$0x19400] =	vst v63  }
0x81: {  	s1 =	rddreg [dreg:$0x9]  }
0x82: {  	[hbm4b:s1+s2] =	stream.linear.scatter [tilespmem:s7], [sflag:$0x4], $0xC000, $0x38;
	[tilespmem:$0x19400] =	vst v63  }
0x83: {  	_ =	swait.ge [sflag:s10], $0xC000  }
0x84: {  	[sflag:s10] =	ssyncset.done $0x0  }
0x85: {  	[sflag:s10] =	ssyncadd.s32 $0xFFFF4000  }
0x86: {  	_ =	swait.ge [sflag:s13], $0xC000  }
0x87: {  	s0 =	sld [smem:$0x7F8]  }
0x88: {  	[sflag:s13] =	ssyncset.done $0x0  }
0x89: {  	s1 =	sld [smem:$0x7F9];
	[sflag:s13] =	ssyncadd.s32 $0xFFFF4000  }
0x8a: {  	[tilespmem:s7], [sflag:$0x2] =	stream.indirect.gather [hbm4b:s3+s6], $0x80, s0, s6, $0xb8;
	[tilespmem:$0x19400] =	vst v63  }
0x8b: {  	s0 =	sld [smem:$0x7FA]  }
0x8c: {  	[tilespmem:s14], [sflag:$0x2] =	stream.indirect.gather [hbm4b:s3+s6], $0x80, s1, s6, $0xb8;
	[tilespmem:$0x19400] =	vst v63  }
0x8d: {  	_ = 	snop  }
0x8e: {  	[tilespmem:s15], [sflag:$0x2] =	stream.indirect.gather [hbm4b:s3+s6], $0x80, s0, s6, $0xb8;
	[tilespmem:$0x19400] =	vst v63  }
0x8f: {  	s1 =	rddreg [dreg:$0xa]  }
0x90: {  	[hbm4b:s1+s2] =	stream.linear.scatter [tilespmem:s5], [sflag:$0x3], $0xC000, $0x38;
	[tilespmem:$0x19400] =	vst v63  }
0x91: {  	_ =	swait.ge [sflag:s12], $0xC000  }
0x92: {  	[sflag:s12] =	ssyncset.done $0x0  }
0x93: {  	[sflag:s12] =	ssyncadd.s32 $0xFFFF4000  }
0x94: {  	_ =	swait.ge [sflag:s8], $0xC000  }
0x95: {  	s0 =	sld [smem:$0x7FB]  }
0x96: {  	[sflag:s8] =	ssyncset.done $0x0  }
0x97: {  	s1 =	sld [smem:$0x7FC];
	[sflag:s8] =	ssyncadd.s32 $0xFFFF4000  }
0x98: {  	[tilespmem:s5], [sflag:$0x1] =	stream.indirect.gather [hbm4b:s3+s6], $0x80, s0, s6, $0xb8;
	[tilespmem:$0x19400] =	vst v63  }
0x99: {  	s0 =	sld [smem:$0x7FD]  }
0x9a: {  	[tilespmem:s9], [sflag:$0x1] =	stream.indirect.gather [hbm4b:s3+s6], $0x80, s1, s6, $0xb8;
	[tilespmem:$0x19400] =	vst v63  }
0x9b: {  	_ = 	snop  }
0x9c: {  	[tilespmem:s11], [sflag:$0x1] =	stream.indirect.gather [hbm4b:s3+s6], $0x80, s0, s6, $0xb8;
	[tilespmem:$0x19400] =	vst v63  }
0x9d: {  	s1 =	rddreg [dreg:$0xb]  }
0x9e: {  	[hbm4b:s1+s2] =	stream.linear.scatter [tilespmem:s7], [sflag:$0x4], $0xC000, $0x38;
	[tilespmem:$0x19400] =	vst v63  }
0x9f: {  	_ =	swait.ge [sflag:s10], $0xC000  }
0xa0: {  	[sflag:s10] =	ssyncset.done $0x0  }
0xa1: {  	[sflag:s10] =	ssyncadd.s32 $0xFFFF4000  }
0xa2: {  	_ =	swait.ge [sflag:s13], $0xC000  }
0xa3: {  	[sflag:s13] =	ssyncset.done $0x0  }
0xa4: {  	[sflag:s13] =	ssyncadd.s32 $0xFFFF4000  }
0xa5: {  	[tilespmem:s7], [sflag:$0x2] =	stream.indirect.gather [hbm4b:s3+s6], $0x80, s30, s6, $0xb8;
	[tilespmem:$0x19400] =	vst v63  }
0xa6: {  	_ = 	snop  }
0xa7: {  	[tilespmem:s14], [sflag:$0x2] =	stream.indirect.gather [hbm4b:s3+s6], $0x80, s22, s6, $0xb8;
	[tilespmem:$0x19400] =	vst v63  }
0xa8: {  	_ = 	snop  }
0xa9: {  	[tilespmem:s15], [sflag:$0x2] =	stream.indirect.gather [hbm4b:s3+s6], $0x80, s29, s6, $0xb8;
	[tilespmem:$0x19400] =	vst v63  }
0xaa: {  	s1 =	rddreg [dreg:$0xc]  }
0xab: {  	[hbm4b:s1+s2] =	stream.linear.scatter [tilespmem:s5], [sflag:$0x3], $0xC000, $0x38;
	[tilespmem:$0x19400] =	vst v63  }
0xac: {  	_ =	swait.ge [sflag:s12], $0xC000  }
0xad: {  	[sflag:s12] =	ssyncset.done $0x0  }
0xae: {  	[sflag:s12] =	ssyncadd.s32 $0xFFFF4000  }
0xaf: {  	_ =	swait.ge [sflag:s8], $0xC000  }
0xb0: {  	[sflag:s8] =	ssyncset.done $0x0  }
0xb1: {  	[sflag:s8] =	ssyncadd.s32 $0xFFFF4000  }
0xb2: {  	[tilespmem:s5], [sflag:$0x1] =	stream.indirect.gather [hbm4b:s3+s6], $0x80, s26, s6, $0xb8;
	[tilespmem:$0x19400] =	vst v63  }
0xb3: {  	_ = 	snop  }
0xb4: {  	[tilespmem:s9], [sflag:$0x1] =	stream.indirect.gather [hbm4b:s3+s6], $0x80, s28, s6, $0xb8;
	[tilespmem:$0x19400] =	vst v63  }
0xb5: {  	_ = 	snop  }
0xb6: {  	[tilespmem:s11], [sflag:$0x1] =	stream.indirect.gather [hbm4b:s3+s6], $0x80, s25, s6, $0xb8;
	[tilespmem:$0x19400] =	vst v63  }
0xb7: {  	s1 =	rddreg [dreg:$0xd]  }
0xb8: {  	[hbm4b:s1+s2] =	stream.linear.scatter [tilespmem:s7], [sflag:$0x4], $0xC000, $0x38;
	[tilespmem:$0x19400] =	vst v63  }
0xb9: {  	_ =	swait.ge [sflag:s10], $0xC000  }
0xba: {  	[sflag:s10] =	ssyncset.done $0x0  }
0xbb: {  	[sflag:s10] =	ssyncadd.s32 $0xFFFF4000  }
0xbc: {  	_ =	swait.ge [sflag:s13], $0xC000  }
0xbd: {  	[sflag:s13] =	ssyncset.done $0x0  }
0xbe: {  	s1 =	simm.s32 $0x1080;
	[sflag:s13] =	ssyncadd.s32 $0xFFFF4000  }
0xbf: {  	[tilespmem:s7], [sflag:$0x2] =	stream.indirect.gather [hbm4b:s3+s6], $0x80, s1, s6, $0xb8;
	[tilespmem:$0x19400] =	vst v63  }
0xc0: {  	_ = 	snop  }
0xc1: {  	[tilespmem:s14], [sflag:$0x2] =	stream.indirect.gather [hbm4b:s3+s6], $0x80, s23, s6, $0xb8;
	[tilespmem:$0x19400] =	vst v63  }
0xc2: {  	_ = 	snop  }
0xc3: {  	[tilespmem:s15], [sflag:$0x2] =	stream.indirect.gather [hbm4b:s3+s6], $0x80, s24, s6, $0xb8;
	[tilespmem:$0x19400] =	vst v63  }
0xc4: {  	s1 =	rddreg [dreg:$0xe]  }
0xc5: {  	[hbm4b:s1+s2] =	stream.linear.scatter [tilespmem:s5], [sflag:$0x3], $0xC000, $0x38;
	[tilespmem:$0x19400] =	vst v63  }
0xc6: {  	_ =	swait.ge [sflag:s12], $0xC000  }
0xc7: {  	[sflag:s12] =	ssyncset.done $0x0  }
0xc8: {  	[sflag:s12] =	ssyncadd.s32 $0xFFFF4000  }
0xc9: {  	_ =	swait.ge [sflag:s8], $0xC000  }
0xca: {  	[sflag:s8] =	ssyncset.done $0x0  }
0xcb: {  	[sflag:s8] =	ssyncadd.s32 $0xFFFF4000  }
0xcc: {  	[tilespmem:s5], [sflag:$0x1] =	stream.indirect.gather [hbm4b:s3+s6], $0x80, s20, s6, $0xb8;
	[tilespmem:$0x19400] =	vst v63  }
0xcd: {  	_ = 	snop  }
0xce: {  	[tilespmem:s9], [sflag:$0x1] =	stream.indirect.gather [hbm4b:s3+s6], $0x80, s21, s6, $0xb8;
	[tilespmem:$0x19400] =	vst v63  }
0xcf: {  	_ = 	snop  }
0xd0: {  	[tilespmem:s11], [sflag:$0x1] =	stream.indirect.gather [hbm4b:s3+s6], $0x80, s19, s6, $0xb8;
	[tilespmem:$0x19400] =	vst v63  }
0xd1: {  	s1 =	rddreg [dreg:$0xf]  }
0xd2: {  	[hbm4b:s1+s2] =	stream.linear.scatter [tilespmem:s7], [sflag:$0x4], $0xC000, $0x38;
	[tilespmem:$0x19400] =	vst v63  }
0xd3: {  	_ =	swait.ge [sflag:s10], $0xC000  }
0xd4: {  	[sflag:s10] =	ssyncset.done $0x0  }
0xd5: {  	[sflag:s10] =	ssyncadd.s32 $0xFFFF4000  }
0xd6: {  	_ =	swait.ge [sflag:s13], $0xC000  }
0xd7: {  	[sflag:s13] =	ssyncset.done $0x0  }
0xd8: {  	s1 =	rddreg [dreg:$0x3];
	[sflag:s13] =	ssyncadd.s32 $0xFFFF4000  }
0xd9: {  	[hbm4b:s1+s2] =	stream.linear.scatter [tilespmem:s5], [sflag:$0x3], $0xC000, $0x38;
	[tilespmem:$0x19400] =	vst v63  }
0xda: {  	_ = 	snop  }
0xdb: {  	[tilespmem:s7], [sflag:$0x2] =	stream.indirect.gather [hbm4b:s3+s17], $0x80, s18, s17, $0xb8;
	[tilespmem:$0x19400] =	vst v63  }
0xdc: {  	_ =	swait.ge [sflag:s12], $0x400  }
0xdd: {  	[sflag:s12] =	ssyncset.done $0x0  }
0xde: {  	p1 =	sne.s32 s16, $0x1;
	s1 =	rddreg [dreg:$0x4];
	[sflag:s12] =	ssyncadd.s32 $0xFFFFFC00  }
0xdf: {  	[hbm4b:s1+s2] =	stream.linear.scatter [tilespmem:s7], [sflag:$0x5], $0x400, $0x38;
	[tilespmem:$0x19400] =	vst v63  }
.Ltmp1:
0xe0: {  	_ =	swait.ge [sflag:s4], $0x400;
	(pc) =	sbr.rel @!p1 .LBB2_3-.Ltmp1, $4  }
0xe1: {  	[sflag:s4] =	ssyncset.done $0x0  }
0xe2: {  	[sflag:s4] =	ssyncadd.s32 $0xFFFFFC00  }
0xe3: {  	p0 =	por $0x1, $0x1;
	_ =	swait.ge [sflag:s8], $0xC000  }
0xe4: {  	s1 =	sadd.s32 $0xFFFFFFFF, s16;
	s0 =	rddreg [dreg:$0x2];
	[sflag:s8] =	ssyncset.done $0x0  }
.LBB2_4:
0xe5: {  	[sflag:s8] =	ssyncadd.s32 $0xFFFF4000  }
0xe6: {  	[tilespmem:s2], [sflag:$0x5] =	stream.linear.gather [hbm4b:s0+s2], $0x1388, $0x38;
	[tilespmem:$0x19400] =	vst v63  }
0xe7: {  	_ =	swait.ge [sflag:s4], $0x1388  }
0xe8: {  	[sflag:s4] =	ssyncset.done $0x0  }
0xe9: {  	[sflag:s4] =	ssyncadd.s32 $0xFFFFEC78  }
0xea: {  	[tilespmem:s5], [sflag:$0x1] =	stream.indirect.gather [hbm4b:s3+s6], $0x80, s2, s6, $0xb8;
	[tilespmem:$0x19400] =	vst v63  }
0xeb: {  	_ = 	snop  }
0xec: {  	[tilespmem:s9], [sflag:$0x1] =	stream.indirect.gather [hbm4b:s3+s6], $0x80, s6, s6, $0xb8;
	[tilespmem:$0x19400] =	vst v63  }
0xed: {  	s16 =	rddreg [dreg:$0x10]  }
0xee: {  	[tilespmem:s11], [sflag:$0x1] =	stream.indirect.gather [hbm4b:s3+s6], $0x80, s16, s6, $0xb8;
	[tilespmem:$0x19400] =	vst v63  }
0xef: {  	_ =	swait.ge [sflag:s10], $0xC000  }
0xf0: {  	[sflag:s10] =	ssyncset.done $0x0  }
0xf1: {  	s0 =	rddreg [dreg:$0x11];
	[sflag:s10] =	ssyncadd.s32 $0xFFFF4000  }
0xf2: {  	[tilespmem:s7], [sflag:$0x2] =	stream.indirect.gather [hbm4b:s3+s6], $0x80, s0, s6, $0xb8;
	[tilespmem:$0x19400] =	vst v63  }
0xf3: {  	s16 =	rddreg [dreg:$0x12]  }
0xf4: {  	[tilespmem:s14], [sflag:$0x2] =	stream.indirect.gather [hbm4b:s3+s6], $0x80, s16, s6, $0xb8;
	[tilespmem:$0x19400] =	vst v63  }
0xf5: {  	s0 =	rddreg [dreg:$0x13]  }
0xf6: {  	[tilespmem:s15], [sflag:$0x2] =	stream.indirect.gather [hbm4b:s3+s6], $0x80, s0, s6, $0xb8;
	[tilespmem:$0x19400] =	vst v63  }
0xf7: {  	_ = 	snop  }
0xf8: {  	[hbm4b:s31+s2] =	stream.linear.scatter [tilespmem:s5], [sflag:$0x3], $0xC000, $0x38;
	[tilespmem:$0x19400] =	vst v63  }
0xf9: {  	_ =	swait.ge [sflag:s12], $0xC000  }
0xfa: {  	[sflag:s12] =	ssyncset.done $0x0  }
0xfb: {  	[sflag:s12] =	ssyncadd.s32 $0xFFFF4000  }
0xfc: {  	_ =	swait.ge [sflag:s8], $0xC000  }
0xfd: {  	[sflag:s8] =	ssyncset.done $0x0  }
0xfe: {  	s0 =	rddreg [dreg:$0x14];
	[sflag:s8] =	ssyncadd.s32 $0xFFFF4000  }
0xff: {  	[tilespmem:s5], [sflag:$0x1] =	stream.indirect.gather [hbm4b:s3+s6], $0x80, s0, s6, $0xb8;
	[tilespmem:$0x19400] =	vst v63  }
0x100: {  	s16 =	rddreg [dreg:$0x15]  }
0x101: {  	[tilespmem:s9], [sflag:$0x1] =	stream.indirect.gather [hbm4b:s3+s6], $0x80, s16, s6, $0xb8;
	[tilespmem:$0x19400] =	vst v63  }
0x102: {  	s0 =	rddreg [dreg:$0x16]  }
0x103: {  	[tilespmem:s11], [sflag:$0x1] =	stream.indirect.gather [hbm4b:s3+s6], $0x80, s0, s6, $0xb8;
	[tilespmem:$0x19400] =	vst v63  }
0x104: {  	s16 =	rddreg [dreg:$0x5]  }
0x105: {  	[hbm4b:s16+s2] =	stream.linear.scatter [tilespmem:s7], [sflag:$0x4], $0xC000, $0x38;
	[tilespmem:$0x19400] =	vst v63  }
0x106: {  	_ =	swait.ge [sflag:s10], $0xC000  }
0x107: {  	[sflag:s10] =	ssyncset.done $0x0  }
0x108: {  	[sflag:s10] =	ssyncadd.s32 $0xFFFF4000  }
0x109: {  	_ =	swait.ge [sflag:s13], $0xC000  }
0x10a: {  	[sflag:s13] =	ssyncset.done $0x0  }
0x10b: {  	s0 =	rddreg [dreg:$0x17];
	[sflag:s13] =	ssyncadd.s32 $0xFFFF4000  }
0x10c: {  	[tilespmem:s7], [sflag:$0x2] =	stream.indirect.gather [hbm4b:s3+s6], $0x80, s0, s6, $0xb8;
	[tilespmem:$0x19400] =	vst v63  }
0x10d: {  	s16 =	rddreg [dreg:$0x18]  }
0x10e: {  	[tilespmem:s14], [sflag:$0x2] =	stream.indirect.gather [hbm4b:s3+s6], $0x80, s16, s6, $0xb8;
	[tilespmem:$0x19400] =	vst v63  }
0x10f: {  	s0 =	rddreg [dreg:$0x19]  }
0x110: {  	[tilespmem:s15], [sflag:$0x2] =	stream.indirect.gather [hbm4b:s3+s6], $0x80, s0, s6, $0xb8;
	[tilespmem:$0x19400] =	vst v63  }
0x111: {  	s16 =	rddreg [dreg:$0x6]  }
0x112: {  	[hbm4b:s16+s2] =	stream.linear.scatter [tilespmem:s5], [sflag:$0x3], $0xC000, $0x38;
	[tilespmem:$0x19400] =	vst v63  }
0x113: {  	_ =	swait.ge [sflag:s12], $0xC000  }
0x114: {  	[sflag:s12] =	ssyncset.done $0x0  }
0x115: {  	[sflag:s12] =	ssyncadd.s32 $0xFFFF4000  }
0x116: {  	_ =	swait.ge [sflag:s8], $0xC000  }
0x117: {  	[sflag:s8] =	ssyncset.done $0x0  }
0x118: {  	s0 =	rddreg [dreg:$0x1a];
	[sflag:s8] =	ssyncadd.s32 $0xFFFF4000  }
0x119: {  	[tilespmem:s5], [sflag:$0x1] =	stream.indirect.gather [hbm4b:s3+s6], $0x80, s0, s6, $0xb8;
	[tilespmem:$0x19400] =	vst v63  }
0x11a: {  	s16 =	rddreg [dreg:$0x1b]  }
0x11b: {  	[tilespmem:s9], [sflag:$0x1] =	stream.indirect.gather [hbm4b:s3+s6], $0x80, s16, s6, $0xb8;
	[tilespmem:$0x19400] =	vst v63  }
0x11c: {  	s0 =	rddreg [dreg:$0x1c]  }
0x11d: {  	[tilespmem:s11], [sflag:$0x1] =	stream.indirect.gather [hbm4b:s3+s6], $0x80, s0, s6, $0xb8;
	[tilespmem:$0x19400] =	vst v63  }
0x11e: {  	s16 =	rddreg [dreg:$0x7]  }
0x11f: {  	[hbm4b:s16+s2] =	stream.linear.scatter [tilespmem:s7], [sflag:$0x4], $0xC000, $0x38;
	[tilespmem:$0x19400] =	vst v63  }
0x120: {  	_ =	swait.ge [sflag:s10], $0xC000  }
0x121: {  	[sflag:s10] =	ssyncset.done $0x0  }
0x122: {  	[sflag:s10] =	ssyncadd.s32 $0xFFFF4000  }
0x123: {  	_ =	swait.ge [sflag:s13], $0xC000  }
0x124: {  	[sflag:s13] =	ssyncset.done $0x0  }
0x125: {  	s0 =	rddreg [dreg:$0x1d];
	[sflag:s13] =	ssyncadd.s32 $0xFFFF4000  }
0x126: {  	[tilespmem:s7], [sflag:$0x2] =	stream.indirect.gather [hbm4b:s3+s6], $0x80, s0, s6, $0xb8;
	[tilespmem:$0x19400] =	vst v63  }
0x127: {  	s16 =	rddreg [dreg:$0x1e]  }
0x128: {  	[tilespmem:s14], [sflag:$0x2] =	stream.indirect.gather [hbm4b:s3+s6], $0x80, s16, s6, $0xb8;
	[tilespmem:$0x19400] =	vst v63  }
0x129: {  	s0 =	rddreg [dreg:$0x1f]  }
0x12a: {  	[tilespmem:s15], [sflag:$0x2] =	stream.indirect.gather [hbm4b:s3+s6], $0x80, s0, s6, $0xb8;
	[tilespmem:$0x19400] =	vst v63  }
0x12b: {  	s16 =	rddreg [dreg:$0x8]  }
0x12c: {  	[hbm4b:s16+s2] =	stream.linear.scatter [tilespmem:s5], [sflag:$0x3], $0xC000, $0x38;
	[tilespmem:$0x19400] =	vst v63  }
0x12d: {  	_ =	swait.ge [sflag:s12], $0xC000  }
0x12e: {  	[sflag:s12] =	ssyncset.done $0x0  }
0x12f: {  	[sflag:s12] =	ssyncadd.s32 $0xFFFF4000  }
0x130: {  	_ =	swait.ge [sflag:s8], $0xC000  }
0x131: {  	s0 =	sld [smem:$0x7F5]  }
0x132: {  	[sflag:s8] =	ssyncset.done $0x0  }
0x133: {  	s16 =	sld [smem:$0x7F6];
	[sflag:s8] =	ssyncadd.s32 $0xFFFF4000  }
0x134: {  	[tilespmem:s5], [sflag:$0x1] =	stream.indirect.gather [hbm4b:s3+s6], $0x80, s0, s6, $0xb8;
	[tilespmem:$0x19400] =	vst v63  }
0x135: {  	s0 =	sld [smem:$0x7F7]  }
0x136: {  	[tilespmem:s9], [sflag:$0x1] =	stream.indirect.gather [hbm4b:s3+s6], $0x80, s16, s6, $0xb8;
	[tilespmem:$0x19400] =	vst v63  }
0x137: {  	_ = 	snop  }
0x138: {  	[tilespmem:s11], [sflag:$0x1] =	stream.indirect.gather [hbm4b:s3+s6], $0x80, s0, s6, $0xb8;
	[tilespmem:$0x19400] =	vst v63  }
0x139: {  	s16 =	rddreg [dreg:$0x9]  }
0x13a: {  	[hbm4b:s16+s2] =	stream.linear.scatter [tilespmem:s7], [sflag:$0x4], $0xC000, $0x38;
	[tilespmem:$0x19400] =	vst v63  }
0x13b: {  	_ =	swait.ge [sflag:s10], $0xC000  }
0x13c: {  	[sflag:s10] =	ssyncset.done $0x0  }
0x13d: {  	[sflag:s10] =	ssyncadd.s32 $0xFFFF4000  }
0x13e: {  	_ =	swait.ge [sflag:s13], $0xC000  }
0x13f: {  	s0 =	sld [smem:$0x7F8]  }
0x140: {  	[sflag:s13] =	ssyncset.done $0x0  }
0x141: {  	s16 =	sld [smem:$0x7F9];
	[sflag:s13] =	ssyncadd.s32 $0xFFFF4000  }
0x142: {  	[tilespmem:s7], [sflag:$0x2] =	stream.indirect.gather [hbm4b:s3+s6], $0x80, s0, s6, $0xb8;
	[tilespmem:$0x19400] =	vst v63  }
0x143: {  	s0 =	sld [smem:$0x7FA]  }
0x144: {  	[tilespmem:s14], [sflag:$0x2] =	stream.indirect.gather [hbm4b:s3+s6], $0x80, s16, s6, $0xb8;
	[tilespmem:$0x19400] =	vst v63  }
0x145: {  	_ = 	snop  }
0x146: {  	[tilespmem:s15], [sflag:$0x2] =	stream.indirect.gather [hbm4b:s3+s6], $0x80, s0, s6, $0xb8;
	[tilespmem:$0x19400] =	vst v63  }
0x147: {  	s16 =	rddreg [dreg:$0xa]  }
0x148: {  	[hbm4b:s16+s2] =	stream.linear.scatter [tilespmem:s5], [sflag:$0x3], $0xC000, $0x38;
	[tilespmem:$0x19400] =	vst v63  }
0x149: {  	_ =	swait.ge [sflag:s12], $0xC000  }
0x14a: {  	[sflag:s12] =	ssyncset.done $0x0  }
0x14b: {  	[sflag:s12] =	ssyncadd.s32 $0xFFFF4000  }
0x14c: {  	_ =	swait.ge [sflag:s8], $0xC000  }
0x14d: {  	s0 =	sld [smem:$0x7FB]  }
0x14e: {  	[sflag:s8] =	ssyncset.done $0x0  }
0x14f: {  	s16 =	sld [smem:$0x7FC];
	[sflag:s8] =	ssyncadd.s32 $0xFFFF4000  }
0x150: {  	[tilespmem:s5], [sflag:$0x1] =	stream.indirect.gather [hbm4b:s3+s6], $0x80, s0, s6, $0xb8;
	[tilespmem:$0x19400] =	vst v63  }
0x151: {  	s0 =	sld [smem:$0x7FD]  }
0x152: {  	[tilespmem:s9], [sflag:$0x1] =	stream.indirect.gather [hbm4b:s3+s6], $0x80, s16, s6, $0xb8;
	[tilespmem:$0x19400] =	vst v63  }
0x153: {  	_ = 	snop  }
0x154: {  	[tilespmem:s11], [sflag:$0x1] =	stream.indirect.gather [hbm4b:s3+s6], $0x80, s0, s6, $0xb8;
	[tilespmem:$0x19400] =	vst v63  }
0x155: {  	s16 =	rddreg [dreg:$0xb]  }
0x156: {  	[hbm4b:s16+s2] =	stream.linear.scatter [tilespmem:s7], [sflag:$0x4], $0xC000, $0x38;
	[tilespmem:$0x19400] =	vst v63  }
0x157: {  	_ =	swait.ge [sflag:s10], $0xC000  }
0x158: {  	[sflag:s10] =	ssyncset.done $0x0  }
0x159: {  	[sflag:s10] =	ssyncadd.s32 $0xFFFF4000  }
0x15a: {  	_ =	swait.ge [sflag:s13], $0xC000  }
0x15b: {  	[sflag:s13] =	ssyncset.done $0x0  }
0x15c: {  	[sflag:s13] =	ssyncadd.s32 $0xFFFF4000  }
0x15d: {  	[tilespmem:s7], [sflag:$0x2] =	stream.indirect.gather [hbm4b:s3+s6], $0x80, s30, s6, $0xb8;
	[tilespmem:$0x19400] =	vst v63  }
0x15e: {  	_ = 	snop  }
0x15f: {  	[tilespmem:s14], [sflag:$0x2] =	stream.indirect.gather [hbm4b:s3+s6], $0x80, s22, s6, $0xb8;
	[tilespmem:$0x19400] =	vst v63  }
0x160: {  	_ = 	snop  }
0x161: {  	[tilespmem:s15], [sflag:$0x2] =	stream.indirect.gather [hbm4b:s3+s6], $0x80, s29, s6, $0xb8;
	[tilespmem:$0x19400] =	vst v63  }
0x162: {  	s16 =	rddreg [dreg:$0xc]  }
0x163: {  	[hbm4b:s16+s2] =	stream.linear.scatter [tilespmem:s5], [sflag:$0x3], $0xC000, $0x38;
	[tilespmem:$0x19400] =	vst v63  }
0x164: {  	_ =	swait.ge [sflag:s12], $0xC000  }
0x165: {  	[sflag:s12] =	ssyncset.done $0x0  }
0x166: {  	[sflag:s12] =	ssyncadd.s32 $0xFFFF4000  }
0x167: {  	_ =	swait.ge [sflag:s8], $0xC000  }
0x168: {  	[sflag:s8] =	ssyncset.done $0x0  }
0x169: {  	[sflag:s8] =	ssyncadd.s32 $0xFFFF4000  }
0x16a: {  	[tilespmem:s5], [sflag:$0x1] =	stream.indirect.gather [hbm4b:s3+s6], $0x80, s26, s6, $0xb8;
	[tilespmem:$0x19400] =	vst v63  }
0x16b: {  	_ = 	snop  }
0x16c: {  	[tilespmem:s9], [sflag:$0x1] =	stream.indirect.gather [hbm4b:s3+s6], $0x80, s28, s6, $0xb8;
	[tilespmem:$0x19400] =	vst v63  }
0x16d: {  	_ = 	snop  }
0x16e: {  	[tilespmem:s11], [sflag:$0x1] =	stream.indirect.gather [hbm4b:s3+s6], $0x80, s25, s6, $0xb8;
	[tilespmem:$0x19400] =	vst v63  }
0x16f: {  	s16 =	rddreg [dreg:$0xd]  }
0x170: {  	[hbm4b:s16+s2] =	stream.linear.scatter [tilespmem:s7], [sflag:$0x4], $0xC000, $0x38;
	[tilespmem:$0x19400] =	vst v63  }
0x171: {  	_ =	swait.ge [sflag:s10], $0xC000  }
0x172: {  	[sflag:s10] =	ssyncset.done $0x0  }
0x173: {  	[sflag:s10] =	ssyncadd.s32 $0xFFFF4000  }
0x174: {  	_ =	swait.ge [sflag:s13], $0xC000  }
0x175: {  	[sflag:s13] =	ssyncset.done $0x0  }
0x176: {  	s16 =	simm.s32 $0x1080;
	[sflag:s13] =	ssyncadd.s32 $0xFFFF4000  }
0x177: {  	[tilespmem:s7], [sflag:$0x2] =	stream.indirect.gather [hbm4b:s3+s6], $0x80, s16, s6, $0xb8;
	[tilespmem:$0x19400] =	vst v63  }
0x178: {  	_ = 	snop  }
0x179: {  	[tilespmem:s14], [sflag:$0x2] =	stream.indirect.gather [hbm4b:s3+s6], $0x80, s23, s6, $0xb8;
	[tilespmem:$0x19400] =	vst v63  }
0x17a: {  	_ = 	snop  }
0x17b: {  	[tilespmem:s15], [sflag:$0x2] =	stream.indirect.gather [hbm4b:s3+s6], $0x80, s24, s6, $0xb8;
	[tilespmem:$0x19400] =	vst v63  }
0x17c: {  	s16 =	rddreg [dreg:$0xe]  }
0x17d: {  	[hbm4b:s16+s2] =	stream.linear.scatter [tilespmem:s5], [sflag:$0x3], $0xC000, $0x38;
	[tilespmem:$0x19400] =	vst v63  }
0x17e: {  	_ =	swait.ge [sflag:s12], $0xC000  }
0x17f: {  	[sflag:s12] =	ssyncset.done $0x0  }
0x180: {  	[sflag:s12] =	ssyncadd.s32 $0xFFFF4000  }
0x181: {  	_ =	swait.ge [sflag:s8], $0xC000  }
0x182: {  	[sflag:s8] =	ssyncset.done $0x0  }
0x183: {  	[sflag:s8] =	ssyncadd.s32 $0xFFFF4000  }
0x184: {  	[tilespmem:s5], [sflag:$0x1] =	stream.indirect.gather [hbm4b:s3+s6], $0x80, s20, s6, $0xb8;
	[tilespmem:$0x19400] =	vst v63  }
0x185: {  	_ = 	snop  }
0x186: {  	[tilespmem:s9], [sflag:$0x1] =	stream.indirect.gather [hbm4b:s3+s6], $0x80, s21, s6, $0xb8;
	[tilespmem:$0x19400] =	vst v63  }
0x187: {  	_ = 	snop  }
0x188: {  	[tilespmem:s11], [sflag:$0x1] =	stream.indirect.gather [hbm4b:s3+s6], $0x80, s19, s6, $0xb8;
	[tilespmem:$0x19400] =	vst v63  }
0x189: {  	s16 =	rddreg [dreg:$0xf]  }
0x18a: {  	[hbm4b:s16+s2] =	stream.linear.scatter [tilespmem:s7], [sflag:$0x4], $0xC000, $0x38;
	[tilespmem:$0x19400] =	vst v63  }
0x18b: {  	_ =	swait.ge [sflag:s10], $0xC000  }
0x18c: {  	[sflag:s10] =	ssyncset.done $0x0  }
0x18d: {  	[sflag:s10] =	ssyncadd.s32 $0xFFFF4000  }
0x18e: {  	_ =	swait.ge [sflag:s13], $0xC000  }
0x18f: {  	[sflag:s13] =	ssyncset.done $0x0  }
0x190: {  	s16 =	rddreg [dreg:$0x3];
	[sflag:s13] =	ssyncadd.s32 $0xFFFF4000  }
0x191: {  	[hbm4b:s16+s2] =	stream.linear.scatter [tilespmem:s5], [sflag:$0x3], $0xC000, $0x38;
	[tilespmem:$0x19400] =	vst v63  }
0x192: {  	_ = 	snop  }
0x193: {  	[tilespmem:s7], [sflag:$0x2] =	stream.indirect.gather [hbm4b:s3+s17], $0x80, s18, s17, $0xb8;
	[tilespmem:$0x19400] =	vst v63  }
0x194: {  	_ =	swait.ge [sflag:s12], $0x400  }
0x195: {  	[sflag:s12] =	ssyncset.done $0x0  }
0x196: {  	p1 =	sne.s32 s1, $0x1;
	s16 =	rddreg [dreg:$0x4];
	[sflag:s12] =	ssyncadd.s32 $0xFFFFFC00  }
0x197: {  	[hbm4b:s16+s2] =	stream.linear.scatter [tilespmem:s7], [sflag:$0x5], $0x400, $0x38;
	[tilespmem:$0x19400] =	vst v63  }
.Ltmp2:
0x198: {  	_ =	swait.ge [sflag:s4], $0x400;
	(pc) =	sbr.rel @p1 .LBB2_4-.Ltmp2, $4  }
0x199: {  	[sflag:s4] =	ssyncset.done $0x0  }
0x19a: {  	[sflag:s4] =	ssyncadd.s32 $0xFFFFFC00  }
0x19b: {  	_ =	swait.ge [sflag:s8], $0xC000  }
0x19c: {  	s1 =	sadd.s32 $0xFFFFFFFF, s1;
	s0 =	rddreg [dreg:$0x2];
	[sflag:s8] =	ssyncset.done $0x0  }
0x19d: {  	s18 =	simm.s32 $0xE00;
	s30 =	simm.s32 $0xD80  }
0x19e: {  	s29 =	simm.s32 $0xE80;
	s28 =	simm.s32 $0xF80;
	s26 =	simm.s32 $0xF00  }
0x19f: {  	s25 =	simm.s32 $0x1000;
	s24 =	simm.s32 $0x1180;
	s23 =	simm.s32 $0x1100  }
0x1a0: {  	s22 =	simm.s32 $0x1080;
	s21 =	simm.s32 $0x1280;
	s20 =	simm.s32 $0x1200  }
0x1a1: {  	s19 =	simm.s32 $0x1300;
	s17 =	simm.s32 $0x8;
	s16 =	stileid.u32  }
.LBB2_6:
0x1a2: {  	[sflag:s8] =	ssyncadd.s32 @p0 $0xFFFF4000  }
0x1a3: {  	[tilespmem:s2], [sflag:$0x5] =	stream.linear.gather [hbm4b:s0+s2], $0x1388, $0x38;
	[tilespmem:$0x19400] =	vst v63  }
0x1a4: {  	_ =	swait.ge [sflag:s4], $0x1388  }
0x1a5: {  	[sflag:s4] =	ssyncset.done $0x0  }
0x1a6: {  	[sflag:s4] =	ssyncadd.s32 $0xFFFFEC78  }
0x1a7: {  	[tilespmem:s5], [sflag:$0x1] =	stream.indirect.gather [hbm4b:s3+s6], $0x80, s2, s6, $0xb8;
	[tilespmem:$0x19400] =	vst v63  }
0x1a8: {  	_ = 	snop  }
0x1a9: {  	[tilespmem:s9], [sflag:$0x1] =	stream.indirect.gather [hbm4b:s3+s6], $0x80, s6, s6, $0xb8;
	[tilespmem:$0x19400] =	vst v63  }
0x1aa: {  	s1 =	rddreg [dreg:$0x10]  }
0x1ab: {  	[tilespmem:s11], [sflag:$0x1] =	stream.indirect.gather [hbm4b:s3+s6], $0x80, s1, s6, $0xb8;
	[tilespmem:$0x19400] =	vst v63  }
0x1ac: {  	_ =	swait.ge [sflag:s10], $0xC000  }
0x1ad: {  	[sflag:s10] =	ssyncset.done $0x0  }
0x1ae: {  	s0 =	rddreg [dreg:$0x11];
	[sflag:s10] =	ssyncadd.s32 $0xFFFF4000  }
0x1af: {  	[tilespmem:s7], [sflag:$0x2] =	stream.indirect.gather [hbm4b:s3+s6], $0x80, s0, s6, $0xb8;
	[tilespmem:$0x19400] =	vst v63  }
0x1b0: {  	s1 =	rddreg [dreg:$0x12]  }
0x1b1: {  	[tilespmem:s14], [sflag:$0x2] =	stream.indirect.gather [hbm4b:s3+s6], $0x80, s1, s6, $0xb8;
	[tilespmem:$0x19400] =	vst v63  }
0x1b2: {  	s0 =	rddreg [dreg:$0x13]  }
0x1b3: {  	[tilespmem:s15], [sflag:$0x2] =	stream.indirect.gather [hbm4b:s3+s6], $0x80, s0, s6, $0xb8;
	[tilespmem:$0x19400] =	vst v63  }
0x1b4: {  	_ = 	snop  }
0x1b5: {  	[hbm4b:s31+s2] =	stream.linear.scatter [tilespmem:s5], [sflag:$0x3], $0xC000, $0x38;
	[tilespmem:$0x19400] =	vst v63  }
0x1b6: {  	_ =	swait.ge [sflag:s12], $0xC000  }
0x1b7: {  	[sflag:s12] =	ssyncset.done $0x0  }
0x1b8: {  	[sflag:s12] =	ssyncadd.s32 $0xFFFF4000  }
0x1b9: {  	_ =	swait.ge [sflag:s8], $0xC000  }
0x1ba: {  	[sflag:s8] =	ssyncset.done $0x0  }
0x1bb: {  	s1 =	rddreg [dreg:$0x14];
	[sflag:s8] =	ssyncadd.s32 $0xFFFF4000  }
0x1bc: {  	[tilespmem:s5], [sflag:$0x1] =	stream.indirect.gather [hbm4b:s3+s6], $0x80, s1, s6, $0xb8;
	[tilespmem:$0x19400] =	vst v63  }
0x1bd: {  	s31 =	rddreg [dreg:$0x15]  }
0x1be: {  	[tilespmem:s9], [sflag:$0x1] =	stream.indirect.gather [hbm4b:s3+s6], $0x80, s31, s6, $0xb8;
	[tilespmem:$0x19400] =	vst v63  }
0x1bf: {  	s0 =	rddreg [dreg:$0x16]  }
0x1c0: {  	[tilespmem:s11], [sflag:$0x1] =	stream.indirect.gather [hbm4b:s3+s6], $0x80, s0, s6, $0xb8;
	[tilespmem:$0x19400] =	vst v63  }
0x1c1: {  	s31 =	rddreg [dreg:$0x5]  }
0x1c2: {  	[hbm4b:s31+s2] =	stream.linear.scatter [tilespmem:s7], [sflag:$0x4], $0xC000, $0x38;
	[tilespmem:$0x19400] =	vst v63  }
0x1c3: {  	_ =	swait.ge [sflag:s10], $0xC000  }
0x1c4: {  	[sflag:s10] =	ssyncset.done $0x0  }
0x1c5: {  	[sflag:s10] =	ssyncadd.s32 $0xFFFF4000  }
0x1c6: {  	_ =	swait.ge [sflag:s13], $0xC000  }
0x1c7: {  	[sflag:s13] =	ssyncset.done $0x0  }
0x1c8: {  	s1 =	rddreg [dreg:$0x17];
	[sflag:s13] =	ssyncadd.s32 $0xFFFF4000  }
0x1c9: {  	[tilespmem:s7], [sflag:$0x2] =	stream.indirect.gather [hbm4b:s3+s6], $0x80, s1, s6, $0xb8;
	[tilespmem:$0x19400] =	vst v63  }
0x1ca: {  	s31 =	rddreg [dreg:$0x18]  }
0x1cb: {  	[tilespmem:s14], [sflag:$0x2] =	stream.indirect.gather [hbm4b:s3+s6], $0x80, s31, s6, $0xb8;
	[tilespmem:$0x19400] =	vst v63  }
0x1cc: {  	s0 =	rddreg [dreg:$0x19]  }
0x1cd: {  	[tilespmem:s15], [sflag:$0x2] =	stream.indirect.gather [hbm4b:s3+s6], $0x80, s0, s6, $0xb8;
	[tilespmem:$0x19400] =	vst v63  }
0x1ce: {  	s31 =	rddreg [dreg:$0x6]  }
0x1cf: {  	[hbm4b:s31+s2] =	stream.linear.scatter [tilespmem:s5], [sflag:$0x3], $0xC000, $0x38;
	[tilespmem:$0x19400] =	vst v63  }
0x1d0: {  	_ =	swait.ge [sflag:s12], $0xC000  }
0x1d1: {  	[sflag:s12] =	ssyncset.done $0x0  }
0x1d2: {  	[sflag:s12] =	ssyncadd.s32 $0xFFFF4000  }
0x1d3: {  	_ =	swait.ge [sflag:s8], $0xC000  }
0x1d4: {  	[sflag:s8] =	ssyncset.done $0x0  }
0x1d5: {  	s1 =	rddreg [dreg:$0x1a];
	[sflag:s8] =	ssyncadd.s32 $0xFFFF4000  }
0x1d6: {  	[tilespmem:s5], [sflag:$0x1] =	stream.indirect.gather [hbm4b:s3+s6], $0x80, s1, s6, $0xb8;
	[tilespmem:$0x19400] =	vst v63  }
0x1d7: {  	s31 =	rddreg [dreg:$0x1b]  }
0x1d8: {  	[tilespmem:s9], [sflag:$0x1] =	stream.indirect.gather [hbm4b:s3+s6], $0x80, s31, s6, $0xb8;
	[tilespmem:$0x19400] =	vst v63  }
0x1d9: {  	s0 =	rddreg [dreg:$0x1c]  }
0x1da: {  	[tilespmem:s11], [sflag:$0x1] =	stream.indirect.gather [hbm4b:s3+s6], $0x80, s0, s6, $0xb8;
	[tilespmem:$0x19400] =	vst v63  }
0x1db: {  	s31 =	rddreg [dreg:$0x7]  }
0x1dc: {  	[hbm4b:s31+s2] =	stream.linear.scatter [tilespmem:s7], [sflag:$0x4], $0xC000, $0x38;
	[tilespmem:$0x19400] =	vst v63  }
0x1dd: {  	_ =	swait.ge [sflag:s10], $0xC000  }
0x1de: {  	[sflag:s10] =	ssyncset.done $0x0  }
0x1df: {  	[sflag:s10] =	ssyncadd.s32 $0xFFFF4000  }
0x1e0: {  	_ =	swait.ge [sflag:s13], $0xC000  }
0x1e1: {  	[sflag:s13] =	ssyncset.done $0x0  }
0x1e2: {  	s1 =	rddreg [dreg:$0x1d];
	[sflag:s13] =	ssyncadd.s32 $0xFFFF4000  }
0x1e3: {  	[tilespmem:s7], [sflag:$0x2] =	stream.indirect.gather [hbm4b:s3+s6], $0x80, s1, s6, $0xb8;
	[tilespmem:$0x19400] =	vst v63  }
0x1e4: {  	s31 =	rddreg [dreg:$0x1e]  }
0x1e5: {  	[tilespmem:s14], [sflag:$0x2] =	stream.indirect.gather [hbm4b:s3+s6], $0x80, s31, s6, $0xb8;
	[tilespmem:$0x19400] =	vst v63  }
0x1e6: {  	s0 =	rddreg [dreg:$0x1f]  }
0x1e7: {  	[tilespmem:s15], [sflag:$0x2] =	stream.indirect.gather [hbm4b:s3+s6], $0x80, s0, s6, $0xb8;
	[tilespmem:$0x19400] =	vst v63  }
0x1e8: {  	s31 =	rddreg [dreg:$0x8]  }
0x1e9: {  	[hbm4b:s31+s2] =	stream.linear.scatter [tilespmem:s5], [sflag:$0x3], $0xC000, $0x38;
	[tilespmem:$0x19400] =	vst v63  }
0x1ea: {  	_ =	swait.ge [sflag:s12], $0xC000  }
0x1eb: {  	[sflag:s12] =	ssyncset.done $0x0  }
0x1ec: {  	[sflag:s12] =	ssyncadd.s32 $0xFFFF4000  }
0x1ed: {  	_ =	swait.ge [sflag:s8], $0xC000  }
0x1ee: {  	s1 =	sld [smem:$0x7F5]  }
0x1ef: {  	[sflag:s8] =	ssyncset.done $0x0  }
0x1f0: {  	s31 =	sld [smem:$0x7F6];
	[sflag:s8] =	ssyncadd.s32 $0xFFFF4000  }
0x1f1: {  	[tilespmem:s5], [sflag:$0x1] =	stream.indirect.gather [hbm4b:s3+s6], $0x80, s1, s6, $0xb8;
	[tilespmem:$0x19400] =	vst v63  }
0x1f2: {  	s0 =	sld [smem:$0x7F7]  }
0x1f3: {  	[tilespmem:s9], [sflag:$0x1] =	stream.indirect.gather [hbm4b:s3+s6], $0x80, s31, s6, $0xb8;
	[tilespmem:$0x19400] =	vst v63  }
0x1f4: {  	_ = 	snop  }
0x1f5: {  	[tilespmem:s11], [sflag:$0x1] =	stream.indirect.gather [hbm4b:s3+s6], $0x80, s0, s6, $0xb8;
	[tilespmem:$0x19400] =	vst v63  }
0x1f6: {  	s31 =	rddreg [dreg:$0x9]  }
0x1f7: {  	[hbm4b:s31+s2] =	stream.linear.scatter [tilespmem:s7], [sflag:$0x4], $0xC000, $0x38;
	[tilespmem:$0x19400] =	vst v63  }
0x1f8: {  	_ =	swait.ge [sflag:s10], $0xC000  }
0x1f9: {  	[sflag:s10] =	ssyncset.done $0x0  }
0x1fa: {  	[sflag:s10] =	ssyncadd.s32 $0xFFFF4000  }
0x1fb: {  	_ =	swait.ge [sflag:s13], $0xC000  }
0x1fc: {  	s1 =	sld [smem:$0x7F8]  }
0x1fd: {  	[sflag:s13] =	ssyncset.done $0x0  }
0x1fe: {  	s31 =	sld [smem:$0x7F9];
	[sflag:s13] =	ssyncadd.s32 $0xFFFF4000  }
0x1ff: {  	[tilespmem:s7], [sflag:$0x2] =	stream.indirect.gather [hbm4b:s3+s6], $0x80, s1, s6, $0xb8;
	[tilespmem:$0x19400] =	vst v63  }
0x200: {  	s0 =	sld [smem:$0x7FA]  }
0x201: {  	[tilespmem:s14], [sflag:$0x2] =	stream.indirect.gather [hbm4b:s3+s6], $0x80, s31, s6, $0xb8;
	[tilespmem:$0x19400] =	vst v63  }
0x202: {  	_ = 	snop  }
0x203: {  	[tilespmem:s15], [sflag:$0x2] =	stream.indirect.gather [hbm4b:s3+s6], $0x80, s0, s6, $0xb8;
	[tilespmem:$0x19400] =	vst v63  }
0x204: {  	s31 =	rddreg [dreg:$0xa]  }
0x205: {  	[hbm4b:s31+s2] =	stream.linear.scatter [tilespmem:s5], [sflag:$0x3], $0xC000, $0x38;
	[tilespmem:$0x19400] =	vst v63  }
0x206: {  	_ =	swait.ge [sflag:s12], $0xC000  }
0x207: {  	[sflag:s12] =	ssyncset.done $0x0  }
0x208: {  	[sflag:s12] =	ssyncadd.s32 $0xFFFF4000  }
0x209: {  	_ =	swait.ge [sflag:s8], $0xC000  }
0x20a: {  	s1 =	sld [smem:$0x7FB]  }
0x20b: {  	[sflag:s8] =	ssyncset.done $0x0  }
0x20c: {  	s31 =	sld [smem:$0x7FC];
	[sflag:s8] =	ssyncadd.s32 $0xFFFF4000  }
0x20d: {  	[tilespmem:s5], [sflag:$0x1] =	stream.indirect.gather [hbm4b:s3+s6], $0x80, s1, s6, $0xb8;
	[tilespmem:$0x19400] =	vst v63  }
0x20e: {  	s0 =	sld [smem:$0x7FD]  }
0x20f: {  	[tilespmem:s9], [sflag:$0x1] =	stream.indirect.gather [hbm4b:s3+s6], $0x80, s31, s6, $0xb8;
	[tilespmem:$0x19400] =	vst v63  }
0x210: {  	_ = 	snop  }
0x211: {  	[tilespmem:s11], [sflag:$0x1] =	stream.indirect.gather [hbm4b:s3+s6], $0x80, s0, s6, $0xb8;
	[tilespmem:$0x19400] =	vst v63  }
0x212: {  	s31 =	rddreg [dreg:$0xb]  }
0x213: {  	[hbm4b:s31+s2] =	stream.linear.scatter [tilespmem:s7], [sflag:$0x4], $0xC000, $0x38;
	[tilespmem:$0x19400] =	vst v63  }
0x214: {  	_ =	swait.ge [sflag:s10], $0xC000  }
0x215: {  	[sflag:s10] =	ssyncset.done $0x0  }
0x216: {  	[sflag:s10] =	ssyncadd.s32 $0xFFFF4000  }
0x217: {  	_ =	swait.ge [sflag:s13], $0xC000  }
0x218: {  	[sflag:s13] =	ssyncset.done $0x0  }
0x219: {  	[sflag:s13] =	ssyncadd.s32 $0xFFFF4000  }
0x21a: {  	[tilespmem:s7], [sflag:$0x2] =	stream.indirect.gather [hbm4b:s3+s6], $0x80, s30, s6, $0xb8;
	[tilespmem:$0x19400] =	vst v63  }
0x21b: {  	_ = 	snop  }
0x21c: {  	[tilespmem:s14], [sflag:$0x2] =	stream.indirect.gather [hbm4b:s3+s6], $0x80, s18, s6, $0xb8;
	[tilespmem:$0x19400] =	vst v63  }
0x21d: {  	_ = 	snop  }
0x21e: {  	[tilespmem:s15], [sflag:$0x2] =	stream.indirect.gather [hbm4b:s3+s6], $0x80, s29, s6, $0xb8;
	[tilespmem:$0x19400] =	vst v63  }
0x21f: {  	s1 =	rddreg [dreg:$0xc]  }
0x220: {  	[hbm4b:s1+s2] =	stream.linear.scatter [tilespmem:s5], [sflag:$0x3], $0xC000, $0x38;
	[tilespmem:$0x19400] =	vst v63  }
0x221: {  	_ =	swait.ge [sflag:s12], $0xC000  }
0x222: {  	[sflag:s12] =	ssyncset.done $0x0  }
0x223: {  	[sflag:s12] =	ssyncadd.s32 $0xFFFF4000  }
0x224: {  	_ =	swait.ge [sflag:s8], $0xC000  }
0x225: {  	[sflag:s8] =	ssyncset.done $0x0  }
0x226: {  	[sflag:s8] =	ssyncadd.s32 $0xFFFF4000  }
0x227: {  	[tilespmem:s5], [sflag:$0x1] =	stream.indirect.gather [hbm4b:s3+s6], $0x80, s26, s6, $0xb8;
	[tilespmem:$0x19400] =	vst v63  }
0x228: {  	_ = 	snop  }
0x229: {  	[tilespmem:s9], [sflag:$0x1] =	stream.indirect.gather [hbm4b:s3+s6], $0x80, s28, s6, $0xb8;
	[tilespmem:$0x19400] =	vst v63  }
0x22a: {  	_ = 	snop  }
0x22b: {  	[tilespmem:s11], [sflag:$0x1] =	stream.indirect.gather [hbm4b:s3+s6], $0x80, s25, s6, $0xb8;
	[tilespmem:$0x19400] =	vst v63  }
0x22c: {  	s18 =	rddreg [dreg:$0xd]  }
0x22d: {  	[hbm4b:s18+s2] =	stream.linear.scatter [tilespmem:s7], [sflag:$0x4], $0xC000, $0x38;
	[tilespmem:$0x19400] =	vst v63  }
0x22e: {  	_ =	swait.ge [sflag:s10], $0xC000  }
0x22f: {  	[sflag:s10] =	ssyncset.done $0x0  }
0x230: {  	[sflag:s10] =	ssyncadd.s32 $0xFFFF4000  }
0x231: {  	_ =	swait.ge [sflag:s13], $0xC000  }
0x232: {  	[sflag:s13] =	ssyncset.done $0x0  }
0x233: {  	[sflag:s13] =	ssyncadd.s32 $0xFFFF4000  }
0x234: {  	[tilespmem:s7], [sflag:$0x2] =	stream.indirect.gather [hbm4b:s3+s6], $0x80, s22, s6, $0xb8;
	[tilespmem:$0x19400] =	vst v63  }
0x235: {  	_ = 	snop  }
0x236: {  	[tilespmem:s14], [sflag:$0x2] =	stream.indirect.gather [hbm4b:s3+s6], $0x80, s23, s6, $0xb8;
	[tilespmem:$0x19400] =	vst v63  }
0x237: {  	_ = 	snop  }
0x238: {  	[tilespmem:s15], [sflag:$0x2] =	stream.indirect.gather [hbm4b:s3+s6], $0x80, s24, s6, $0xb8;
	[tilespmem:$0x19400] =	vst v63  }
0x239: {  	s26 =	rddreg [dreg:$0xe]  }
0x23a: {  	[hbm4b:s26+s2] =	stream.linear.scatter [tilespmem:s5], [sflag:$0x3], $0xC000, $0x38;
	[tilespmem:$0x19400] =	vst v63  }
0x23b: {  	_ =	swait.ge [sflag:s12], $0xC000  }
0x23c: {  	[sflag:s12] =	ssyncset.done $0x0  }
0x23d: {  	[sflag:s12] =	ssyncadd.s32 $0xFFFF4000  }
0x23e: {  	_ =	swait.ge [sflag:s8], $0xC000  }
0x23f: {  	[sflag:s8] =	ssyncset.done $0x0  }
0x240: {  	[sflag:s8] =	ssyncadd.s32 $0xFFFF4000  }
0x241: {  	[tilespmem:s5], [sflag:$0x1] =	stream.indirect.gather [hbm4b:s3+s6], $0x80, s20, s6, $0xb8;
	[tilespmem:$0x19400] =	vst v63  }
0x242: {  	_ = 	snop  }
0x243: {  	[tilespmem:s9], [sflag:$0x1] =	stream.indirect.gather [hbm4b:s3+s6], $0x80, s21, s6, $0xb8;
	[tilespmem:$0x19400] =	vst v63  }
0x244: {  	_ = 	snop  }
0x245: {  	[tilespmem:s11], [sflag:$0x1] =	stream.indirect.gather [hbm4b:s3+s6], $0x80, s19, s6, $0xb8;
	[tilespmem:$0x19400] =	vst v63  }
0x246: {  	s28 =	rddreg [dreg:$0xf]  }
0x247: {  	[hbm4b:s28+s2] =	stream.linear.scatter [tilespmem:s7], [sflag:$0x4], $0xC000, $0x38;
	[tilespmem:$0x19400] =	vst v63  }
0x248: {  	_ =	swait.ge [sflag:s10], $0xC000  }
0x249: {  	[sflag:s10] =	ssyncset.done $0x0  }
0x24a: {  	[sflag:s10] =	ssyncadd.s32 $0xFFFF4000  }
0x24b: {  	_ =	swait.ge [sflag:s13], $0xC000  }
0x24c: {  	[sflag:s13] =	ssyncset.done $0x0  }
0x24d: {  	s29 =	rddreg [dreg:$0x3];
	[sflag:s13] =	ssyncadd.s32 $0xFFFF4000  }
0x24e: {  	[hbm4b:s29+s2] =	stream.linear.scatter [tilespmem:s5], [sflag:$0x3], $0xC000, $0x38;
	[tilespmem:$0x19400] =	vst v63  }
0x24f: {  	s30 =	simm.s32 $0x1380  }
0x250: {  	[tilespmem:s7], [sflag:$0x2] =	stream.indirect.gather [hbm4b:s3+s17], $0x80, s30, s17, $0xb8;
	[tilespmem:$0x19400] =	vst v63  }
0x251: {  	_ =	swait.ge [sflag:s12], $0x400  }
0x252: {  	[sflag:s12] =	ssyncset.done $0x0  }
0x253: {  	s31 =	rddreg [dreg:$0x4];
	[sflag:s12] =	ssyncadd.s32 $0xFFFFFC00  }
0x254: {  	[hbm4b:s31+s2] =	stream.linear.scatter [tilespmem:s7], [sflag:$0x5], $0x400, $0x38;
	[tilespmem:$0x19400] =	vst v63  }
0x255: {  	_ =	swait.ge [sflag:s4], $0x400  }
0x256: {  	[sflag:s4] =	ssyncset.done $0x0  }
0x257: {  	[sflag:s4] =	ssyncadd.s32 $0xFFFFFC00  }
0x258: {  	_ =	swait.ge [sflag:s8], $0xC000  }
0x259: {  	[sflag:s8] =	ssyncset.done $0x0  }
0x25a: {  	[sflag:s8] =	ssyncadd.s32 $0xFFFF4000  }
0x25b: {  	_ =	sfence.sel $0x180000  }
0x25c: {  	[bflag:$0x0] =	sbarrier.arrive $0xFFFF  }
0x25d: {  	_ =	strace $0x90000047  }
0x25e: {  	[bflag:$0x2] =	sbarrier.arrive $0xFFFF  }
0x25f: {  	p0 =	sne.s32 s16, $0x0;
	s0 =	rddreg [dreg:$0x1]  }
0x260: {  	s0 =	sadd.s32 @!p0 $0x100000, s0  }
0x261: {  	[sflag:s0] =	ssyncadd.tile.s32 @!p0 $0x1;
	_ =	shalt  }
.LBB2_1:
.Ltmp3:
0x262: {  	s18 =	simm.s32 $0xE00;
	(pc) =	sbr.rel .LBB2_6-.Ltmp3, $4  }
0x263: {  	s30 =	simm.s32 $0xD80;
	s29 =	simm.s32 $0xE80;
	s28 =	simm.s32 $0xF80  }
0x264: {  	s26 =	simm.s32 $0xF00;
	s25 =	simm.s32 $0x1000;
	s24 =	simm.s32 $0x1180  }
0x265: {  	s23 =	simm.s32 $0x1100;
	s22 =	simm.s32 $0x1080;
	s21 =	simm.s32 $0x1280  }
0x266: {  	s20 =	simm.s32 $0x1200;
	s19 =	simm.s32 $0x1300;
	s17 =	simm.s32 $0x8  }
.LBB2_3:
.Ltmp4:
0x267: {  	s18 =	simm.s32 $0xE00;
	s30 =	simm.s32 $0xD80;
	(pc) =	sbr.rel .LBB2_6-.Ltmp4, $4  }
0x268: {  	s29 =	simm.s32 $0xE80;
	s28 =	simm.s32 $0xF80;
	s26 =	simm.s32 $0xF00  }
0x269: {  	s25 =	simm.s32 $0x1000;
	s24 =	simm.s32 $0x1180;
	s23 =	simm.s32 $0x1100  }
0x26a: {  	s22 =	simm.s32 $0x1080;
	s21 =	simm.s32 $0x1280;
	s20 =	simm.s32 $0x1200  }
0x26b: {  	s19 =	simm.s32 $0x1300;
	s17 =	simm.s32 $0x8;
	s16 =	stileid.u32  }
.Lfunc_end2:
_tile_overlayer_lowered:
.L_overlay_start_2:
0x26c: {  	(tag) =	ssettag $0x2  }
0x26d: {  	s0 =	rddreg [dreg:$0x0];
	s2 =	stileid.u32  }
0x26e: {  	s1 =	rddreg [dreg:$0x1];
	p0 =	sne.s32 s2, $0x0  }
0x26f: {  	s3 =	rddreg [dreg:$0x2];
	[bflag:$0x3] =	sbarrier.arrive $0xFFFF;
	s2 =	simm.s32 @!p0 $0x1C05  }
0x270: {  	[timem:s3], [sflag:s2] =	dma.local @!p0 [hbm:s0], s1  }
0x271: {  	s0 =	simm.s32 @!p0 $0x5  }
0x272: {  	_ =	swait.ge @!p0 [sflag:s0], s1  }
0x273: {  	s1 =	ssub.s32 @!p0 $0x0, s1;
	[sflag:s0] =	ssyncset.done @!p0 $0x0  }
0x274: {  	[sflag:s0] =	ssyncadd.s32 @!p0 s1  }
0x275: {  	[bflag:$0x3] =	sbarrier.arrive $0xFFFF  }
0x276: {  	_ =	shalt  }

// kernel: kernel.13.cloned.1.call-start
scs
__scs_entry_jumppad:
0x0: {  	(pc) =	sbr.rel $0x88, $3  }
0x1: {  	(tag) =	ssettag $0x0;
	lr =	simm.s32 $0x1  }
0x2: {  	[smem:$0x3F8C] =	sst lr;
	_ =	strace $0xD0000000  }
0x3: {  	_ = 	snop  }
0x4: {  	_ = 	snop  }
0x5: {  	_ = 	snop  }
0x6: {  	_ = 	snop  }
0x7: {  	_ = 	snop  }
__scs_overlays_trampoline_lowered:
0x8: {  	[smem:$0x3F9B] =	sst s0  }
0x9: {  	[smem:$0x3F9C] =	sst s1  }
0xa: {  	[smem:$0x3F9D] =	sst s2  }
0xb: {  	[smem:$0x3F9E] =	sst s3  }
0xc: {  	[smem:$0x3F9F] =	sst s4  }
0xd: {  	[smem:$0x3FA0] =	sst s5  }
0xe: {  	[smem:$0x3FA1] =	sst s6  }
0xf: {  	[smem:$0x3FA2] =	sst s7  }
0x10: {  	[smem:$0x3FA3] =	sst s8  }
0x11: {  	[smem:$0x3FA4] =	sst s9;
	s0 =	simm.s32 @!p0 $0x0  }
0x12: {  	s1 =	sld [smem:$0x3F8A];
	s0 =	simm.s32 @p0 $0x1  }
0x13: {  	[smem:$0x3FA5] =	sst s0;
	s0 =	simm.s32 @!p1 $0x0  }
0x14: {  	s2 =	sld [smem:$0x3F89];
	s0 =	simm.s32 @p1 $0x1  }
0x15: {  	[smem:$0x3FA6] =	sst s0;
	s0 =	simm.s32 @!p2 $0x0  }
0x16: {  	s3 =	sld [smem:$0x3FDB];
	s0 =	simm.s32 @p2 $0x1  }
0x17: {  	s4 =	simm.s32 $0x1BF5;
	[smem:$0x3FA8] =	sst s0  }
0x18: {  	s0 =	sld [smem:$0x3F8B];
	_ =	swait.ge [sflag:s4], $0x0  }
0x19: {  	s7 =	sld [smem:$0x3F8C]  }
0x1a: {  	s8 =	sadd.s32 $0xFFFFE003, lr  }
0x1b: {  	s9 =	sadd.s32 $0xFFFFFEF7, lr;
	s5 =	simm.s32 $0xFFFFFFFF;
	p2 =	slt.u32 s8, $0xFFFFF086  }
0x1c: {  	p1 =	slt.u32 s9, $0xF7A;
	s5 =	simm.s32 @!p2 $0x0  }
0x1d: {  	s5 =	simm.s32 @p1 $0x1;
	p0 =	seq.s32 s7, s2  }
0x1e: {  	s7 =	smul.u32 @!p0 $0xF7A, s2;
	p2 =	seq.s32 @!p0 s5, $0x0  }
0x1f: {  	s9 =	smul.u32 $0xF7A, s1;
	s8 =	simm.s32 @!p0 $0x1BF5;
	p2 =	por !p2, p0  }
0x20: {  	[sflag:s8] =	ssyncset.s32 @!p0 $0xFFFFF086;
	s6 =	sadd.s32 @!p0 s3, s7;
	s7 =	simm.s32 @!p0 $0x108  }
0x21: {  	s3 =	sadd.s32 s3, s9;
	s6 =	sadd.s32 @!p0 $0x88, s6;
	s7 =	simm.s32 @p2 $0x1082  }
0x22: {  	[simem:s7], [sflag:s8] =	dma.local @!p0 [hbm:s6], $0xF7A  }
0x23: {  	s9 =	sor.u32 $0xD0000000, s2;
	s6 =	simm.s32 $0x108;
	_ =	swait.ge @!p0 [sflag:s8], $0x0  }
0x24: {  	s3 =	sadd.s32 $0x88, s3;
	s6 =	simm.s32 @!p1 $0x1082;
	[sflag:s4] =	ssyncset.s32 $0xFFFFF086  }
0x25: {  	[simem:s6], [sflag:s4] =	dma.local [hbm:s3], $0xF7A  }
0x26: {  	[smem:$0x3F8C] =	sst s1;
	(tag) =	ssettag s2;
	_ =	strace s9  }
0x27: {  	s1 =	sld [smem:$0x3F9C]  }
0x28: {  	s2 =	sld [smem:$0x3F9D]  }
0x29: {  	s4 =	sld [smem:$0x3F9F]  }
0x2a: {  	p0 =	seq.s32 s5, $0x0;
	s5 =	sld [smem:$0x3FA0]  }
0x2b: {  	s6 =	sld [smem:$0x3FA1]  }
0x2c: {  	s7 =	sld [smem:$0x3FA2]  }
0x2d: {  	s3 =	simm.s32 $0x108;
	s8 =	sld [smem:$0x3FA3]  }
0x2e: {  	s3 =	simm.s32 @!p0 $0x1082;
	s9 =	sld [smem:$0x3FA4]  }
0x2f: {  	lr =	sadd.s32 s0, s3;
	s0 =	sld [smem:$0x3F9B]  }
0x30: {  	s3 =	sld [smem:$0x3F9E]  }
0x31: {  	[smem:$0x3FA7] =	sst s10  }
0x32: {  	s10 =	sld [smem:$0x3FA5];
	_ =	sdelay $0x3  }
0x33: {  	p0 =	seq.s32 s10, $0x1;
	s10 =	sld [smem:$0x3FA7];
	_ =	sdelay $0x3  }
0x34: {  	[smem:$0x3FA7] =	sst s10  }
0x35: {  	s10 =	sld [smem:$0x3FA6];
	_ =	sdelay $0x3  }
0x36: {  	p1 =	seq.s32 s10, $0x1;
	s10 =	sld [smem:$0x3FA7];
	_ =	sdelay $0x3  }
0x37: {  	[smem:$0x3FA7] =	sst s10  }
0x38: {  	s10 =	sld [smem:$0x3FA8]  }
0x39: {  	_ = 	snop;
	(pc) =	sbr.ind lr, $3  }
0x3a: {  	_ = 	snop  }
0x3b: {  	_ = 	snop  }
0x3c: {  	p2 =	seq.s32 s10, $0x1;
	s10 =	sld [smem:$0x3FA7]  }
0x3d: {  	_ =	shalt  }
0x3e: {  	_ =	shalt  }
0x3f: {  	_ =	shalt  }
0x40: {  	_ =	shalt  }
0x41: {  	_ =	shalt  }
0x42: {  	_ =	shalt  }
0x43: {  	_ =	shalt  }
0x44: {  	_ =	shalt  }
0x45: {  	_ =	shalt  }
0x46: {  	_ =	shalt  }
0x47: {  	_ =	shalt  }
0x48: {  	_ =	shalt  }
0x49: {  	_ =	shalt  }
0x4a: {  	_ =	shalt  }
0x4b: {  	_ =	shalt  }
0x4c: {  	_ =	shalt  }
0x4d: {  	_ =	shalt  }
0x4e: {  	_ =	shalt  }
0x4f: {  	_ =	shalt  }
0x50: {  	_ =	shalt  }
0x51: {  	_ =	shalt  }
0x52: {  	_ =	shalt  }
0x53: {  	_ =	shalt  }
0x54: {  	_ =	shalt  }
0x55: {  	_ =	shalt  }
0x56: {  	_ =	shalt  }
0x57: {  	_ =	shalt  }
0x58: {  	_ =	shalt  }
0x59: {  	_ =	shalt  }
0x5a: {  	_ =	shalt  }
0x5b: {  	_ =	shalt  }
0x5c: {  	_ =	shalt  }
0x5d: {  	_ =	shalt  }
0x5e: {  	_ =	shalt  }
0x5f: {  	_ =	shalt  }
0x60: {  	_ =	shalt  }
0x61: {  	_ =	shalt  }
0x62: {  	_ =	shalt  }
0x63: {  	_ =	shalt  }
0x64: {  	_ =	shalt  }
0x65: {  	_ =	shalt  }
0x66: {  	_ =	shalt  }
0x67: {  	_ =	shalt  }
0x68: {  	_ =	shalt  }
0x69: {  	_ =	shalt  }
0x6a: {  	_ =	shalt  }
0x6b: {  	_ =	shalt  }
0x6c: {  	_ =	shalt  }
0x6d: {  	_ =	shalt  }
0x6e: {  	_ =	shalt  }
0x6f: {  	_ =	shalt  }
0x70: {  	_ =	shalt  }
0x71: {  	_ =	shalt  }
0x72: {  	_ =	shalt  }
0x73: {  	_ =	shalt  }
0x74: {  	_ =	shalt  }
0x75: {  	_ =	shalt  }
0x76: {  	_ =	shalt  }
0x77: {  	_ =	shalt  }
0x78: {  	_ =	shalt  }
0x79: {  	_ =	shalt  }
0x7a: {  	_ =	shalt  }
0x7b: {  	_ =	shalt  }
0x7c: {  	_ =	shalt  }
0x7d: {  	_ =	shalt  }
0x7e: {  	_ =	shalt  }
0x7f: {  	_ =	shalt  }
0x80: {  	_ =	shalt  }
0x81: {  	_ =	shalt  }
0x82: {  	_ =	shalt  }
0x83: {  	_ =	shalt  }
0x84: {  	_ =	shalt  }
0x85: {  	_ =	shalt  }
0x86: {  	_ =	shalt  }
0x87: {  	_ =	shalt  }
.Lfunc_end0:
.L_simem_size_0:
called_computation.1_lowered:
.L_overlay_start_0:
0x88: {  	s2 =	sld [smem:$0x3FD9]  }
0x89: {  	s3 =	sld [smem:$0x3FFE];
	_ =	sdelay $0x1  }
0x8a: {  	s1 =	srdreg.scid  }
0x8b: {  	s0 =	sand.u32 $0x1, s1  }
0x8c: {  	s16 =	sshll.u32 s0, $0xA;
	s2 =	sadd.s32 s3, s2  }
0x8d: {  	s2 =	sadd.s32 s2, s16  }
0x8e: {  	[smem:$0x3FB3] =	sst s2  }
0x8f: {  	_ = 	snop  }
0x90: {  	(tm) =	ssettm $0x1  }
0x91: {  	s17 =	sld [smem:$0x3FFB];
	_ =	sdelay $0x3  }
0x92: {  	_ =	strace s17  }
0x93: {  	s2 =	sld [smem:$0x3FFC];
	_ =	sdelay $0x3  }
0x94: {  	_ =	strace s2  }
0x95: {  	s2 =	sld [smem:$0x3FFD];
	_ =	sdelay $0x3  }
0x96: {  	_ =	strace s2  }
0x97: {  	_ =	strace $0x8FFFFFFF  }
0x98: {  	s18 =	sld [smem:$0x3FDB];
	_ =	sdelay $0x1  }
0x99: {  	s19 =	simm.s32 $_scs_section_size  }
0x9a: {  	s4 =	simm.s32 $_size__tile_overlayer_lowered;
	s5 =	simm.s32 $_tile_overlayer_lowered  }
0x9b: {  	s22 =	simm.s32 $0x1BFF;
	s21 =	sshll.u32 s5, $0x1;
	s2 =	sadd.s32 s19, s18  }
0x9c: {  	s6 =	simm.s32 $0x0;
	s20 =	sshll.u32 s4, $0x1;
	s4 =	sadd.s32 s21, s2  }
0x9d: {  	[timem:s6], [sflag:s22] =	dma.local [hbm:s4], s20  }
0x9e: {  	_ =	swait.ge [sflag:s22], s20  }
0x9f: {  	s3 =	ssub.s32 $0x0, s20;
	[sflag:s22] =	ssyncset.done $0x0  }
0xa0: {  	[sflag:s22] =	ssyncadd.s32 s3;
	_ =	sdelay $0x1  }
0xa1: {  	s23 =	simm.s32 $0x1B8B  }
0xa2: {  	_ =	swait.ge [sflag:s23], $0x1  }
0xa3: {  	[sflag:s23] =	ssyncset.done $0x0  }
0xa4: {  	s25 =	simm.s32 $0x1B8E;
	s24 =	sld [smem:$0x3FFE];
	[sflag:s23] =	ssyncadd.s32 $0xFFFFFFFF  }
0xa5: {  	s26 =	simm.s32 $execute0_lowered;
	[smem:$0x3FD2] =	sst s25  }
0xa6: {  	s4 =	sshll.u32 s26, $0x1;
	_ =	strace $0x80000049;
	[dreg:$0x1] =	wrdreg $0xFFFFFFFF  }
0xa7: {  	s28 =	simm.s32 $_size_execute0_lowered;
	s2 =	sadd.s32 s2, s4;
	[dreg:$0x0] =	wrdreg $0x0  }
0xa8: {  	s4 =	sshll.u32 s28, $0x1;
	[dreg:$0x2] =	wrdreg s2  }
0xa9: {  	[dreg:$0x3] =	wrdreg s4  }
0xaa: {  	[dreg:$0x4] =	wrdreg $0xC0  }
0xab: {  	_ =	task [dreg:s6], $0x5FFFF  }
0xac: {  	[dreg:$0x1] =	wrdreg $0xFFFFFFFF  }
0xad: {  	[dreg:$0x0] =	wrdreg $0x60  }
0xae: {  	[dreg:$0x2] =	wrdreg s24  }
0xaf: {  	[dreg:$0x3] =	wrdreg $0x9  }
0xb0: {  	_ =	task.clear_ibuf [dreg:s6], $0x4FFFF;
	_ =	strace $0x90000049  }
0xb1: {  	s29 =	simm.s32 $0x9;
	_ =	strace $0x8000004B  }
0xb2: {  	_ =	swait.ge [sflag:s29], $0x1  }
0xb3: {  	[sflag:s29] =	ssyncadd.s32 $0xFFFFFFFF  }
0xb4: {  	_ =	strace $0x9000004B  }
0xb5: {  	_ =	sfence  }
0xb6: {  	s30 =	sld [smem:$0x0];
	_ =	sdelay $0x2  }
0xb7: {  	s31 =	sshll.u32 s1, $0xD;
	s1 =	sshrl.u32 s1, $0x2  }
0xb8: {  	s3 =	sand.u32 $0x4000, s31;
	s1 =	sadd.s32 s1, s30  }
0xb9: {  	s0 =	sor.u32 s3, s0;
	s1 =	sshll.u32 s1, $0x11  }
0xba: {  	s0 =	sor.u32 s1, s0  }
0xbb: {  	s0 =	sadd.s32 $0x8F2B, s0  }
0xbc: {  	[sflag:s0] =	ssyncadd.remote.s32 $0x1  }
0xbd: {  	_ =	sfence.sel $0xFFFF  }
0xbe: {  	[dreg:$0x0] =	wrdreg $0xFFFFFFFF;
	(pc) =	sbr.abs _section_cstart, $3  }
0xbf: {  	[dreg:$0x1] =	wrdreg $0xFFFFFFFF  }
0xc0: {  	_ =	task.clear_ibuf [dreg:s6], $0x2FFFF;
	_ =	strace $0x9FFFFFFF  }
0xc1: {  	(tm) =	ssettm $0x7FFFFFFF  }
tec
execute0_lowered:
.L_overlay_start_1:
0x0: {  	(tag) =	ssettag $0x1  }
0x1: {  	s3 =	rddreg [dreg:$0x0];
	s2 =	simm.s32 $0x0  }
0x2: {  	s0 =	srdreg.scid;
	s23 =	simm.s32 $0x100;
	[smem:$0x7FF] =	sst s2  }
0x3: {  	s24 =	simm.s32 $0x180;
	_ =	strace $0x8000004A;
	[dreg:$0x10] =	wrdreg s23  }
0x4: {  	s16 =	stileid.u32;
	s25 =	simm.s32 $0x200;
	[dreg:$0x11] =	wrdreg s24  }
0x5: {  	s26 =	simm.s32 $0x280;
	s7 =	simm.s32 $0x480;
	[dreg:$0x12] =	wrdreg s25  }
0x6: {  	s8 =	simm.s32 $0x500;
	s1 =	sand.u32 $0x1, s0;
	[dreg:$0x13] =	wrdreg s26  }
0x7: {  	s9 =	sshll.u32 s16, $0x1;
	s6 =	sadd.s32 $0x36400, s3;
	[dreg:$0x17] =	wrdreg s7  }
0x8: {  	s0 =	sor.u32 s1, s9;
	[dreg:$0x18] =	wrdreg s8;
	s9 =	simm.s32 $0x580  }
0x9: {  	s23 =	simm.s32 $0xB80;
	s4 =	smul.u32 $0x271, s0;
	[dreg:$0x19] =	wrdreg s9  }
0xa: {  	s24 =	simm.s32 $0xC00;
	s5 =	smul.u32 $0x9C400, s0;
	[smem:$0x7FA] =	sst s23  }
0xb: {  	s25 =	simm.s32 $0xC80;
	s0 =	smul.u32 $0x13880, s0;
	[smem:$0x7FB] =	sst s24  }
0xc: {  	s26 =	simm.s32 $0xD00;
	[smem:$0x7FC] =	sst s25;
	s4 =	sadd.s32 s4, s3  }
0xd: {  	[smem:$0x7FD] =	sst s26;
	s31 =	sadd.s32 s6, s0;
	s4 =	sadd.s32 $0x7200, s4  }
0xe: {  	s0 =	sadd.s32 $0x1800, s31;
	[dreg:$0x2] =	wrdreg s4  }
0xf: {  	s12 =	sadd.s32 $0x3000, s31;
	[dreg:$0x5] =	wrdreg s0  }
0x10: {  	s13 =	sadd.s32 $0x4800, s31;
	[dreg:$0x6] =	wrdreg s12  }
0x11: {  	s14 =	sadd.s32 $0x6000, s31;
	[dreg:$0x7] =	wrdreg s13  }
0x12: {  	s30 =	simm.s32 $0xD80;
	s15 =	sadd.s32 $0x7800, s31;
	[dreg:$0x8] =	wrdreg s14  }
0x13: {  	s29 =	simm.s32 $0xE80;
	s17 =	sadd.s32 $0x9000, s31;
	[dreg:$0x9] =	wrdreg s15  }
0x14: {  	s28 =	simm.s32 $0xF80;
	s18 =	sadd.s32 $0xA800, s31;
	[dreg:$0xa] =	wrdreg s17  }
0x15: {  	p0 =	por $0x0, $0x0;
	s19 =	sadd.s32 $0xC000, s31;
	[dreg:$0xb] =	wrdreg s18  }
0x16: {  	s1 =	ssub.s32 $0x2, s1;
	s20 =	sadd.s32 $0xD800, s31;
	[dreg:$0xc] =	wrdreg s19  }
0x17: {  	s7 =	simm.s32 $0xD400;
	s21 =	sadd.s32 $0xF000, s31;
	[dreg:$0xd] =	wrdreg s20  }
0x18: {  	s5 =	sshrl.u32 s5, $0x3;
	s22 =	sadd.s32 $0x10800, s31;
	[dreg:$0xe] =	wrdreg s21  }
0x19: {  	s5 =	sadd.s32 s6, s5;
	s6 =	simm.s32 $0x400;
	[dreg:$0xf] =	wrdreg s22  }
0x1a: {  	s8 =	simm.s32 $0x3;
	s10 =	sadd.s32 $0x12000, s5;
	[dreg:$0x16] =	wrdreg s6  }
0x1b: {  	s9 =	simm.s32 $0x5400;
	s11 =	sadd.s32 $0x13800, s5;
	[dreg:$0x3] =	wrdreg s10  }
0x1c: {  	s26 =	simm.s32 $0xF00;
	s4 =	simm.s32 $0x300;
	[dreg:$0x4] =	wrdreg s11  }
0x1d: {  	s25 =	simm.s32 $0x1000;
	s5 =	simm.s32 $0x380;
	[dreg:$0x14] =	wrdreg s4  }
0x1e: {  	s23 =	simm.s32 $0x1100;
	s13 =	simm.s32 $0x700;
	[dreg:$0x15] =	wrdreg s5  }
0x1f: {  	s24 =	simm.s32 $0x1180;
	s14 =	simm.s32 $0x780;
	[dreg:$0x1c] =	wrdreg s13  }
0x20: {  	s3 =	sadd.s32 $0xF200, s3;
	s15 =	simm.s32 $0x800;
	[dreg:$0x1d] =	wrdreg s14  }
0x21: {  	s12 =	sshrl.u32 s1, $0x1;
	s17 =	simm.s32 $0x880;
	[dreg:$0x1e] =	wrdreg s15  }
0x22: {  	s6 =	simm.s32 $0x80;
	s18 =	simm.s32 $0x900;
	[dreg:$0x1f] =	wrdreg s17  }
0x23: {  	s19 =	simm.s32 $0x980;
	s20 =	simm.s32 $0xA00;
	[smem:$0x7F5] =	sst s18  }
0x24: {  	s21 =	simm.s32 $0xA80;
	s22 =	simm.s32 $0xB00;
	[smem:$0x7F6] =	sst s19  }
0x25: {  	s10 =	simm.s32 $0x600;
	s11 =	simm.s32 $0x680;
	[smem:$0x7F7] =	sst s20  }
0x26: {  	s1 =	ssub.s32 s1, s12;
	s4 =	simm.s32 $0x5;
	[smem:$0x7F8] =	sst s21  }
0x27: {  	s5 =	simm.s32 $0x1400;
	[smem:$0x7F9] =	sst s22;
	s1 =	smax.u32 s1, $0x1  }
0x28: {  	s14 =	simm.s32 $0x11400;
	s15 =	simm.s32 $0x15400;
	p1 =	sne.s32 s1, $0x1  }
.Ltmp0:
0x29: {  	s12 =	simm.s32 $0x2;
	s13 =	simm.s32 $0x4;
	(pc) =	sbr.rel @!p1 .LBB2_1-.Ltmp0, $4  }
0x2a: {  	s22 =	simm.s32 $0xE00;
	s20 =	simm.s32 $0x1200;
	s0 =	rddreg [dreg:$0x2]  }
0x2b: {  	s21 =	simm.s32 $0x1280;
	s19 =	simm.s32 $0x1300;
	[dreg:$0x1a] =	wrdreg s10  }
0x2c: {  	s17 =	simm.s32 $0x8;
	s18 =	simm.s32 $0x1380;
	[dreg:$0x1b] =	wrdreg s11  }
0x2d: {  	s11 =	simm.s32 $0x9400;
	s10 =	simm.s32 $0x1;
	s1 =	sadd.s32 $0xFFFFFFFF, s1  }
0x2e: {  	[tilespmem:s2], [sflag:$0x5] =	stream.linear.gather [hbm4b:s0+s2], $0x1388, $0x38;
	[tilespmem:$0x19400] =	vst v63  }
0x2f: {  	_ =	swait.ge [sflag:s4], $0x1388  }
0x30: {  	[sflag:s4] =	ssyncset.done $0x0  }
0x31: {  	[sflag:s4] =	ssyncadd.s32 $0xFFFFEC78  }
0x32: {  	[tilespmem:s5], [sflag:$0x1] =	stream.indirect.gather [hbm4b:s3+s6], $0x80, s2, s6, $0xb8;
	[tilespmem:$0x19400] =	vst v63  }
0x33: {  	_ = 	snop  }
0x34: {  	[tilespmem:s9], [sflag:$0x1] =	stream.indirect.gather [hbm4b:s3+s6], $0x80, s6, s6, $0xb8;
	[tilespmem:$0x19400] =	vst v63  }
0x35: {  	s16 =	rddreg [dreg:$0x10]  }
0x36: {  	[tilespmem:s11], [sflag:$0x1] =	stream.indirect.gather [hbm4b:s3+s6], $0x80, s16, s6, $0xb8;
	[tilespmem:$0x19400] =	vst v63  }
0x37: {  	_ =	swait.ge [sflag:s10], $0xC000  }
0x38: {  	[sflag:s10] =	ssyncset.done $0x0  }
0x39: {  	s0 =	rddreg [dreg:$0x11];
	[sflag:s10] =	ssyncadd.s32 $0xFFFF4000  }
0x3a: {  	[tilespmem:s7], [sflag:$0x2] =	stream.indirect.gather [hbm4b:s3+s6], $0x80, s0, s6, $0xb8;
	[tilespmem:$0x19400] =	vst v63  }
0x3b: {  	s16 =	smov.u32 s1;
	s1 =	rddreg [dreg:$0x12]  }
0x3c: {  	[tilespmem:s14], [sflag:$0x2] =	stream.indirect.gather [hbm4b:s3+s6], $0x80, s1, s6, $0xb8;
	[tilespmem:$0x19400] =	vst v63  }
0x3d: {  	s0 =	rddreg [dreg:$0x13]  }
0x3e: {  	[tilespmem:s15], [sflag:$0x2] =	stream.indirect.gather [hbm4b:s3+s6], $0x80, s0, s6, $0xb8;
	[tilespmem:$0x19400] =	vst v63  }
0x3f: {  	_ = 	snop  }
0x40: {  	[hbm4b:s31+s2] =	stream.linear.scatter [tilespmem:s5], [sflag:$0x3], $0xC000, $0x38;
	[tilespmem:$0x19400] =	vst v63  }
0x41: {  	_ =	swait.ge [sflag:s12], $0xC000  }
0x42: {  	[sflag:s12] =	ssyncset.done $0x0  }
0x43: {  	[sflag:s12] =	ssyncadd.s32 $0xFFFF4000  }
0x44: {  	_ =	swait.ge [sflag:s8], $0xC000  }
0x45: {  	[sflag:s8] =	ssyncset.done $0x0  }
0x46: {  	s0 =	rddreg [dreg:$0x14];
	[sflag:s8] =	ssyncadd.s32 $0xFFFF4000  }
0x47: {  	[tilespmem:s5], [sflag:$0x1] =	stream.indirect.gather [hbm4b:s3+s6], $0x80, s0, s6, $0xb8;
	[tilespmem:$0x19400] =	vst v63  }
0x48: {  	s1 =	rddreg [dreg:$0x15]  }
0x49: {  	[tilespmem:s9], [sflag:$0x1] =	stream.indirect.gather [hbm4b:s3+s6], $0x80, s1, s6, $0xb8;
	[tilespmem:$0x19400] =	vst v63  }
0x4a: {  	s0 =	rddreg [dreg:$0x16]  }
0x4b: {  	[tilespmem:s11], [sflag:$0x1] =	stream.indirect.gather [hbm4b:s3+s6], $0x80, s0, s6, $0xb8;
	[tilespmem:$0x19400] =	vst v63  }
0x4c: {  	s1 =	rddreg [dreg:$0x5]  }
0x4d: {  	[hbm4b:s1+s2] =	stream.linear.scatter [tilespmem:s7], [sflag:$0x4], $0xC000, $0x38;
	[tilespmem:$0x19400] =	vst v63  }
0x4e: {  	_ =	swait.ge [sflag:s10], $0xC000  }
0x4f: {  	[sflag:s10] =	ssyncset.done $0x0  }
0x50: {  	[sflag:s10] =	ssyncadd.s32 $0xFFFF4000  }
0x51: {  	_ =	swait.ge [sflag:s13], $0xC000  }
0x52: {  	[sflag:s13] =	ssyncset.done $0x0  }
0x53: {  	s0 =	rddreg [dreg:$0x17];
	[sflag:s13] =	ssyncadd.s32 $0xFFFF4000  }
0x54: {  	[tilespmem:s7], [sflag:$0x2] =	stream.indirect.gather [hbm4b:s3+s6], $0x80, s0, s6, $0xb8;
	[tilespmem:$0x19400] =	vst v63  }
0x55: {  	s1 =	rddreg [dreg:$0x18]  }
0x56: {  	[tilespmem:s14], [sflag:$0x2] =	stream.indirect.gather [hbm4b:s3+s6], $0x80, s1, s6, $0xb8;
	[tilespmem:$0x19400] =	vst v63  }
0x57: {  	s0 =	rddreg [dreg:$0x19]  }
0x58: {  	[tilespmem:s15], [sflag:$0x2] =	stream.indirect.gather [hbm4b:s3+s6], $0x80, s0, s6, $0xb8;
	[tilespmem:$0x19400] =	vst v63  }
0x59: {  	s1 =	rddreg [dreg:$0x6]  }
0x5a: {  	[hbm4b:s1+s2] =	stream.linear.scatter [tilespmem:s5], [sflag:$0x3], $0xC000, $0x38;
	[tilespmem:$0x19400] =	vst v63  }
0x5b: {  	_ =	swait.ge [sflag:s12], $0xC000  }
0x5c: {  	[sflag:s12] =	ssyncset.done $0x0  }
0x5d: {  	[sflag:s12] =	ssyncadd.s32 $0xFFFF4000  }
0x5e: {  	_ =	swait.ge [sflag:s8], $0xC000  }
0x5f: {  	[sflag:s8] =	ssyncset.done $0x0  }
0x60: {  	s0 =	rddreg [dreg:$0x1a];
	[sflag:s8] =	ssyncadd.s32 $0xFFFF4000  }
0x61: {  	[tilespmem:s5], [sflag:$0x1] =	stream.indirect.gather [hbm4b:s3+s6], $0x80, s0, s6, $0xb8;
	[tilespmem:$0x19400] =	vst v63  }
0x62: {  	s1 =	rddreg [dreg:$0x1b]  }
0x63: {  	[tilespmem:s9], [sflag:$0x1] =	stream.indirect.gather [hbm4b:s3+s6], $0x80, s1, s6, $0xb8;
	[tilespmem:$0x19400] =	vst v63  }
0x64: {  	s0 =	rddreg [dreg:$0x1c]  }
0x65: {  	[tilespmem:s11], [sflag:$0x1] =	stream.indirect.gather [hbm4b:s3+s6], $0x80, s0, s6, $0xb8;
	[tilespmem:$0x19400] =	vst v63  }
0x66: {  	s1 =	rddreg [dreg:$0x7]  }
0x67: {  	[hbm4b:s1+s2] =	stream.linear.scatter [tilespmem:s7], [sflag:$0x4], $0xC000, $0x38;
	[tilespmem:$0x19400] =	vst v63  }
0x68: {  	_ =	swait.ge [sflag:s10], $0xC000  }
0x69: {  	[sflag:s10] =	ssyncset.done $0x0  }
0x6a: {  	[sflag:s10] =	ssyncadd.s32 $0xFFFF4000  }
0x6b: {  	_ =	swait.ge [sflag:s13], $0xC000  }
0x6c: {  	[sflag:s13] =	ssyncset.done $0x0  }
0x6d: {  	s0 =	rddreg [dreg:$0x1d];
	[sflag:s13] =	ssyncadd.s32 $0xFFFF4000  }
0x6e: {  	[tilespmem:s7], [sflag:$0x2] =	stream.indirect.gather [hbm4b:s3+s6], $0x80, s0, s6, $0xb8;
	[tilespmem:$0x19400] =	vst v63  }
0x6f: {  	s1 =	rddreg [dreg:$0x1e]  }
0x70: {  	[tilespmem:s14], [sflag:$0x2] =	stream.indirect.gather [hbm4b:s3+s6], $0x80, s1, s6, $0xb8;
	[tilespmem:$0x19400] =	vst v63  }
0x71: {  	s0 =	rddreg [dreg:$0x1f]  }
0x72: {  	[tilespmem:s15], [sflag:$0x2] =	stream.indirect.gather [hbm4b:s3+s6], $0x80, s0, s6, $0xb8;
	[tilespmem:$0x19400] =	vst v63  }
0x73: {  	s1 =	rddreg [dreg:$0x8]  }
0x74: {  	[hbm4b:s1+s2] =	stream.linear.scatter [tilespmem:s5], [sflag:$0x3], $0xC000, $0x38;
	[tilespmem:$0x19400] =	vst v63  }
0x75: {  	_ =	swait.ge [sflag:s12], $0xC000  }
0x76: {  	[sflag:s12] =	ssyncset.done $0x0  }
0x77: {  	[sflag:s12] =	ssyncadd.s32 $0xFFFF4000  }
0x78: {  	_ =	swait.ge [sflag:s8], $0xC000  }
0x79: {  	s0 =	sld [smem:$0x7F5]  }
0x7a: {  	[sflag:s8] =	ssyncset.done $0x0  }
0x7b: {  	s1 =	sld [smem:$0x7F6];
	[sflag:s8] =	ssyncadd.s32 $0xFFFF4000  }
0x7c: {  	[tilespmem:s5], [sflag:$0x1] =	stream.indirect.gather [hbm4b:s3+s6], $0x80, s0, s6, $0xb8;
	[tilespmem:$0x19400] =	vst v63  }
0x7d: {  	s0 =	sld [smem:$0x7F7]  }
0x7e: {  	[tilespmem:s9], [sflag:$0x1] =	stream.indirect.gather [hbm4b:s3+s6], $0x80, s1, s6, $0xb8;
	[tilespmem:$0x19400] =	vst v63  }
0x7f: {  	_ = 	snop  }
0x80: {  	[tilespmem:s11], [sflag:$0x1] =	stream.indirect.gather [hbm4b:s3+s6], $0x80, s0, s6, $0xb8;
	[tilespmem:$0x19400] =	vst v63  }
0x81: {  	s1 =	rddreg [dreg:$0x9]  }
0x82: {  	[hbm4b:s1+s2] =	stream.linear.scatter [tilespmem:s7], [sflag:$0x4], $0xC000, $0x38;
	[tilespmem:$0x19400] =	vst v63  }
0x83: {  	_ =	swait.ge [sflag:s10], $0xC000  }
0x84: {  	[sflag:s10] =	ssyncset.done $0x0  }
0x85: {  	[sflag:s10] =	ssyncadd.s32 $0xFFFF4000  }
0x86: {  	_ =	swait.ge [sflag:s13], $0xC000  }
0x87: {  	s0 =	sld [smem:$0x7F8]  }
0x88: {  	[sflag:s13] =	ssyncset.done $0x0  }
0x89: {  	s1 =	sld [smem:$0x7F9];
	[sflag:s13] =	ssyncadd.s32 $0xFFFF4000  }
0x8a: {  	[tilespmem:s7], [sflag:$0x2] =	stream.indirect.gather [hbm4b:s3+s6], $0x80, s0, s6, $0xb8;
	[tilespmem:$0x19400] =	vst v63  }
0x8b: {  	s0 =	sld [smem:$0x7FA]  }
0x8c: {  	[tilespmem:s14], [sflag:$0x2] =	stream.indirect.gather [hbm4b:s3+s6], $0x80, s1, s6, $0xb8;
	[tilespmem:$0x19400] =	vst v63  }
0x8d: {  	_ = 	snop  }
0x8e: {  	[tilespmem:s15], [sflag:$0x2] =	stream.indirect.gather [hbm4b:s3+s6], $0x80, s0, s6, $0xb8;
	[tilespmem:$0x19400] =	vst v63  }
0x8f: {  	s1 =	rddreg [dreg:$0xa]  }
0x90: {  	[hbm4b:s1+s2] =	stream.linear.scatter [tilespmem:s5], [sflag:$0x3], $0xC000, $0x38;
	[tilespmem:$0x19400] =	vst v63  }
0x91: {  	_ =	swait.ge [sflag:s12], $0xC000  }
0x92: {  	[sflag:s12] =	ssyncset.done $0x0  }
0x93: {  	[sflag:s12] =	ssyncadd.s32 $0xFFFF4000  }
0x94: {  	_ =	swait.ge [sflag:s8], $0xC000  }
0x95: {  	s0 =	sld [smem:$0x7FB]  }
0x96: {  	[sflag:s8] =	ssyncset.done $0x0  }
0x97: {  	s1 =	sld [smem:$0x7FC];
	[sflag:s8] =	ssyncadd.s32 $0xFFFF4000  }
0x98: {  	[tilespmem:s5], [sflag:$0x1] =	stream.indirect.gather [hbm4b:s3+s6], $0x80, s0, s6, $0xb8;
	[tilespmem:$0x19400] =	vst v63  }
0x99: {  	s0 =	sld [smem:$0x7FD]  }
0x9a: {  	[tilespmem:s9], [sflag:$0x1] =	stream.indirect.gather [hbm4b:s3+s6], $0x80, s1, s6, $0xb8;
	[tilespmem:$0x19400] =	vst v63  }
0x9b: {  	_ = 	snop  }
0x9c: {  	[tilespmem:s11], [sflag:$0x1] =	stream.indirect.gather [hbm4b:s3+s6], $0x80, s0, s6, $0xb8;
	[tilespmem:$0x19400] =	vst v63  }
0x9d: {  	s1 =	rddreg [dreg:$0xb]  }
0x9e: {  	[hbm4b:s1+s2] =	stream.linear.scatter [tilespmem:s7], [sflag:$0x4], $0xC000, $0x38;
	[tilespmem:$0x19400] =	vst v63  }
0x9f: {  	_ =	swait.ge [sflag:s10], $0xC000  }
0xa0: {  	[sflag:s10] =	ssyncset.done $0x0  }
0xa1: {  	[sflag:s10] =	ssyncadd.s32 $0xFFFF4000  }
0xa2: {  	_ =	swait.ge [sflag:s13], $0xC000  }
0xa3: {  	[sflag:s13] =	ssyncset.done $0x0  }
0xa4: {  	[sflag:s13] =	ssyncadd.s32 $0xFFFF4000  }
0xa5: {  	[tilespmem:s7], [sflag:$0x2] =	stream.indirect.gather [hbm4b:s3+s6], $0x80, s30, s6, $0xb8;
	[tilespmem:$0x19400] =	vst v63  }
0xa6: {  	_ = 	snop  }
0xa7: {  	[tilespmem:s14], [sflag:$0x2] =	stream.indirect.gather [hbm4b:s3+s6], $0x80, s22, s6, $0xb8;
	[tilespmem:$0x19400] =	vst v63  }
0xa8: {  	_ = 	snop  }
0xa9: {  	[tilespmem:s15], [sflag:$0x2] =	stream.indirect.gather [hbm4b:s3+s6], $0x80, s29, s6, $0xb8;
	[tilespmem:$0x19400] =	vst v63  }
0xaa: {  	s1 =	rddreg [dreg:$0xc]  }
0xab: {  	[hbm4b:s1+s2] =	stream.linear.scatter [tilespmem:s5], [sflag:$0x3], $0xC000, $0x38;
	[tilespmem:$0x19400] =	vst v63  }
0xac: {  	_ =	swait.ge [sflag:s12], $0xC000  }
0xad: {  	[sflag:s12] =	ssyncset.done $0x0  }
0xae: {  	[sflag:s12] =	ssyncadd.s32 $0xFFFF4000  }
0xaf: {  	_ =	swait.ge [sflag:s8], $0xC000  }
0xb0: {  	[sflag:s8] =	ssyncset.done $0x0  }
0xb1: {  	[sflag:s8] =	ssyncadd.s32 $0xFFFF4000  }
0xb2: {  	[tilespmem:s5], [sflag:$0x1] =	stream.indirect.gather [hbm4b:s3+s6], $0x80, s26, s6, $0xb8;
	[tilespmem:$0x19400] =	vst v63  }
0xb3: {  	_ = 	snop  }
0xb4: {  	[tilespmem:s9], [sflag:$0x1] =	stream.indirect.gather [hbm4b:s3+s6], $0x80, s28, s6, $0xb8;
	[tilespmem:$0x19400] =	vst v63  }
0xb5: {  	_ = 	snop  }
0xb6: {  	[tilespmem:s11], [sflag:$0x1] =	stream.indirect.gather [hbm4b:s3+s6], $0x80, s25, s6, $0xb8;
	[tilespmem:$0x19400] =	vst v63  }
0xb7: {  	s1 =	rddreg [dreg:$0xd]  }
0xb8: {  	[hbm4b:s1+s2] =	stream.linear.scatter [tilespmem:s7], [sflag:$0x4], $0xC000, $0x38;
	[tilespmem:$0x19400] =	vst v63  }
0xb9: {  	_ =	swait.ge [sflag:s10], $0xC000  }
0xba: {  	[sflag:s10] =	ssyncset.done $0x0  }
0xbb: {  	[sflag:s10] =	ssyncadd.s32 $0xFFFF4000  }
0xbc: {  	_ =	swait.ge [sflag:s13], $0xC000  }
0xbd: {  	[sflag:s13] =	ssyncset.done $0x0  }
0xbe: {  	s1 =	simm.s32 $0x1080;
	[sflag:s13] =	ssyncadd.s32 $0xFFFF4000  }
0xbf: {  	[tilespmem:s7], [sflag:$0x2] =	stream.indirect.gather [hbm4b:s3+s6], $0x80, s1, s6, $0xb8;
	[tilespmem:$0x19400] =	vst v63  }
0xc0: {  	_ = 	snop  }
0xc1: {  	[tilespmem:s14], [sflag:$0x2] =	stream.indirect.gather [hbm4b:s3+s6], $0x80, s23, s6, $0xb8;
	[tilespmem:$0x19400] =	vst v63  }
0xc2: {  	_ = 	snop  }
0xc3: {  	[tilespmem:s15], [sflag:$0x2] =	stream.indirect.gather [hbm4b:s3+s6], $0x80, s24, s6, $0xb8;
	[tilespmem:$0x19400] =	vst v63  }
0xc4: {  	s1 =	rddreg [dreg:$0xe]  }
0xc5: {  	[hbm4b:s1+s2] =	stream.linear.scatter [tilespmem:s5], [sflag:$0x3], $0xC000, $0x38;
	[tilespmem:$0x19400] =	vst v63  }
0xc6: {  	_ =	swait.ge [sflag:s12], $0xC000  }
0xc7: {  	[sflag:s12] =	ssyncset.done $0x0  }
0xc8: {  	[sflag:s12] =	ssyncadd.s32 $0xFFFF4000  }
0xc9: {  	_ =	swait.ge [sflag:s8], $0xC000  }
0xca: {  	[sflag:s8] =	ssyncset.done $0x0  }
0xcb: {  	[sflag:s8] =	ssyncadd.s32 $0xFFFF4000  }
0xcc: {  	[tilespmem:s5], [sflag:$0x1] =	stream.indirect.gather [hbm4b:s3+s6], $0x80, s20, s6, $0xb8;
	[tilespmem:$0x19400] =	vst v63  }
0xcd: {  	_ = 	snop  }
0xce: {  	[tilespmem:s9], [sflag:$0x1] =	stream.indirect.gather [hbm4b:s3+s6], $0x80, s21, s6, $0xb8;
	[tilespmem:$0x19400] =	vst v63  }
0xcf: {  	_ = 	snop  }
0xd0: {  	[tilespmem:s11], [sflag:$0x1] =	stream.indirect.gather [hbm4b:s3+s6], $0x80, s19, s6, $0xb8;
	[tilespmem:$0x19400] =	vst v63  }
0xd1: {  	s1 =	rddreg [dreg:$0xf]  }
0xd2: {  	[hbm4b:s1+s2] =	stream.linear.scatter [tilespmem:s7], [sflag:$0x4], $0xC000, $0x38;
	[tilespmem:$0x19400] =	vst v63  }
0xd3: {  	_ =	swait.ge [sflag:s10], $0xC000  }
0xd4: {  	[sflag:s10] =	ssyncset.done $0x0  }
0xd5: {  	[sflag:s10] =	ssyncadd.s32 $0xFFFF4000  }
0xd6: {  	_ =	swait.ge [sflag:s13], $0xC000  }
0xd7: {  	[sflag:s13] =	ssyncset.done $0x0  }
0xd8: {  	s1 =	rddreg [dreg:$0x3];
	[sflag:s13] =	ssyncadd.s32 $0xFFFF4000  }
0xd9: {  	[hbm4b:s1+s2] =	stream.linear.scatter [tilespmem:s5], [sflag:$0x3], $0xC000, $0x38;
	[tilespmem:$0x19400] =	vst v63  }
0xda: {  	_ = 	snop  }
0xdb: {  	[tilespmem:s7], [sflag:$0x2] =	stream.indirect.gather [hbm4b:s3+s17], $0x80, s18, s17, $0xb8;
	[tilespmem:$0x19400] =	vst v63  }
0xdc: {  	_ =	swait.ge [sflag:s12], $0x400  }
0xdd: {  	[sflag:s12] =	ssyncset.done $0x0  }
0xde: {  	p1 =	sne.s32 s16, $0x1;
	s1 =	rddreg [dreg:$0x4];
	[sflag:s12] =	ssyncadd.s32 $0xFFFFFC00  }
0xdf: {  	[hbm4b:s1+s2] =	stream.linear.scatter [tilespmem:s7], [sflag:$0x5], $0x400, $0x38;
	[tilespmem:$0x19400] =	vst v63  }
.Ltmp1:
0xe0: {  	_ =	swait.ge [sflag:s4], $0x400;
	(pc) =	sbr.rel @!p1 .LBB2_3-.Ltmp1, $4  }
0xe1: {  	[sflag:s4] =	ssyncset.done $0x0  }
0xe2: {  	[sflag:s4] =	ssyncadd.s32 $0xFFFFFC00  }
0xe3: {  	p0 =	por $0x1, $0x1;
	_ =	swait.ge [sflag:s8], $0xC000  }
0xe4: {  	s1 =	sadd.s32 $0xFFFFFFFF, s16;
	s0 =	rddreg [dreg:$0x2];
	[sflag:s8] =	ssyncset.done $0x0  }
.LBB2_4:
0xe5: {  	[sflag:s8] =	ssyncadd.s32 $0xFFFF4000  }
0xe6: {  	[tilespmem:s2], [sflag:$0x5] =	stream.linear.gather [hbm4b:s0+s2], $0x1388, $0x38;
	[tilespmem:$0x19400] =	vst v63  }
0xe7: {  	_ =	swait.ge [sflag:s4], $0x1388  }
0xe8: {  	[sflag:s4] =	ssyncset.done $0x0  }
0xe9: {  	[sflag:s4] =	ssyncadd.s32 $0xFFFFEC78  }
0xea: {  	[tilespmem:s5], [sflag:$0x1] =	stream.indirect.gather [hbm4b:s3+s6], $0x80, s2, s6, $0xb8;
	[tilespmem:$0x19400] =	vst v63  }
0xeb: {  	_ = 	snop  }
0xec: {  	[tilespmem:s9], [sflag:$0x1] =	stream.indirect.gather [hbm4b:s3+s6], $0x80, s6, s6, $0xb8;
	[tilespmem:$0x19400] =	vst v63  }
0xed: {  	s16 =	rddreg [dreg:$0x10]  }
0xee: {  	[tilespmem:s11], [sflag:$0x1] =	stream.indirect.gather [hbm4b:s3+s6], $0x80, s16, s6, $0xb8;
	[tilespmem:$0x19400] =	vst v63  }
0xef: {  	_ =	swait.ge [sflag:s10], $0xC000  }
0xf0: {  	[sflag:s10] =	ssyncset.done $0x0  }
0xf1: {  	s0 =	rddreg [dreg:$0x11];
	[sflag:s10] =	ssyncadd.s32 $0xFFFF4000  }
0xf2: {  	[tilespmem:s7], [sflag:$0x2] =	stream.indirect.gather [hbm4b:s3+s6], $0x80, s0, s6, $0xb8;
	[tilespmem:$0x19400] =	vst v63  }
0xf3: {  	s16 =	rddreg [dreg:$0x12]  }
0xf4: {  	[tilespmem:s14], [sflag:$0x2] =	stream.indirect.gather [hbm4b:s3+s6], $0x80, s16, s6, $0xb8;
	[tilespmem:$0x19400] =	vst v63  }
0xf5: {  	s0 =	rddreg [dreg:$0x13]  }
0xf6: {  	[tilespmem:s15], [sflag:$0x2] =	stream.indirect.gather [hbm4b:s3+s6], $0x80, s0, s6, $0xb8;
	[tilespmem:$0x19400] =	vst v63  }
0xf7: {  	_ = 	snop  }
0xf8: {  	[hbm4b:s31+s2] =	stream.linear.scatter [tilespmem:s5], [sflag:$0x3], $0xC000, $0x38;
	[tilespmem:$0x19400] =	vst v63  }
0xf9: {  	_ =	swait.ge [sflag:s12], $0xC000  }
0xfa: {  	[sflag:s12] =	ssyncset.done $0x0  }
0xfb: {  	[sflag:s12] =	ssyncadd.s32 $0xFFFF4000  }
0xfc: {  	_ =	swait.ge [sflag:s8], $0xC000  }
0xfd: {  	[sflag:s8] =	ssyncset.done $0x0  }
0xfe: {  	s0 =	rddreg [dreg:$0x14];
	[sflag:s8] =	ssyncadd.s32 $0xFFFF4000  }
0xff: {  	[tilespmem:s5], [sflag:$0x1] =	stream.indirect.gather [hbm4b:s3+s6], $0x80, s0, s6, $0xb8;
	[tilespmem:$0x19400] =	vst v63  }
0x100: {  	s16 =	rddreg [dreg:$0x15]  }
0x101: {  	[tilespmem:s9], [sflag:$0x1] =	stream.indirect.gather [hbm4b:s3+s6], $0x80, s16, s6, $0xb8;
	[tilespmem:$0x19400] =	vst v63  }
0x102: {  	s0 =	rddreg [dreg:$0x16]  }
0x103: {  	[tilespmem:s11], [sflag:$0x1] =	stream.indirect.gather [hbm4b:s3+s6], $0x80, s0, s6, $0xb8;
	[tilespmem:$0x19400] =	vst v63  }
0x104: {  	s16 =	rddreg [dreg:$0x5]  }
0x105: {  	[hbm4b:s16+s2] =	stream.linear.scatter [tilespmem:s7], [sflag:$0x4], $0xC000, $0x38;
	[tilespmem:$0x19400] =	vst v63  }
0x106: {  	_ =	swait.ge [sflag:s10], $0xC000  }
0x107: {  	[sflag:s10] =	ssyncset.done $0x0  }
0x108: {  	[sflag:s10] =	ssyncadd.s32 $0xFFFF4000  }
0x109: {  	_ =	swait.ge [sflag:s13], $0xC000  }
0x10a: {  	[sflag:s13] =	ssyncset.done $0x0  }
0x10b: {  	s0 =	rddreg [dreg:$0x17];
	[sflag:s13] =	ssyncadd.s32 $0xFFFF4000  }
0x10c: {  	[tilespmem:s7], [sflag:$0x2] =	stream.indirect.gather [hbm4b:s3+s6], $0x80, s0, s6, $0xb8;
	[tilespmem:$0x19400] =	vst v63  }
0x10d: {  	s16 =	rddreg [dreg:$0x18]  }
0x10e: {  	[tilespmem:s14], [sflag:$0x2] =	stream.indirect.gather [hbm4b:s3+s6], $0x80, s16, s6, $0xb8;
	[tilespmem:$0x19400] =	vst v63  }
0x10f: {  	s0 =	rddreg [dreg:$0x19]  }
0x110: {  	[tilespmem:s15], [sflag:$0x2] =	stream.indirect.gather [hbm4b:s3+s6], $0x80, s0, s6, $0xb8;
	[tilespmem:$0x19400] =	vst v63  }
0x111: {  	s16 =	rddreg [dreg:$0x6]  }
0x112: {  	[hbm4b:s16+s2] =	stream.linear.scatter [tilespmem:s5], [sflag:$0x3], $0xC000, $0x38;
	[tilespmem:$0x19400] =	vst v63  }
0x113: {  	_ =	swait.ge [sflag:s12], $0xC000  }
0x114: {  	[sflag:s12] =	ssyncset.done $0x0  }
0x115: {  	[sflag:s12] =	ssyncadd.s32 $0xFFFF4000  }
0x116: {  	_ =	swait.ge [sflag:s8], $0xC000  }
0x117: {  	[sflag:s8] =	ssyncset.done $0x0  }
0x118: {  	s0 =	rddreg [dreg:$0x1a];
	[sflag:s8] =	ssyncadd.s32 $0xFFFF4000  }
0x119: {  	[tilespmem:s5], [sflag:$0x1] =	stream.indirect.gather [hbm4b:s3+s6], $0x80, s0, s6, $0xb8;
	[tilespmem:$0x19400] =	vst v63  }
0x11a: {  	s16 =	rddreg [dreg:$0x1b]  }
0x11b: {  	[tilespmem:s9], [sflag:$0x1] =	stream.indirect.gather [hbm4b:s3+s6], $0x80, s16, s6, $0xb8;
	[tilespmem:$0x19400] =	vst v63  }
0x11c: {  	s0 =	rddreg [dreg:$0x1c]  }
0x11d: {  	[tilespmem:s11], [sflag:$0x1] =	stream.indirect.gather [hbm4b:s3+s6], $0x80, s0, s6, $0xb8;
	[tilespmem:$0x19400] =	vst v63  }
0x11e: {  	s16 =	rddreg [dreg:$0x7]  }
0x11f: {  	[hbm4b:s16+s2] =	stream.linear.scatter [tilespmem:s7], [sflag:$0x4], $0xC000, $0x38;
	[tilespmem:$0x19400] =	vst v63  }
0x120: {  	_ =	swait.ge [sflag:s10], $0xC000  }
0x121: {  	[sflag:s10] =	ssyncset.done $0x0  }
0x122: {  	[sflag:s10] =	ssyncadd.s32 $0xFFFF4000  }
0x123: {  	_ =	swait.ge [sflag:s13], $0xC000  }
0x124: {  	[sflag:s13] =	ssyncset.done $0x0  }
0x125: {  	s0 =	rddreg [dreg:$0x1d];
	[sflag:s13] =	ssyncadd.s32 $0xFFFF4000  }
0x126: {  	[tilespmem:s7], [sflag:$0x2] =	stream.indirect.gather [hbm4b:s3+s6], $0x80, s0, s6, $0xb8;
	[tilespmem:$0x19400] =	vst v63  }
0x127: {  	s16 =	rddreg [dreg:$0x1e]  }
0x128: {  	[tilespmem:s14], [sflag:$0x2] =	stream.indirect.gather [hbm4b:s3+s6], $0x80, s16, s6, $0xb8;
	[tilespmem:$0x19400] =	vst v63  }
0x129: {  	s0 =	rddreg [dreg:$0x1f]  }
0x12a: {  	[tilespmem:s15], [sflag:$0x2] =	stream.indirect.gather [hbm4b:s3+s6], $0x80, s0, s6, $0xb8;
	[tilespmem:$0x19400] =	vst v63  }
0x12b: {  	s16 =	rddreg [dreg:$0x8]  }
0x12c: {  	[hbm4b:s16+s2] =	stream.linear.scatter [tilespmem:s5], [sflag:$0x3], $0xC000, $0x38;
	[tilespmem:$0x19400] =	vst v63  }
0x12d: {  	_ =	swait.ge [sflag:s12], $0xC000  }
0x12e: {  	[sflag:s12] =	ssyncset.done $0x0  }
0x12f: {  	[sflag:s12] =	ssyncadd.s32 $0xFFFF4000  }
0x130: {  	_ =	swait.ge [sflag:s8], $0xC000  }
0x131: {  	s0 =	sld [smem:$0x7F5]  }
0x132: {  	[sflag:s8] =	ssyncset.done $0x0  }
0x133: {  	s16 =	sld [smem:$0x7F6];
	[sflag:s8] =	ssyncadd.s32 $0xFFFF4000  }
0x134: {  	[tilespmem:s5], [sflag:$0x1] =	stream.indirect.gather [hbm4b:s3+s6], $0x80, s0, s6, $0xb8;
	[tilespmem:$0x19400] =	vst v63  }
0x135: {  	s0 =	sld [smem:$0x7F7]  }
0x136: {  	[tilespmem:s9], [sflag:$0x1] =	stream.indirect.gather [hbm4b:s3+s6], $0x80, s16, s6, $0xb8;
	[tilespmem:$0x19400] =	vst v63  }
0x137: {  	_ = 	snop  }
0x138: {  	[tilespmem:s11], [sflag:$0x1] =	stream.indirect.gather [hbm4b:s3+s6], $0x80, s0, s6, $0xb8;
	[tilespmem:$0x19400] =	vst v63  }
0x139: {  	s16 =	rddreg [dreg:$0x9]  }
0x13a: {  	[hbm4b:s16+s2] =	stream.linear.scatter [tilespmem:s7], [sflag:$0x4], $0xC000, $0x38;
	[tilespmem:$0x19400] =	vst v63  }
0x13b: {  	_ =	swait.ge [sflag:s10], $0xC000  }
0x13c: {  	[sflag:s10] =	ssyncset.done $0x0  }
0x13d: {  	[sflag:s10] =	ssyncadd.s32 $0xFFFF4000  }
0x13e: {  	_ =	swait.ge [sflag:s13], $0xC000  }
0x13f: {  	s0 =	sld [smem:$0x7F8]  }
0x140: {  	[sflag:s13] =	ssyncset.done $0x0  }
0x141: {  	s16 =	sld [smem:$0x7F9];
	[sflag:s13] =	ssyncadd.s32 $0xFFFF4000  }
0x142: {  	[tilespmem:s7], [sflag:$0x2] =	stream.indirect.gather [hbm4b:s3+s6], $0x80, s0, s6, $0xb8;
	[tilespmem:$0x19400] =	vst v63  }
0x143: {  	s0 =	sld [smem:$0x7FA]  }
0x144: {  	[tilespmem:s14], [sflag:$0x2] =	stream.indirect.gather [hbm4b:s3+s6], $0x80, s16, s6, $0xb8;
	[tilespmem:$0x19400] =	vst v63  }
0x145: {  	_ = 	snop  }
0x146: {  	[tilespmem:s15], [sflag:$0x2] =	stream.indirect.gather [hbm4b:s3+s6], $0x80, s0, s6, $0xb8;
	[tilespmem:$0x19400] =	vst v63  }
0x147: {  	s16 =	rddreg [dreg:$0xa]  }
0x148: {  	[hbm4b:s16+s2] =	stream.linear.scatter [tilespmem:s5], [sflag:$0x3], $0xC000, $0x38;
	[tilespmem:$0x19400] =	vst v63  }
0x149: {  	_ =	swait.ge [sflag:s12], $0xC000  }
0x14a: {  	[sflag:s12] =	ssyncset.done $0x0  }
0x14b: {  	[sflag:s12] =	ssyncadd.s32 $0xFFFF4000  }
0x14c: {  	_ =	swait.ge [sflag:s8], $0xC000  }
0x14d: {  	s0 =	sld [smem:$0x7FB]  }
0x14e: {  	[sflag:s8] =	ssyncset.done $0x0  }
0x14f: {  	s16 =	sld [smem:$0x7FC];
	[sflag:s8] =	ssyncadd.s32 $0xFFFF4000  }
0x150: {  	[tilespmem:s5], [sflag:$0x1] =	stream.indirect.gather [hbm4b:s3+s6], $0x80, s0, s6, $0xb8;
	[tilespmem:$0x19400] =	vst v63  }
0x151: {  	s0 =	sld [smem:$0x7FD]  }
0x152: {  	[tilespmem:s9], [sflag:$0x1] =	stream.indirect.gather [hbm4b:s3+s6], $0x80, s16, s6, $0xb8;
	[tilespmem:$0x19400] =	vst v63  }
0x153: {  	_ = 	snop  }
0x154: {  	[tilespmem:s11], [sflag:$0x1] =	stream.indirect.gather [hbm4b:s3+s6], $0x80, s0, s6, $0xb8;
	[tilespmem:$0x19400] =	vst v63  }
0x155: {  	s16 =	rddreg [dreg:$0xb]  }
0x156: {  	[hbm4b:s16+s2] =	stream.linear.scatter [tilespmem:s7], [sflag:$0x4], $0xC000, $0x38;
	[tilespmem:$0x19400] =	vst v63  }
0x157: {  	_ =	swait.ge [sflag:s10], $0xC000  }
0x158: {  	[sflag:s10] =	ssyncset.done $0x0  }
0x159: {  	[sflag:s10] =	ssyncadd.s32 $0xFFFF4000  }
0x15a: {  	_ =	swait.ge [sflag:s13], $0xC000  }
0x15b: {  	[sflag:s13] =	ssyncset.done $0x0  }
0x15c: {  	[sflag:s13] =	ssyncadd.s32 $0xFFFF4000  }
0x15d: {  	[tilespmem:s7], [sflag:$0x2] =	stream.indirect.gather [hbm4b:s3+s6], $0x80, s30, s6, $0xb8;
	[tilespmem:$0x19400] =	vst v63  }
0x15e: {  	_ = 	snop  }
0x15f: {  	[tilespmem:s14], [sflag:$0x2] =	stream.indirect.gather [hbm4b:s3+s6], $0x80, s22, s6, $0xb8;
	[tilespmem:$0x19400] =	vst v63  }
0x160: {  	_ = 	snop  }
0x161: {  	[tilespmem:s15], [sflag:$0x2] =	stream.indirect.gather [hbm4b:s3+s6], $0x80, s29, s6, $0xb8;
	[tilespmem:$0x19400] =	vst v63  }
0x162: {  	s16 =	rddreg [dreg:$0xc]  }
0x163: {  	[hbm4b:s16+s2] =	stream.linear.scatter [tilespmem:s5], [sflag:$0x3], $0xC000, $0x38;
	[tilespmem:$0x19400] =	vst v63  }
0x164: {  	_ =	swait.ge [sflag:s12], $0xC000  }
0x165: {  	[sflag:s12] =	ssyncset.done $0x0  }
0x166: {  	[sflag:s12] =	ssyncadd.s32 $0xFFFF4000  }
0x167: {  	_ =	swait.ge [sflag:s8], $0xC000  }
0x168: {  	[sflag:s8] =	ssyncset.done $0x0  }
0x169: {  	[sflag:s8] =	ssyncadd.s32 $0xFFFF4000  }
0x16a: {  	[tilespmem:s5], [sflag:$0x1] =	stream.indirect.gather [hbm4b:s3+s6], $0x80, s26, s6, $0xb8;
	[tilespmem:$0x19400] =	vst v63  }
0x16b: {  	_ = 	snop  }
0x16c: {  	[tilespmem:s9], [sflag:$0x1] =	stream.indirect.gather [hbm4b:s3+s6], $0x80, s28, s6, $0xb8;
	[tilespmem:$0x19400] =	vst v63  }
0x16d: {  	_ = 	snop  }
0x16e: {  	[tilespmem:s11], [sflag:$0x1] =	stream.indirect.gather [hbm4b:s3+s6], $0x80, s25, s6, $0xb8;
	[tilespmem:$0x19400] =	vst v63  }
0x16f: {  	s16 =	rddreg [dreg:$0xd]  }
0x170: {  	[hbm4b:s16+s2] =	stream.linear.scatter [tilespmem:s7], [sflag:$0x4], $0xC000, $0x38;
	[tilespmem:$0x19400] =	vst v63  }
0x171: {  	_ =	swait.ge [sflag:s10], $0xC000  }
0x172: {  	[sflag:s10] =	ssyncset.done $0x0  }
0x173: {  	[sflag:s10] =	ssyncadd.s32 $0xFFFF4000  }
0x174: {  	_ =	swait.ge [sflag:s13], $0xC000  }
0x175: {  	[sflag:s13] =	ssyncset.done $0x0  }
0x176: {  	s16 =	simm.s32 $0x1080;
	[sflag:s13] =	ssyncadd.s32 $0xFFFF4000  }
0x177: {  	[tilespmem:s7], [sflag:$0x2] =	stream.indirect.gather [hbm4b:s3+s6], $0x80, s16, s6, $0xb8;
	[tilespmem:$0x19400] =	vst v63  }
0x178: {  	_ = 	snop  }
0x179: {  	[tilespmem:s14], [sflag:$0x2] =	stream.indirect.gather [hbm4b:s3+s6], $0x80, s23, s6, $0xb8;
	[tilespmem:$0x19400] =	vst v63  }
0x17a: {  	_ = 	snop  }
0x17b: {  	[tilespmem:s15], [sflag:$0x2] =	stream.indirect.gather [hbm4b:s3+s6], $0x80, s24, s6, $0xb8;
	[tilespmem:$0x19400] =	vst v63  }
0x17c: {  	s16 =	rddreg [dreg:$0xe]  }
0x17d: {  	[hbm4b:s16+s2] =	stream.linear.scatter [tilespmem:s5], [sflag:$0x3], $0xC000, $0x38;
	[tilespmem:$0x19400] =	vst v63  }
0x17e: {  	_ =	swait.ge [sflag:s12], $0xC000  }
0x17f: {  	[sflag:s12] =	ssyncset.done $0x0  }
0x180: {  	[sflag:s12] =	ssyncadd.s32 $0xFFFF4000  }
0x181: {  	_ =	swait.ge [sflag:s8], $0xC000  }
0x182: {  	[sflag:s8] =	ssyncset.done $0x0  }
0x183: {  	[sflag:s8] =	ssyncadd.s32 $0xFFFF4000  }
0x184: {  	[tilespmem:s5], [sflag:$0x1] =	stream.indirect.gather [hbm4b:s3+s6], $0x80, s20, s6, $0xb8;
	[tilespmem:$0x19400] =	vst v63  }
0x185: {  	_ = 	snop  }
0x186: {  	[tilespmem:s9], [sflag:$0x1] =	stream.indirect.gather [hbm4b:s3+s6], $0x80, s21, s6, $0xb8;
	[tilespmem:$0x19400] =	vst v63  }
0x187: {  	_ = 	snop  }
0x188: {  	[tilespmem:s11], [sflag:$0x1] =	stream.indirect.gather [hbm4b:s3+s6], $0x80, s19, s6, $0xb8;
	[tilespmem:$0x19400] =	vst v63  }
0x189: {  	s16 =	rddreg [dreg:$0xf]  }
0x18a: {  	[hbm4b:s16+s2] =	stream.linear.scatter [tilespmem:s7], [sflag:$0x4], $0xC000, $0x38;
	[tilespmem:$0x19400] =	vst v63  }
0x18b: {  	_ =	swait.ge [sflag:s10], $0xC000  }
0x18c: {  	[sflag:s10] =	ssyncset.done $0x0  }
0x18d: {  	[sflag:s10] =	ssyncadd.s32 $0xFFFF4000  }
0x18e: {  	_ =	swait.ge [sflag:s13], $0xC000  }
0x18f: {  	[sflag:s13] =	ssyncset.done $0x0  }
0x190: {  	s16 =	rddreg [dreg:$0x3];
	[sflag:s13] =	ssyncadd.s32 $0xFFFF4000  }
0x191: {  	[hbm4b:s16+s2] =	stream.linear.scatter [tilespmem:s5], [sflag:$0x3], $0xC000, $0x38;
	[tilespmem:$0x19400] =	vst v63  }
0x192: {  	_ = 	snop  }
0x193: {  	[tilespmem:s7], [sflag:$0x2] =	stream.indirect.gather [hbm4b:s3+s17], $0x80, s18, s17, $0xb8;
	[tilespmem:$0x19400] =	vst v63  }
0x194: {  	_ =	swait.ge [sflag:s12], $0x400  }
0x195: {  	[sflag:s12] =	ssyncset.done $0x0  }
0x196: {  	p1 =	sne.s32 s1, $0x1;
	s16 =	rddreg [dreg:$0x4];
	[sflag:s12] =	ssyncadd.s32 $0xFFFFFC00  }
0x197: {  	[hbm4b:s16+s2] =	stream.linear.scatter [tilespmem:s7], [sflag:$0x5], $0x400, $0x38;
	[tilespmem:$0x19400] =	vst v63  }
.Ltmp2:
0x198: {  	_ =	swait.ge [sflag:s4], $0x400;
	(pc) =	sbr.rel @p1 .LBB2_4-.Ltmp2, $4  }
0x199: {  	[sflag:s4] =	ssyncset.done $0x0  }
0x19a: {  	[sflag:s4] =	ssyncadd.s32 $0xFFFFFC00  }
0x19b: {  	_ =	swait.ge [sflag:s8], $0xC000  }
0x19c: {  	s1 =	sadd.s32 $0xFFFFFFFF, s1;
	s0 =	rddreg [dreg:$0x2];
	[sflag:s8] =	ssyncset.done $0x0  }
0x19d: {  	s18 =	simm.s32 $0xE00;
	s30 =	simm.s32 $0xD80  }
0x19e: {  	s29 =	simm.s32 $0xE80;
	s28 =	simm.s32 $0xF80;
	s26 =	simm.s32 $0xF00  }
0x19f: {  	s25 =	simm.s32 $0x1000;
	s24 =	simm.s32 $0x1180;
	s23 =	simm.s32 $0x1100  }
0x1a0: {  	s22 =	simm.s32 $0x1080;
	s21 =	simm.s32 $0x1280;
	s20 =	simm.s32 $0x1200  }
0x1a1: {  	s19 =	simm.s32 $0x1300;
	s17 =	simm.s32 $0x8;
	s16 =	stileid.u32  }
.LBB2_6:
0x1a2: {  	[sflag:s8] =	ssyncadd.s32 @p0 $0xFFFF4000  }
0x1a3: {  	[tilespmem:s2], [sflag:$0x5] =	stream.linear.gather [hbm4b:s0+s2], $0x1388, $0x38;
	[tilespmem:$0x19400] =	vst v63  }
0x1a4: {  	_ =	swait.ge [sflag:s4], $0x1388  }
0x1a5: {  	[sflag:s4] =	ssyncset.done $0x0  }
0x1a6: {  	[sflag:s4] =	ssyncadd.s32 $0xFFFFEC78  }
0x1a7: {  	[tilespmem:s5], [sflag:$0x1] =	stream.indirect.gather [hbm4b:s3+s6], $0x80, s2, s6, $0xb8;
	[tilespmem:$0x19400] =	vst v63  }
0x1a8: {  	_ = 	snop  }
0x1a9: {  	[tilespmem:s9], [sflag:$0x1] =	stream.indirect.gather [hbm4b:s3+s6], $0x80, s6, s6, $0xb8;
	[tilespmem:$0x19400] =	vst v63  }
0x1aa: {  	s1 =	rddreg [dreg:$0x10]  }
0x1ab: {  	[tilespmem:s11], [sflag:$0x1] =	stream.indirect.gather [hbm4b:s3+s6], $0x80, s1, s6, $0xb8;
	[tilespmem:$0x19400] =	vst v63  }
0x1ac: {  	_ =	swait.ge [sflag:s10], $0xC000  }
0x1ad: {  	[sflag:s10] =	ssyncset.done $0x0  }
0x1ae: {  	s0 =	rddreg [dreg:$0x11];
	[sflag:s10] =	ssyncadd.s32 $0xFFFF4000  }
0x1af: {  	[tilespmem:s7], [sflag:$0x2] =	stream.indirect.gather [hbm4b:s3+s6], $0x80, s0, s6, $0xb8;
	[tilespmem:$0x19400] =	vst v63  }
0x1b0: {  	s1 =	rddreg [dreg:$0x12]  }
0x1b1: {  	[tilespmem:s14], [sflag:$0x2] =	stream.indirect.gather [hbm4b:s3+s6], $0x80, s1, s6, $0xb8;
	[tilespmem:$0x19400] =	vst v63  }
0x1b2: {  	s0 =	rddreg [dreg:$0x13]  }
0x1b3: {  	[tilespmem:s15], [sflag:$0x2] =	stream.indirect.gather [hbm4b:s3+s6], $0x80, s0, s6, $0xb8;
	[tilespmem:$0x19400] =	vst v63  }
0x1b4: {  	_ = 	snop  }
0x1b5: {  	[hbm4b:s31+s2] =	stream.linear.scatter [tilespmem:s5], [sflag:$0x3], $0xC000, $0x38;
	[tilespmem:$0x19400] =	vst v63  }
0x1b6: {  	_ =	swait.ge [sflag:s12], $0xC000  }
0x1b7: {  	[sflag:s12] =	ssyncset.done $0x0  }
0x1b8: {  	[sflag:s12] =	ssyncadd.s32 $0xFFFF4000  }
0x1b9: {  	_ =	swait.ge [sflag:s8], $0xC000  }
0x1ba: {  	[sflag:s8] =	ssyncset.done $0x0  }
0x1bb: {  	s1 =	rddreg [dreg:$0x14];
	[sflag:s8] =	ssyncadd.s32 $0xFFFF4000  }
0x1bc: {  	[tilespmem:s5], [sflag:$0x1] =	stream.indirect.gather [hbm4b:s3+s6], $0x80, s1, s6, $0xb8;
	[tilespmem:$0x19400] =	vst v63  }
0x1bd: {  	s31 =	rddreg [dreg:$0x15]  }
0x1be: {  	[tilespmem:s9], [sflag:$0x1] =	stream.indirect.gather [hbm4b:s3+s6], $0x80, s31, s6, $0xb8;
	[tilespmem:$0x19400] =	vst v63  }
0x1bf: {  	s0 =	rddreg [dreg:$0x16]  }
0x1c0: {  	[tilespmem:s11], [sflag:$0x1] =	stream.indirect.gather [hbm4b:s3+s6], $0x80, s0, s6, $0xb8;
	[tilespmem:$0x19400] =	vst v63  }
0x1c1: {  	s31 =	rddreg [dreg:$0x5]  }
0x1c2: {  	[hbm4b:s31+s2] =	stream.linear.scatter [tilespmem:s7], [sflag:$0x4], $0xC000, $0x38;
	[tilespmem:$0x19400] =	vst v63  }
0x1c3: {  	_ =	swait.ge [sflag:s10], $0xC000  }
0x1c4: {  	[sflag:s10] =	ssyncset.done $0x0  }
0x1c5: {  	[sflag:s10] =	ssyncadd.s32 $0xFFFF4000  }
0x1c6: {  	_ =	swait.ge [sflag:s13], $0xC000  }
0x1c7: {  	[sflag:s13] =	ssyncset.done $0x0  }
0x1c8: {  	s1 =	rddreg [dreg:$0x17];
	[sflag:s13] =	ssyncadd.s32 $0xFFFF4000  }
0x1c9: {  	[tilespmem:s7], [sflag:$0x2] =	stream.indirect.gather [hbm4b:s3+s6], $0x80, s1, s6, $0xb8;
	[tilespmem:$0x19400] =	vst v63  }
0x1ca: {  	s31 =	rddreg [dreg:$0x18]  }
0x1cb: {  	[tilespmem:s14], [sflag:$0x2] =	stream.indirect.gather [hbm4b:s3+s6], $0x80, s31, s6, $0xb8;
	[tilespmem:$0x19400] =	vst v63  }
0x1cc: {  	s0 =	rddreg [dreg:$0x19]  }
0x1cd: {  	[tilespmem:s15], [sflag:$0x2] =	stream.indirect.gather [hbm4b:s3+s6], $0x80, s0, s6, $0xb8;
	[tilespmem:$0x19400] =	vst v63  }
0x1ce: {  	s31 =	rddreg [dreg:$0x6]  }
0x1cf: {  	[hbm4b:s31+s2] =	stream.linear.scatter [tilespmem:s5], [sflag:$0x3], $0xC000, $0x38;
	[tilespmem:$0x19400] =	vst v63  }
0x1d0: {  	_ =	swait.ge [sflag:s12], $0xC000  }
0x1d1: {  	[sflag:s12] =	ssyncset.done $0x0  }
0x1d2: {  	[sflag:s12] =	ssyncadd.s32 $0xFFFF4000  }
0x1d3: {  	_ =	swait.ge [sflag:s8], $0xC000  }
0x1d4: {  	[sflag:s8] =	ssyncset.done $0x0  }
0x1d5: {  	s1 =	rddreg [dreg:$0x1a];
	[sflag:s8] =	ssyncadd.s32 $0xFFFF4000  }
0x1d6: {  	[tilespmem:s5], [sflag:$0x1] =	stream.indirect.gather [hbm4b:s3+s6], $0x80, s1, s6, $0xb8;
	[tilespmem:$0x19400] =	vst v63  }
0x1d7: {  	s31 =	rddreg [dreg:$0x1b]  }
0x1d8: {  	[tilespmem:s9], [sflag:$0x1] =	stream.indirect.gather [hbm4b:s3+s6], $0x80, s31, s6, $0xb8;
	[tilespmem:$0x19400] =	vst v63  }
0x1d9: {  	s0 =	rddreg [dreg:$0x1c]  }
0x1da: {  	[tilespmem:s11], [sflag:$0x1] =	stream.indirect.gather [hbm4b:s3+s6], $0x80, s0, s6, $0xb8;
	[tilespmem:$0x19400] =	vst v63  }
0x1db: {  	s31 =	rddreg [dreg:$0x7]  }
0x1dc: {  	[hbm4b:s31+s2] =	stream.linear.scatter [tilespmem:s7], [sflag:$0x4], $0xC000, $0x38;
	[tilespmem:$0x19400] =	vst v63  }
0x1dd: {  	_ =	swait.ge [sflag:s10], $0xC000  }
0x1de: {  	[sflag:s10] =	ssyncset.done $0x0  }
0x1df: {  	[sflag:s10] =	ssyncadd.s32 $0xFFFF4000  }
0x1e0: {  	_ =	swait.ge [sflag:s13], $0xC000  }
0x1e1: {  	[sflag:s13] =	ssyncset.done $0x0  }
0x1e2: {  	s1 =	rddreg [dreg:$0x1d];
	[sflag:s13] =	ssyncadd.s32 $0xFFFF4000  }
0x1e3: {  	[tilespmem:s7], [sflag:$0x2] =	stream.indirect.gather [hbm4b:s3+s6], $0x80, s1, s6, $0xb8;
	[tilespmem:$0x19400] =	vst v63  }
0x1e4: {  	s31 =	rddreg [dreg:$0x1e]  }
0x1e5: {  	[tilespmem:s14], [sflag:$0x2] =	stream.indirect.gather [hbm4b:s3+s6], $0x80, s31, s6, $0xb8;
	[tilespmem:$0x19400] =	vst v63  }
0x1e6: {  	s0 =	rddreg [dreg:$0x1f]  }
0x1e7: {  	[tilespmem:s15], [sflag:$0x2] =	stream.indirect.gather [hbm4b:s3+s6], $0x80, s0, s6, $0xb8;
	[tilespmem:$0x19400] =	vst v63  }
0x1e8: {  	s31 =	rddreg [dreg:$0x8]  }
0x1e9: {  	[hbm4b:s31+s2] =	stream.linear.scatter [tilespmem:s5], [sflag:$0x3], $0xC000, $0x38;
	[tilespmem:$0x19400] =	vst v63  }
0x1ea: {  	_ =	swait.ge [sflag:s12], $0xC000  }
0x1eb: {  	[sflag:s12] =	ssyncset.done $0x0  }
0x1ec: {  	[sflag:s12] =	ssyncadd.s32 $0xFFFF4000  }
0x1ed: {  	_ =	swait.ge [sflag:s8], $0xC000  }
0x1ee: {  	s1 =	sld [smem:$0x7F5]  }
0x1ef: {  	[sflag:s8] =	ssyncset.done $0x0  }
0x1f0: {  	s31 =	sld [smem:$0x7F6];
	[sflag:s8] =	ssyncadd.s32 $0xFFFF4000  }
0x1f1: {  	[tilespmem:s5], [sflag:$0x1] =	stream.indirect.gather [hbm4b:s3+s6], $0x80, s1, s6, $0xb8;
	[tilespmem:$0x19400] =	vst v63  }
0x1f2: {  	s0 =	sld [smem:$0x7F7]  }
0x1f3: {  	[tilespmem:s9], [sflag:$0x1] =	stream.indirect.gather [hbm4b:s3+s6], $0x80, s31, s6, $0xb8;
	[tilespmem:$0x19400] =	vst v63  }
0x1f4: {  	_ = 	snop  }
0x1f5: {  	[tilespmem:s11], [sflag:$0x1] =	stream.indirect.gather [hbm4b:s3+s6], $0x80, s0, s6, $0xb8;
	[tilespmem:$0x19400] =	vst v63  }
0x1f6: {  	s31 =	rddreg [dreg:$0x9]  }
0x1f7: {  	[hbm4b:s31+s2] =	stream.linear.scatter [tilespmem:s7], [sflag:$0x4], $0xC000, $0x38;
	[tilespmem:$0x19400] =	vst v63  }
0x1f8: {  	_ =	swait.ge [sflag:s10], $0xC000  }
0x1f9: {  	[sflag:s10] =	ssyncset.done $0x0  }
0x1fa: {  	[sflag:s10] =	ssyncadd.s32 $0xFFFF4000  }
0x1fb: {  	_ =	swait.ge [sflag:s13], $0xC000  }
0x1fc: {  	s1 =	sld [smem:$0x7F8]  }
0x1fd: {  	[sflag:s13] =	ssyncset.done $0x0  }
0x1fe: {  	s31 =	sld [smem:$0x7F9];
	[sflag:s13] =	ssyncadd.s32 $0xFFFF4000  }
0x1ff: {  	[tilespmem:s7], [sflag:$0x2] =	stream.indirect.gather [hbm4b:s3+s6], $0x80, s1, s6, $0xb8;
	[tilespmem:$0x19400] =	vst v63  }
0x200: {  	s0 =	sld [smem:$0x7FA]  }
0x201: {  	[tilespmem:s14], [sflag:$0x2] =	stream.indirect.gather [hbm4b:s3+s6], $0x80, s31, s6, $0xb8;
	[tilespmem:$0x19400] =	vst v63  }
0x202: {  	_ = 	snop  }
0x203: {  	[tilespmem:s15], [sflag:$0x2] =	stream.indirect.gather [hbm4b:s3+s6], $0x80, s0, s6, $0xb8;
	[tilespmem:$0x19400] =	vst v63  }
0x204: {  	s31 =	rddreg [dreg:$0xa]  }
0x205: {  	[hbm4b:s31+s2] =	stream.linear.scatter [tilespmem:s5], [sflag:$0x3], $0xC000, $0x38;
	[tilespmem:$0x19400] =	vst v63  }
0x206: {  	_ =	swait.ge [sflag:s12], $0xC000  }
0x207: {  	[sflag:s12] =	ssyncset.done $0x0  }
0x208: {  	[sflag:s12] =	ssyncadd.s32 $0xFFFF4000  }
0x209: {  	_ =	swait.ge [sflag:s8], $0xC000  }
0x20a: {  	s1 =	sld [smem:$0x7FB]  }
0x20b: {  	[sflag:s8] =	ssyncset.done $0x0  }
0x20c: {  	s31 =	sld [smem:$0x7FC];
	[sflag:s8] =	ssyncadd.s32 $0xFFFF4000  }
0x20d: {  	[tilespmem:s5], [sflag:$0x1] =	stream.indirect.gather [hbm4b:s3+s6], $0x80, s1, s6, $0xb8;
	[tilespmem:$0x19400] =	vst v63  }
0x20e: {  	s0 =	sld [smem:$0x7FD]  }
0x20f: {  	[tilespmem:s9], [sflag:$0x1] =	stream.indirect.gather [hbm4b:s3+s6], $0x80, s31, s6, $0xb8;
	[tilespmem:$0x19400] =	vst v63  }
0x210: {  	_ = 	snop  }
0x211: {  	[tilespmem:s11], [sflag:$0x1] =	stream.indirect.gather [hbm4b:s3+s6], $0x80, s0, s6, $0xb8;
	[tilespmem:$0x19400] =	vst v63  }
0x212: {  	s31 =	rddreg [dreg:$0xb]  }
0x213: {  	[hbm4b:s31+s2] =	stream.linear.scatter [tilespmem:s7], [sflag:$0x4], $0xC000, $0x38;
	[tilespmem:$0x19400] =	vst v63  }
0x214: {  	_ =	swait.ge [sflag:s10], $0xC000  }
0x215: {  	[sflag:s10] =	ssyncset.done $0x0  }
0x216: {  	[sflag:s10] =	ssyncadd.s32 $0xFFFF4000  }
0x217: {  	_ =	swait.ge [sflag:s13], $0xC000  }
0x218: {  	[sflag:s13] =	ssyncset.done $0x0  }
0x219: {  	[sflag:s13] =	ssyncadd.s32 $0xFFFF4000  }
0x21a: {  	[tilespmem:s7], [sflag:$0x2] =	stream.indirect.gather [hbm4b:s3+s6], $0x80, s30, s6, $0xb8;
	[tilespmem:$0x19400] =	vst v63  }
0x21b: {  	_ = 	snop  }
0x21c: {  	[tilespmem:s14], [sflag:$0x2] =	stream.indirect.gather [hbm4b:s3+s6], $0x80, s18, s6, $0xb8;
	[tilespmem:$0x19400] =	vst v63  }
0x21d: {  	_ = 	snop  }
0x21e: {  	[tilespmem:s15], [sflag:$0x2] =	stream.indirect.gather [hbm4b:s3+s6], $0x80, s29, s6, $0xb8;
	[tilespmem:$0x19400] =	vst v63  }
0x21f: {  	s1 =	rddreg [dreg:$0xc]  }
0x220: {  	[hbm4b:s1+s2] =	stream.linear.scatter [tilespmem:s5], [sflag:$0x3], $0xC000, $0x38;
	[tilespmem:$0x19400] =	vst v63  }
0x221: {  	_ =	swait.ge [sflag:s12], $0xC000  }
0x222: {  	[sflag:s12] =	ssyncset.done $0x0  }
0x223: {  	[sflag:s12] =	ssyncadd.s32 $0xFFFF4000  }
0x224: {  	_ =	swait.ge [sflag:s8], $0xC000  }
0x225: {  	[sflag:s8] =	ssyncset.done $0x0  }
0x226: {  	[sflag:s8] =	ssyncadd.s32 $0xFFFF4000  }
0x227: {  	[tilespmem:s5], [sflag:$0x1] =	stream.indirect.gather [hbm4b:s3+s6], $0x80, s26, s6, $0xb8;
	[tilespmem:$0x19400] =	vst v63  }
0x228: {  	_ = 	snop  }
0x229: {  	[tilespmem:s9], [sflag:$0x1] =	stream.indirect.gather [hbm4b:s3+s6], $0x80, s28, s6, $0xb8;
	[tilespmem:$0x19400] =	vst v63  }
0x22a: {  	_ = 	snop  }
0x22b: {  	[tilespmem:s11], [sflag:$0x1] =	stream.indirect.gather [hbm4b:s3+s6], $0x80, s25, s6, $0xb8;
	[tilespmem:$0x19400] =	vst v63  }
0x22c: {  	s18 =	rddreg [dreg:$0xd]  }
0x22d: {  	[hbm4b:s18+s2] =	stream.linear.scatter [tilespmem:s7], [sflag:$0x4], $0xC000, $0x38;
	[tilespmem:$0x19400] =	vst v63  }
0x22e: {  	_ =	swait.ge [sflag:s10], $0xC000  }
0x22f: {  	[sflag:s10] =	ssyncset.done $0x0  }
0x230: {  	[sflag:s10] =	ssyncadd.s32 $0xFFFF4000  }
0x231: {  	_ =	swait.ge [sflag:s13], $0xC000  }
0x232: {  	[sflag:s13] =	ssyncset.done $0x0  }
0x233: {  	[sflag:s13] =	ssyncadd.s32 $0xFFFF4000  }
0x234: {  	[tilespmem:s7], [sflag:$0x2] =	stream.indirect.gather [hbm4b:s3+s6], $0x80, s22, s6, $0xb8;
	[tilespmem:$0x19400] =	vst v63  }
0x235: {  	_ = 	snop  }
0x236: {  	[tilespmem:s14], [sflag:$0x2] =	stream.indirect.gather [hbm4b:s3+s6], $0x80, s23, s6, $0xb8;
	[tilespmem:$0x19400] =	vst v63  }
0x237: {  	_ = 	snop  }
0x238: {  	[tilespmem:s15], [sflag:$0x2] =	stream.indirect.gather [hbm4b:s3+s6], $0x80, s24, s6, $0xb8;
	[tilespmem:$0x19400] =	vst v63  }
0x239: {  	s26 =	rddreg [dreg:$0xe]  }
0x23a: {  	[hbm4b:s26+s2] =	stream.linear.scatter [tilespmem:s5], [sflag:$0x3], $0xC000, $0x38;
	[tilespmem:$0x19400] =	vst v63  }
0x23b: {  	_ =	swait.ge [sflag:s12], $0xC000  }
0x23c: {  	[sflag:s12] =	ssyncset.done $0x0  }
0x23d: {  	[sflag:s12] =	ssyncadd.s32 $0xFFFF4000  }
0x23e: {  	_ =	swait.ge [sflag:s8], $0xC000  }
0x23f: {  	[sflag:s8] =	ssyncset.done $0x0  }
0x240: {  	[sflag:s8] =	ssyncadd.s32 $0xFFFF4000  }
0x241: {  	[tilespmem:s5], [sflag:$0x1] =	stream.indirect.gather [hbm4b:s3+s6], $0x80, s20, s6, $0xb8;
	[tilespmem:$0x19400] =	vst v63  }
0x242: {  	_ = 	snop  }
0x243: {  	[tilespmem:s9], [sflag:$0x1] =	stream.indirect.gather [hbm4b:s3+s6], $0x80, s21, s6, $0xb8;
	[tilespmem:$0x19400] =	vst v63  }
0x244: {  	_ = 	snop  }
0x245: {  	[tilespmem:s11], [sflag:$0x1] =	stream.indirect.gather [hbm4b:s3+s6], $0x80, s19, s6, $0xb8;
	[tilespmem:$0x19400] =	vst v63  }
0x246: {  	s28 =	rddreg [dreg:$0xf]  }
0x247: {  	[hbm4b:s28+s2] =	stream.linear.scatter [tilespmem:s7], [sflag:$0x4], $0xC000, $0x38;
	[tilespmem:$0x19400] =	vst v63  }
0x248: {  	_ =	swait.ge [sflag:s10], $0xC000  }
0x249: {  	[sflag:s10] =	ssyncset.done $0x0  }
0x24a: {  	[sflag:s10] =	ssyncadd.s32 $0xFFFF4000  }
0x24b: {  	_ =	swait.ge [sflag:s13], $0xC000  }
0x24c: {  	[sflag:s13] =	ssyncset.done $0x0  }
0x24d: {  	s29 =	rddreg [dreg:$0x3];
	[sflag:s13] =	ssyncadd.s32 $0xFFFF4000  }
0x24e: {  	[hbm4b:s29+s2] =	stream.linear.scatter [tilespmem:s5], [sflag:$0x3], $0xC000, $0x38;
	[tilespmem:$0x19400] =	vst v63  }
0x24f: {  	s30 =	simm.s32 $0x1380  }
0x250: {  	[tilespmem:s7], [sflag:$0x2] =	stream.indirect.gather [hbm4b:s3+s17], $0x80, s30, s17, $0xb8;
	[tilespmem:$0x19400] =	vst v63  }
0x251: {  	_ =	swait.ge [sflag:s12], $0x400  }
0x252: {  	[sflag:s12] =	ssyncset.done $0x0  }
0x253: {  	s31 =	rddreg [dreg:$0x4];
	[sflag:s12] =	ssyncadd.s32 $0xFFFFFC00  }
0x254: {  	[hbm4b:s31+s2] =	stream.linear.scatter [tilespmem:s7], [sflag:$0x5], $0x400, $0x38;
	[tilespmem:$0x19400] =	vst v63  }
0x255: {  	_ =	swait.ge [sflag:s4], $0x400  }
0x256: {  	[sflag:s4] =	ssyncset.done $0x0  }
0x257: {  	[sflag:s4] =	ssyncadd.s32 $0xFFFFFC00  }
0x258: {  	_ =	swait.ge [sflag:s8], $0xC000  }
0x259: {  	[sflag:s8] =	ssyncset.done $0x0  }
0x25a: {  	[sflag:s8] =	ssyncadd.s32 $0xFFFF4000  }
0x25b: {  	_ =	sfence.sel $0x180000  }
0x25c: {  	[bflag:$0x0] =	sbarrier.arrive $0xFFFF  }
0x25d: {  	_ =	strace $0x9000004A  }
0x25e: {  	[bflag:$0x2] =	sbarrier.arrive $0xFFFF  }
0x25f: {  	p0 =	sne.s32 s16, $0x0;
	s0 =	rddreg [dreg:$0x1]  }
0x260: {  	s0 =	sadd.s32 @!p0 $0x100000, s0  }
0x261: {  	[sflag:s0] =	ssyncadd.tile.s32 @!p0 $0x1;
	_ =	shalt  }
.LBB2_1:
.Ltmp3:
0x262: {  	s18 =	simm.s32 $0xE00;
	(pc) =	sbr.rel .LBB2_6-.Ltmp3, $4  }
0x263: {  	s30 =	simm.s32 $0xD80;
	s29 =	simm.s32 $0xE80;
	s28 =	simm.s32 $0xF80  }
0x264: {  	s26 =	simm.s32 $0xF00;
	s25 =	simm.s32 $0x1000;
	s24 =	simm.s32 $0x1180  }
0x265: {  	s23 =	simm.s32 $0x1100;
	s22 =	simm.s32 $0x1080;
	s21 =	simm.s32 $0x1280  }
0x266: {  	s20 =	simm.s32 $0x1200;
	s19 =	simm.s32 $0x1300;
	s17 =	simm.s32 $0x8  }
.LBB2_3:
.Ltmp4:
0x267: {  	s18 =	simm.s32 $0xE00;
	s30 =	simm.s32 $0xD80;
	(pc) =	sbr.rel .LBB2_6-.Ltmp4, $4  }
0x268: {  	s29 =	simm.s32 $0xE80;
	s28 =	simm.s32 $0xF80;
	s26 =	simm.s32 $0xF00  }
0x269: {  	s25 =	simm.s32 $0x1000;
	s24 =	simm.s32 $0x1180;
	s23 =	simm.s32 $0x1100  }
0x26a: {  	s22 =	simm.s32 $0x1080;
	s21 =	simm.s32 $0x1280;
	s20 =	simm.s32 $0x1200  }
0x26b: {  	s19 =	simm.s32 $0x1300;
	s17 =	simm.s32 $0x8;
	s16 =	stileid.u32  }
.Lfunc_end2:
_tile_overlayer_lowered:
.L_overlay_start_2:
0x26c: {  	(tag) =	ssettag $0x2  }
0x26d: {  	s0 =	rddreg [dreg:$0x0];
	s2 =	stileid.u32  }
0x26e: {  	s1 =	rddreg [dreg:$0x1];
	p0 =	sne.s32 s2, $0x0  }
0x26f: {  	s3 =	rddreg [dreg:$0x2];
	[bflag:$0x3] =	sbarrier.arrive $0xFFFF;
	s2 =	simm.s32 @!p0 $0x1C05  }
0x270: {  	[timem:s3], [sflag:s2] =	dma.local @!p0 [hbm:s0], s1  }
0x271: {  	s0 =	simm.s32 @!p0 $0x5  }
0x272: {  	_ =	swait.ge @!p0 [sflag:s0], s1  }
0x273: {  	s1 =	ssub.s32 @!p0 $0x0, s1;
	[sflag:s0] =	ssyncset.done @!p0 $0x0  }
0x274: {  	[sflag:s0] =	ssyncadd.s32 @!p0 s1  }
0x275: {  	[bflag:$0x3] =	sbarrier.arrive $0xFFFF  }
0x276: {  	_ =	shalt  }

// kernel: kernel.16.cloned.1.call-start
scs
__scs_entry_jumppad:
0x0: {  	(pc) =	sbr.rel $0x88, $3  }
0x1: {  	(tag) =	ssettag $0x0;
	lr =	simm.s32 $0x1  }
0x2: {  	[smem:$0x3F8C] =	sst lr;
	_ =	strace $0xD0000000  }
0x3: {  	_ = 	snop  }
0x4: {  	_ = 	snop  }
0x5: {  	_ = 	snop  }
0x6: {  	_ = 	snop  }
0x7: {  	_ = 	snop  }
__scs_overlays_trampoline_lowered:
0x8: {  	[smem:$0x3F9B] =	sst s0  }
0x9: {  	[smem:$0x3F9C] =	sst s1  }
0xa: {  	[smem:$0x3F9D] =	sst s2  }
0xb: {  	[smem:$0x3F9E] =	sst s3  }
0xc: {  	[smem:$0x3F9F] =	sst s4  }
0xd: {  	[smem:$0x3FA0] =	sst s5  }
0xe: {  	[smem:$0x3FA1] =	sst s6  }
0xf: {  	[smem:$0x3FA2] =	sst s7  }
0x10: {  	[smem:$0x3FA3] =	sst s8  }
0x11: {  	[smem:$0x3FA4] =	sst s9;
	s0 =	simm.s32 @!p0 $0x0  }
0x12: {  	s1 =	sld [smem:$0x3F8A];
	s0 =	simm.s32 @p0 $0x1  }
0x13: {  	[smem:$0x3FA5] =	sst s0;
	s0 =	simm.s32 @!p1 $0x0  }
0x14: {  	s2 =	sld [smem:$0x3F89];
	s0 =	simm.s32 @p1 $0x1  }
0x15: {  	[smem:$0x3FA6] =	sst s0;
	s0 =	simm.s32 @!p2 $0x0  }
0x16: {  	s3 =	sld [smem:$0x3FDB];
	s0 =	simm.s32 @p2 $0x1  }
0x17: {  	s4 =	simm.s32 $0x1BF5;
	[smem:$0x3FA8] =	sst s0  }
0x18: {  	s0 =	sld [smem:$0x3F8B];
	_ =	swait.ge [sflag:s4], $0x0  }
0x19: {  	s7 =	sld [smem:$0x3F8C]  }
0x1a: {  	s8 =	sadd.s32 $0xFFFFE003, lr  }
0x1b: {  	s9 =	sadd.s32 $0xFFFFFEF7, lr;
	s5 =	simm.s32 $0xFFFFFFFF;
	p2 =	slt.u32 s8, $0xFFFFF086  }
0x1c: {  	p1 =	slt.u32 s9, $0xF7A;
	s5 =	simm.s32 @!p2 $0x0  }
0x1d: {  	s5 =	simm.s32 @p1 $0x1;
	p0 =	seq.s32 s7, s2  }
0x1e: {  	s7 =	smul.u32 @!p0 $0xF7A, s2;
	p2 =	seq.s32 @!p0 s5, $0x0  }
0x1f: {  	s9 =	smul.u32 $0xF7A, s1;
	s8 =	simm.s32 @!p0 $0x1BF5;
	p2 =	por !p2, p0  }
0x20: {  	[sflag:s8] =	ssyncset.s32 @!p0 $0xFFFFF086;
	s6 =	sadd.s32 @!p0 s3, s7;
	s7 =	simm.s32 @!p0 $0x108  }
0x21: {  	s3 =	sadd.s32 s3, s9;
	s6 =	sadd.s32 @!p0 $0x88, s6;
	s7 =	simm.s32 @p2 $0x1082  }
0x22: {  	[simem:s7], [sflag:s8] =	dma.local @!p0 [hbm:s6], $0xF7A  }
0x23: {  	s9 =	sor.u32 $0xD0000000, s2;
	s6 =	simm.s32 $0x108;
	_ =	swait.ge @!p0 [sflag:s8], $0x0  }
0x24: {  	s3 =	sadd.s32 $0x88, s3;
	s6 =	simm.s32 @!p1 $0x1082;
	[sflag:s4] =	ssyncset.s32 $0xFFFFF086  }
0x25: {  	[simem:s6], [sflag:s4] =	dma.local [hbm:s3], $0xF7A  }
0x26: {  	[smem:$0x3F8C] =	sst s1;
	(tag) =	ssettag s2;
	_ =	strace s9  }
0x27: {  	s1 =	sld [smem:$0x3F9C]  }
0x28: {  	s2 =	sld [smem:$0x3F9D]  }
0x29: {  	s4 =	sld [smem:$0x3F9F]  }
0x2a: {  	p0 =	seq.s32 s5, $0x0;
	s5 =	sld [smem:$0x3FA0]  }
0x2b: {  	s6 =	sld [smem:$0x3FA1]  }
0x2c: {  	s7 =	sld [smem:$0x3FA2]  }
0x2d: {  	s3 =	simm.s32 $0x108;
	s8 =	sld [smem:$0x3FA3]  }
0x2e: {  	s3 =	simm.s32 @!p0 $0x1082;
	s9 =	sld [smem:$0x3FA4]  }
0x2f: {  	lr =	sadd.s32 s0, s3;
	s0 =	sld [smem:$0x3F9B]  }
0x30: {  	s3 =	sld [smem:$0x3F9E]  }
0x31: {  	[smem:$0x3FA7] =	sst s10  }
0x32: {  	s10 =	sld [smem:$0x3FA5];
	_ =	sdelay $0x3  }
0x33: {  	p0 =	seq.s32 s10, $0x1;
	s10 =	sld [smem:$0x3FA7];
	_ =	sdelay $0x3  }
0x34: {  	[smem:$0x3FA7] =	sst s10  }
0x35: {  	s10 =	sld [smem:$0x3FA6];
	_ =	sdelay $0x3  }
0x36: {  	p1 =	seq.s32 s10, $0x1;
	s10 =	sld [smem:$0x3FA7];
	_ =	sdelay $0x3  }
0x37: {  	[smem:$0x3FA7] =	sst s10  }
0x38: {  	s10 =	sld [smem:$0x3FA8]  }
0x39: {  	_ = 	snop;
	(pc) =	sbr.ind lr, $3  }
0x3a: {  	_ = 	snop  }
0x3b: {  	_ = 	snop  }
0x3c: {  	p2 =	seq.s32 s10, $0x1;
	s10 =	sld [smem:$0x3FA7]  }
0x3d: {  	_ =	shalt  }
0x3e: {  	_ =	shalt  }
0x3f: {  	_ =	shalt  }
0x40: {  	_ =	shalt  }
0x41: {  	_ =	shalt  }
0x42: {  	_ =	shalt  }
0x43: {  	_ =	shalt  }
0x44: {  	_ =	shalt  }
0x45: {  	_ =	shalt  }
0x46: {  	_ =	shalt  }
0x47: {  	_ =	shalt  }
0x48: {  	_ =	shalt  }
0x49: {  	_ =	shalt  }
0x4a: {  	_ =	shalt  }
0x4b: {  	_ =	shalt  }
0x4c: {  	_ =	shalt  }
0x4d: {  	_ =	shalt  }
0x4e: {  	_ =	shalt  }
0x4f: {  	_ =	shalt  }
0x50: {  	_ =	shalt  }
0x51: {  	_ =	shalt  }
0x52: {  	_ =	shalt  }
0x53: {  	_ =	shalt  }
0x54: {  	_ =	shalt  }
0x55: {  	_ =	shalt  }
0x56: {  	_ =	shalt  }
0x57: {  	_ =	shalt  }
0x58: {  	_ =	shalt  }
0x59: {  	_ =	shalt  }
0x5a: {  	_ =	shalt  }
0x5b: {  	_ =	shalt  }
0x5c: {  	_ =	shalt  }
0x5d: {  	_ =	shalt  }
0x5e: {  	_ =	shalt  }
0x5f: {  	_ =	shalt  }
0x60: {  	_ =	shalt  }
0x61: {  	_ =	shalt  }
0x62: {  	_ =	shalt  }
0x63: {  	_ =	shalt  }
0x64: {  	_ =	shalt  }
0x65: {  	_ =	shalt  }
0x66: {  	_ =	shalt  }
0x67: {  	_ =	shalt  }
0x68: {  	_ =	shalt  }
0x69: {  	_ =	shalt  }
0x6a: {  	_ =	shalt  }
0x6b: {  	_ =	shalt  }
0x6c: {  	_ =	shalt  }
0x6d: {  	_ =	shalt  }
0x6e: {  	_ =	shalt  }
0x6f: {  	_ =	shalt  }
0x70: {  	_ =	shalt  }
0x71: {  	_ =	shalt  }
0x72: {  	_ =	shalt  }
0x73: {  	_ =	shalt  }
0x74: {  	_ =	shalt  }
0x75: {  	_ =	shalt  }
0x76: {  	_ =	shalt  }
0x77: {  	_ =	shalt  }
0x78: {  	_ =	shalt  }
0x79: {  	_ =	shalt  }
0x7a: {  	_ =	shalt  }
0x7b: {  	_ =	shalt  }
0x7c: {  	_ =	shalt  }
0x7d: {  	_ =	shalt  }
0x7e: {  	_ =	shalt  }
0x7f: {  	_ =	shalt  }
0x80: {  	_ =	shalt  }
0x81: {  	_ =	shalt  }
0x82: {  	_ =	shalt  }
0x83: {  	_ =	shalt  }
0x84: {  	_ =	shalt  }
0x85: {  	_ =	shalt  }
0x86: {  	_ =	shalt  }
0x87: {  	_ =	shalt  }
.Lfunc_end0:
.L_simem_size_0:
called_computation.2_lowered:
.L_overlay_start_0:
0x88: {  	s2 =	sld [smem:$0x3FD9]  }
0x89: {  	s3 =	sld [smem:$0x3FFE];
	_ =	sdelay $0x1  }
0x8a: {  	s1 =	srdreg.scid  }
0x8b: {  	s0 =	sand.u32 $0x1, s1  }
0x8c: {  	s17 =	sshll.u32 s0, $0xA;
	s2 =	sadd.s32 s3, s2  }
0x8d: {  	s2 =	sadd.s32 s2, s17  }
0x8e: {  	[smem:$0x3FB3] =	sst s2  }
0x8f: {  	_ = 	snop  }
0x90: {  	s2 =	sld [smem:$0x3FD0];
	(tm) =	ssettm $0x1  }
0x91: {  	s18 =	sld [smem:$0x3FFB];
	_ =	sdelay $0x3  }
0x92: {  	_ =	strace s18  }
0x93: {  	s3 =	sld [smem:$0x3FFC];
	_ =	sdelay $0x3  }
0x94: {  	_ =	strace s3  }
0x95: {  	s3 =	sld [smem:$0x3FFD];
	_ =	sdelay $0x3  }
0x96: {  	_ =	strace s3  }
0x97: {  	_ =	strace $0x8FFFFFFF  }
0x98: {  	s19 =	sld [smem:$0x3FDB];
	_ =	sdelay $0x1  }
0x99: {  	s4 =	simm.s32 $_scs_section_size  }
0x9a: {  	s5 =	simm.s32 $_size__tile_overlayer_lowered;
	s6 =	simm.s32 $_tile_overlayer_lowered  }
0x9b: {  	s22 =	simm.s32 $0x1BFF;
	s21 =	sshll.u32 s6, $0x1;
	s3 =	sadd.s32 s4, s19  }
0x9c: {  	s7 =	simm.s32 $0x0;
	s20 =	sshll.u32 s5, $0x1;
	s5 =	sadd.s32 s21, s3  }
0x9d: {  	[timem:s7], [sflag:s22] =	dma.local [hbm:s5], s20  }
0x9e: {  	_ =	swait.ge [sflag:s22], s20  }
0x9f: {  	s4 =	ssub.s32 $0x0, s20;
	[sflag:s22] =	ssyncset.done $0x0  }
0xa0: {  	[sflag:s22] =	ssyncadd.s32 s4;
	_ =	sdelay $0x1  }
0xa1: {  	s23 =	simm.s32 $0x1B8B  }
0xa2: {  	_ =	swait.ge [sflag:s23], $0x1  }
0xa3: {  	[sflag:s23] =	ssyncset.done $0x0  }
0xa4: {  	s25 =	simm.s32 $0x1B8E;
	s24 =	sld [smem:$0x3FFE];
	[sflag:s23] =	ssyncadd.s32 $0xFFFFFFFF  }
0xa5: {  	s26 =	simm.s32 $execute0_lowered;
	[smem:$0x3FD2] =	sst s25  }
0xa6: {  	s5 =	sshll.u32 s26, $0x1;
	_ =	strace $0x8000004C;
	[dreg:$0x1] =	wrdreg $0xFFFFFFFF  }
0xa7: {  	s28 =	simm.s32 $_size_execute0_lowered;
	s3 =	sadd.s32 s3, s5;
	[dreg:$0x0] =	wrdreg $0x0  }
0xa8: {  	s5 =	sshll.u32 s28, $0x1;
	[dreg:$0x2] =	wrdreg s3  }
0xa9: {  	[dreg:$0x3] =	wrdreg s5  }
0xaa: {  	[dreg:$0x4] =	wrdreg $0xC0  }
0xab: {  	_ =	task [dreg:s7], $0x5FFFF  }
0xac: {  	[dreg:$0x1] =	wrdreg $0xFFFFFFFF  }
0xad: {  	[dreg:$0x0] =	wrdreg $0x60  }
0xae: {  	[dreg:$0x2] =	wrdreg s2  }
0xaf: {  	[dreg:$0x3] =	wrdreg s24  }
0xb0: {  	[dreg:$0x4] =	wrdreg $0x9  }
0xb1: {  	_ =	task.clear_ibuf [dreg:s7], $0x5FFFF;
	_ =	strace $0x9000004C  }
0xb2: {  	s29 =	simm.s32 $0x9;
	_ =	strace $0x8000004E  }
0xb3: {  	_ =	swait.ge [sflag:s29], $0x1  }
0xb4: {  	[sflag:s29] =	ssyncadd.s32 $0xFFFFFFFF  }
0xb5: {  	_ =	strace $0x9000004E  }
0xb6: {  	_ =	sfence  }
0xb7: {  	s30 =	sld [smem:$0x0];
	_ =	sdelay $0x2  }
0xb8: {  	s31 =	sshll.u32 s1, $0xD;
	s1 =	sshrl.u32 s1, $0x2  }
0xb9: {  	s3 =	sand.u32 $0x4000, s31;
	s1 =	sadd.s32 s1, s30  }
0xba: {  	s0 =	sor.u32 s3, s0;
	s1 =	sshll.u32 s1, $0x11  }
0xbb: {  	s0 =	sor.u32 s1, s0  }
0xbc: {  	s0 =	sadd.s32 $0x8F2B, s0  }
0xbd: {  	[sflag:s0] =	ssyncadd.remote.s32 $0x1  }
0xbe: {  	_ =	sfence.sel $0xFFFF  }
0xbf: {  	[dreg:$0x0] =	wrdreg $0xFFFFFFFF;
	(pc) =	sbr.abs _section_cstart, $3  }
0xc0: {  	[dreg:$0x1] =	wrdreg $0xFFFFFFFF  }
0xc1: {  	_ =	task.clear_ibuf [dreg:s7], $0x2FFFF;
	_ =	strace $0x9FFFFFFF  }
0xc2: {  	(tm) =	ssettm $0x7FFFFFFF  }
0xc3: {  	_ =	shalt  }
tec
execute0_lowered:
.L_overlay_start_1:
0x0: {  	(tag) =	ssettag $0x1  }
0x1: {  	s2 =	rddreg [dreg:$0x0]  }
0x2: {  	s4 =	rddreg [dreg:$0x1];
	s3 =	simm.s32 $0x0  }
0x3: {  	s23 =	simm.s32 $0x100;
	[smem:$0x7FF] =	sst s3  }
0x4: {  	s24 =	simm.s32 $0x180;
	_ =	strace $0x8000004D;
	[dreg:$0x11] =	wrdreg s23  }
0x5: {  	s0 =	srdreg.scid;
	s25 =	simm.s32 $0x200;
	[dreg:$0x12] =	wrdreg s24  }
0x6: {  	s16 =	stileid.u32;
	s26 =	simm.s32 $0x280;
	[dreg:$0x13] =	wrdreg s25  }
0x7: {  	s7 =	simm.s32 $0x480;
	s8 =	simm.s32 $0x500;
	[dreg:$0x14] =	wrdreg s26  }
0x8: {  	s1 =	sand.u32 $0x1, s0;
	s9 =	sshll.u32 s16, $0x1;
	[dreg:$0x18] =	wrdreg s7  }
0x9: {  	s0 =	sor.u32 s1, s9;
	[dreg:$0x19] =	wrdreg s8;
	s9 =	simm.s32 $0x580  }
0xa: {  	s23 =	simm.s32 $0xB80;
	[dreg:$0x1a] =	wrdreg s9  }
0xb: {  	s24 =	simm.s32 $0xC00;
	s5 =	smul.u32 $0x271, s0;
	[smem:$0x7FA] =	sst s23  }
0xc: {  	s25 =	simm.s32 $0xC80;
	s6 =	smul.u32 $0x9C400, s0;
	[smem:$0x7FB] =	sst s24  }
0xd: {  	s26 =	simm.s32 $0xD00;
	s0 =	smul.u32 $0x13880, s0;
	[smem:$0x7FC] =	sst s25  }
0xe: {  	s5 =	sadd.s32 s5, s4;
	s4 =	sadd.s32 $0xF200, s4;
	s6 =	sshrl.u32 s6, $0x3  }
0xf: {  	[smem:$0x7FD] =	sst s26;
	s5 =	sadd.s32 $0x7200, s5;
	s6 =	sadd.s32 s4, s6  }
0x10: {  	s31 =	sadd.s32 s4, s0;
	s4 =	simm.s32 $0x300;
	[dreg:$0x3] =	wrdreg s5  }
0x11: {  	s10 =	sadd.s32 $0x12000, s6;
	[dreg:$0x15] =	wrdreg s4  }
0x12: {  	s11 =	sadd.s32 $0x13800, s6;
	[dreg:$0x4] =	wrdreg s10  }
0x13: {  	s0 =	sadd.s32 $0x1800, s31;
	[dreg:$0x5] =	wrdreg s11  }
0x14: {  	s12 =	sadd.s32 $0x3000, s31;
	[dreg:$0x6] =	wrdreg s0  }
0x15: {  	s13 =	sadd.s32 $0x4800, s31;
	[dreg:$0x7] =	wrdreg s12  }
0x16: {  	s14 =	sadd.s32 $0x6000, s31;
	[dreg:$0x8] =	wrdreg s13  }
0x17: {  	s30 =	simm.s32 $0xD80;
	s15 =	sadd.s32 $0x7800, s31;
	[dreg:$0x9] =	wrdreg s14  }
0x18: {  	s29 =	simm.s32 $0xE80;
	s17 =	sadd.s32 $0x9000, s31;
	[dreg:$0xa] =	wrdreg s15  }
0x19: {  	s28 =	simm.s32 $0xF80;
	s18 =	sadd.s32 $0xA800, s31;
	[dreg:$0xb] =	wrdreg s17  }
0x1a: {  	p0 =	por $0x0, $0x0;
	s19 =	sadd.s32 $0xC000, s31;
	[dreg:$0xc] =	wrdreg s18  }
0x1b: {  	s1 =	ssub.s32 $0x2, s1;
	s20 =	sadd.s32 $0xD800, s31;
	[dreg:$0xd] =	wrdreg s19  }
0x1c: {  	s7 =	simm.s32 $0xD400;
	s21 =	sadd.s32 $0xF000, s31;
	[dreg:$0xe] =	wrdreg s20  }
0x1d: {  	s8 =	simm.s32 $0x3;
	s22 =	sadd.s32 $0x10800, s31;
	[dreg:$0xf] =	wrdreg s21  }
0x1e: {  	s9 =	simm.s32 $0x5400;
	s5 =	simm.s32 $0x380;
	[dreg:$0x10] =	wrdreg s22  }
0x1f: {  	s26 =	simm.s32 $0xF00;
	s6 =	simm.s32 $0x400;
	[dreg:$0x16] =	wrdreg s5  }
0x20: {  	s25 =	simm.s32 $0x1000;
	s23 =	simm.s32 $0x1100;
	[dreg:$0x17] =	wrdreg s6  }
0x21: {  	s24 =	simm.s32 $0x1180;
	s10 =	simm.s32 $0x600;
	s0 =	rddreg [dreg:$0x3]  }
0x22: {  	s4 =	simm.s32 $0x5;
	s11 =	simm.s32 $0x680;
	[dreg:$0x1b] =	wrdreg s10  }
0x23: {  	s12 =	sshrl.u32 s1, $0x1;
	s13 =	simm.s32 $0x700;
	[dreg:$0x1c] =	wrdreg s11  }
0x24: {  	s14 =	simm.s32 $0x780;
	s15 =	simm.s32 $0x800;
	[dreg:$0x1d] =	wrdreg s13  }
0x25: {  	s17 =	simm.s32 $0x880;
	s6 =	simm.s32 $0x80;
	[dreg:$0x1e] =	wrdreg s14  }
0x26: {  	s18 =	simm.s32 $0x900;
	s5 =	simm.s32 $0x1400;
	[dreg:$0x1f] =	wrdreg s15  }
0x27: {  	s19 =	simm.s32 $0x980;
	s20 =	simm.s32 $0xA00;
	[smem:$0x7F4] =	sst s17  }
0x28: {  	s21 =	simm.s32 $0xA80;
	s1 =	ssub.s32 s1, s12;
	[smem:$0x7F5] =	sst s18  }
0x29: {  	s22 =	simm.s32 $0xB00;
	[smem:$0x7F6] =	sst s19;
	s1 =	smax.u32 s1, $0x1  }
0x2a: {  	s11 =	simm.s32 $0x9400;
	[smem:$0x7F7] =	sst s20;
	p1 =	sne.s32 s1, $0x1  }
.Ltmp0:
0x2b: {  	s10 =	simm.s32 $0x1;
	[smem:$0x7F8] =	sst s21;
	(pc) =	sbr.rel @!p1 .LBB2_1-.Ltmp0, $4  }
0x2c: {  	[smem:$0x7F9] =	sst s22;
	s14 =	simm.s32 $0x11400;
	s15 =	simm.s32 $0x15400  }
0x2d: {  	s12 =	simm.s32 $0x2;
	s13 =	simm.s32 $0x4;
	s22 =	simm.s32 $0xE00  }
0x2e: {  	s20 =	simm.s32 $0x1200;
	s21 =	simm.s32 $0x1280;
	s19 =	simm.s32 $0x1300  }
0x2f: {  	s17 =	simm.s32 $0x8;
	s18 =	simm.s32 $0x1380;
	s1 =	sadd.s32 $0xFFFFFFFF, s1  }
0x30: {  	[tilespmem:s3], [sflag:$0x5] =	stream.linear.gather [hbm4b:s0+s3], $0x1388, $0x38;
	[tilespmem:$0x19400] =	vst v63  }
0x31: {  	_ =	swait.ge [sflag:s4], $0x1388  }
0x32: {  	[sflag:s4] =	ssyncset.done $0x0  }
0x33: {  	[sflag:s4] =	ssyncadd.s32 $0xFFFFEC78  }
0x34: {  	[tilespmem:s5], [sflag:$0x1] =	stream.indirect.gather [hbm4b:s2+s6], $0x80, s3, s6, $0xb8;
	[tilespmem:$0x19400] =	vst v63  }
0x35: {  	_ = 	snop  }
0x36: {  	[tilespmem:s9], [sflag:$0x1] =	stream.indirect.gather [hbm4b:s2+s6], $0x80, s6, s6, $0xb8;
	[tilespmem:$0x19400] =	vst v63  }
0x37: {  	s16 =	rddreg [dreg:$0x11]  }
0x38: {  	[tilespmem:s11], [sflag:$0x1] =	stream.indirect.gather [hbm4b:s2+s6], $0x80, s16, s6, $0xb8;
	[tilespmem:$0x19400] =	vst v63  }
0x39: {  	_ =	swait.ge [sflag:s10], $0xC000  }
0x3a: {  	[sflag:s10] =	ssyncset.done $0x0  }
0x3b: {  	s0 =	rddreg [dreg:$0x12];
	[sflag:s10] =	ssyncadd.s32 $0xFFFF4000  }
0x3c: {  	[tilespmem:s7], [sflag:$0x2] =	stream.indirect.gather [hbm4b:s2+s6], $0x80, s0, s6, $0xb8;
	[tilespmem:$0x19400] =	vst v63  }
0x3d: {  	s16 =	smov.u32 s1;
	s1 =	rddreg [dreg:$0x13]  }
0x3e: {  	[tilespmem:s14], [sflag:$0x2] =	stream.indirect.gather [hbm4b:s2+s6], $0x80, s1, s6, $0xb8;
	[tilespmem:$0x19400] =	vst v63  }
0x3f: {  	s0 =	rddreg [dreg:$0x14]  }
0x40: {  	[tilespmem:s15], [sflag:$0x2] =	stream.indirect.gather [hbm4b:s2+s6], $0x80, s0, s6, $0xb8;
	[tilespmem:$0x19400] =	vst v63  }
0x41: {  	_ = 	snop  }
0x42: {  	[hbm4b:s31+s3] =	stream.linear.scatter [tilespmem:s5], [sflag:$0x3], $0xC000, $0x38;
	[tilespmem:$0x19400] =	vst v63  }
0x43: {  	_ =	swait.ge [sflag:s12], $0xC000  }
0x44: {  	[sflag:s12] =	ssyncset.done $0x0  }
0x45: {  	[sflag:s12] =	ssyncadd.s32 $0xFFFF4000  }
0x46: {  	_ =	swait.ge [sflag:s8], $0xC000  }
0x47: {  	[sflag:s8] =	ssyncset.done $0x0  }
0x48: {  	s0 =	rddreg [dreg:$0x15];
	[sflag:s8] =	ssyncadd.s32 $0xFFFF4000  }
0x49: {  	[tilespmem:s5], [sflag:$0x1] =	stream.indirect.gather [hbm4b:s2+s6], $0x80, s0, s6, $0xb8;
	[tilespmem:$0x19400] =	vst v63  }
0x4a: {  	s1 =	rddreg [dreg:$0x16]  }
0x4b: {  	[tilespmem:s9], [sflag:$0x1] =	stream.indirect.gather [hbm4b:s2+s6], $0x80, s1, s6, $0xb8;
	[tilespmem:$0x19400] =	vst v63  }
0x4c: {  	s0 =	rddreg [dreg:$0x17]  }
0x4d: {  	[tilespmem:s11], [sflag:$0x1] =	stream.indirect.gather [hbm4b:s2+s6], $0x80, s0, s6, $0xb8;
	[tilespmem:$0x19400] =	vst v63  }
0x4e: {  	s1 =	rddreg [dreg:$0x6]  }
0x4f: {  	[hbm4b:s1+s3] =	stream.linear.scatter [tilespmem:s7], [sflag:$0x4], $0xC000, $0x38;
	[tilespmem:$0x19400] =	vst v63  }
0x50: {  	_ =	swait.ge [sflag:s10], $0xC000  }
0x51: {  	[sflag:s10] =	ssyncset.done $0x0  }
0x52: {  	[sflag:s10] =	ssyncadd.s32 $0xFFFF4000  }
0x53: {  	_ =	swait.ge [sflag:s13], $0xC000  }
0x54: {  	[sflag:s13] =	ssyncset.done $0x0  }
0x55: {  	s0 =	rddreg [dreg:$0x18];
	[sflag:s13] =	ssyncadd.s32 $0xFFFF4000  }
0x56: {  	[tilespmem:s7], [sflag:$0x2] =	stream.indirect.gather [hbm4b:s2+s6], $0x80, s0, s6, $0xb8;
	[tilespmem:$0x19400] =	vst v63  }
0x57: {  	s1 =	rddreg [dreg:$0x19]  }
0x58: {  	[tilespmem:s14], [sflag:$0x2] =	stream.indirect.gather [hbm4b:s2+s6], $0x80, s1, s6, $0xb8;
	[tilespmem:$0x19400] =	vst v63  }
0x59: {  	s0 =	rddreg [dreg:$0x1a]  }
0x5a: {  	[tilespmem:s15], [sflag:$0x2] =	stream.indirect.gather [hbm4b:s2+s6], $0x80, s0, s6, $0xb8;
	[tilespmem:$0x19400] =	vst v63  }
0x5b: {  	s1 =	rddreg [dreg:$0x7]  }
0x5c: {  	[hbm4b:s1+s3] =	stream.linear.scatter [tilespmem:s5], [sflag:$0x3], $0xC000, $0x38;
	[tilespmem:$0x19400] =	vst v63  }
0x5d: {  	_ =	swait.ge [sflag:s12], $0xC000  }
0x5e: {  	[sflag:s12] =	ssyncset.done $0x0  }
0x5f: {  	[sflag:s12] =	ssyncadd.s32 $0xFFFF4000  }
0x60: {  	_ =	swait.ge [sflag:s8], $0xC000  }
0x61: {  	[sflag:s8] =	ssyncset.done $0x0  }
0x62: {  	s0 =	rddreg [dreg:$0x1b];
	[sflag:s8] =	ssyncadd.s32 $0xFFFF4000  }
0x63: {  	[tilespmem:s5], [sflag:$0x1] =	stream.indirect.gather [hbm4b:s2+s6], $0x80, s0, s6, $0xb8;
	[tilespmem:$0x19400] =	vst v63  }
0x64: {  	s1 =	rddreg [dreg:$0x1c]  }
0x65: {  	[tilespmem:s9], [sflag:$0x1] =	stream.indirect.gather [hbm4b:s2+s6], $0x80, s1, s6, $0xb8;
	[tilespmem:$0x19400] =	vst v63  }
0x66: {  	s0 =	rddreg [dreg:$0x1d]  }
0x67: {  	[tilespmem:s11], [sflag:$0x1] =	stream.indirect.gather [hbm4b:s2+s6], $0x80, s0, s6, $0xb8;
	[tilespmem:$0x19400] =	vst v63  }
0x68: {  	s1 =	rddreg [dreg:$0x8]  }
0x69: {  	[hbm4b:s1+s3] =	stream.linear.scatter [tilespmem:s7], [sflag:$0x4], $0xC000, $0x38;
	[tilespmem:$0x19400] =	vst v63  }
0x6a: {  	_ =	swait.ge [sflag:s10], $0xC000  }
0x6b: {  	[sflag:s10] =	ssyncset.done $0x0  }
0x6c: {  	[sflag:s10] =	ssyncadd.s32 $0xFFFF4000  }
0x6d: {  	_ =	swait.ge [sflag:s13], $0xC000  }
0x6e: {  	s0 =	rddreg [dreg:$0x1e];
	[sflag:s13] =	ssyncset.done $0x0  }
0x6f: {  	s1 =	rddreg [dreg:$0x1f];
	[sflag:s13] =	ssyncadd.s32 $0xFFFF4000  }
0x70: {  	[tilespmem:s7], [sflag:$0x2] =	stream.indirect.gather [hbm4b:s2+s6], $0x80, s0, s6, $0xb8;
	[tilespmem:$0x19400] =	vst v63  }
0x71: {  	s0 =	sld [smem:$0x7F4]  }
0x72: {  	[tilespmem:s14], [sflag:$0x2] =	stream.indirect.gather [hbm4b:s2+s6], $0x80, s1, s6, $0xb8;
	[tilespmem:$0x19400] =	vst v63  }
0x73: {  	_ = 	snop  }
0x74: {  	[tilespmem:s15], [sflag:$0x2] =	stream.indirect.gather [hbm4b:s2+s6], $0x80, s0, s6, $0xb8;
	[tilespmem:$0x19400] =	vst v63  }
0x75: {  	s1 =	rddreg [dreg:$0x9]  }
0x76: {  	[hbm4b:s1+s3] =	stream.linear.scatter [tilespmem:s5], [sflag:$0x3], $0xC000, $0x38;
	[tilespmem:$0x19400] =	vst v63  }
0x77: {  	_ =	swait.ge [sflag:s12], $0xC000  }
0x78: {  	[sflag:s12] =	ssyncset.done $0x0  }
0x79: {  	[sflag:s12] =	ssyncadd.s32 $0xFFFF4000  }
0x7a: {  	_ =	swait.ge [sflag:s8], $0xC000  }
0x7b: {  	s0 =	sld [smem:$0x7F5]  }
0x7c: {  	[sflag:s8] =	ssyncset.done $0x0  }
0x7d: {  	s1 =	sld [smem:$0x7F6];
	[sflag:s8] =	ssyncadd.s32 $0xFFFF4000  }
0x7e: {  	[tilespmem:s5], [sflag:$0x1] =	stream.indirect.gather [hbm4b:s2+s6], $0x80, s0, s6, $0xb8;
	[tilespmem:$0x19400] =	vst v63  }
0x7f: {  	s0 =	sld [smem:$0x7F7]  }
0x80: {  	[tilespmem:s9], [sflag:$0x1] =	stream.indirect.gather [hbm4b:s2+s6], $0x80, s1, s6, $0xb8;
	[tilespmem:$0x19400] =	vst v63  }
0x81: {  	_ = 	snop  }
0x82: {  	[tilespmem:s11], [sflag:$0x1] =	stream.indirect.gather [hbm4b:s2+s6], $0x80, s0, s6, $0xb8;
	[tilespmem:$0x19400] =	vst v63  }
0x83: {  	s1 =	rddreg [dreg:$0xa]  }
0x84: {  	[hbm4b:s1+s3] =	stream.linear.scatter [tilespmem:s7], [sflag:$0x4], $0xC000, $0x38;
	[tilespmem:$0x19400] =	vst v63  }
0x85: {  	_ =	swait.ge [sflag:s10], $0xC000  }
0x86: {  	[sflag:s10] =	ssyncset.done $0x0  }
0x87: {  	[sflag:s10] =	ssyncadd.s32 $0xFFFF4000  }
0x88: {  	_ =	swait.ge [sflag:s13], $0xC000  }
0x89: {  	s0 =	sld [smem:$0x7F8]  }
0x8a: {  	[sflag:s13] =	ssyncset.done $0x0  }
0x8b: {  	s1 =	sld [smem:$0x7F9];
	[sflag:s13] =	ssyncadd.s32 $0xFFFF4000  }
0x8c: {  	[tilespmem:s7], [sflag:$0x2] =	stream.indirect.gather [hbm4b:s2+s6], $0x80, s0, s6, $0xb8;
	[tilespmem:$0x19400] =	vst v63  }
0x8d: {  	s0 =	sld [smem:$0x7FA]  }
0x8e: {  	[tilespmem:s14], [sflag:$0x2] =	stream.indirect.gather [hbm4b:s2+s6], $0x80, s1, s6, $0xb8;
	[tilespmem:$0x19400] =	vst v63  }
0x8f: {  	_ = 	snop  }
0x90: {  	[tilespmem:s15], [sflag:$0x2] =	stream.indirect.gather [hbm4b:s2+s6], $0x80, s0, s6, $0xb8;
	[tilespmem:$0x19400] =	vst v63  }
0x91: {  	s1 =	rddreg [dreg:$0xb]  }
0x92: {  	[hbm4b:s1+s3] =	stream.linear.scatter [tilespmem:s5], [sflag:$0x3], $0xC000, $0x38;
	[tilespmem:$0x19400] =	vst v63  }
0x93: {  	_ =	swait.ge [sflag:s12], $0xC000  }
0x94: {  	[sflag:s12] =	ssyncset.done $0x0  }
0x95: {  	[sflag:s12] =	ssyncadd.s32 $0xFFFF4000  }
0x96: {  	_ =	swait.ge [sflag:s8], $0xC000  }
0x97: {  	s0 =	sld [smem:$0x7FB]  }
0x98: {  	[sflag:s8] =	ssyncset.done $0x0  }
0x99: {  	s1 =	sld [smem:$0x7FC];
	[sflag:s8] =	ssyncadd.s32 $0xFFFF4000  }
0x9a: {  	[tilespmem:s5], [sflag:$0x1] =	stream.indirect.gather [hbm4b:s2+s6], $0x80, s0, s6, $0xb8;
	[tilespmem:$0x19400] =	vst v63  }
0x9b: {  	s0 =	sld [smem:$0x7FD]  }
0x9c: {  	[tilespmem:s9], [sflag:$0x1] =	stream.indirect.gather [hbm4b:s2+s6], $0x80, s1, s6, $0xb8;
	[tilespmem:$0x19400] =	vst v63  }
0x9d: {  	_ = 	snop  }
0x9e: {  	[tilespmem:s11], [sflag:$0x1] =	stream.indirect.gather [hbm4b:s2+s6], $0x80, s0, s6, $0xb8;
	[tilespmem:$0x19400] =	vst v63  }
0x9f: {  	s1 =	rddreg [dreg:$0xc]  }
0xa0: {  	[hbm4b:s1+s3] =	stream.linear.scatter [tilespmem:s7], [sflag:$0x4], $0xC000, $0x38;
	[tilespmem:$0x19400] =	vst v63  }
0xa1: {  	_ =	swait.ge [sflag:s10], $0xC000  }
0xa2: {  	[sflag:s10] =	ssyncset.done $0x0  }
0xa3: {  	[sflag:s10] =	ssyncadd.s32 $0xFFFF4000  }
0xa4: {  	_ =	swait.ge [sflag:s13], $0xC000  }
0xa5: {  	[sflag:s13] =	ssyncset.done $0x0  }
0xa6: {  	[sflag:s13] =	ssyncadd.s32 $0xFFFF4000  }
0xa7: {  	[tilespmem:s7], [sflag:$0x2] =	stream.indirect.gather [hbm4b:s2+s6], $0x80, s30, s6, $0xb8;
	[tilespmem:$0x19400] =	vst v63  }
0xa8: {  	_ = 	snop  }
0xa9: {  	[tilespmem:s14], [sflag:$0x2] =	stream.indirect.gather [hbm4b:s2+s6], $0x80, s22, s6, $0xb8;
	[tilespmem:$0x19400] =	vst v63  }
0xaa: {  	_ = 	snop  }
0xab: {  	[tilespmem:s15], [sflag:$0x2] =	stream.indirect.gather [hbm4b:s2+s6], $0x80, s29, s6, $0xb8;
	[tilespmem:$0x19400] =	vst v63  }
0xac: {  	s1 =	rddreg [dreg:$0xd]  }
0xad: {  	[hbm4b:s1+s3] =	stream.linear.scatter [tilespmem:s5], [sflag:$0x3], $0xC000, $0x38;
	[tilespmem:$0x19400] =	vst v63  }
0xae: {  	_ =	swait.ge [sflag:s12], $0xC000  }
0xaf: {  	[sflag:s12] =	ssyncset.done $0x0  }
0xb0: {  	[sflag:s12] =	ssyncadd.s32 $0xFFFF4000  }
0xb1: {  	_ =	swait.ge [sflag:s8], $0xC000  }
0xb2: {  	[sflag:s8] =	ssyncset.done $0x0  }
0xb3: {  	[sflag:s8] =	ssyncadd.s32 $0xFFFF4000  }
0xb4: {  	[tilespmem:s5], [sflag:$0x1] =	stream.indirect.gather [hbm4b:s2+s6], $0x80, s26, s6, $0xb8;
	[tilespmem:$0x19400] =	vst v63  }
0xb5: {  	_ = 	snop  }
0xb6: {  	[tilespmem:s9], [sflag:$0x1] =	stream.indirect.gather [hbm4b:s2+s6], $0x80, s28, s6, $0xb8;
	[tilespmem:$0x19400] =	vst v63  }
0xb7: {  	_ = 	snop  }
0xb8: {  	[tilespmem:s11], [sflag:$0x1] =	stream.indirect.gather [hbm4b:s2+s6], $0x80, s25, s6, $0xb8;
	[tilespmem:$0x19400] =	vst v63  }
0xb9: {  	s1 =	rddreg [dreg:$0xe]  }
0xba: {  	[hbm4b:s1+s3] =	stream.linear.scatter [tilespmem:s7], [sflag:$0x4], $0xC000, $0x38;
	[tilespmem:$0x19400] =	vst v63  }
0xbb: {  	_ =	swait.ge [sflag:s10], $0xC000  }
0xbc: {  	[sflag:s10] =	ssyncset.done $0x0  }
0xbd: {  	[sflag:s10] =	ssyncadd.s32 $0xFFFF4000  }
0xbe: {  	_ =	swait.ge [sflag:s13], $0xC000  }
0xbf: {  	[sflag:s13] =	ssyncset.done $0x0  }
0xc0: {  	s1 =	simm.s32 $0x1080;
	[sflag:s13] =	ssyncadd.s32 $0xFFFF4000  }
0xc1: {  	[tilespmem:s7], [sflag:$0x2] =	stream.indirect.gather [hbm4b:s2+s6], $0x80, s1, s6, $0xb8;
	[tilespmem:$0x19400] =	vst v63  }
0xc2: {  	_ = 	snop  }
0xc3: {  	[tilespmem:s14], [sflag:$0x2] =	stream.indirect.gather [hbm4b:s2+s6], $0x80, s23, s6, $0xb8;
	[tilespmem:$0x19400] =	vst v63  }
0xc4: {  	_ = 	snop  }
0xc5: {  	[tilespmem:s15], [sflag:$0x2] =	stream.indirect.gather [hbm4b:s2+s6], $0x80, s24, s6, $0xb8;
	[tilespmem:$0x19400] =	vst v63  }
0xc6: {  	s1 =	rddreg [dreg:$0xf]  }
0xc7: {  	[hbm4b:s1+s3] =	stream.linear.scatter [tilespmem:s5], [sflag:$0x3], $0xC000, $0x38;
	[tilespmem:$0x19400] =	vst v63  }
0xc8: {  	_ =	swait.ge [sflag:s12], $0xC000  }
0xc9: {  	[sflag:s12] =	ssyncset.done $0x0  }
0xca: {  	[sflag:s12] =	ssyncadd.s32 $0xFFFF4000  }
0xcb: {  	_ =	swait.ge [sflag:s8], $0xC000  }
0xcc: {  	[sflag:s8] =	ssyncset.done $0x0  }
0xcd: {  	[sflag:s8] =	ssyncadd.s32 $0xFFFF4000  }
0xce: {  	[tilespmem:s5], [sflag:$0x1] =	stream.indirect.gather [hbm4b:s2+s6], $0x80, s20, s6, $0xb8;
	[tilespmem:$0x19400] =	vst v63  }
0xcf: {  	_ = 	snop  }
0xd0: {  	[tilespmem:s9], [sflag:$0x1] =	stream.indirect.gather [hbm4b:s2+s6], $0x80, s21, s6, $0xb8;
	[tilespmem:$0x19400] =	vst v63  }
0xd1: {  	_ = 	snop  }
0xd2: {  	[tilespmem:s11], [sflag:$0x1] =	stream.indirect.gather [hbm4b:s2+s6], $0x80, s19, s6, $0xb8;
	[tilespmem:$0x19400] =	vst v63  }
0xd3: {  	s1 =	rddreg [dreg:$0x10]  }
0xd4: {  	[hbm4b:s1+s3] =	stream.linear.scatter [tilespmem:s7], [sflag:$0x4], $0xC000, $0x38;
	[tilespmem:$0x19400] =	vst v63  }
0xd5: {  	_ =	swait.ge [sflag:s10], $0xC000  }
0xd6: {  	[sflag:s10] =	ssyncset.done $0x0  }
0xd7: {  	[sflag:s10] =	ssyncadd.s32 $0xFFFF4000  }
0xd8: {  	_ =	swait.ge [sflag:s13], $0xC000  }
0xd9: {  	[sflag:s13] =	ssyncset.done $0x0  }
0xda: {  	s1 =	rddreg [dreg:$0x4];
	[sflag:s13] =	ssyncadd.s32 $0xFFFF4000  }
0xdb: {  	[hbm4b:s1+s3] =	stream.linear.scatter [tilespmem:s5], [sflag:$0x3], $0xC000, $0x38;
	[tilespmem:$0x19400] =	vst v63  }
0xdc: {  	_ = 	snop  }
0xdd: {  	[tilespmem:s7], [sflag:$0x2] =	stream.indirect.gather [hbm4b:s2+s17], $0x80, s18, s17, $0xb8;
	[tilespmem:$0x19400] =	vst v63  }
0xde: {  	_ =	swait.ge [sflag:s12], $0x400  }
0xdf: {  	[sflag:s12] =	ssyncset.done $0x0  }
0xe0: {  	p1 =	sne.s32 s16, $0x1;
	s1 =	rddreg [dreg:$0x5];
	[sflag:s12] =	ssyncadd.s32 $0xFFFFFC00  }
0xe1: {  	[hbm4b:s1+s3] =	stream.linear.scatter [tilespmem:s7], [sflag:$0x5], $0x400, $0x38;
	[tilespmem:$0x19400] =	vst v63  }
.Ltmp1:
0xe2: {  	_ =	swait.ge [sflag:s4], $0x400;
	(pc) =	sbr.rel @!p1 .LBB2_3-.Ltmp1, $4  }
0xe3: {  	[sflag:s4] =	ssyncset.done $0x0  }
0xe4: {  	[sflag:s4] =	ssyncadd.s32 $0xFFFFFC00  }
0xe5: {  	p0 =	por $0x1, $0x1;
	_ =	swait.ge [sflag:s8], $0xC000  }
0xe6: {  	s1 =	sadd.s32 $0xFFFFFFFF, s16;
	s0 =	rddreg [dreg:$0x3];
	[sflag:s8] =	ssyncset.done $0x0  }
.LBB2_4:
0xe7: {  	[sflag:s8] =	ssyncadd.s32 $0xFFFF4000  }
0xe8: {  	[tilespmem:s3], [sflag:$0x5] =	stream.linear.gather [hbm4b:s0+s3], $0x1388, $0x38;
	[tilespmem:$0x19400] =	vst v63  }
0xe9: {  	_ =	swait.ge [sflag:s4], $0x1388  }
0xea: {  	[sflag:s4] =	ssyncset.done $0x0  }
0xeb: {  	[sflag:s4] =	ssyncadd.s32 $0xFFFFEC78  }
0xec: {  	[tilespmem:s5], [sflag:$0x1] =	stream.indirect.gather [hbm4b:s2+s6], $0x80, s3, s6, $0xb8;
	[tilespmem:$0x19400] =	vst v63  }
0xed: {  	_ = 	snop  }
0xee: {  	[tilespmem:s9], [sflag:$0x1] =	stream.indirect.gather [hbm4b:s2+s6], $0x80, s6, s6, $0xb8;
	[tilespmem:$0x19400] =	vst v63  }
0xef: {  	s16 =	rddreg [dreg:$0x11]  }
0xf0: {  	[tilespmem:s11], [sflag:$0x1] =	stream.indirect.gather [hbm4b:s2+s6], $0x80, s16, s6, $0xb8;
	[tilespmem:$0x19400] =	vst v63  }
0xf1: {  	_ =	swait.ge [sflag:s10], $0xC000  }
0xf2: {  	[sflag:s10] =	ssyncset.done $0x0  }
0xf3: {  	s0 =	rddreg [dreg:$0x12];
	[sflag:s10] =	ssyncadd.s32 $0xFFFF4000  }
0xf4: {  	[tilespmem:s7], [sflag:$0x2] =	stream.indirect.gather [hbm4b:s2+s6], $0x80, s0, s6, $0xb8;
	[tilespmem:$0x19400] =	vst v63  }
0xf5: {  	s16 =	rddreg [dreg:$0x13]  }
0xf6: {  	[tilespmem:s14], [sflag:$0x2] =	stream.indirect.gather [hbm4b:s2+s6], $0x80, s16, s6, $0xb8;
	[tilespmem:$0x19400] =	vst v63  }
0xf7: {  	s0 =	rddreg [dreg:$0x14]  }
0xf8: {  	[tilespmem:s15], [sflag:$0x2] =	stream.indirect.gather [hbm4b:s2+s6], $0x80, s0, s6, $0xb8;
	[tilespmem:$0x19400] =	vst v63  }
0xf9: {  	_ = 	snop  }
0xfa: {  	[hbm4b:s31+s3] =	stream.linear.scatter [tilespmem:s5], [sflag:$0x3], $0xC000, $0x38;
	[tilespmem:$0x19400] =	vst v63  }
0xfb: {  	_ =	swait.ge [sflag:s12], $0xC000  }
0xfc: {  	[sflag:s12] =	ssyncset.done $0x0  }
0xfd: {  	[sflag:s12] =	ssyncadd.s32 $0xFFFF4000  }
0xfe: {  	_ =	swait.ge [sflag:s8], $0xC000  }
0xff: {  	[sflag:s8] =	ssyncset.done $0x0  }
0x100: {  	s0 =	rddreg [dreg:$0x15];
	[sflag:s8] =	ssyncadd.s32 $0xFFFF4000  }
0x101: {  	[tilespmem:s5], [sflag:$0x1] =	stream.indirect.gather [hbm4b:s2+s6], $0x80, s0, s6, $0xb8;
	[tilespmem:$0x19400] =	vst v63  }
0x102: {  	s16 =	rddreg [dreg:$0x16]  }
0x103: {  	[tilespmem:s9], [sflag:$0x1] =	stream.indirect.gather [hbm4b:s2+s6], $0x80, s16, s6, $0xb8;
	[tilespmem:$0x19400] =	vst v63  }
0x104: {  	s0 =	rddreg [dreg:$0x17]  }
0x105: {  	[tilespmem:s11], [sflag:$0x1] =	stream.indirect.gather [hbm4b:s2+s6], $0x80, s0, s6, $0xb8;
	[tilespmem:$0x19400] =	vst v63  }
0x106: {  	s16 =	rddreg [dreg:$0x6]  }
0x107: {  	[hbm4b:s16+s3] =	stream.linear.scatter [tilespmem:s7], [sflag:$0x4], $0xC000, $0x38;
	[tilespmem:$0x19400] =	vst v63  }
0x108: {  	_ =	swait.ge [sflag:s10], $0xC000  }
0x109: {  	[sflag:s10] =	ssyncset.done $0x0  }
0x10a: {  	[sflag:s10] =	ssyncadd.s32 $0xFFFF4000  }
0x10b: {  	_ =	swait.ge [sflag:s13], $0xC000  }
0x10c: {  	[sflag:s13] =	ssyncset.done $0x0  }
0x10d: {  	s0 =	rddreg [dreg:$0x18];
	[sflag:s13] =	ssyncadd.s32 $0xFFFF4000  }
0x10e: {  	[tilespmem:s7], [sflag:$0x2] =	stream.indirect.gather [hbm4b:s2+s6], $0x80, s0, s6, $0xb8;
	[tilespmem:$0x19400] =	vst v63  }
0x10f: {  	s16 =	rddreg [dreg:$0x19]  }
0x110: {  	[tilespmem:s14], [sflag:$0x2] =	stream.indirect.gather [hbm4b:s2+s6], $0x80, s16, s6, $0xb8;
	[tilespmem:$0x19400] =	vst v63  }
0x111: {  	s0 =	rddreg [dreg:$0x1a]  }
0x112: {  	[tilespmem:s15], [sflag:$0x2] =	stream.indirect.gather [hbm4b:s2+s6], $0x80, s0, s6, $0xb8;
	[tilespmem:$0x19400] =	vst v63  }
0x113: {  	s16 =	rddreg [dreg:$0x7]  }
0x114: {  	[hbm4b:s16+s3] =	stream.linear.scatter [tilespmem:s5], [sflag:$0x3], $0xC000, $0x38;
	[tilespmem:$0x19400] =	vst v63  }
0x115: {  	_ =	swait.ge [sflag:s12], $0xC000  }
0x116: {  	[sflag:s12] =	ssyncset.done $0x0  }
0x117: {  	[sflag:s12] =	ssyncadd.s32 $0xFFFF4000  }
0x118: {  	_ =	swait.ge [sflag:s8], $0xC000  }
0x119: {  	[sflag:s8] =	ssyncset.done $0x0  }
0x11a: {  	s0 =	rddreg [dreg:$0x1b];
	[sflag:s8] =	ssyncadd.s32 $0xFFFF4000  }
0x11b: {  	[tilespmem:s5], [sflag:$0x1] =	stream.indirect.gather [hbm4b:s2+s6], $0x80, s0, s6, $0xb8;
	[tilespmem:$0x19400] =	vst v63  }
0x11c: {  	s16 =	rddreg [dreg:$0x1c]  }
0x11d: {  	[tilespmem:s9], [sflag:$0x1] =	stream.indirect.gather [hbm4b:s2+s6], $0x80, s16, s6, $0xb8;
	[tilespmem:$0x19400] =	vst v63  }
0x11e: {  	s0 =	rddreg [dreg:$0x1d]  }
0x11f: {  	[tilespmem:s11], [sflag:$0x1] =	stream.indirect.gather [hbm4b:s2+s6], $0x80, s0, s6, $0xb8;
	[tilespmem:$0x19400] =	vst v63  }
0x120: {  	s16 =	rddreg [dreg:$0x8]  }
0x121: {  	[hbm4b:s16+s3] =	stream.linear.scatter [tilespmem:s7], [sflag:$0x4], $0xC000, $0x38;
	[tilespmem:$0x19400] =	vst v63  }
0x122: {  	_ =	swait.ge [sflag:s10], $0xC000  }
0x123: {  	[sflag:s10] =	ssyncset.done $0x0  }
0x124: {  	[sflag:s10] =	ssyncadd.s32 $0xFFFF4000  }
0x125: {  	_ =	swait.ge [sflag:s13], $0xC000  }
0x126: {  	s0 =	rddreg [dreg:$0x1e];
	[sflag:s13] =	ssyncset.done $0x0  }
0x127: {  	s16 =	rddreg [dreg:$0x1f];
	[sflag:s13] =	ssyncadd.s32 $0xFFFF4000  }
0x128: {  	[tilespmem:s7], [sflag:$0x2] =	stream.indirect.gather [hbm4b:s2+s6], $0x80, s0, s6, $0xb8;
	[tilespmem:$0x19400] =	vst v63  }
0x129: {  	s0 =	sld [smem:$0x7F4]  }
0x12a: {  	[tilespmem:s14], [sflag:$0x2] =	stream.indirect.gather [hbm4b:s2+s6], $0x80, s16, s6, $0xb8;
	[tilespmem:$0x19400] =	vst v63  }
0x12b: {  	_ = 	snop  }
0x12c: {  	[tilespmem:s15], [sflag:$0x2] =	stream.indirect.gather [hbm4b:s2+s6], $0x80, s0, s6, $0xb8;
	[tilespmem:$0x19400] =	vst v63  }
0x12d: {  	s16 =	rddreg [dreg:$0x9]  }
0x12e: {  	[hbm4b:s16+s3] =	stream.linear.scatter [tilespmem:s5], [sflag:$0x3], $0xC000, $0x38;
	[tilespmem:$0x19400] =	vst v63  }
0x12f: {  	_ =	swait.ge [sflag:s12], $0xC000  }
0x130: {  	[sflag:s12] =	ssyncset.done $0x0  }
0x131: {  	[sflag:s12] =	ssyncadd.s32 $0xFFFF4000  }
0x132: {  	_ =	swait.ge [sflag:s8], $0xC000  }
0x133: {  	s0 =	sld [smem:$0x7F5]  }
0x134: {  	[sflag:s8] =	ssyncset.done $0x0  }
0x135: {  	s16 =	sld [smem:$0x7F6];
	[sflag:s8] =	ssyncadd.s32 $0xFFFF4000  }
0x136: {  	[tilespmem:s5], [sflag:$0x1] =	stream.indirect.gather [hbm4b:s2+s6], $0x80, s0, s6, $0xb8;
	[tilespmem:$0x19400] =	vst v63  }
0x137: {  	s0 =	sld [smem:$0x7F7]  }
0x138: {  	[tilespmem:s9], [sflag:$0x1] =	stream.indirect.gather [hbm4b:s2+s6], $0x80, s16, s6, $0xb8;
	[tilespmem:$0x19400] =	vst v63  }
0x139: {  	_ = 	snop  }
0x13a: {  	[tilespmem:s11], [sflag:$0x1] =	stream.indirect.gather [hbm4b:s2+s6], $0x80, s0, s6, $0xb8;
	[tilespmem:$0x19400] =	vst v63  }
0x13b: {  	s16 =	rddreg [dreg:$0xa]  }
0x13c: {  	[hbm4b:s16+s3] =	stream.linear.scatter [tilespmem:s7], [sflag:$0x4], $0xC000, $0x38;
	[tilespmem:$0x19400] =	vst v63  }
0x13d: {  	_ =	swait.ge [sflag:s10], $0xC000  }
0x13e: {  	[sflag:s10] =	ssyncset.done $0x0  }
0x13f: {  	[sflag:s10] =	ssyncadd.s32 $0xFFFF4000  }
0x140: {  	_ =	swait.ge [sflag:s13], $0xC000  }
0x141: {  	s0 =	sld [smem:$0x7F8]  }
0x142: {  	[sflag:s13] =	ssyncset.done $0x0  }
0x143: {  	s16 =	sld [smem:$0x7F9];
	[sflag:s13] =	ssyncadd.s32 $0xFFFF4000  }
0x144: {  	[tilespmem:s7], [sflag:$0x2] =	stream.indirect.gather [hbm4b:s2+s6], $0x80, s0, s6, $0xb8;
	[tilespmem:$0x19400] =	vst v63  }
0x145: {  	s0 =	sld [smem:$0x7FA]  }
0x146: {  	[tilespmem:s14], [sflag:$0x2] =	stream.indirect.gather [hbm4b:s2+s6], $0x80, s16, s6, $0xb8;
	[tilespmem:$0x19400] =	vst v63  }
0x147: {  	_ = 	snop  }
0x148: {  	[tilespmem:s15], [sflag:$0x2] =	stream.indirect.gather [hbm4b:s2+s6], $0x80, s0, s6, $0xb8;
	[tilespmem:$0x19400] =	vst v63  }
0x149: {  	s16 =	rddreg [dreg:$0xb]  }
0x14a: {  	[hbm4b:s16+s3] =	stream.linear.scatter [tilespmem:s5], [sflag:$0x3], $0xC000, $0x38;
	[tilespmem:$0x19400] =	vst v63  }
0x14b: {  	_ =	swait.ge [sflag:s12], $0xC000  }
0x14c: {  	[sflag:s12] =	ssyncset.done $0x0  }
0x14d: {  	[sflag:s12] =	ssyncadd.s32 $0xFFFF4000  }
0x14e: {  	_ =	swait.ge [sflag:s8], $0xC000  }
0x14f: {  	s0 =	sld [smem:$0x7FB]  }
0x150: {  	[sflag:s8] =	ssyncset.done $0x0  }
0x151: {  	s16 =	sld [smem:$0x7FC];
	[sflag:s8] =	ssyncadd.s32 $0xFFFF4000  }
0x152: {  	[tilespmem:s5], [sflag:$0x1] =	stream.indirect.gather [hbm4b:s2+s6], $0x80, s0, s6, $0xb8;
	[tilespmem:$0x19400] =	vst v63  }
0x153: {  	s0 =	sld [smem:$0x7FD]  }
0x154: {  	[tilespmem:s9], [sflag:$0x1] =	stream.indirect.gather [hbm4b:s2+s6], $0x80, s16, s6, $0xb8;
	[tilespmem:$0x19400] =	vst v63  }
0x155: {  	_ = 	snop  }
0x156: {  	[tilespmem:s11], [sflag:$0x1] =	stream.indirect.gather [hbm4b:s2+s6], $0x80, s0, s6, $0xb8;
	[tilespmem:$0x19400] =	vst v63  }
0x157: {  	s16 =	rddreg [dreg:$0xc]  }
0x158: {  	[hbm4b:s16+s3] =	stream.linear.scatter [tilespmem:s7], [sflag:$0x4], $0xC000, $0x38;
	[tilespmem:$0x19400] =	vst v63  }
0x159: {  	_ =	swait.ge [sflag:s10], $0xC000  }
0x15a: {  	[sflag:s10] =	ssyncset.done $0x0  }
0x15b: {  	[sflag:s10] =	ssyncadd.s32 $0xFFFF4000  }
0x15c: {  	_ =	swait.ge [sflag:s13], $0xC000  }
0x15d: {  	[sflag:s13] =	ssyncset.done $0x0  }
0x15e: {  	[sflag:s13] =	ssyncadd.s32 $0xFFFF4000  }
0x15f: {  	[tilespmem:s7], [sflag:$0x2] =	stream.indirect.gather [hbm4b:s2+s6], $0x80, s30, s6, $0xb8;
	[tilespmem:$0x19400] =	vst v63  }
0x160: {  	_ = 	snop  }
0x161: {  	[tilespmem:s14], [sflag:$0x2] =	stream.indirect.gather [hbm4b:s2+s6], $0x80, s22, s6, $0xb8;
	[tilespmem:$0x19400] =	vst v63  }
0x162: {  	_ = 	snop  }
0x163: {  	[tilespmem:s15], [sflag:$0x2] =	stream.indirect.gather [hbm4b:s2+s6], $0x80, s29, s6, $0xb8;
	[tilespmem:$0x19400] =	vst v63  }
0x164: {  	s16 =	rddreg [dreg:$0xd]  }
0x165: {  	[hbm4b:s16+s3] =	stream.linear.scatter [tilespmem:s5], [sflag:$0x3], $0xC000, $0x38;
	[tilespmem:$0x19400] =	vst v63  }
0x166: {  	_ =	swait.ge [sflag:s12], $0xC000  }
0x167: {  	[sflag:s12] =	ssyncset.done $0x0  }
0x168: {  	[sflag:s12] =	ssyncadd.s32 $0xFFFF4000  }
0x169: {  	_ =	swait.ge [sflag:s8], $0xC000  }
0x16a: {  	[sflag:s8] =	ssyncset.done $0x0  }
0x16b: {  	[sflag:s8] =	ssyncadd.s32 $0xFFFF4000  }
0x16c: {  	[tilespmem:s5], [sflag:$0x1] =	stream.indirect.gather [hbm4b:s2+s6], $0x80, s26, s6, $0xb8;
	[tilespmem:$0x19400] =	vst v63  }
0x16d: {  	_ = 	snop  }
0x16e: {  	[tilespmem:s9], [sflag:$0x1] =	stream.indirect.gather [hbm4b:s2+s6], $0x80, s28, s6, $0xb8;
	[tilespmem:$0x19400] =	vst v63  }
0x16f: {  	_ = 	snop  }
0x170: {  	[tilespmem:s11], [sflag:$0x1] =	stream.indirect.gather [hbm4b:s2+s6], $0x80, s25, s6, $0xb8;
	[tilespmem:$0x19400] =	vst v63  }
0x171: {  	s16 =	rddreg [dreg:$0xe]  }
0x172: {  	[hbm4b:s16+s3] =	stream.linear.scatter [tilespmem:s7], [sflag:$0x4], $0xC000, $0x38;
	[tilespmem:$0x19400] =	vst v63  }
0x173: {  	_ =	swait.ge [sflag:s10], $0xC000  }
0x174: {  	[sflag:s10] =	ssyncset.done $0x0  }
0x175: {  	[sflag:s10] =	ssyncadd.s32 $0xFFFF4000  }
0x176: {  	_ =	swait.ge [sflag:s13], $0xC000  }
0x177: {  	[sflag:s13] =	ssyncset.done $0x0  }
0x178: {  	s16 =	simm.s32 $0x1080;
	[sflag:s13] =	ssyncadd.s32 $0xFFFF4000  }
0x179: {  	[tilespmem:s7], [sflag:$0x2] =	stream.indirect.gather [hbm4b:s2+s6], $0x80, s16, s6, $0xb8;
	[tilespmem:$0x19400] =	vst v63  }
0x17a: {  	_ = 	snop  }
0x17b: {  	[tilespmem:s14], [sflag:$0x2] =	stream.indirect.gather [hbm4b:s2+s6], $0x80, s23, s6, $0xb8;
	[tilespmem:$0x19400] =	vst v63  }
0x17c: {  	_ = 	snop  }
0x17d: {  	[tilespmem:s15], [sflag:$0x2] =	stream.indirect.gather [hbm4b:s2+s6], $0x80, s24, s6, $0xb8;
	[tilespmem:$0x19400] =	vst v63  }
0x17e: {  	s16 =	rddreg [dreg:$0xf]  }
0x17f: {  	[hbm4b:s16+s3] =	stream.linear.scatter [tilespmem:s5], [sflag:$0x3], $0xC000, $0x38;
	[tilespmem:$0x19400] =	vst v63  }
0x180: {  	_ =	swait.ge [sflag:s12], $0xC000  }
0x181: {  	[sflag:s12] =	ssyncset.done $0x0  }
0x182: {  	[sflag:s12] =	ssyncadd.s32 $0xFFFF4000  }
0x183: {  	_ =	swait.ge [sflag:s8], $0xC000  }
0x184: {  	[sflag:s8] =	ssyncset.done $0x0  }
0x185: {  	[sflag:s8] =	ssyncadd.s32 $0xFFFF4000  }
0x186: {  	[tilespmem:s5], [sflag:$0x1] =	stream.indirect.gather [hbm4b:s2+s6], $0x80, s20, s6, $0xb8;
	[tilespmem:$0x19400] =	vst v63  }
0x187: {  	_ = 	snop  }
0x188: {  	[tilespmem:s9], [sflag:$0x1] =	stream.indirect.gather [hbm4b:s2+s6], $0x80, s21, s6, $0xb8;
	[tilespmem:$0x19400] =	vst v63  }
0x189: {  	_ = 	snop  }
0x18a: {  	[tilespmem:s11], [sflag:$0x1] =	stream.indirect.gather [hbm4b:s2+s6], $0x80, s19, s6, $0xb8;
	[tilespmem:$0x19400] =	vst v63  }
0x18b: {  	s16 =	rddreg [dreg:$0x10]  }
0x18c: {  	[hbm4b:s16+s3] =	stream.linear.scatter [tilespmem:s7], [sflag:$0x4], $0xC000, $0x38;
	[tilespmem:$0x19400] =	vst v63  }
0x18d: {  	_ =	swait.ge [sflag:s10], $0xC000  }
0x18e: {  	[sflag:s10] =	ssyncset.done $0x0  }
0x18f: {  	[sflag:s10] =	ssyncadd.s32 $0xFFFF4000  }
0x190: {  	_ =	swait.ge [sflag:s13], $0xC000  }
0x191: {  	[sflag:s13] =	ssyncset.done $0x0  }
0x192: {  	s16 =	rddreg [dreg:$0x4];
	[sflag:s13] =	ssyncadd.s32 $0xFFFF4000  }
0x193: {  	[hbm4b:s16+s3] =	stream.linear.scatter [tilespmem:s5], [sflag:$0x3], $0xC000, $0x38;
	[tilespmem:$0x19400] =	vst v63  }
0x194: {  	_ = 	snop  }
0x195: {  	[tilespmem:s7], [sflag:$0x2] =	stream.indirect.gather [hbm4b:s2+s17], $0x80, s18, s17, $0xb8;
	[tilespmem:$0x19400] =	vst v63  }
0x196: {  	_ =	swait.ge [sflag:s12], $0x400  }
0x197: {  	[sflag:s12] =	ssyncset.done $0x0  }
0x198: {  	p1 =	sne.s32 s1, $0x1;
	s16 =	rddreg [dreg:$0x5];
	[sflag:s12] =	ssyncadd.s32 $0xFFFFFC00  }
0x199: {  	[hbm4b:s16+s3] =	stream.linear.scatter [tilespmem:s7], [sflag:$0x5], $0x400, $0x38;
	[tilespmem:$0x19400] =	vst v63  }
.Ltmp2:
0x19a: {  	_ =	swait.ge [sflag:s4], $0x400;
	(pc) =	sbr.rel @p1 .LBB2_4-.Ltmp2, $4  }
0x19b: {  	[sflag:s4] =	ssyncset.done $0x0  }
0x19c: {  	[sflag:s4] =	ssyncadd.s32 $0xFFFFFC00  }
0x19d: {  	_ =	swait.ge [sflag:s8], $0xC000  }
0x19e: {  	s1 =	sadd.s32 $0xFFFFFFFF, s1;
	s0 =	rddreg [dreg:$0x3];
	[sflag:s8] =	ssyncset.done $0x0  }
0x19f: {  	s18 =	simm.s32 $0xE00;
	s30 =	simm.s32 $0xD80  }
0x1a0: {  	s29 =	simm.s32 $0xE80;
	s28 =	simm.s32 $0xF80;
	s26 =	simm.s32 $0xF00  }
0x1a1: {  	s25 =	simm.s32 $0x1000;
	s24 =	simm.s32 $0x1180;
	s23 =	simm.s32 $0x1100  }
0x1a2: {  	s22 =	simm.s32 $0x1080;
	s21 =	simm.s32 $0x1280;
	s20 =	simm.s32 $0x1200  }
0x1a3: {  	s19 =	simm.s32 $0x1300;
	s17 =	simm.s32 $0x8;
	s16 =	stileid.u32  }
.LBB2_6:
0x1a4: {  	[sflag:s8] =	ssyncadd.s32 @p0 $0xFFFF4000  }
0x1a5: {  	[tilespmem:s3], [sflag:$0x5] =	stream.linear.gather [hbm4b:s0+s3], $0x1388, $0x38;
	[tilespmem:$0x19400] =	vst v63  }
0x1a6: {  	_ =	swait.ge [sflag:s4], $0x1388  }
0x1a7: {  	[sflag:s4] =	ssyncset.done $0x0  }
0x1a8: {  	[sflag:s4] =	ssyncadd.s32 $0xFFFFEC78  }
0x1a9: {  	[tilespmem:s5], [sflag:$0x1] =	stream.indirect.gather [hbm4b:s2+s6], $0x80, s3, s6, $0xb8;
	[tilespmem:$0x19400] =	vst v63  }
0x1aa: {  	_ = 	snop  }
0x1ab: {  	[tilespmem:s9], [sflag:$0x1] =	stream.indirect.gather [hbm4b:s2+s6], $0x80, s6, s6, $0xb8;
	[tilespmem:$0x19400] =	vst v63  }
0x1ac: {  	s1 =	rddreg [dreg:$0x11]  }
0x1ad: {  	[tilespmem:s11], [sflag:$0x1] =	stream.indirect.gather [hbm4b:s2+s6], $0x80, s1, s6, $0xb8;
	[tilespmem:$0x19400] =	vst v63  }
0x1ae: {  	_ =	swait.ge [sflag:s10], $0xC000  }
0x1af: {  	[sflag:s10] =	ssyncset.done $0x0  }
0x1b0: {  	s0 =	rddreg [dreg:$0x12];
	[sflag:s10] =	ssyncadd.s32 $0xFFFF4000  }
0x1b1: {  	[tilespmem:s7], [sflag:$0x2] =	stream.indirect.gather [hbm4b:s2+s6], $0x80, s0, s6, $0xb8;
	[tilespmem:$0x19400] =	vst v63  }
0x1b2: {  	s1 =	rddreg [dreg:$0x13]  }
0x1b3: {  	[tilespmem:s14], [sflag:$0x2] =	stream.indirect.gather [hbm4b:s2+s6], $0x80, s1, s6, $0xb8;
	[tilespmem:$0x19400] =	vst v63  }
0x1b4: {  	s0 =	rddreg [dreg:$0x14]  }
0x1b5: {  	[tilespmem:s15], [sflag:$0x2] =	stream.indirect.gather [hbm4b:s2+s6], $0x80, s0, s6, $0xb8;
	[tilespmem:$0x19400] =	vst v63  }
0x1b6: {  	_ = 	snop  }
0x1b7: {  	[hbm4b:s31+s3] =	stream.linear.scatter [tilespmem:s5], [sflag:$0x3], $0xC000, $0x38;
	[tilespmem:$0x19400] =	vst v63  }
0x1b8: {  	_ =	swait.ge [sflag:s12], $0xC000  }
0x1b9: {  	[sflag:s12] =	ssyncset.done $0x0  }
0x1ba: {  	[sflag:s12] =	ssyncadd.s32 $0xFFFF4000  }
0x1bb: {  	_ =	swait.ge [sflag:s8], $0xC000  }
0x1bc: {  	[sflag:s8] =	ssyncset.done $0x0  }
0x1bd: {  	s1 =	rddreg [dreg:$0x15];
	[sflag:s8] =	ssyncadd.s32 $0xFFFF4000  }
0x1be: {  	[tilespmem:s5], [sflag:$0x1] =	stream.indirect.gather [hbm4b:s2+s6], $0x80, s1, s6, $0xb8;
	[tilespmem:$0x19400] =	vst v63  }
0x1bf: {  	s31 =	rddreg [dreg:$0x16]  }
0x1c0: {  	[tilespmem:s9], [sflag:$0x1] =	stream.indirect.gather [hbm4b:s2+s6], $0x80, s31, s6, $0xb8;
	[tilespmem:$0x19400] =	vst v63  }
0x1c1: {  	s0 =	rddreg [dreg:$0x17]  }
0x1c2: {  	[tilespmem:s11], [sflag:$0x1] =	stream.indirect.gather [hbm4b:s2+s6], $0x80, s0, s6, $0xb8;
	[tilespmem:$0x19400] =	vst v63  }
0x1c3: {  	s31 =	rddreg [dreg:$0x6]  }
0x1c4: {  	[hbm4b:s31+s3] =	stream.linear.scatter [tilespmem:s7], [sflag:$0x4], $0xC000, $0x38;
	[tilespmem:$0x19400] =	vst v63  }
0x1c5: {  	_ =	swait.ge [sflag:s10], $0xC000  }
0x1c6: {  	[sflag:s10] =	ssyncset.done $0x0  }
0x1c7: {  	[sflag:s10] =	ssyncadd.s32 $0xFFFF4000  }
0x1c8: {  	_ =	swait.ge [sflag:s13], $0xC000  }
0x1c9: {  	[sflag:s13] =	ssyncset.done $0x0  }
0x1ca: {  	s1 =	rddreg [dreg:$0x18];
	[sflag:s13] =	ssyncadd.s32 $0xFFFF4000  }
0x1cb: {  	[tilespmem:s7], [sflag:$0x2] =	stream.indirect.gather [hbm4b:s2+s6], $0x80, s1, s6, $0xb8;
	[tilespmem:$0x19400] =	vst v63  }
0x1cc: {  	s31 =	rddreg [dreg:$0x19]  }
0x1cd: {  	[tilespmem:s14], [sflag:$0x2] =	stream.indirect.gather [hbm4b:s2+s6], $0x80, s31, s6, $0xb8;
	[tilespmem:$0x19400] =	vst v63  }
0x1ce: {  	s0 =	rddreg [dreg:$0x1a]  }
0x1cf: {  	[tilespmem:s15], [sflag:$0x2] =	stream.indirect.gather [hbm4b:s2+s6], $0x80, s0, s6, $0xb8;
	[tilespmem:$0x19400] =	vst v63  }
0x1d0: {  	s31 =	rddreg [dreg:$0x7]  }
0x1d1: {  	[hbm4b:s31+s3] =	stream.linear.scatter [tilespmem:s5], [sflag:$0x3], $0xC000, $0x38;
	[tilespmem:$0x19400] =	vst v63  }
0x1d2: {  	_ =	swait.ge [sflag:s12], $0xC000  }
0x1d3: {  	[sflag:s12] =	ssyncset.done $0x0  }
0x1d4: {  	[sflag:s12] =	ssyncadd.s32 $0xFFFF4000  }
0x1d5: {  	_ =	swait.ge [sflag:s8], $0xC000  }
0x1d6: {  	[sflag:s8] =	ssyncset.done $0x0  }
0x1d7: {  	s1 =	rddreg [dreg:$0x1b];
	[sflag:s8] =	ssyncadd.s32 $0xFFFF4000  }
0x1d8: {  	[tilespmem:s5], [sflag:$0x1] =	stream.indirect.gather [hbm4b:s2+s6], $0x80, s1, s6, $0xb8;
	[tilespmem:$0x19400] =	vst v63  }
0x1d9: {  	s31 =	rddreg [dreg:$0x1c]  }
0x1da: {  	[tilespmem:s9], [sflag:$0x1] =	stream.indirect.gather [hbm4b:s2+s6], $0x80, s31, s6, $0xb8;
	[tilespmem:$0x19400] =	vst v63  }
0x1db: {  	s0 =	rddreg [dreg:$0x1d]  }
0x1dc: {  	[tilespmem:s11], [sflag:$0x1] =	stream.indirect.gather [hbm4b:s2+s6], $0x80, s0, s6, $0xb8;
	[tilespmem:$0x19400] =	vst v63  }
0x1dd: {  	s31 =	rddreg [dreg:$0x8]  }
0x1de: {  	[hbm4b:s31+s3] =	stream.linear.scatter [tilespmem:s7], [sflag:$0x4], $0xC000, $0x38;
	[tilespmem:$0x19400] =	vst v63  }
0x1df: {  	_ =	swait.ge [sflag:s10], $0xC000  }
0x1e0: {  	[sflag:s10] =	ssyncset.done $0x0  }
0x1e1: {  	[sflag:s10] =	ssyncadd.s32 $0xFFFF4000  }
0x1e2: {  	_ =	swait.ge [sflag:s13], $0xC000  }
0x1e3: {  	s1 =	rddreg [dreg:$0x1e];
	[sflag:s13] =	ssyncset.done $0x0  }
0x1e4: {  	s31 =	rddreg [dreg:$0x1f];
	[sflag:s13] =	ssyncadd.s32 $0xFFFF4000  }
0x1e5: {  	[tilespmem:s7], [sflag:$0x2] =	stream.indirect.gather [hbm4b:s2+s6], $0x80, s1, s6, $0xb8;
	[tilespmem:$0x19400] =	vst v63  }
0x1e6: {  	s0 =	sld [smem:$0x7F4]  }
0x1e7: {  	[tilespmem:s14], [sflag:$0x2] =	stream.indirect.gather [hbm4b:s2+s6], $0x80, s31, s6, $0xb8;
	[tilespmem:$0x19400] =	vst v63  }
0x1e8: {  	_ = 	snop  }
0x1e9: {  	[tilespmem:s15], [sflag:$0x2] =	stream.indirect.gather [hbm4b:s2+s6], $0x80, s0, s6, $0xb8;
	[tilespmem:$0x19400] =	vst v63  }
0x1ea: {  	s31 =	rddreg [dreg:$0x9]  }
0x1eb: {  	[hbm4b:s31+s3] =	stream.linear.scatter [tilespmem:s5], [sflag:$0x3], $0xC000, $0x38;
	[tilespmem:$0x19400] =	vst v63  }
0x1ec: {  	_ =	swait.ge [sflag:s12], $0xC000  }
0x1ed: {  	[sflag:s12] =	ssyncset.done $0x0  }
0x1ee: {  	[sflag:s12] =	ssyncadd.s32 $0xFFFF4000  }
0x1ef: {  	_ =	swait.ge [sflag:s8], $0xC000  }
0x1f0: {  	s1 =	sld [smem:$0x7F5]  }
0x1f1: {  	[sflag:s8] =	ssyncset.done $0x0  }
0x1f2: {  	s31 =	sld [smem:$0x7F6];
	[sflag:s8] =	ssyncadd.s32 $0xFFFF4000  }
0x1f3: {  	[tilespmem:s5], [sflag:$0x1] =	stream.indirect.gather [hbm4b:s2+s6], $0x80, s1, s6, $0xb8;
	[tilespmem:$0x19400] =	vst v63  }
0x1f4: {  	s0 =	sld [smem:$0x7F7]  }
0x1f5: {  	[tilespmem:s9], [sflag:$0x1] =	stream.indirect.gather [hbm4b:s2+s6], $0x80, s31, s6, $0xb8;
	[tilespmem:$0x19400] =	vst v63  }
0x1f6: {  	_ = 	snop  }
0x1f7: {  	[tilespmem:s11], [sflag:$0x1] =	stream.indirect.gather [hbm4b:s2+s6], $0x80, s0, s6, $0xb8;
	[tilespmem:$0x19400] =	vst v63  }
0x1f8: {  	s31 =	rddreg [dreg:$0xa]  }
0x1f9: {  	[hbm4b:s31+s3] =	stream.linear.scatter [tilespmem:s7], [sflag:$0x4], $0xC000, $0x38;
	[tilespmem:$0x19400] =	vst v63  }
0x1fa: {  	_ =	swait.ge [sflag:s10], $0xC000  }
0x1fb: {  	[sflag:s10] =	ssyncset.done $0x0  }
0x1fc: {  	[sflag:s10] =	ssyncadd.s32 $0xFFFF4000  }
0x1fd: {  	_ =	swait.ge [sflag:s13], $0xC000  }
0x1fe: {  	s1 =	sld [smem:$0x7F8]  }
0x1ff: {  	[sflag:s13] =	ssyncset.done $0x0  }
0x200: {  	s31 =	sld [smem:$0x7F9];
	[sflag:s13] =	ssyncadd.s32 $0xFFFF4000  }
0x201: {  	[tilespmem:s7], [sflag:$0x2] =	stream.indirect.gather [hbm4b:s2+s6], $0x80, s1, s6, $0xb8;
	[tilespmem:$0x19400] =	vst v63  }
0x202: {  	s0 =	sld [smem:$0x7FA]  }
0x203: {  	[tilespmem:s14], [sflag:$0x2] =	stream.indirect.gather [hbm4b:s2+s6], $0x80, s31, s6, $0xb8;
	[tilespmem:$0x19400] =	vst v63  }
0x204: {  	_ = 	snop  }
0x205: {  	[tilespmem:s15], [sflag:$0x2] =	stream.indirect.gather [hbm4b:s2+s6], $0x80, s0, s6, $0xb8;
	[tilespmem:$0x19400] =	vst v63  }
0x206: {  	s31 =	rddreg [dreg:$0xb]  }
0x207: {  	[hbm4b:s31+s3] =	stream.linear.scatter [tilespmem:s5], [sflag:$0x3], $0xC000, $0x38;
	[tilespmem:$0x19400] =	vst v63  }
0x208: {  	_ =	swait.ge [sflag:s12], $0xC000  }
0x209: {  	[sflag:s12] =	ssyncset.done $0x0  }
0x20a: {  	[sflag:s12] =	ssyncadd.s32 $0xFFFF4000  }
0x20b: {  	_ =	swait.ge [sflag:s8], $0xC000  }
0x20c: {  	s1 =	sld [smem:$0x7FB]  }
0x20d: {  	[sflag:s8] =	ssyncset.done $0x0  }
0x20e: {  	s31 =	sld [smem:$0x7FC];
	[sflag:s8] =	ssyncadd.s32 $0xFFFF4000  }
0x20f: {  	[tilespmem:s5], [sflag:$0x1] =	stream.indirect.gather [hbm4b:s2+s6], $0x80, s1, s6, $0xb8;
	[tilespmem:$0x19400] =	vst v63  }
0x210: {  	s0 =	sld [smem:$0x7FD]  }
0x211: {  	[tilespmem:s9], [sflag:$0x1] =	stream.indirect.gather [hbm4b:s2+s6], $0x80, s31, s6, $0xb8;
	[tilespmem:$0x19400] =	vst v63  }
0x212: {  	_ = 	snop  }
0x213: {  	[tilespmem:s11], [sflag:$0x1] =	stream.indirect.gather [hbm4b:s2+s6], $0x80, s0, s6, $0xb8;
	[tilespmem:$0x19400] =	vst v63  }
0x214: {  	s31 =	rddreg [dreg:$0xc]  }
0x215: {  	[hbm4b:s31+s3] =	stream.linear.scatter [tilespmem:s7], [sflag:$0x4], $0xC000, $0x38;
	[tilespmem:$0x19400] =	vst v63  }
0x216: {  	_ =	swait.ge [sflag:s10], $0xC000  }
0x217: {  	[sflag:s10] =	ssyncset.done $0x0  }
0x218: {  	[sflag:s10] =	ssyncadd.s32 $0xFFFF4000  }
0x219: {  	_ =	swait.ge [sflag:s13], $0xC000  }
0x21a: {  	[sflag:s13] =	ssyncset.done $0x0  }
0x21b: {  	[sflag:s13] =	ssyncadd.s32 $0xFFFF4000  }
0x21c: {  	[tilespmem:s7], [sflag:$0x2] =	stream.indirect.gather [hbm4b:s2+s6], $0x80, s30, s6, $0xb8;
	[tilespmem:$0x19400] =	vst v63  }
0x21d: {  	_ = 	snop  }
0x21e: {  	[tilespmem:s14], [sflag:$0x2] =	stream.indirect.gather [hbm4b:s2+s6], $0x80, s18, s6, $0xb8;
	[tilespmem:$0x19400] =	vst v63  }
0x21f: {  	_ = 	snop  }
0x220: {  	[tilespmem:s15], [sflag:$0x2] =	stream.indirect.gather [hbm4b:s2+s6], $0x80, s29, s6, $0xb8;
	[tilespmem:$0x19400] =	vst v63  }
0x221: {  	s1 =	rddreg [dreg:$0xd]  }
0x222: {  	[hbm4b:s1+s3] =	stream.linear.scatter [tilespmem:s5], [sflag:$0x3], $0xC000, $0x38;
	[tilespmem:$0x19400] =	vst v63  }
0x223: {  	_ =	swait.ge [sflag:s12], $0xC000  }
0x224: {  	[sflag:s12] =	ssyncset.done $0x0  }
0x225: {  	[sflag:s12] =	ssyncadd.s32 $0xFFFF4000  }
0x226: {  	_ =	swait.ge [sflag:s8], $0xC000  }
0x227: {  	[sflag:s8] =	ssyncset.done $0x0  }
0x228: {  	[sflag:s8] =	ssyncadd.s32 $0xFFFF4000  }
0x229: {  	[tilespmem:s5], [sflag:$0x1] =	stream.indirect.gather [hbm4b:s2+s6], $0x80, s26, s6, $0xb8;
	[tilespmem:$0x19400] =	vst v63  }
0x22a: {  	_ = 	snop  }
0x22b: {  	[tilespmem:s9], [sflag:$0x1] =	stream.indirect.gather [hbm4b:s2+s6], $0x80, s28, s6, $0xb8;
	[tilespmem:$0x19400] =	vst v63  }
0x22c: {  	_ = 	snop  }
0x22d: {  	[tilespmem:s11], [sflag:$0x1] =	stream.indirect.gather [hbm4b:s2+s6], $0x80, s25, s6, $0xb8;
	[tilespmem:$0x19400] =	vst v63  }
0x22e: {  	s18 =	rddreg [dreg:$0xe]  }
0x22f: {  	[hbm4b:s18+s3] =	stream.linear.scatter [tilespmem:s7], [sflag:$0x4], $0xC000, $0x38;
	[tilespmem:$0x19400] =	vst v63  }
0x230: {  	_ =	swait.ge [sflag:s10], $0xC000  }
0x231: {  	[sflag:s10] =	ssyncset.done $0x0  }
0x232: {  	[sflag:s10] =	ssyncadd.s32 $0xFFFF4000  }
0x233: {  	_ =	swait.ge [sflag:s13], $0xC000  }
0x234: {  	[sflag:s13] =	ssyncset.done $0x0  }
0x235: {  	[sflag:s13] =	ssyncadd.s32 $0xFFFF4000  }
0x236: {  	[tilespmem:s7], [sflag:$0x2] =	stream.indirect.gather [hbm4b:s2+s6], $0x80, s22, s6, $0xb8;
	[tilespmem:$0x19400] =	vst v63  }
0x237: {  	_ = 	snop  }
0x238: {  	[tilespmem:s14], [sflag:$0x2] =	stream.indirect.gather [hbm4b:s2+s6], $0x80, s23, s6, $0xb8;
	[tilespmem:$0x19400] =	vst v63  }
0x239: {  	_ = 	snop  }
0x23a: {  	[tilespmem:s15], [sflag:$0x2] =	stream.indirect.gather [hbm4b:s2+s6], $0x80, s24, s6, $0xb8;
	[tilespmem:$0x19400] =	vst v63  }
0x23b: {  	s26 =	rddreg [dreg:$0xf]  }
0x23c: {  	[hbm4b:s26+s3] =	stream.linear.scatter [tilespmem:s5], [sflag:$0x3], $0xC000, $0x38;
	[tilespmem:$0x19400] =	vst v63  }
0x23d: {  	_ =	swait.ge [sflag:s12], $0xC000  }
0x23e: {  	[sflag:s12] =	ssyncset.done $0x0  }
0x23f: {  	[sflag:s12] =	ssyncadd.s32 $0xFFFF4000  }
0x240: {  	_ =	swait.ge [sflag:s8], $0xC000  }
0x241: {  	[sflag:s8] =	ssyncset.done $0x0  }
0x242: {  	[sflag:s8] =	ssyncadd.s32 $0xFFFF4000  }
0x243: {  	[tilespmem:s5], [sflag:$0x1] =	stream.indirect.gather [hbm4b:s2+s6], $0x80, s20, s6, $0xb8;
	[tilespmem:$0x19400] =	vst v63  }
0x244: {  	_ = 	snop  }
0x245: {  	[tilespmem:s9], [sflag:$0x1] =	stream.indirect.gather [hbm4b:s2+s6], $0x80, s21, s6, $0xb8;
	[tilespmem:$0x19400] =	vst v63  }
0x246: {  	_ = 	snop  }
0x247: {  	[tilespmem:s11], [sflag:$0x1] =	stream.indirect.gather [hbm4b:s2+s6], $0x80, s19, s6, $0xb8;
	[tilespmem:$0x19400] =	vst v63  }
0x248: {  	s28 =	rddreg [dreg:$0x10]  }
0x249: {  	[hbm4b:s28+s3] =	stream.linear.scatter [tilespmem:s7], [sflag:$0x4], $0xC000, $0x38;
	[tilespmem:$0x19400] =	vst v63  }
0x24a: {  	_ =	swait.ge [sflag:s10], $0xC000  }
0x24b: {  	[sflag:s10] =	ssyncset.done $0x0  }
0x24c: {  	[sflag:s10] =	ssyncadd.s32 $0xFFFF4000  }
0x24d: {  	_ =	swait.ge [sflag:s13], $0xC000  }
0x24e: {  	[sflag:s13] =	ssyncset.done $0x0  }
0x24f: {  	s29 =	rddreg [dreg:$0x4];
	[sflag:s13] =	ssyncadd.s32 $0xFFFF4000  }
0x250: {  	[hbm4b:s29+s3] =	stream.linear.scatter [tilespmem:s5], [sflag:$0x3], $0xC000, $0x38;
	[tilespmem:$0x19400] =	vst v63  }
0x251: {  	s30 =	simm.s32 $0x1380  }
0x252: {  	[tilespmem:s7], [sflag:$0x2] =	stream.indirect.gather [hbm4b:s2+s17], $0x80, s30, s17, $0xb8;
	[tilespmem:$0x19400] =	vst v63  }
0x253: {  	_ =	swait.ge [sflag:s12], $0x400  }
0x254: {  	[sflag:s12] =	ssyncset.done $0x0  }
0x255: {  	s31 =	rddreg [dreg:$0x5];
	[sflag:s12] =	ssyncadd.s32 $0xFFFFFC00  }
0x256: {  	[hbm4b:s31+s3] =	stream.linear.scatter [tilespmem:s7], [sflag:$0x5], $0x400, $0x38;
	[tilespmem:$0x19400] =	vst v63  }
0x257: {  	_ =	swait.ge [sflag:s4], $0x400  }
0x258: {  	[sflag:s4] =	ssyncset.done $0x0  }
0x259: {  	[sflag:s4] =	ssyncadd.s32 $0xFFFFFC00  }
0x25a: {  	_ =	swait.ge [sflag:s8], $0xC000  }
0x25b: {  	[sflag:s8] =	ssyncset.done $0x0  }
0x25c: {  	[sflag:s8] =	ssyncadd.s32 $0xFFFF4000  }
0x25d: {  	_ =	sfence.sel $0x180000  }
0x25e: {  	[bflag:$0x0] =	sbarrier.arrive $0xFFFF  }
0x25f: {  	_ =	strace $0x9000004D  }
0x260: {  	[bflag:$0x2] =	sbarrier.arrive $0xFFFF  }
0x261: {  	p0 =	sne.s32 s16, $0x0;
	s0 =	rddreg [dreg:$0x2]  }
0x262: {  	s0 =	sadd.s32 @!p0 $0x100000, s0  }
0x263: {  	[sflag:s0] =	ssyncadd.tile.s32 @!p0 $0x1;
	_ =	shalt  }
.LBB2_1:
.Ltmp3:
0x264: {  	s18 =	simm.s32 $0xE00;
	(pc) =	sbr.rel .LBB2_6-.Ltmp3, $4  }
0x265: {  	s30 =	simm.s32 $0xD80;
	s29 =	simm.s32 $0xE80;
	s28 =	simm.s32 $0xF80  }
0x266: {  	s26 =	simm.s32 $0xF00;
	s25 =	simm.s32 $0x1000;
	s24 =	simm.s32 $0x1180  }
0x267: {  	s23 =	simm.s32 $0x1100;
	s22 =	simm.s32 $0x1080;
	s21 =	simm.s32 $0x1280  }
0x268: {  	s20 =	simm.s32 $0x1200;
	s19 =	simm.s32 $0x1300;
	s17 =	simm.s32 $0x8  }
.LBB2_3:
.Ltmp4:
0x269: {  	s18 =	simm.s32 $0xE00;
	s30 =	simm.s32 $0xD80;
	(pc) =	sbr.rel .LBB2_6-.Ltmp4, $4  }
0x26a: {  	s29 =	simm.s32 $0xE80;
	s28 =	simm.s32 $0xF80;
	s26 =	simm.s32 $0xF00  }
0x26b: {  	s25 =	simm.s32 $0x1000;
	s24 =	simm.s32 $0x1180;
	s23 =	simm.s32 $0x1100  }
0x26c: {  	s22 =	simm.s32 $0x1080;
	s21 =	simm.s32 $0x1280;
	s20 =	simm.s32 $0x1200  }
0x26d: {  	s19 =	simm.s32 $0x1300;
	s17 =	simm.s32 $0x8;
	s16 =	stileid.u32  }
.Lfunc_end2:
_tile_overlayer_lowered:
.L_overlay_start_2:
0x26e: {  	(tag) =	ssettag $0x2  }
0x26f: {  	s0 =	rddreg [dreg:$0x0];
	s2 =	stileid.u32  }
0x270: {  	s1 =	rddreg [dreg:$0x1];
	p0 =	sne.s32 s2, $0x0  }
0x271: {  	s3 =	rddreg [dreg:$0x2];
	[bflag:$0x3] =	sbarrier.arrive $0xFFFF;
	s2 =	simm.s32 @!p0 $0x1C05  }
0x272: {  	[timem:s3], [sflag:s2] =	dma.local @!p0 [hbm:s0], s1  }
0x273: {  	s0 =	simm.s32 @!p0 $0x5  }
0x274: {  	_ =	swait.ge @!p0 [sflag:s0], s1  }
0x275: {  	s1 =	ssub.s32 @!p0 $0x0, s1;
	[sflag:s0] =	ssyncset.done @!p0 $0x0  }
0x276: {  	[sflag:s0] =	ssyncadd.s32 @!p0 s1  }
0x277: {  	[bflag:$0x3] =	sbarrier.arrive $0xFFFF  }
0x278: {  	_ =	shalt  }

</sc_bundles>
